<compile_context>
chip_gen: v7x
topology: tpu7x:2x2x1
jax: 0.10.2.dev20260603
libtpu: 0.0.44.dev20260713+nightly
codegen_flags: <defaults>
</compile_context>

<pallas_src>
import functools

import jax
import jax.numpy as jnp
from jax import lax
from jax.experimental import pallas as pl
from jax.experimental.pallas import tpu as pltpu
from jax.experimental.pallas import tpu_sc as plsc

N = 10000
E = 320000
D = 128
H = 128
P = 8192

NC = 2
NS = 16
L = 16
NW = NC * NS
EPW = E // NW
C = 128
CA = 96
NCHUNK = EPW // CA
TAIL = EPW - NCHUNK * CA
RPS = 624
RTAIL = N - NS * RPS
DW = 16
QS = (4 * P) // NW
SCH = QS // C



def _sc_agg_body(with_deg, *refs):
    if with_deg:
        (table, src, dst, zagg, zdeg1, aggp, degp,
         sidx0, sidx1, sidx2, sidx3, didx0, didx1, didx2, didx3,
         rows0, rows1, rows2,
         tsidx, tdidx, trows, deg_v, agg_s,
         gsem0, gsem1, gsem2, ssem0, ssem1, ssem2,
         isem0, isem1, isem2, isem3) = refs
    else:
        (table, src, dst, zagg, aggp,
         sidx0, sidx1, sidx2, sidx3, didx0, didx1, didx2, didx3,
         rows0, rows1, rows2,
         tsidx, tdidx, trows, agg_s,
         gsem0, gsem1, gsem2, ssem0, ssem1, ssem2,
         isem0, isem1, isem2, isem3) = refs
    sidx = (sidx0, sidx1, sidx2, sidx3)
    didx = (didx0, didx1, didx2, didx3)
    rows = (rows0, rows1, rows2)
    gsem = (gsem0, gsem1, gsem2)
    ssem = (ssem0, ssem1, ssem2)
    isem = (isem0, isem1, isem2, isem3)
    c = lax.axis_index("c")
    s = lax.axis_index("s")
    wid = s * NC + c
    r0 = s * RPS
    pltpu.sync_copy(zagg.at[pl.ds(r0, RPS)], agg_s.at[pl.ds(r0, RPS)])
    if with_deg:
        pltpu.sync_copy(zdeg1, deg_v)

    @pl.when(s == NS - 1)
    def _():
        rt = NS * RPS
        pltpu.sync_copy(zagg.at[pl.ds(rt, RTAIL)], agg_s.at[pl.ds(rt, RTAIL)])

    plsc.subcore_barrier()

    base = wid * EPW
    ones16 = jnp.ones((L,), jnp.float32)

    def load_idx_async(k, qi):
        off = base + k * CA
        pltpu.async_copy(src.at[pl.ds(off, CA)], sidx[qi], isem[qi])
        pltpu.async_copy(dst.at[pl.ds(off, CA)], didx[qi], isem[qi])

    def wait_idx(qi):
        pltpu.make_async_copy(src.at[pl.ds(0, CA)], sidx[qi], isem[qi]).wait()
        pltpu.make_async_copy(dst.at[pl.ds(0, CA)], didx[qi], isem[qi]).wait()

    def wait_scat(rs, qs):
        pltpu.make_async_copy(rows[rs], agg_s.at[didx[qs]], ssem[rs]).wait()

    def step(k, rs, qs, g1=True, g3=True, g2=True):
        pltpu.make_async_copy(table.at[sidx[qs]], rows[rs], gsem[rs]).wait()
        pltpu.async_copy(rows[rs], agg_s.at[didx[qs]], ssem[rs], add=True)
        if with_deg:
            for j in range(CA // L):
                plsc.addupdate_scatter(deg_v, [didx[qs][pl.ds(j * L, L)]],
                                       ones16)
        if g1:
            wait_scat((rs + 2) % 3, (qs + 3) % 4)
        if g3:
            load_idx_async(k + 3, (qs + 3) % 4)
        if g2:
            wait_idx((qs + 2) % 4)
            pltpu.async_copy(table.at[sidx[(qs + 2) % 4]],
                             rows[(rs + 2) % 3], gsem[(rs + 2) % 3])

    load_idx_async(0, 0)
    load_idx_async(1, 1)
    load_idx_async(2, 2)
    wait_idx(0)
    pltpu.async_copy(table.at[sidx[0]], rows[0], gsem[0])
    wait_idx(1)
    pltpu.async_copy(table.at[sidx[1]], rows[1], gsem[1])

    for k in range(4):
        step(k, k % 3, k % 4, g1=(k >= 1))

    def outer(i, carry):
        k = 4 + 12 * i
        for u in range(12):
            step(k + u, (4 + u) % 3, u % 4)
        return carry

    lax.fori_loop(0, (NCHUNK - 8) // 12, outer, 0)

    for k in range(NCHUNK - 4, NCHUNK):
        step(k, k % 3, k % 4, g3=(k + 3 < NCHUNK), g2=(k + 2 < NCHUNK))
    wait_scat((NCHUNK - 1) % 3, (NCHUNK - 1) % 4)

    offt = base + NCHUNK * CA
    pltpu.sync_copy(src.at[pl.ds(offt, TAIL)], tsidx)
    pltpu.sync_copy(dst.at[pl.ds(offt, TAIL)], tdidx)
    pltpu.async_copy(table.at[tsidx], trows, gsem[0]).wait()
    pltpu.sync_copy(trows, agg_s.at[tdidx], add=True)
    if with_deg:
        plsc.addupdate_scatter(deg_v, [tdidx[...]], ones16)
        pltpu.sync_copy(deg_v, degp.at[pl.ds(wid * N, N)])

    plsc.subcore_barrier()
    pltpu.sync_copy(agg_s.at[pl.ds(r0, RPS)], aggp.at[c, pl.ds(r0, RPS)])

    @pl.when(s == NS - 1)
    def _():
        rt = NS * RPS
        pltpu.sync_copy(agg_s.at[pl.ds(rt, RTAIL)], aggp.at[c, pl.ds(rt, RTAIL)])


_IDX4 = [pltpu.VMEM((CA,), jnp.int32)] * 8
_ROWS4 = [pltpu.VMEM((CA, H), jnp.float32)] * 3
_TAILB = [pltpu.VMEM((TAIL,), jnp.int32),
          pltpu.VMEM((TAIL,), jnp.int32),
          pltpu.VMEM((TAIL, H), jnp.float32)]
_SEMS12 = [pltpu.SemaphoreType.DMA] * 10

_sc_agg = pl.kernel(
    functools.partial(_sc_agg_body, True),
    out_type=(jax.ShapeDtypeStruct((NC, N, H), jnp.float32),
              jax.ShapeDtypeStruct((NW * N,), jnp.float32)),
    mesh=plsc.VectorSubcoreMesh(core_axis_name="c", subcore_axis_name="s"),
    scratch_types=(_IDX4 + _ROWS4 + _TAILB
                   + [pltpu.VMEM((N,), jnp.float32),
                      pltpu.VMEM_SHARED((N, H), jnp.float32)]
                   + _SEMS12),
    compiler_params=pltpu.CompilerParams(needs_layout_passes=False),
)

_sc_agg_nd = pl.kernel(
    functools.partial(_sc_agg_body, False),
    out_type=(jax.ShapeDtypeStruct((NC, N, H), jnp.float32),),
    mesh=plsc.VectorSubcoreMesh(core_axis_name="c", subcore_axis_name="s"),
    scratch_types=(_IDX4 + _ROWS4 + _TAILB
                   + [pltpu.VMEM_SHARED((N, H), jnp.float32)]
                   + _SEMS12),
    compiler_params=pltpu.CompilerParams(needs_layout_passes=False),
)



def _sc_score_body(hitem, idx_all, bias,
                   rows_out, bvals_out,
                   idx_v, rows_v, bias_v, bch, gsem):
    c = lax.axis_index("c")
    s = lax.axis_index("s")
    wid = s * NC + c
    base = wid * QS
    pltpu.sync_copy(bias, bias_v)

    def chunk(k, carry):
        off = base + k * C
        pltpu.sync_copy(idx_all.at[pl.ds(off, C)], idx_v)
        pltpu.async_copy(hitem.at[idx_v], rows_v, gsem).wait()
        pltpu.sync_copy(rows_v, rows_out.at[pl.ds(off, C)])
        for j in range(C // L):
            bidx = idx_v[pl.ds(j * L, L)]
            bch[pl.ds(j * L, L)] = plsc.load_gather(bias_v, [bidx])
        pltpu.sync_copy(bch, bvals_out.at[pl.ds(off, C)])
        return carry

    lax.fori_loop(0, SCH, chunk, 0)


_sc_score = pl.kernel(
    _sc_score_body,
    out_type=(jax.ShapeDtypeStruct((4 * P, H), jnp.float32),
              jax.ShapeDtypeStruct((4 * P,), jnp.float32)),
    mesh=plsc.VectorSubcoreMesh(core_axis_name="c", subcore_axis_name="s"),
    scratch_types=[
        pltpu.VMEM((C,), jnp.int32),
        pltpu.VMEM((C, H), jnp.float32),
        pltpu.VMEM((N,), jnp.float32),
        pltpu.VMEM((C,), jnp.float32),
        pltpu.SemaphoreType.DMA,
    ],
    compiler_params=pltpu.CompilerParams(needs_layout_passes=False),
)



R = 2000
GRID = N // R


def _mm(a, b):
    return jnp.dot(a, b, preferred_element_type=jnp.float32)


def _tc_prep_body(x_ref, wp_ref, emb_ref, q1_ref, bq1_ref, h0_ref, n1_ref):
    h0 = _mm(x_ref[...], wp_ref[...]) + emb_ref[...]
    h0_ref[...] = h0
    n1_ref[...] = jnp.maximum(_mm(h0, q1_ref[...]) + bq1_ref[...], 0.0)


_tc_prep = pl.pallas_call(
    _tc_prep_body,
    grid=(GRID,),
    in_specs=[
        pl.BlockSpec((R, D), lambda i: (i, 0)),
        pl.BlockSpec((D, H), lambda i: (0, 0)),
        pl.BlockSpec((R, H), lambda i: (i, 0)),
        pl.BlockSpec((H, H), lambda i: (0, 0)),
        pl.BlockSpec((1, H), lambda i: (0, 0)),
    ],
    out_specs=[
        pl.BlockSpec((R, H), lambda i: (i, 0)),
        pl.BlockSpec((R, H), lambda i: (i, 0)),
    ],
    out_shape=[
        jax.ShapeDtypeStruct((N, H), jnp.float32),
        jax.ShapeDtypeStruct((N, H), jnp.float32),
    ],
)


def _tc_deg_body(degp_ref, deg_ref):
    deg_col = lax.dot_general(
        degp_ref[...], jnp.ones((NW, 1), jnp.float32),
        dimension_numbers=(((0,), (0,)), ((), ())),
        preferred_element_type=jnp.float32)
    deg_ref[...] = jnp.maximum(deg_col, 1.0)


_tc_deg = pl.pallas_call(
    _tc_deg_body,
    out_shape=jax.ShapeDtypeStruct((N, 1), jnp.float32),
)


def _combine(aggp_ref, deg, h_ref, w_ref, bw_ref):
    agg = aggp_ref[0] + aggp_ref[1]
    aggm = agg / deg
    z = jnp.maximum(
        _mm(aggm, w_ref[0:H]) + _mm(h_ref[...], w_ref[H:2 * H]) + bw_ref[...],
        0.0)
    zn = jnp.maximum(jnp.sqrt(jnp.sum(z * z, axis=1, keepdims=True)), 1e-6)
    return z / zn


def _tc_comb1_body(aggp_ref, degp_ref, h0_ref, w1_ref, bw1_ref, q2_ref,
                   bq2_ref, h1_ref, n2_ref):
    h1 = _combine(aggp_ref, degp_ref[...], h0_ref, w1_ref, bw1_ref)
    h1_ref[...] = h1
    n2_ref[...] = jnp.maximum(_mm(h1, q2_ref[...]) + bq2_ref[...], 0.0)


_tc_comb1 = pl.pallas_call(
    _tc_comb1_body,
    grid=(GRID,),
    in_specs=[
        pl.BlockSpec((NC, R, H), lambda i: (0, i, 0)),
        pl.BlockSpec((R, 1), lambda i: (i, 0)),
        pl.BlockSpec((R, H), lambda i: (i, 0)),
        pl.BlockSpec((2 * H, H), lambda i: (0, 0)),
        pl.BlockSpec((1, H), lambda i: (0, 0)),
        pl.BlockSpec((H, H), lambda i: (0, 0)),
        pl.BlockSpec((1, H), lambda i: (0, 0)),
    ],
    out_specs=[
        pl.BlockSpec((R, H), lambda i: (i, 0)),
        pl.BlockSpec((R, H), lambda i: (i, 0)),
    ],
    out_shape=[
        jax.ShapeDtypeStruct((N, H), jnp.float32),
        jax.ShapeDtypeStruct((N, H), jnp.float32),
    ],
)


def _tc_comb2_body(aggp_ref, degp_ref, h1_ref, h0_ref, w2_ref, bw2_ref,
                   hitem_ref):
    h2 = _combine(aggp_ref, degp_ref[...], h1_ref, w2_ref, bw2_ref)
    hitem_ref[...] = h0_ref[...] + h2


_tc_comb2 = pl.pallas_call(
    _tc_comb2_body,
    grid=(GRID,),
    in_specs=[
        pl.BlockSpec((NC, R, H), lambda i: (0, i, 0)),
        pl.BlockSpec((R, 1), lambda i: (i, 0)),
        pl.BlockSpec((R, H), lambda i: (i, 0)),
        pl.BlockSpec((R, H), lambda i: (i, 0)),
        pl.BlockSpec((2 * H, H), lambda i: (0, 0)),
        pl.BlockSpec((1, H), lambda i: (0, 0)),
    ],
    out_specs=pl.BlockSpec((R, H), lambda i: (i, 0)),
    out_shape=jax.ShapeDtypeStruct((N, H), jnp.float32),
)


RP = 2048
SGRID = P // RP


def _tc_score_body(rows_ref, bv_ref, out_ref):
    pos = jnp.sum(rows_ref[0] * rows_ref[1], axis=1) + bv_ref[0] + bv_ref[1]
    neg = jnp.sum(rows_ref[2] * rows_ref[3], axis=1) + bv_ref[2] + bv_ref[3]
    out_ref[...] = jnp.maximum(neg - pos + 1.0, 0.0)[None, :]


_tc_score = pl.pallas_call(
    _tc_score_body,
    grid=(SGRID,),
    in_specs=[
        pl.BlockSpec((4, RP, H), lambda i: (0, i, 0)),
        pl.BlockSpec((4, RP), lambda i: (0, i)),
    ],
    out_specs=pl.BlockSpec((1, RP), lambda i: (0, i)),
    out_shape=jax.ShapeDtypeStruct((1, P), jnp.float32),
)



def kernel(x, edge_index, pos_edges, neg_edges, item_emb, W_proj, Q1, bq1,
           W1, bw1, Q2, bq2, W2, bw2, bias):
    src = edge_index[0]
    dst = edge_index[1]
    zagg = jnp.zeros((N, H), jnp.float32)
    zdeg1 = jnp.zeros((N,), jnp.float32)

    h0, n1 = _tc_prep(x, W_proj, item_emb, Q1, bq1.reshape(1, H))
    aggp1, degf = _sc_agg(n1, src, dst, zagg, zdeg1)
    degp = _tc_deg(degf.reshape(NW, N))
    h1, n2 = _tc_comb1(aggp1, degp, h0, W1, bw1.reshape(1, H), Q2,
                       bq2.reshape(1, H))
    aggp2, = _sc_agg_nd(n2, src, dst, zagg)
    h_item = _tc_comb2(aggp2, degp, h1, h0, W2, bw2.reshape(1, H))

    idx_all = jnp.concatenate(
        [pos_edges[0], pos_edges[1], neg_edges[0], neg_edges[1]])
    rows, bvals = _sc_score(h_item, idx_all, bias)
    out = _tc_score(rows.reshape(4, P, H), bvals.reshape(4, P))
    return out.reshape(P)

# --- scband reference (transcript-rebuilt; emitter-appended) ---
"""Pipeline reference for scband-pin-sagemodel-30064771072254 (READ-ONLY COPY).

The authoritative reference and input builder live on the scoring server;
editing this copy changes nothing except your own understanding.
"""

import jax, jax.numpy as jnp
import numpy as np

N = 10000
E = 320000
D = 128
H = 128
P = 8192

def setup_inputs(seed: int = 0):
    key = jax.random.key(seed)
    ks = jax.random.split(key, 16)
    inp = {}
    inp['x'] = jax.random.normal(ks[0], (N, D), dtype=jnp.float32)
    inp['edge_index'] = jax.random.randint(ks[1], (2, E), 0, N, dtype=jnp.int32)
    inp['pos_edges'] = jax.random.randint(ks[2], (2, P), 0, N, dtype=jnp.int32)
    inp['neg_edges'] = jax.random.randint(ks[3], (2, P), 0, N, dtype=jnp.int32)
    inp['item_emb'] = jax.random.normal(ks[4], (N, H), dtype=jnp.float32) * 0.05
    inp['W_proj'] = jax.random.normal(ks[5], (D, H), dtype=jnp.float32) / np.sqrt(D)
    inp['Q1'] = jax.random.normal(ks[6], (H, H), dtype=jnp.float32) / np.sqrt(H)
    inp['bq1'] = jnp.zeros((H,), dtype=jnp.float32)
    inp['W1'] = jax.random.normal(ks[7], (2 * H, H), dtype=jnp.float32) / np.sqrt(2 * H)
    inp['bw1'] = jnp.zeros((H,), dtype=jnp.float32)
    inp['Q2'] = jax.random.normal(ks[8], (H, H), dtype=jnp.float32) / np.sqrt(H)
    inp['bq2'] = jnp.zeros((H,), dtype=jnp.float32)
    inp['W2'] = jax.random.normal(ks[9], (2 * H, H), dtype=jnp.float32) / np.sqrt(2 * H)
    inp['bw2'] = jnp.zeros((H,), dtype=jnp.float32)
    inp['bias'] = jax.random.normal(ks[10], (N,), dtype=jnp.float32) * 0.01
    return inp

def _sage_layer(h, src, dst, Q, bq, W, bw):
    # WeightedSAGEConv (PinSAGE): project src, mean-aggregate to dst, combine, l2-normalize
    n = jax.nn.relu(h @ Q + bq)
    msg = jnp.take(n, src, axis=0)
    agg = jax.ops.segment_sum(msg, dst, num_segments=N)
    deg = jax.ops.segment_sum(jnp.ones((src.shape[0], 1), dtype=h.dtype), dst, num_segments=N)
    agg = agg / jnp.maximum(deg, 1.0)
    z = jax.nn.relu(jnp.concatenate([agg, h], axis=-1) @ W + bw)
    zn = jnp.maximum(jnp.linalg.norm(z, axis=-1, keepdims=True), 1e-6)
    return z / zn

def _score(edges, h, bias):
    # ItemToItemScorer: u_dot_v + per-node bias on both endpoints
    hs = jnp.take(h, edges[0], axis=0)
    hd = jnp.take(h, edges[1], axis=0)
    return jnp.sum(hs * hd, axis=-1) + jnp.take(bias, edges[0]) + jnp.take(bias, edges[1])

def reference(x, edge_index, pos_edges, neg_edges, item_emb, W_proj, Q1, bq1, W1, bw1, Q2, bq2, W2, bw2, bias):
    src, dst = edge_index[0], edge_index[1]
    # get_repr: LinearProjector + id-embedding, skip connection around SAGENet
    h0 = x @ W_proj + item_emb
    h = _sage_layer(h0, src, dst, Q1, bq1, W1, bw1)
    h = _sage_layer(h, src, dst, Q2, bq2, W2, bw2)
    h_item = h0 + h
    pos_score = _score(pos_edges, h_item, bias)
    neg_score = _score(neg_edges, h_item, bias)
    return jnp.maximum(neg_score - pos_score + 1.0, 0.0)

if __name__ == "__main__":
    import jax
    _d = setup_inputs()
    print(jax.jit(kernel)(*tuple(_d.values())))

</pallas_src>

<mosaic_0001>
#map = affine_map<(d0, d1) -> (0, 0)>
#map1 = affine_map<(d0, d1) -> (0)>
#map2 = affine_map<(d0, d1) -> (0, 0, 0)>
module attributes {stable_mosaic.version = 14 : i64} {
  func.func @_sc_agg_body(%arg0: i32, %arg1: i32, %arg2: memref<10000x128xf32, #tpu.memory_space<hbm>>, %arg3: memref<320000xi32, #tpu.memory_space<hbm>>, %arg4: memref<320000xi32, #tpu.memory_space<hbm>>, %arg5: memref<10000x128xf32, #tpu.memory_space<hbm>>, %arg6: memref<2x10000x128xf32, #tpu.memory_space<hbm>>, %arg7: memref<96xi32, #tpu.memory_space<vmem>>, %arg8: memref<96xi32, #tpu.memory_space<vmem>>, %arg9: memref<96xi32, #tpu.memory_space<vmem>>, %arg10: memref<96xi32, #tpu.memory_space<vmem>>, %arg11: memref<96xi32, #tpu.memory_space<vmem>>, %arg12: memref<96xi32, #tpu.memory_space<vmem>>, %arg13: memref<96xi32, #tpu.memory_space<vmem>>, %arg14: memref<96xi32, #tpu.memory_space<vmem>>, %arg15: memref<96x128xf32, #tpu.memory_space<vmem>>, %arg16: memref<96x128xf32, #tpu.memory_space<vmem>>, %arg17: memref<96x128xf32, #tpu.memory_space<vmem>>, %arg18: memref<16xi32, #tpu.memory_space<vmem>>, %arg19: memref<16xi32, #tpu.memory_space<vmem>>, %arg20: memref<16x128xf32, #tpu.memory_space<vmem>>, %arg21: memref<10000x128xf32, #tpu.memory_space<vmem_shared>>, %arg22: memref<!tpu.dma_semaphore, #tpu.memory_space<semaphore_mem>>, %arg23: memref<!tpu.dma_semaphore, #tpu.memory_space<semaphore_mem>>, %arg24: memref<!tpu.dma_semaphore, #tpu.memory_space<semaphore_mem>>, %arg25: memref<!tpu.dma_semaphore, #tpu.memory_space<semaphore_mem>>, %arg26: memref<!tpu.dma_semaphore, #tpu.memory_space<semaphore_mem>>, %arg27: memref<!tpu.dma_semaphore, #tpu.memory_space<semaphore_mem>>, %arg28: memref<!tpu.dma_semaphore, #tpu.memory_space<semaphore_mem>>, %arg29: memref<!tpu.dma_semaphore, #tpu.memory_space<semaphore_mem>>, %arg30: memref<!tpu.dma_semaphore, #tpu.memory_space<semaphore_mem>>, %arg31: memref<!tpu.dma_semaphore, #tpu.memory_space<semaphore_mem>>) attributes {dimension_semantics = [#tpu.dimension_semantics<core_parallel>, #tpu.dimension_semantics<subcore_parallel>], iteration_bounds = array<i64: 2, 16>, scalar_prefetch = 0 : i64, scratch_operands = 25 : i64, tpu.core_type = #tpu.core_type<sc_vector_subcore>, window_params = [{transform_indices = #map}, {transform_indices = #map1}, {transform_indices = #map1}, {transform_indices = #map}, {transform_indices = #map2}]} {
    %mul3A = arith.constant 2 : i32
    %mul3A_0 = arith.muli %arg1, %mul3A : i32
    %add3A = arith.addi %mul3A_0, %arg0 : i32
    %mul3A_1 = arith.constant 624 : i32
    %mul3A_2 = arith.muli %arg1, %mul3A_1 : i32
    "tpu.region"() ({
      %run_scoped3A = tpu.sem_alloc : memref<!tpu.dma_semaphore, #tpu.memory_space<semaphore_mem>>
      %dma_start3A_233 = arith.constant 0 : i32
      %dma_start3A_234 = tpu.memref_slice %arg21[%mul3A_2, %dma_start3A_233] : memref<10000x128xf32, #tpu.memory_space<vmem_shared>> -> memref<624x128xf32, #tpu.memory_space<vmem_shared>>
      %dma_start3A_235 = arith.constant 0 : i32
      %dma_start3A_236 = tpu.memref_slice %arg5[%mul3A_2, %dma_start3A_235] : memref<10000x128xf32, #tpu.memory_space<hbm>> -> memref<624x128xf32, #tpu.memory_space<hbm>>
      tpu.enqueue_dma source(%dma_start3A_236 : memref<624x128xf32, #tpu.memory_space<hbm>>) target(%dma_start3A_234 : memref<624x128xf32, #tpu.memory_space<vmem_shared>>) target_semaphore(%run_scoped3A : memref<!tpu.dma_semaphore, #tpu.memory_space<semaphore_mem>>)
      %dma_wait3A_237 = arith.constant 0 : i32
      %dma_wait3A_238 = tpu.memref_slice %arg21[%mul3A_2, %dma_wait3A_237] : memref<10000x128xf32, #tpu.memory_space<vmem_shared>> -> memref<624x128xf32, #tpu.memory_space<vmem_shared>>
      %dma_wait3A_239 = arith.constant 0 : i32
      %dma_wait3A_240 = tpu.memref_slice %arg5[%mul3A_2, %dma_wait3A_239] : memref<10000x128xf32, #tpu.memory_space<hbm>> -> memref<624x128xf32, #tpu.memory_space<hbm>>
      tpu.wait_dma2 semaphore(%run_scoped3A : memref<!tpu.dma_semaphore, #tpu.memory_space<semaphore_mem>>) src(%dma_wait3A_240 : memref<624x128xf32, #tpu.memory_space<hbm>>) dst(%dma_wait3A_238 : memref<624x128xf32, #tpu.memory_space<vmem_shared>>)
      tpu.yield
    }) : () -> ()
    %eq3A = arith.constant 15 : i32
    %eq3A_3 = arith.cmpi eq, %arg1, %eq3A : i32
    %convert_element_type3A = arith.extui %eq3A_3 : i1 to i32
    %cond3A = arith.constant 0 : i32
    %cond3A_4 = arith.cmpi ne, %convert_element_type3A, %cond3A : i32
    scf.if %cond3A_4 {
      "tpu.region"() ({
        %run_scoped3A = tpu.sem_alloc : memref<!tpu.dma_semaphore, #tpu.memory_space<semaphore_mem>>
        %dma_start3A_233 = arith.constant 9984 : i32
        %dma_start3A_234 = arith.constant 0 : i32
        %dma_start3A_235 = tpu.memref_slice %arg21[%dma_start3A_233, %dma_start3A_234] : memref<10000x128xf32, #tpu.memory_space<vmem_shared>> -> memref<16x128xf32, #tpu.memory_space<vmem_shared>>
        %dma_start3A_236 = arith.constant 9984 : i32
        %dma_start3A_237 = arith.constant 0 : i32
        %dma_start3A_238 = tpu.memref_slice %arg5[%dma_start3A_236, %dma_start3A_237] : memref<10000x128xf32, #tpu.memory_space<hbm>> -> memref<16x128xf32, #tpu.memory_space<hbm>>
        tpu.enqueue_dma source(%dma_start3A_238 : memref<16x128xf32, #tpu.memory_space<hbm>>) target(%dma_start3A_235 : memref<16x128xf32, #tpu.memory_space<vmem_shared>>) target_semaphore(%run_scoped3A : memref<!tpu.dma_semaphore, #tpu.memory_space<semaphore_mem>>)
        %dma_wait3A_239 = arith.constant 9984 : i32
        %dma_wait3A_240 = arith.constant 0 : i32
        %dma_wait3A_241 = tpu.memref_slice %arg21[%dma_wait3A_239, %dma_wait3A_240] : memref<10000x128xf32, #tpu.memory_space<vmem_shared>> -> memref<16x128xf32, #tpu.memory_space<vmem_shared>>
        %dma_wait3A_242 = arith.constant 9984 : i32
        %dma_wait3A_243 = arith.constant 0 : i32
        %dma_wait3A_244 = tpu.memref_slice %arg5[%dma_wait3A_242, %dma_wait3A_243] : memref<10000x128xf32, #tpu.memory_space<hbm>> -> memref<16x128xf32, #tpu.memory_space<hbm>>
        tpu.wait_dma2 semaphore(%run_scoped3A : memref<!tpu.dma_semaphore, #tpu.memory_space<semaphore_mem>>) src(%dma_wait3A_244 : memref<16x128xf32, #tpu.memory_space<hbm>>) dst(%dma_wait3A_241 : memref<16x128xf32, #tpu.memory_space<vmem_shared>>)
        tpu.yield
      }) : () -> ()
    } else {
    }
    %barrier3A = arith.constant 0 : index
    tpu.barrier barrier_id(%barrier3A)
    %mul3A_5 = arith.constant 10000 : i32
    %mul3A_6 = arith.muli %add3A, %mul3A_5 : i32
    %broadcast_in_dim3A = arith.constant 1.000000e+00 : f32
    %broadcast_in_dim3A_7 = vector.broadcast %broadcast_in_dim3A : f32 to vector<16xf32>
    %add3A_8 = arith.constant 0 : i32
    %add3A_9 = arith.addi %mul3A_6, %add3A_8 : i32
    %dma_start3A = tpu.memref_slice %arg3[%add3A_9] : memref<320000xi32, #tpu.memory_space<hbm>> -> memref<96xi32, #tpu.memory_space<hbm>>
    %dma_start3A_10 = tpu.memref_slice %arg3[%add3A_9] : memref<320000xi32, #tpu.memory_space<hbm>> -> memref<96xi32, #tpu.memory_space<hbm>>
    tpu.enqueue_dma source(%dma_start3A_10 : memref<96xi32, #tpu.memory_space<hbm>>) target(%arg7 : memref<96xi32, #tpu.memory_space<vmem>>) target_semaphore(%arg28 : memref<!tpu.dma_semaphore, #tpu.memory_space<semaphore_mem>>)
    %dma_start3A_11 = tpu.memref_slice %arg4[%add3A_9] : memref<320000xi32, #tpu.memory_space<hbm>> -> memref<96xi32, #tpu.memory_space<hbm>>
    %dma_start3A_12 = tpu.memref_slice %arg4[%add3A_9] : memref<320000xi32, #tpu.memory_space<hbm>> -> memref<96xi32, #tpu.memory_space<hbm>>
    tpu.enqueue_dma source(%dma_start3A_12 : memref<96xi32, #tpu.memory_space<hbm>>) target(%arg11 : memref<96xi32, #tpu.memory_space<vmem>>) target_semaphore(%arg28 : memref<!tpu.dma_semaphore, #tpu.memory_space<semaphore_mem>>)
    %add3A_13 = arith.constant 96 : i32
    %add3A_14 = arith.addi %mul3A_6, %add3A_13 : i32
    %dma_start3A_15 = tpu.memref_slice %arg3[%add3A_14] : memref<320000xi32, #tpu.memory_space<hbm>> -> memref<96xi32, #tpu.memory_space<hbm>>
    %dma_start3A_16 = tpu.memref_slice %arg3[%add3A_14] : memref<320000xi32, #tpu.memory_space<hbm>> -> memref<96xi32, #tpu.memory_space<hbm>>
    tpu.enqueue_dma source(%dma_start3A_16 : memref<96xi32, #tpu.memory_space<hbm>>) target(%arg8 : memref<96xi32, #tpu.memory_space<vmem>>) target_semaphore(%arg29 : memref<!tpu.dma_semaphore, #tpu.memory_space<semaphore_mem>>)
    %dma_start3A_17 = tpu.memref_slice %arg4[%add3A_14] : memref<320000xi32, #tpu.memory_space<hbm>> -> memref<96xi32, #tpu.memory_space<hbm>>
    %dma_start3A_18 = tpu.memref_slice %arg4[%add3A_14] : memref<320000xi32, #tpu.memory_space<hbm>> -> memref<96xi32, #tpu.memory_space<hbm>>
    tpu.enqueue_dma source(%dma_start3A_18 : memref<96xi32, #tpu.memory_space<hbm>>) target(%arg12 : memref<96xi32, #tpu.memory_space<vmem>>) target_semaphore(%arg29 : memref<!tpu.dma_semaphore, #tpu.memory_space<semaphore_mem>>)
    %add3A_19 = arith.constant 192 : i32
    %add3A_20 = arith.addi %mul3A_6, %add3A_19 : i32
    %dma_start3A_21 = tpu.memref_slice %arg3[%add3A_20] : memref<320000xi32, #tpu.memory_space<hbm>> -> memref<96xi32, #tpu.memory_space<hbm>>
    %dma_start3A_22 = tpu.memref_slice %arg3[%add3A_20] : memref<320000xi32, #tpu.memory_space<hbm>> -> memref<96xi32, #tpu.memory_space<hbm>>
    tpu.enqueue_dma source(%dma_start3A_22 : memref<96xi32, #tpu.memory_space<hbm>>) target(%arg9 : memref<96xi32, #tpu.memory_space<vmem>>) target_semaphore(%arg30 : memref<!tpu.dma_semaphore, #tpu.memory_space<semaphore_mem>>)
    %dma_start3A_23 = tpu.memref_slice %arg4[%add3A_20] : memref<320000xi32, #tpu.memory_space<hbm>> -> memref<96xi32, #tpu.memory_space<hbm>>
    %dma_start3A_24 = tpu.memref_slice %arg4[%add3A_20] : memref<320000xi32, #tpu.memory_space<hbm>> -> memref<96xi32, #tpu.memory_space<hbm>>
    tpu.enqueue_dma source(%dma_start3A_24 : memref<96xi32, #tpu.memory_space<hbm>>) target(%arg13 : memref<96xi32, #tpu.memory_space<vmem>>) target_semaphore(%arg30 : memref<!tpu.dma_semaphore, #tpu.memory_space<semaphore_mem>>)
    %dma_wait3A = arith.constant 0 : i32
    %dma_wait3A_25 = tpu.memref_slice %arg3[%dma_wait3A] : memref<320000xi32, #tpu.memory_space<hbm>> -> memref<96xi32, #tpu.memory_space<hbm>>
    %dma_wait3A_26 = arith.constant 0 : i32
    %dma_wait3A_27 = tpu.memref_slice %arg3[%dma_wait3A_26] : memref<320000xi32, #tpu.memory_space<hbm>> -> memref<96xi32, #tpu.memory_space<hbm>>
    tpu.wait_dma2 semaphore(%arg28 : memref<!tpu.dma_semaphore, #tpu.memory_space<semaphore_mem>>) src(%dma_wait3A_27 : memref<96xi32, #tpu.memory_space<hbm>>) dst(%arg7 : memref<96xi32, #tpu.memory_space<vmem>>)
    %dma_wait3A_28 = arith.constant 0 : i32
    %dma_wait3A_29 = tpu.memref_slice %arg4[%dma_wait3A_28] : memref<320000xi32, #tpu.memory_space<hbm>> -> memref<96xi32, #tpu.memory_space<hbm>>
    %dma_wait3A_30 = arith.constant 0 : i32
    %dma_wait3A_31 = tpu.memref_slice %arg4[%dma_wait3A_30] : memref<320000xi32, #tpu.memory_space<hbm>> -> memref<96xi32, #tpu.memory_space<hbm>>
    tpu.wait_dma2 semaphore(%arg28 : memref<!tpu.dma_semaphore, #tpu.memory_space<semaphore_mem>>) src(%dma_wait3A_31 : memref<96xi32, #tpu.memory_space<hbm>>) dst(%arg11 : memref<96xi32, #tpu.memory_space<vmem>>)
    %dma_start3A_32 = arith.constant 0 : i32
    %dma_start3A_33 = arith.constant 0 : i32
    %dma_start3A_34 = tpu.memref_slice %arg2[%dma_start3A_32, %dma_start3A_33] : memref<10000x128xf32, #tpu.memory_space<hbm>> -> memref<10000x128xf32, #tpu.memory_space<hbm>>
    tpu.enqueue_indirect_dma source(%dma_start3A_34 : memref<10000x128xf32, #tpu.memory_space<hbm>>) target(%arg15 : memref<96x128xf32, #tpu.memory_space<vmem>>) offsets(%arg7 : memref<96xi32, #tpu.memory_space<vmem>>) semaphore(%arg22 : memref<!tpu.dma_semaphore, #tpu.memory_space<semaphore_mem>>)
    %dma_wait3A_35 = arith.constant 0 : i32
    %dma_wait3A_36 = tpu.memref_slice %arg3[%dma_wait3A_35] : memref<320000xi32, #tpu.memory_space<hbm>> -> memref<96xi32, #tpu.memory_space<hbm>>
    %dma_wait3A_37 = arith.constant 0 : i32
    %dma_wait3A_38 = tpu.memref_slice %arg3[%dma_wait3A_37] : memref<320000xi32, #tpu.memory_space<hbm>> -> memref<96xi32, #tpu.memory_space<hbm>>
    tpu.wait_dma2 semaphore(%arg29 : memref<!tpu.dma_semaphore, #tpu.memory_space<semaphore_mem>>) src(%dma_wait3A_38 : memref<96xi32, #tpu.memory_space<hbm>>) dst(%arg8 : memref<96xi32, #tpu.memory_space<vmem>>)
    %dma_wait3A_39 = arith.constant 0 : i32
    %dma_wait3A_40 = tpu.memref_slice %arg4[%dma_wait3A_39] : memref<320000xi32, #tpu.memory_space<hbm>> -> memref<96xi32, #tpu.memory_space<hbm>>
    %dma_wait3A_41 = arith.constant 0 : i32
    %dma_wait3A_42 = tpu.memref_slice %arg4[%dma_wait3A_41] : memref<320000xi32, #tpu.memory_space<hbm>> -> memref<96xi32, #tpu.memory_space<hbm>>
    tpu.wait_dma2 semaphore(%arg29 : memref<!tpu.dma_semaphore, #tpu.memory_space<semaphore_mem>>) src(%dma_wait3A_42 : memref<96xi32, #tpu.memory_space<hbm>>) dst(%arg12 : memref<96xi32, #tpu.memory_space<vmem>>)
    %dma_start3A_43 = arith.constant 0 : i32
    %dma_start3A_44 = arith.constant 0 : i32
    %dma_start3A_45 = tpu.memref_slice %arg2[%dma_start3A_43, %dma_start3A_44] : memref<10000x128xf32, #tpu.memory_space<hbm>> -> memref<10000x128xf32, #tpu.memory_space<hbm>>
    tpu.enqueue_indirect_dma source(%dma_start3A_45 : memref<10000x128xf32, #tpu.memory_space<hbm>>) target(%arg16 : memref<96x128xf32, #tpu.memory_space<vmem>>) offsets(%arg8 : memref<96xi32, #tpu.memory_space<vmem>>) semaphore(%arg23 : memref<!tpu.dma_semaphore, #tpu.memory_space<semaphore_mem>>)
    %dma_wait3A_46 = arith.constant 0 : i32
    %dma_wait3A_47 = arith.constant 0 : i32
    %dma_wait3A_48 = tpu.memref_slice %arg2[%dma_wait3A_46, %dma_wait3A_47] : memref<10000x128xf32, #tpu.memory_space<hbm>> -> memref<10000x128xf32, #tpu.memory_space<hbm>>
    tpu.wait_indirect_dma semaphore(%arg22 : memref<!tpu.dma_semaphore, #tpu.memory_space<semaphore_mem>>) src(%dma_wait3A_48 : memref<10000x128xf32, #tpu.memory_space<hbm>>) dst(%arg15 : memref<96x128xf32, #tpu.memory_space<vmem>>)
    %dma_start3A_49 = arith.constant 0 : i32
    %dma_start3A_50 = arith.constant 0 : i32
    %dma_start3A_51 = tpu.memref_slice %arg21[%dma_start3A_49, %dma_start3A_50] : memref<10000x128xf32, #tpu.memory_space<vmem_shared>> -> memref<10000x128xf32, #tpu.memory_space<vmem_shared>>
    tpu.enqueue_indirect_dma source(%arg15 : memref<96x128xf32, #tpu.memory_space<vmem>>) target(%dma_start3A_51 : memref<10000x128xf32, #tpu.memory_space<vmem_shared>>) offsets(%arg11 : memref<96xi32, #tpu.memory_space<vmem>>) semaphore(%arg25 : memref<!tpu.dma_semaphore, #tpu.memory_space<semaphore_mem>>) {add = true}
    %add3A_52 = arith.constant 288 : i32
    %add3A_53 = arith.addi %mul3A_6, %add3A_52 : i32
    %dma_start3A_54 = tpu.memref_slice %arg3[%add3A_53] : memref<320000xi32, #tpu.memory_space<hbm>> -> memref<96xi32, #tpu.memory_space<hbm>>
    %dma_start3A_55 = tpu.memref_slice %arg3[%add3A_53] : memref<320000xi32, #tpu.memory_space<hbm>> -> memref<96xi32, #tpu.memory_space<hbm>>
    tpu.enqueue_dma source(%dma_start3A_55 : memref<96xi32, #tpu.memory_space<hbm>>) target(%arg10 : memref<96xi32, #tpu.memory_space<vmem>>) target_semaphore(%arg31 : memref<!tpu.dma_semaphore, #tpu.memory_space<semaphore_mem>>)
    %dma_start3A_56 = tpu.memref_slice %arg4[%add3A_53] : memref<320000xi32, #tpu.memory_space<hbm>> -> memref<96xi32, #tpu.memory_space<hbm>>
    %dma_start3A_57 = tpu.memref_slice %arg4[%add3A_53] : memref<320000xi32, #tpu.memory_space<hbm>> -> memref<96xi32, #tpu.memory_space<hbm>>
    tpu.enqueue_dma source(%dma_start3A_57 : memref<96xi32, #tpu.memory_space<hbm>>) target(%arg14 : memref<96xi32, #tpu.memory_space<vmem>>) target_semaphore(%arg31 : memref<!tpu.dma_semaphore, #tpu.memory_space<semaphore_mem>>)
    %dma_wait3A_58 = arith.constant 0 : i32
    %dma_wait3A_59 = tpu.memref_slice %arg3[%dma_wait3A_58] : memref<320000xi32, #tpu.memory_space<hbm>> -> memref<96xi32, #tpu.memory_space<hbm>>
    %dma_wait3A_60 = arith.constant 0 : i32
    %dma_wait3A_61 = tpu.memref_slice %arg3[%dma_wait3A_60] : memref<320000xi32, #tpu.memory_space<hbm>> -> memref<96xi32, #tpu.memory_space<hbm>>
    tpu.wait_dma2 semaphore(%arg30 : memref<!tpu.dma_semaphore, #tpu.memory_space<semaphore_mem>>) src(%dma_wait3A_61 : memref<96xi32, #tpu.memory_space<hbm>>) dst(%arg9 : memref<96xi32, #tpu.memory_space<vmem>>)
    %dma_wait3A_62 = arith.constant 0 : i32
    %dma_wait3A_63 = tpu.memref_slice %arg4[%dma_wait3A_62] : memref<320000xi32, #tpu.memory_space<hbm>> -> memref<96xi32, #tpu.memory_space<hbm>>
    %dma_wait3A_64 = arith.constant 0 : i32
    %dma_wait3A_65 = tpu.memref_slice %arg4[%dma_wait3A_64] : memref<320000xi32, #tpu.memory_space<hbm>> -> memref<96xi32, #tpu.memory_space<hbm>>
    tpu.wait_dma2 semaphore(%arg30 : memref<!tpu.dma_semaphore, #tpu.memory_space<semaphore_mem>>) src(%dma_wait3A_65 : memref<96xi32, #tpu.memory_space<hbm>>) dst(%arg13 : memref<96xi32, #tpu.memory_space<vmem>>)
    %dma_start3A_66 = arith.constant 0 : i32
    %dma_start3A_67 = arith.constant 0 : i32
    %dma_start3A_68 = tpu.memref_slice %arg2[%dma_start3A_66, %dma_start3A_67] : memref<10000x128xf32, #tpu.memory_space<hbm>> -> memref<10000x128xf32, #tpu.memory_space<hbm>>
    tpu.enqueue_indirect_dma source(%dma_start3A_68 : memref<10000x128xf32, #tpu.memory_space<hbm>>) target(%arg17 : memref<96x128xf32, #tpu.memory_space<vmem>>) offsets(%arg9 : memref<96xi32, #tpu.memory_space<vmem>>) semaphore(%arg24 : memref<!tpu.dma_semaphore, #tpu.memory_space<semaphore_mem>>)
    %dma_wait3A_69 = arith.constant 0 : i32
    %dma_wait3A_70 = arith.constant 0 : i32
    %dma_wait3A_71 = tpu.memref_slice %arg2[%dma_wait3A_69, %dma_wait3A_70] : memref<10000x128xf32, #tpu.memory_space<hbm>> -> memref<10000x128xf32, #tpu.memory_space<hbm>>
    tpu.wait_indirect_dma semaphore(%arg23 : memref<!tpu.dma_semaphore, #tpu.memory_space<semaphore_mem>>) src(%dma_wait3A_71 : memref<10000x128xf32, #tpu.memory_space<hbm>>) dst(%arg16 : memref<96x128xf32, #tpu.memory_space<vmem>>)
    %dma_start3A_72 = arith.constant 0 : i32
    %dma_start3A_73 = arith.constant 0 : i32
    %dma_start3A_74 = tpu.memref_slice %arg21[%dma_start3A_72, %dma_start3A_73] : memref<10000x128xf32, #tpu.memory_space<vmem_shared>> -> memref<10000x128xf32, #tpu.memory_space<vmem_shared>>
    tpu.enqueue_indirect_dma source(%arg16 : memref<96x128xf32, #tpu.memory_space<vmem>>) target(%dma_start3A_74 : memref<10000x128xf32, #tpu.memory_space<vmem_shared>>) offsets(%arg12 : memref<96xi32, #tpu.memory_space<vmem>>) semaphore(%arg26 : memref<!tpu.dma_semaphore, #tpu.memory_space<semaphore_mem>>) {add = true}
    %dma_wait3A_75 = arith.constant 0 : i32
    %dma_wait3A_76 = arith.constant 0 : i32
    %dma_wait3A_77 = tpu.memref_slice %arg21[%dma_wait3A_75, %dma_wait3A_76] : memref<10000x128xf32, #tpu.memory_space<vmem_shared>> -> memref<10000x128xf32, #tpu.memory_space<vmem_shared>>
    tpu.wait_indirect_dma semaphore(%arg25 : memref<!tpu.dma_semaphore, #tpu.memory_space<semaphore_mem>>) src(%arg15 : memref<96x128xf32, #tpu.memory_space<vmem>>) dst(%dma_wait3A_77 : memref<10000x128xf32, #tpu.memory_space<vmem_shared>>)
    %add3A_78 = arith.constant 384 : i32
    %add3A_79 = arith.addi %mul3A_6, %add3A_78 : i32
    %dma_start3A_80 = tpu.memref_slice %arg3[%add3A_79] : memref<320000xi32, #tpu.memory_space<hbm>> -> memref<96xi32, #tpu.memory_space<hbm>>
    %dma_start3A_81 = tpu.memref_slice %arg3[%add3A_79] : memref<320000xi32, #tpu.memory_space<hbm>> -> memref<96xi32, #tpu.memory_space<hbm>>
    tpu.enqueue_dma source(%dma_start3A_81 : memref<96xi32, #tpu.memory_space<hbm>>) target(%arg7 : memref<96xi32, #tpu.memory_space<vmem>>) target_semaphore(%arg28 : memref<!tpu.dma_semaphore, #tpu.memory_space<semaphore_mem>>)
    %dma_start3A_82 = tpu.memref_slice %arg4[%add3A_79] : memref<320000xi32, #tpu.memory_space<hbm>> -> memref<96xi32, #tpu.memory_space<hbm>>
    %dma_start3A_83 = tpu.memref_slice %arg4[%add3A_79] : memref<320000xi32, #tpu.memory_space<hbm>> -> memref<96xi32, #tpu.memory_space<hbm>>
    tpu.enqueue_dma source(%dma_start3A_83 : memref<96xi32, #tpu.memory_space<hbm>>) target(%arg11 : memref<96xi32, #tpu.memory_space<vmem>>) target_semaphore(%arg28 : memref<!tpu.dma_semaphore, #tpu.memory_space<semaphore_mem>>)
    %dma_wait3A_84 = arith.constant 0 : i32
    %dma_wait3A_85 = tpu.memref_slice %arg3[%dma_wait3A_84] : memref<320000xi32, #tpu.memory_space<hbm>> -> memref<96xi32, #tpu.memory_space<hbm>>
    %dma_wait3A_86 = arith.constant 0 : i32
    %dma_wait3A_87 = tpu.memref_slice %arg3[%dma_wait3A_86] : memref<320000xi32, #tpu.memory_space<hbm>> -> memref<96xi32, #tpu.memory_space<hbm>>
    tpu.wait_dma2 semaphore(%arg31 : memref<!tpu.dma_semaphore, #tpu.memory_space<semaphore_mem>>) src(%dma_wait3A_87 : memref<96xi32, #tpu.memory_space<hbm>>) dst(%arg10 : memref<96xi32, #tpu.memory_space<vmem>>)
    %dma_wait3A_88 = arith.constant 0 : i32
    %dma_wait3A_89 = tpu.memref_slice %arg4[%dma_wait3A_88] : memref<320000xi32, #tpu.memory_space<hbm>> -> memref<96xi32, #tpu.memory_space<hbm>>
    %dma_wait3A_90 = arith.constant 0 : i32
    %dma_wait3A_91 = tpu.memref_slice %arg4[%dma_wait3A_90] : memref<320000xi32, #tpu.memory_space<hbm>> -> memref<96xi32, #tpu.memory_space<hbm>>
    tpu.wait_dma2 semaphore(%arg31 : memref<!tpu.dma_semaphore, #tpu.memory_space<semaphore_mem>>) src(%dma_wait3A_91 : memref<96xi32, #tpu.memory_space<hbm>>) dst(%arg14 : memref<96xi32, #tpu.memory_space<vmem>>)
    %dma_start3A_92 = arith.constant 0 : i32
    %dma_start3A_93 = arith.constant 0 : i32
    %dma_start3A_94 = tpu.memref_slice %arg2[%dma_start3A_92, %dma_start3A_93] : memref<10000x128xf32, #tpu.memory_space<hbm>> -> memref<10000x128xf32, #tpu.memory_space<hbm>>
    tpu.enqueue_indirect_dma source(%dma_start3A_94 : memref<10000x128xf32, #tpu.memory_space<hbm>>) target(%arg15 : memref<96x128xf32, #tpu.memory_space<vmem>>) offsets(%arg10 : memref<96xi32, #tpu.memory_space<vmem>>) semaphore(%arg22 : memref<!tpu.dma_semaphore, #tpu.memory_space<semaphore_mem>>)
    %dma_wait3A_95 = arith.constant 0 : i32
    %dma_wait3A_96 = arith.constant 0 : i32
    %dma_wait3A_97 = tpu.memref_slice %arg2[%dma_wait3A_95, %dma_wait3A_96] : memref<10000x128xf32, #tpu.memory_space<hbm>> -> memref<10000x128xf32, #tpu.memory_space<hbm>>
    tpu.wait_indirect_dma semaphore(%arg24 : memref<!tpu.dma_semaphore, #tpu.memory_space<semaphore_mem>>) src(%dma_wait3A_97 : memref<10000x128xf32, #tpu.memory_space<hbm>>) dst(%arg17 : memref<96x128xf32, #tpu.memory_space<vmem>>)
    %dma_start3A_98 = arith.constant 0 : i32
    %dma_start3A_99 = arith.constant 0 : i32
    %dma_start3A_100 = tpu.memref_slice %arg21[%dma_start3A_98, %dma_start3A_99] : memref<10000x128xf32, #tpu.memory_space<vmem_shared>> -> memref<10000x128xf32, #tpu.memory_space<vmem_shared>>
    tpu.enqueue_indirect_dma source(%arg17 : memref<96x128xf32, #tpu.memory_space<vmem>>) target(%dma_start3A_100 : memref<10000x128xf32, #tpu.memory_space<vmem_shared>>) offsets(%arg13 : memref<96xi32, #tpu.memory_space<vmem>>) semaphore(%arg27 : memref<!tpu.dma_semaphore, #tpu.memory_space<semaphore_mem>>) {add = true}
    %dma_wait3A_101 = arith.constant 0 : i32
    %dma_wait3A_102 = arith.constant 0 : i32
    %dma_wait3A_103 = tpu.memref_slice %arg21[%dma_wait3A_101, %dma_wait3A_102] : memref<10000x128xf32, #tpu.memory_space<vmem_shared>> -> memref<10000x128xf32, #tpu.memory_space<vmem_shared>>
    tpu.wait_indirect_dma semaphore(%arg26 : memref<!tpu.dma_semaphore, #tpu.memory_space<semaphore_mem>>) src(%arg16 : memref<96x128xf32, #tpu.memory_space<vmem>>) dst(%dma_wait3A_103 : memref<10000x128xf32, #tpu.memory_space<vmem_shared>>)
    %add3A_104 = arith.constant 480 : i32
    %add3A_105 = arith.addi %mul3A_6, %add3A_104 : i32
    %dma_start3A_106 = tpu.memref_slice %arg3[%add3A_105] : memref<320000xi32, #tpu.memory_space<hbm>> -> memref<96xi32, #tpu.memory_space<hbm>>
    %dma_start3A_107 = tpu.memref_slice %arg3[%add3A_105] : memref<320000xi32, #tpu.memory_space<hbm>> -> memref<96xi32, #tpu.memory_space<hbm>>
    tpu.enqueue_dma source(%dma_start3A_107 : memref<96xi32, #tpu.memory_space<hbm>>) target(%arg8 : memref<96xi32, #tpu.memory_space<vmem>>) target_semaphore(%arg29 : memref<!tpu.dma_semaphore, #tpu.memory_space<semaphore_mem>>)
    %dma_start3A_108 = tpu.memref_slice %arg4[%add3A_105] : memref<320000xi32, #tpu.memory_space<hbm>> -> memref<96xi32, #tpu.memory_space<hbm>>
    %dma_start3A_109 = tpu.memref_slice %arg4[%add3A_105] : memref<320000xi32, #tpu.memory_space<hbm>> -> memref<96xi32, #tpu.memory_space<hbm>>
    tpu.enqueue_dma source(%dma_start3A_109 : memref<96xi32, #tpu.memory_space<hbm>>) target(%arg12 : memref<96xi32, #tpu.memory_space<vmem>>) target_semaphore(%arg29 : memref<!tpu.dma_semaphore, #tpu.memory_space<semaphore_mem>>)
    %dma_wait3A_110 = arith.constant 0 : i32
    %dma_wait3A_111 = tpu.memref_slice %arg3[%dma_wait3A_110] : memref<320000xi32, #tpu.memory_space<hbm>> -> memref<96xi32, #tpu.memory_space<hbm>>
    %dma_wait3A_112 = arith.constant 0 : i32
    %dma_wait3A_113 = tpu.memref_slice %arg3[%dma_wait3A_112] : memref<320000xi32, #tpu.memory_space<hbm>> -> memref<96xi32, #tpu.memory_space<hbm>>
    tpu.wait_dma2 semaphore(%arg28 : memref<!tpu.dma_semaphore, #tpu.memory_space<semaphore_mem>>) src(%dma_wait3A_113 : memref<96xi32, #tpu.memory_space<hbm>>) dst(%arg7 : memref<96xi32, #tpu.memory_space<vmem>>)
    %dma_wait3A_114 = arith.constant 0 : i32
    %dma_wait3A_115 = tpu.memref_slice %arg4[%dma_wait3A_114] : memref<320000xi32, #tpu.memory_space<hbm>> -> memref<96xi32, #tpu.memory_space<hbm>>
    %dma_wait3A_116 = arith.constant 0 : i32
    %dma_wait3A_117 = tpu.memref_slice %arg4[%dma_wait3A_116] : memref<320000xi32, #tpu.memory_space<hbm>> -> memref<96xi32, #tpu.memory_space<hbm>>
    tpu.wait_dma2 semaphore(%arg28 : memref<!tpu.dma_semaphore, #tpu.memory_space<semaphore_mem>>) src(%dma_wait3A_117 : memref<96xi32, #tpu.memory_space<hbm>>) dst(%arg11 : memref<96xi32, #tpu.memory_space<vmem>>)
    %dma_start3A_118 = arith.constant 0 : i32
    %dma_start3A_119 = arith.constant 0 : i32
    %dma_start3A_120 = tpu.memref_slice %arg2[%dma_start3A_118, %dma_start3A_119] : memref<10000x128xf32, #tpu.memory_space<hbm>> -> memref<10000x128xf32, #tpu.memory_space<hbm>>
    tpu.enqueue_indirect_dma source(%dma_start3A_120 : memref<10000x128xf32, #tpu.memory_space<hbm>>) target(%arg16 : memref<96x128xf32, #tpu.memory_space<vmem>>) offsets(%arg7 : memref<96xi32, #tpu.memory_space<vmem>>) semaphore(%arg23 : memref<!tpu.dma_semaphore, #tpu.memory_space<semaphore_mem>>)
    %dma_wait3A_121 = arith.constant 0 : i32
    %dma_wait3A_122 = arith.constant 0 : i32
    %dma_wait3A_123 = tpu.memref_slice %arg2[%dma_wait3A_121, %dma_wait3A_122] : memref<10000x128xf32, #tpu.memory_space<hbm>> -> memref<10000x128xf32, #tpu.memory_space<hbm>>
    tpu.wait_indirect_dma semaphore(%arg22 : memref<!tpu.dma_semaphore, #tpu.memory_space<semaphore_mem>>) src(%dma_wait3A_123 : memref<10000x128xf32, #tpu.memory_space<hbm>>) dst(%arg15 : memref<96x128xf32, #tpu.memory_space<vmem>>)
    %dma_start3A_124 = arith.constant 0 : i32
    %dma_start3A_125 = arith.constant 0 : i32
    %dma_start3A_126 = tpu.memref_slice %arg21[%dma_start3A_124, %dma_start3A_125] : memref<10000x128xf32, #tpu.memory_space<vmem_shared>> -> memref<10000x128xf32, #tpu.memory_space<vmem_shared>>
    tpu.enqueue_indirect_dma source(%arg15 : memref<96x128xf32, #tpu.memory_space<vmem>>) target(%dma_start3A_126 : memref<10000x128xf32, #tpu.memory_space<vmem_shared>>) offsets(%arg14 : memref<96xi32, #tpu.memory_space<vmem>>) semaphore(%arg25 : memref<!tpu.dma_semaphore, #tpu.memory_space<semaphore_mem>>) {add = true}
    %dma_wait3A_127 = arith.constant 0 : i32
    %dma_wait3A_128 = arith.constant 0 : i32
    %dma_wait3A_129 = tpu.memref_slice %arg21[%dma_wait3A_127, %dma_wait3A_128] : memref<10000x128xf32, #tpu.memory_space<vmem_shared>> -> memref<10000x128xf32, #tpu.memory_space<vmem_shared>>
    tpu.wait_indirect_dma semaphore(%arg27 : memref<!tpu.dma_semaphore, #tpu.memory_space<semaphore_mem>>) src(%arg17 : memref<96x128xf32, #tpu.memory_space<vmem>>) dst(%dma_wait3A_129 : memref<10000x128xf32, #tpu.memory_space<vmem_shared>>)
    %add3A_130 = arith.constant 576 : i32
    %add3A_131 = arith.addi %mul3A_6, %add3A_130 : i32
    %dma_start3A_132 = tpu.memref_slice %arg3[%add3A_131] : memref<320000xi32, #tpu.memory_space<hbm>> -> memref<96xi32, #tpu.memory_space<hbm>>
    %dma_start3A_133 = tpu.memref_slice %arg3[%add3A_131] : memref<320000xi32, #tpu.memory_space<hbm>> -> memref<96xi32, #tpu.memory_space<hbm>>
    tpu.enqueue_dma source(%dma_start3A_133 : memref<96xi32, #tpu.memory_space<hbm>>) target(%arg9 : memref<96xi32, #tpu.memory_space<vmem>>) target_semaphore(%arg30 : memref<!tpu.dma_semaphore, #tpu.memory_space<semaphore_mem>>)
    %dma_start3A_134 = tpu.memref_slice %arg4[%add3A_131] : memref<320000xi32, #tpu.memory_space<hbm>> -> memref<96xi32, #tpu.memory_space<hbm>>
    %dma_start3A_135 = tpu.memref_slice %arg4[%add3A_131] : memref<320000xi32, #tpu.memory_space<hbm>> -> memref<96xi32, #tpu.memory_space<hbm>>
    tpu.enqueue_dma source(%dma_start3A_135 : memref<96xi32, #tpu.memory_space<hbm>>) target(%arg13 : memref<96xi32, #tpu.memory_space<vmem>>) target_semaphore(%arg30 : memref<!tpu.dma_semaphore, #tpu.memory_space<semaphore_mem>>)
    %dma_wait3A_136 = arith.constant 0 : i32
    %dma_wait3A_137 = tpu.memref_slice %arg3[%dma_wait3A_136] : memref<320000xi32, #tpu.memory_space<hbm>> -> memref<96xi32, #tpu.memory_space<hbm>>
    %dma_wait3A_138 = arith.constant 0 : i32
    %dma_wait3A_139 = tpu.memref_slice %arg3[%dma_wait3A_138] : memref<320000xi32, #tpu.memory_space<hbm>> -> memref<96xi32, #tpu.memory_space<hbm>>
    tpu.wait_dma2 semaphore(%arg29 : memref<!tpu.dma_semaphore, #tpu.memory_space<semaphore_mem>>) src(%dma_wait3A_139 : memref<96xi32, #tpu.memory_space<hbm>>) dst(%arg8 : memref<96xi32, #tpu.memory_space<vmem>>)
    %dma_wait3A_140 = arith.constant 0 : i32
    %dma_wait3A_141 = tpu.memref_slice %arg4[%dma_wait3A_140] : memref<320000xi32, #tpu.memory_space<hbm>> -> memref<96xi32, #tpu.memory_space<hbm>>
    %dma_wait3A_142 = arith.constant 0 : i32
    %dma_wait3A_143 = tpu.memref_slice %arg4[%dma_wait3A_142] : memref<320000xi32, #tpu.memory_space<hbm>> -> memref<96xi32, #tpu.memory_space<hbm>>
    tpu.wait_dma2 semaphore(%arg29 : memref<!tpu.dma_semaphore, #tpu.memory_space<semaphore_mem>>) src(%dma_wait3A_143 : memref<96xi32, #tpu.memory_space<hbm>>) dst(%arg12 : memref<96xi32, #tpu.memory_space<vmem>>)
    %dma_start3A_144 = arith.constant 0 : i32
    %dma_start3A_145 = arith.constant 0 : i32
    %dma_start3A_146 = tpu.memref_slice %arg2[%dma_start3A_144, %dma_start3A_145] : memref<10000x128xf32, #tpu.memory_space<hbm>> -> memref<10000x128xf32, #tpu.memory_space<hbm>>
    tpu.enqueue_indirect_dma source(%dma_start3A_146 : memref<10000x128xf32, #tpu.memory_space<hbm>>) target(%arg17 : memref<96x128xf32, #tpu.memory_space<vmem>>) offsets(%arg8 : memref<96xi32, #tpu.memory_space<vmem>>) semaphore(%arg24 : memref<!tpu.dma_semaphore, #tpu.memory_space<semaphore_mem>>)
    %scan3A = arith.constant 0 : i32
    %scan3A_147 = arith.constant 0 : i32
    %scan3A_148 = arith.constant 8 : i32
    %scan3A_149 = arith.addi %scan3A_147, %scan3A_148 : i32
    %scan3A_150 = arith.constant 1 : i32
    scf.for %scan3A_233 = %scan3A_147 to %scan3A_149 step %scan3A_150  : i32 {
      %mul3A_234 = arith.constant 12 : i32
      %mul3A_235 = arith.muli %mul3A_234, %scan3A_233 : i32
      %add3A_236 = arith.constant 4 : i32
      %add3A_237 = arith.addi %add3A_236, %mul3A_235 : i32
      %add3A_238 = arith.constant 0 : i32
      %add3A_239 = arith.addi %add3A_237, %add3A_238 : i32
      %dma_wait3A_240 = arith.constant 0 : i32
      %dma_wait3A_241 = arith.constant 0 : i32
      %dma_wait3A_242 = tpu.memref_slice %arg2[%dma_wait3A_240, %dma_wait3A_241] : memref<10000x128xf32, #tpu.memory_space<hbm>> -> memref<10000x128xf32, #tpu.memory_space<hbm>>
      tpu.wait_indirect_dma semaphore(%arg23 : memref<!tpu.dma_semaphore, #tpu.memory_space<semaphore_mem>>) src(%dma_wait3A_242 : memref<10000x128xf32, #tpu.memory_space<hbm>>) dst(%arg16 : memref<96x128xf32, #tpu.memory_space<vmem>>)
      %dma_start3A_243 = arith.constant 0 : i32
      %dma_start3A_244 = arith.constant 0 : i32
      %dma_start3A_245 = tpu.memref_slice %arg21[%dma_start3A_243, %dma_start3A_244] : memref<10000x128xf32, #tpu.memory_space<vmem_shared>> -> memref<10000x128xf32, #tpu.memory_space<vmem_shared>>
      tpu.enqueue_indirect_dma source(%arg16 : memref<96x128xf32, #tpu.memory_space<vmem>>) target(%dma_start3A_245 : memref<10000x128xf32, #tpu.memory_space<vmem_shared>>) offsets(%arg11 : memref<96xi32, #tpu.memory_space<vmem>>) semaphore(%arg26 : memref<!tpu.dma_semaphore, #tpu.memory_space<semaphore_mem>>) {add = true}
      %dma_wait3A_246 = arith.constant 0 : i32
      %dma_wait3A_247 = arith.constant 0 : i32
      %dma_wait3A_248 = tpu.memref_slice %arg21[%dma_wait3A_246, %dma_wait3A_247] : memref<10000x128xf32, #tpu.memory_space<vmem_shared>> -> memref<10000x128xf32, #tpu.memory_space<vmem_shared>>
      tpu.wait_indirect_dma semaphore(%arg25 : memref<!tpu.dma_semaphore, #tpu.memory_space<semaphore_mem>>) src(%arg15 : memref<96x128xf32, #tpu.memory_space<vmem>>) dst(%dma_wait3A_248 : memref<10000x128xf32, #tpu.memory_space<vmem_shared>>)
      %add3A_249 = arith.constant 3 : i32
      %add3A_250 = arith.addi %add3A_239, %add3A_249 : i32
      %mul3A_251 = arith.constant 96 : i32
      %mul3A_252 = arith.muli %add3A_250, %mul3A_251 : i32
      %add3A_253 = arith.addi %mul3A_6, %mul3A_252 : i32
      %dma_start3A_254 = tpu.memref_slice %arg3[%add3A_253] : memref<320000xi32, #tpu.memory_space<hbm>> -> memref<96xi32, #tpu.memory_space<hbm>>
      %dma_start3A_255 = tpu.memref_slice %arg3[%add3A_253] : memref<320000xi32, #tpu.memory_space<hbm>> -> memref<96xi32, #tpu.memory_space<hbm>>
      tpu.enqueue_dma source(%dma_start3A_255 : memref<96xi32, #tpu.memory_space<hbm>>) target(%arg10 : memref<96xi32, #tpu.memory_space<vmem>>) target_semaphore(%arg31 : memref<!tpu.dma_semaphore, #tpu.memory_space<semaphore_mem>>)
      %dma_start3A_256 = tpu.memref_slice %arg4[%add3A_253] : memref<320000xi32, #tpu.memory_space<hbm>> -> memref<96xi32, #tpu.memory_space<hbm>>
      %dma_start3A_257 = tpu.memref_slice %arg4[%add3A_253] : memref<320000xi32, #tpu.memory_space<hbm>> -> memref<96xi32, #tpu.memory_space<hbm>>
      tpu.enqueue_dma source(%dma_start3A_257 : memref<96xi32, #tpu.memory_space<hbm>>) target(%arg14 : memref<96xi32, #tpu.memory_space<vmem>>) target_semaphore(%arg31 : memref<!tpu.dma_semaphore, #tpu.memory_space<semaphore_mem>>)
      %dma_wait3A_258 = arith.constant 0 : i32
      %dma_wait3A_259 = tpu.memref_slice %arg3[%dma_wait3A_258] : memref<320000xi32, #tpu.memory_space<hbm>> -> memref<96xi32, #tpu.memory_space<hbm>>
      %dma_wait3A_260 = arith.constant 0 : i32
      %dma_wait3A_261 = tpu.memref_slice %arg3[%dma_wait3A_260] : memref<320000xi32, #tpu.memory_space<hbm>> -> memref<96xi32, #tpu.memory_space<hbm>>
      tpu.wait_dma2 semaphore(%arg30 : memref<!tpu.dma_semaphore, #tpu.memory_space<semaphore_mem>>) src(%dma_wait3A_261 : memref<96xi32, #tpu.memory_space<hbm>>) dst(%arg9 : memref<96xi32, #tpu.memory_space<vmem>>)
      %dma_wait3A_262 = arith.constant 0 : i32
      %dma_wait3A_263 = tpu.memref_slice %arg4[%dma_wait3A_262] : memref<320000xi32, #tpu.memory_space<hbm>> -> memref<96xi32, #tpu.memory_space<hbm>>
      %dma_wait3A_264 = arith.constant 0 : i32
      %dma_wait3A_265 = tpu.memref_slice %arg4[%dma_wait3A_264] : memref<320000xi32, #tpu.memory_space<hbm>> -> memref<96xi32, #tpu.memory_space<hbm>>
      tpu.wait_dma2 semaphore(%arg30 : memref<!tpu.dma_semaphore, #tpu.memory_space<semaphore_mem>>) src(%dma_wait3A_265 : memref<96xi32, #tpu.memory_space<hbm>>) dst(%arg13 : memref<96xi32, #tpu.memory_space<vmem>>)
      %dma_start3A_266 = arith.constant 0 : i32
      %dma_start3A_267 = arith.constant 0 : i32
      %dma_start3A_268 = tpu.memref_slice %arg2[%dma_start3A_266, %dma_start3A_267] : memref<10000x128xf32, #tpu.memory_space<hbm>> -> memref<10000x128xf32, #tpu.memory_space<hbm>>
      tpu.enqueue_indirect_dma source(%dma_start3A_268 : memref<10000x128xf32, #tpu.memory_space<hbm>>) target(%arg15 : memref<96x128xf32, #tpu.memory_space<vmem>>) offsets(%arg9 : memref<96xi32, #tpu.memory_space<vmem>>) semaphore(%arg22 : memref<!tpu.dma_semaphore, #tpu.memory_space<semaphore_mem>>)
      %add3A_269 = arith.constant 1 : i32
      %add3A_270 = arith.addi %add3A_237, %add3A_269 : i32
      %dma_wait3A_271 = arith.constant 0 : i32
      %dma_wait3A_272 = arith.constant 0 : i32
      %dma_wait3A_273 = tpu.memref_slice %arg2[%dma_wait3A_271, %dma_wait3A_272] : memref<10000x128xf32, #tpu.memory_space<hbm>> -> memref<10000x128xf32, #tpu.memory_space<hbm>>
      tpu.wait_indirect_dma semaphore(%arg24 : memref<!tpu.dma_semaphore, #tpu.memory_space<semaphore_mem>>) src(%dma_wait3A_273 : memref<10000x128xf32, #tpu.memory_space<hbm>>) dst(%arg17 : memref<96x128xf32, #tpu.memory_space<vmem>>)
      %dma_start3A_274 = arith.constant 0 : i32
      %dma_start3A_275 = arith.constant 0 : i32
      %dma_start3A_276 = tpu.memref_slice %arg21[%dma_start3A_274, %dma_start3A_275] : memref<10000x128xf32, #tpu.memory_space<vmem_shared>> -> memref<10000x128xf32, #tpu.memory_space<vmem_shared>>
      tpu.enqueue_indirect_dma source(%arg17 : memref<96x128xf32, #tpu.memory_space<vmem>>) target(%dma_start3A_276 : memref<10000x128xf32, #tpu.memory_space<vmem_shared>>) offsets(%arg12 : memref<96xi32, #tpu.memory_space<vmem>>) semaphore(%arg27 : memref<!tpu.dma_semaphore, #tpu.memory_space<semaphore_mem>>) {add = true}
      %dma_wait3A_277 = arith.constant 0 : i32
      %dma_wait3A_278 = arith.constant 0 : i32
      %dma_wait3A_279 = tpu.memref_slice %arg21[%dma_wait3A_277, %dma_wait3A_278] : memref<10000x128xf32, #tpu.memory_space<vmem_shared>> -> memref<10000x128xf32, #tpu.memory_space<vmem_shared>>
      tpu.wait_indirect_dma semaphore(%arg26 : memref<!tpu.dma_semaphore, #tpu.memory_space<semaphore_mem>>) src(%arg16 : memref<96x128xf32, #tpu.memory_space<vmem>>) dst(%dma_wait3A_279 : memref<10000x128xf32, #tpu.memory_space<vmem_shared>>)
      %add3A_280 = arith.constant 3 : i32
      %add3A_281 = arith.addi %add3A_270, %add3A_280 : i32
      %mul3A_282 = arith.constant 96 : i32
      %mul3A_283 = arith.muli %add3A_281, %mul3A_282 : i32
      %add3A_284 = arith.addi %mul3A_6, %mul3A_283 : i32
      %dma_start3A_285 = tpu.memref_slice %arg3[%add3A_284] : memref<320000xi32, #tpu.memory_space<hbm>> -> memref<96xi32, #tpu.memory_space<hbm>>
      %dma_start3A_286 = tpu.memref_slice %arg3[%add3A_284] : memref<320000xi32, #tpu.memory_space<hbm>> -> memref<96xi32, #tpu.memory_space<hbm>>
      tpu.enqueue_dma source(%dma_start3A_286 : memref<96xi32, #tpu.memory_space<hbm>>) target(%arg7 : memref<96xi32, #tpu.memory_space<vmem>>) target_semaphore(%arg28 : memref<!tpu.dma_semaphore, #tpu.memory_space<semaphore_mem>>)
      %dma_start3A_287 = tpu.memref_slice %arg4[%add3A_284] : memref<320000xi32, #tpu.memory_space<hbm>> -> memref<96xi32, #tpu.memory_space<hbm>>
      %dma_start3A_288 = tpu.memref_slice %arg4[%add3A_284] : memref<320000xi32, #tpu.memory_space<hbm>> -> memref<96xi32, #tpu.memory_space<hbm>>
      tpu.enqueue_dma source(%dma_start3A_288 : memref<96xi32, #tpu.memory_space<hbm>>) target(%arg11 : memref<96xi32, #tpu.memory_space<vmem>>) target_semaphore(%arg28 : memref<!tpu.dma_semaphore, #tpu.memory_space<semaphore_mem>>)
      %dma_wait3A_289 = arith.constant 0 : i32
      %dma_wait3A_290 = tpu.memref_slice %arg3[%dma_wait3A_289] : memref<320000xi32, #tpu.memory_space<hbm>> -> memref<96xi32, #tpu.memory_space<hbm>>
      %dma_wait3A_291 = arith.constant 0 : i32
      %dma_wait3A_292 = tpu.memref_slice %arg3[%dma_wait3A_291] : memref<320000xi32, #tpu.memory_space<hbm>> -> memref<96xi32, #tpu.memory_space<hbm>>
      tpu.wait_dma2 semaphore(%arg31 : memref<!tpu.dma_semaphore, #tpu.memory_space<semaphore_mem>>) src(%dma_wait3A_292 : memref<96xi32, #tpu.memory_space<hbm>>) dst(%arg10 : memref<96xi32, #tpu.memory_space<vmem>>)
      %dma_wait3A_293 = arith.constant 0 : i32
      %dma_wait3A_294 = tpu.memref_slice %arg4[%dma_wait3A_293] : memref<320000xi32, #tpu.memory_space<hbm>> -> memref<96xi32, #tpu.memory_space<hbm>>
      %dma_wait3A_295 = arith.constant 0 : i32
      %dma_wait3A_296 = tpu.memref_slice %arg4[%dma_wait3A_295] : memref<320000xi32, #tpu.memory_space<hbm>> -> memref<96xi32, #tpu.memory_space<hbm>>
      tpu.wait_dma2 semaphore(%arg31 : memref<!tpu.dma_semaphore, #tpu.memory_space<semaphore_mem>>) src(%dma_wait3A_296 : memref<96xi32, #tpu.memory_space<hbm>>) dst(%arg14 : memref<96xi32, #tpu.memory_space<vmem>>)
      %dma_start3A_297 = arith.constant 0 : i32
      %dma_start3A_298 = arith.constant 0 : i32
      %dma_start3A_299 = tpu.memref_slice %arg2[%dma_start3A_297, %dma_start3A_298] : memref<10000x128xf32, #tpu.memory_space<hbm>> -> memref<10000x128xf32, #tpu.memory_space<hbm>>
      tpu.enqueue_indirect_dma source(%dma_start3A_299 : memref<10000x128xf32, #tpu.memory_space<hbm>>) target(%arg16 : memref<96x128xf32, #tpu.memory_space<vmem>>) offsets(%arg10 : memref<96xi32, #tpu.memory_space<vmem>>) semaphore(%arg23 : memref<!tpu.dma_semaphore, #tpu.memory_space<semaphore_mem>>)
      %add3A_300 = arith.constant 2 : i32
      %add3A_301 = arith.addi %add3A_237, %add3A_300 : i32
      %dma_wait3A_302 = arith.constant 0 : i32
      %dma_wait3A_303 = arith.constant 0 : i32
      %dma_wait3A_304 = tpu.memref_slice %arg2[%dma_wait3A_302, %dma_wait3A_303] : memref<10000x128xf32, #tpu.memory_space<hbm>> -> memref<10000x128xf32, #tpu.memory_space<hbm>>
      tpu.wait_indirect_dma semaphore(%arg22 : memref<!tpu.dma_semaphore, #tpu.memory_space<semaphore_mem>>) src(%dma_wait3A_304 : memref<10000x128xf32, #tpu.memory_space<hbm>>) dst(%arg15 : memref<96x128xf32, #tpu.memory_space<vmem>>)
      %dma_start3A_305 = arith.constant 0 : i32
      %dma_start3A_306 = arith.constant 0 : i32
      %dma_start3A_307 = tpu.memref_slice %arg21[%dma_start3A_305, %dma_start3A_306] : memref<10000x128xf32, #tpu.memory_space<vmem_shared>> -> memref<10000x128xf32, #tpu.memory_space<vmem_shared>>
      tpu.enqueue_indirect_dma source(%arg15 : memref<96x128xf32, #tpu.memory_space<vmem>>) target(%dma_start3A_307 : memref<10000x128xf32, #tpu.memory_space<vmem_shared>>) offsets(%arg13 : memref<96xi32, #tpu.memory_space<vmem>>) semaphore(%arg25 : memref<!tpu.dma_semaphore, #tpu.memory_space<semaphore_mem>>) {add = true}
      %dma_wait3A_308 = arith.constant 0 : i32
      %dma_wait3A_309 = arith.constant 0 : i32
      %dma_wait3A_310 = tpu.memref_slice %arg21[%dma_wait3A_308, %dma_wait3A_309] : memref<10000x128xf32, #tpu.memory_space<vmem_shared>> -> memref<10000x128xf32, #tpu.memory_space<vmem_shared>>
      tpu.wait_indirect_dma semaphore(%arg27 : memref<!tpu.dma_semaphore, #tpu.memory_space<semaphore_mem>>) src(%arg17 : memref<96x128xf32, #tpu.memory_space<vmem>>) dst(%dma_wait3A_310 : memref<10000x128xf32, #tpu.memory_space<vmem_shared>>)
      %add3A_311 = arith.constant 3 : i32
      %add3A_312 = arith.addi %add3A_301, %add3A_311 : i32
      %mul3A_313 = arith.constant 96 : i32
      %mul3A_314 = arith.muli %add3A_312, %mul3A_313 : i32
      %add3A_315 = arith.addi %mul3A_6, %mul3A_314 : i32
      %dma_start3A_316 = tpu.memref_slice %arg3[%add3A_315] : memref<320000xi32, #tpu.memory_space<hbm>> -> memref<96xi32, #tpu.memory_space<hbm>>
      %dma_start3A_317 = tpu.memref_slice %arg3[%add3A_315] : memref<320000xi32, #tpu.memory_space<hbm>> -> memref<96xi32, #tpu.memory_space<hbm>>
      tpu.enqueue_dma source(%dma_start3A_317 : memref<96xi32, #tpu.memory_space<hbm>>) target(%arg8 : memref<96xi32, #tpu.memory_space<vmem>>) target_semaphore(%arg29 : memref<!tpu.dma_semaphore, #tpu.memory_space<semaphore_mem>>)
      %dma_start3A_318 = tpu.memref_slice %arg4[%add3A_315] : memref<320000xi32, #tpu.memory_space<hbm>> -> memref<96xi32, #tpu.memory_space<hbm>>
      %dma_start3A_319 = tpu.memref_slice %arg4[%add3A_315] : memref<320000xi32, #tpu.memory_space<hbm>> -> memref<96xi32, #tpu.memory_space<hbm>>
      tpu.enqueue_dma source(%dma_start3A_319 : memref<96xi32, #tpu.memory_space<hbm>>) target(%arg12 : memref<96xi32, #tpu.memory_space<vmem>>) target_semaphore(%arg29 : memref<!tpu.dma_semaphore, #tpu.memory_space<semaphore_mem>>)
      %dma_wait3A_320 = arith.constant 0 : i32
      %dma_wait3A_321 = tpu.memref_slice %arg3[%dma_wait3A_320] : memref<320000xi32, #tpu.memory_space<hbm>> -> memref<96xi32, #tpu.memory_space<hbm>>
      %dma_wait3A_322 = arith.constant 0 : i32
      %dma_wait3A_323 = tpu.memref_slice %arg3[%dma_wait3A_322] : memref<320000xi32, #tpu.memory_space<hbm>> -> memref<96xi32, #tpu.memory_space<hbm>>
      tpu.wait_dma2 semaphore(%arg28 : memref<!tpu.dma_semaphore, #tpu.memory_space<semaphore_mem>>) src(%dma_wait3A_323 : memref<96xi32, #tpu.memory_space<hbm>>) dst(%arg7 : memref<96xi32, #tpu.memory_space<vmem>>)
      %dma_wait3A_324 = arith.constant 0 : i32
      %dma_wait3A_325 = tpu.memref_slice %arg4[%dma_wait3A_324] : memref<320000xi32, #tpu.memory_space<hbm>> -> memref<96xi32, #tpu.memory_space<hbm>>
      %dma_wait3A_326 = arith.constant 0 : i32
      %dma_wait3A_327 = tpu.memref_slice %arg4[%dma_wait3A_326] : memref<320000xi32, #tpu.memory_space<hbm>> -> memref<96xi32, #tpu.memory_space<hbm>>
      tpu.wait_dma2 semaphore(%arg28 : memref<!tpu.dma_semaphore, #tpu.memory_space<semaphore_mem>>) src(%dma_wait3A_327 : memref<96xi32, #tpu.memory_space<hbm>>) dst(%arg11 : memref<96xi32, #tpu.memory_space<vmem>>)
      %dma_start3A_328 = arith.constant 0 : i32
      %dma_start3A_329 = arith.constant 0 : i32
      %dma_start3A_330 = tpu.memref_slice %arg2[%dma_start3A_328, %dma_start3A_329] : memref<10000x128xf32, #tpu.memory_space<hbm>> -> memref<10000x128xf32, #tpu.memory_space<hbm>>
      tpu.enqueue_indirect_dma source(%dma_start3A_330 : memref<10000x128xf32, #tpu.memory_space<hbm>>) target(%arg17 : memref<96x128xf32, #tpu.memory_space<vmem>>) offsets(%arg7 : memref<96xi32, #tpu.memory_space<vmem>>) semaphore(%arg24 : memref<!tpu.dma_semaphore, #tpu.memory_space<semaphore_mem>>)
      %add3A_331 = arith.constant 3 : i32
      %add3A_332 = arith.addi %add3A_237, %add3A_331 : i32
      %dma_wait3A_333 = arith.constant 0 : i32
      %dma_wait3A_334 = arith.constant 0 : i32
      %dma_wait3A_335 = tpu.memref_slice %arg2[%dma_wait3A_333, %dma_wait3A_334] : memref<10000x128xf32, #tpu.memory_space<hbm>> -> memref<10000x128xf32, #tpu.memory_space<hbm>>
      tpu.wait_indirect_dma semaphore(%arg23 : memref<!tpu.dma_semaphore, #tpu.memory_space<semaphore_mem>>) src(%dma_wait3A_335 : memref<10000x128xf32, #tpu.memory_space<hbm>>) dst(%arg16 : memref<96x128xf32, #tpu.memory_space<vmem>>)
      %dma_start3A_336 = arith.constant 0 : i32
      %dma_start3A_337 = arith.constant 0 : i32
      %dma_start3A_338 = tpu.memref_slice %arg21[%dma_start3A_336, %dma_start3A_337] : memref<10000x128xf32, #tpu.memory_space<vmem_shared>> -> memref<10000x128xf32, #tpu.memory_space<vmem_shared>>
      tpu.enqueue_indirect_dma source(%arg16 : memref<96x128xf32, #tpu.memory_space<vmem>>) target(%dma_start3A_338 : memref<10000x128xf32, #tpu.memory_space<vmem_shared>>) offsets(%arg14 : memref<96xi32, #tpu.memory_space<vmem>>) semaphore(%arg26 : memref<!tpu.dma_semaphore, #tpu.memory_space<semaphore_mem>>) {add = true}
      %dma_wait3A_339 = arith.constant 0 : i32
      %dma_wait3A_340 = arith.constant 0 : i32
      %dma_wait3A_341 = tpu.memref_slice %arg21[%dma_wait3A_339, %dma_wait3A_340] : memref<10000x128xf32, #tpu.memory_space<vmem_shared>> -> memref<10000x128xf32, #tpu.memory_space<vmem_shared>>
      tpu.wait_indirect_dma semaphore(%arg25 : memref<!tpu.dma_semaphore, #tpu.memory_space<semaphore_mem>>) src(%arg15 : memref<96x128xf32, #tpu.memory_space<vmem>>) dst(%dma_wait3A_341 : memref<10000x128xf32, #tpu.memory_space<vmem_shared>>)
      %add3A_342 = arith.constant 3 : i32
      %add3A_343 = arith.addi %add3A_332, %add3A_342 : i32
      %mul3A_344 = arith.constant 96 : i32
      %mul3A_345 = arith.muli %add3A_343, %mul3A_344 : i32
      %add3A_346 = arith.addi %mul3A_6, %mul3A_345 : i32
      %dma_start3A_347 = tpu.memref_slice %arg3[%add3A_346] : memref<320000xi32, #tpu.memory_space<hbm>> -> memref<96xi32, #tpu.memory_space<hbm>>
      %dma_start3A_348 = tpu.memref_slice %arg3[%add3A_346] : memref<320000xi32, #tpu.memory_space<hbm>> -> memref<96xi32, #tpu.memory_space<hbm>>
      tpu.enqueue_dma source(%dma_start3A_348 : memref<96xi32, #tpu.memory_space<hbm>>) target(%arg9 : memref<96xi32, #tpu.memory_space<vmem>>) target_semaphore(%arg30 : memref<!tpu.dma_semaphore, #tpu.memory_space<semaphore_mem>>)
      %dma_start3A_349 = tpu.memref_slice %arg4[%add3A_346] : memref<320000xi32, #tpu.memory_space<hbm>> -> memref<96xi32, #tpu.memory_space<hbm>>
      %dma_start3A_350 = tpu.memref_slice %arg4[%add3A_346] : memref<320000xi32, #tpu.memory_space<hbm>> -> memref<96xi32, #tpu.memory_space<hbm>>
      tpu.enqueue_dma source(%dma_start3A_350 : memref<96xi32, #tpu.memory_space<hbm>>) target(%arg13 : memref<96xi32, #tpu.memory_space<vmem>>) target_semaphore(%arg30 : memref<!tpu.dma_semaphore, #tpu.memory_space<semaphore_mem>>)
      %dma_wait3A_351 = arith.constant 0 : i32
      %dma_wait3A_352 = tpu.memref_slice %arg3[%dma_wait3A_351] : memref<320000xi32, #tpu.memory_space<hbm>> -> memref<96xi32, #tpu.memory_space<hbm>>
      %dma_wait3A_353 = arith.constant 0 : i32
      %dma_wait3A_354 = tpu.memref_slice %arg3[%dma_wait3A_353] : memref<320000xi32, #tpu.memory_space<hbm>> -> memref<96xi32, #tpu.memory_space<hbm>>
      tpu.wait_dma2 semaphore(%arg29 : memref<!tpu.dma_semaphore, #tpu.memory_space<semaphore_mem>>) src(%dma_wait3A_354 : memref<96xi32, #tpu.memory_space<hbm>>) dst(%arg8 : memref<96xi32, #tpu.memory_space<vmem>>)
      %dma_wait3A_355 = arith.constant 0 : i32
      %dma_wait3A_356 = tpu.memref_slice %arg4[%dma_wait3A_355] : memref<320000xi32, #tpu.memory_space<hbm>> -> memref<96xi32, #tpu.memory_space<hbm>>
      %dma_wait3A_357 = arith.constant 0 : i32
      %dma_wait3A_358 = tpu.memref_slice %arg4[%dma_wait3A_357] : memref<320000xi32, #tpu.memory_space<hbm>> -> memref<96xi32, #tpu.memory_space<hbm>>
      tpu.wait_dma2 semaphore(%arg29 : memref<!tpu.dma_semaphore, #tpu.memory_space<semaphore_mem>>) src(%dma_wait3A_358 : memref<96xi32, #tpu.memory_space<hbm>>) dst(%arg12 : memref<96xi32, #tpu.memory_space<vmem>>)
      %dma_start3A_359 = arith.constant 0 : i32
      %dma_start3A_360 = arith.constant 0 : i32
      %dma_start3A_361 = tpu.memref_slice %arg2[%dma_start3A_359, %dma_start3A_360] : memref<10000x128xf32, #tpu.memory_space<hbm>> -> memref<10000x128xf32, #tpu.memory_space<hbm>>
      tpu.enqueue_indirect_dma source(%dma_start3A_361 : memref<10000x128xf32, #tpu.memory_space<hbm>>) target(%arg15 : memref<96x128xf32, #tpu.memory_space<vmem>>) offsets(%arg8 : memref<96xi32, #tpu.memory_space<vmem>>) semaphore(%arg22 : memref<!tpu.dma_semaphore, #tpu.memory_space<semaphore_mem>>)
      %add3A_362 = arith.constant 4 : i32
      %add3A_363 = arith.addi %add3A_237, %add3A_362 : i32
      %dma_wait3A_364 = arith.constant 0 : i32
      %dma_wait3A_365 = arith.constant 0 : i32
      %dma_wait3A_366 = tpu.memref_slice %arg2[%dma_wait3A_364, %dma_wait3A_365] : memref<10000x128xf32, #tpu.memory_space<hbm>> -> memref<10000x128xf32, #tpu.memory_space<hbm>>
      tpu.wait_indirect_dma semaphore(%arg24 : memref<!tpu.dma_semaphore, #tpu.memory_space<semaphore_mem>>) src(%dma_wait3A_366 : memref<10000x128xf32, #tpu.memory_space<hbm>>) dst(%arg17 : memref<96x128xf32, #tpu.memory_space<vmem>>)
      %dma_start3A_367 = arith.constant 0 : i32
      %dma_start3A_368 = arith.constant 0 : i32
      %dma_start3A_369 = tpu.memref_slice %arg21[%dma_start3A_367, %dma_start3A_368] : memref<10000x128xf32, #tpu.memory_space<vmem_shared>> -> memref<10000x128xf32, #tpu.memory_space<vmem_shared>>
      tpu.enqueue_indirect_dma source(%arg17 : memref<96x128xf32, #tpu.memory_space<vmem>>) target(%dma_start3A_369 : memref<10000x128xf32, #tpu.memory_space<vmem_shared>>) offsets(%arg11 : memref<96xi32, #tpu.memory_space<vmem>>) semaphore(%arg27 : memref<!tpu.dma_semaphore, #tpu.memory_space<semaphore_mem>>) {add = true}
      %dma_wait3A_370 = arith.constant 0 : i32
      %dma_wait3A_371 = arith.constant 0 : i32
      %dma_wait3A_372 = tpu.memref_slice %arg21[%dma_wait3A_370, %dma_wait3A_371] : memref<10000x128xf32, #tpu.memory_space<vmem_shared>> -> memref<10000x128xf32, #tpu.memory_space<vmem_shared>>
      tpu.wait_indirect_dma semaphore(%arg26 : memref<!tpu.dma_semaphore, #tpu.memory_space<semaphore_mem>>) src(%arg16 : memref<96x128xf32, #tpu.memory_space<vmem>>) dst(%dma_wait3A_372 : memref<10000x128xf32, #tpu.memory_space<vmem_shared>>)
      %add3A_373 = arith.constant 3 : i32
      %add3A_374 = arith.addi %add3A_363, %add3A_373 : i32
      %mul3A_375 = arith.constant 96 : i32
      %mul3A_376 = arith.muli %add3A_374, %mul3A_375 : i32
      %add3A_377 = arith.addi %mul3A_6, %mul3A_376 : i32
      %dma_start3A_378 = tpu.memref_slice %arg3[%add3A_377] : memref<320000xi32, #tpu.memory_space<hbm>> -> memref<96xi32, #tpu.memory_space<hbm>>
      %dma_start3A_379 = tpu.memref_slice %arg3[%add3A_377] : memref<320000xi32, #tpu.memory_space<hbm>> -> memref<96xi32, #tpu.memory_space<hbm>>
      tpu.enqueue_dma source(%dma_start3A_379 : memref<96xi32, #tpu.memory_space<hbm>>) target(%arg10 : memref<96xi32, #tpu.memory_space<vmem>>) target_semaphore(%arg31 : memref<!tpu.dma_semaphore, #tpu.memory_space<semaphore_mem>>)
      %dma_start3A_380 = tpu.memref_slice %arg4[%add3A_377] : memref<320000xi32, #tpu.memory_space<hbm>> -> memref<96xi32, #tpu.memory_space<hbm>>
      %dma_start3A_381 = tpu.memref_slice %arg4[%add3A_377] : memref<320000xi32, #tpu.memory_space<hbm>> -> memref<96xi32, #tpu.memory_space<hbm>>
      tpu.enqueue_dma source(%dma_start3A_381 : memref<96xi32, #tpu.memory_space<hbm>>) target(%arg14 : memref<96xi32, #tpu.memory_space<vmem>>) target_semaphore(%arg31 : memref<!tpu.dma_semaphore, #tpu.memory_space<semaphore_mem>>)
      %dma_wait3A_382 = arith.constant 0 : i32
      %dma_wait3A_383 = tpu.memref_slice %arg3[%dma_wait3A_382] : memref<320000xi32, #tpu.memory_space<hbm>> -> memref<96xi32, #tpu.memory_space<hbm>>
      %dma_wait3A_384 = arith.constant 0 : i32
      %dma_wait3A_385 = tpu.memref_slice %arg3[%dma_wait3A_384] : memref<320000xi32, #tpu.memory_space<hbm>> -> memref<96xi32, #tpu.memory_space<hbm>>
      tpu.wait_dma2 semaphore(%arg30 : memref<!tpu.dma_semaphore, #tpu.memory_space<semaphore_mem>>) src(%dma_wait3A_385 : memref<96xi32, #tpu.memory_space<hbm>>) dst(%arg9 : memref<96xi32, #tpu.memory_space<vmem>>)
      %dma_wait3A_386 = arith.constant 0 : i32
      %dma_wait3A_387 = tpu.memref_slice %arg4[%dma_wait3A_386] : memref<320000xi32, #tpu.memory_space<hbm>> -> memref<96xi32, #tpu.memory_space<hbm>>
      %dma_wait3A_388 = arith.constant 0 : i32
      %dma_wait3A_389 = tpu.memref_slice %arg4[%dma_wait3A_388] : memref<320000xi32, #tpu.memory_space<hbm>> -> memref<96xi32, #tpu.memory_space<hbm>>
      tpu.wait_dma2 semaphore(%arg30 : memref<!tpu.dma_semaphore, #tpu.memory_space<semaphore_mem>>) src(%dma_wait3A_389 : memref<96xi32, #tpu.memory_space<hbm>>) dst(%arg13 : memref<96xi32, #tpu.memory_space<vmem>>)
      %dma_start3A_390 = arith.constant 0 : i32
      %dma_start3A_391 = arith.constant 0 : i32
      %dma_start3A_392 = tpu.memref_slice %arg2[%dma_start3A_390, %dma_start3A_391] : memref<10000x128xf32, #tpu.memory_space<hbm>> -> memref<10000x128xf32, #tpu.memory_space<hbm>>
      tpu.enqueue_indirect_dma source(%dma_start3A_392 : memref<10000x128xf32, #tpu.memory_space<hbm>>) target(%arg16 : memref<96x128xf32, #tpu.memory_space<vmem>>) offsets(%arg9 : memref<96xi32, #tpu.memory_space<vmem>>) semaphore(%arg23 : memref<!tpu.dma_semaphore, #tpu.memory_space<semaphore_mem>>)
      %add3A_393 = arith.constant 5 : i32
      %add3A_394 = arith.addi %add3A_237, %add3A_393 : i32
      %dma_wait3A_395 = arith.constant 0 : i32
      %dma_wait3A_396 = arith.constant 0 : i32
      %dma_wait3A_397 = tpu.memref_slice %arg2[%dma_wait3A_395, %dma_wait3A_396] : memref<10000x128xf32, #tpu.memory_space<hbm>> -> memref<10000x128xf32, #tpu.memory_space<hbm>>
      tpu.wait_indirect_dma semaphore(%arg22 : memref<!tpu.dma_semaphore, #tpu.memory_space<semaphore_mem>>) src(%dma_wait3A_397 : memref<10000x128xf32, #tpu.memory_space<hbm>>) dst(%arg15 : memref<96x128xf32, #tpu.memory_space<vmem>>)
      %dma_start3A_398 = arith.constant 0 : i32
      %dma_start3A_399 = arith.constant 0 : i32
      %dma_start3A_400 = tpu.memref_slice %arg21[%dma_start3A_398, %dma_start3A_399] : memref<10000x128xf32, #tpu.memory_space<vmem_shared>> -> memref<10000x128xf32, #tpu.memory_space<vmem_shared>>
      tpu.enqueue_indirect_dma source(%arg15 : memref<96x128xf32, #tpu.memory_space<vmem>>) target(%dma_start3A_400 : memref<10000x128xf32, #tpu.memory_space<vmem_shared>>) offsets(%arg12 : memref<96xi32, #tpu.memory_space<vmem>>) semaphore(%arg25 : memref<!tpu.dma_semaphore, #tpu.memory_space<semaphore_mem>>) {add = true}
      %dma_wait3A_401 = arith.constant 0 : i32
      %dma_wait3A_402 = arith.constant 0 : i32
      %dma_wait3A_403 = tpu.memref_slice %arg21[%dma_wait3A_401, %dma_wait3A_402] : memref<10000x128xf32, #tpu.memory_space<vmem_shared>> -> memref<10000x128xf32, #tpu.memory_space<vmem_shared>>
      tpu.wait_indirect_dma semaphore(%arg27 : memref<!tpu.dma_semaphore, #tpu.memory_space<semaphore_mem>>) src(%arg17 : memref<96x128xf32, #tpu.memory_space<vmem>>) dst(%dma_wait3A_403 : memref<10000x128xf32, #tpu.memory_space<vmem_shared>>)
      %add3A_404 = arith.constant 3 : i32
      %add3A_405 = arith.addi %add3A_394, %add3A_404 : i32
      %mul3A_406 = arith.constant 96 : i32
      %mul3A_407 = arith.muli %add3A_405, %mul3A_406 : i32
      %add3A_408 = arith.addi %mul3A_6, %mul3A_407 : i32
      %dma_start3A_409 = tpu.memref_slice %arg3[%add3A_408] : memref<320000xi32, #tpu.memory_space<hbm>> -> memref<96xi32, #tpu.memory_space<hbm>>
      %dma_start3A_410 = tpu.memref_slice %arg3[%add3A_408] : memref<320000xi32, #tpu.memory_space<hbm>> -> memref<96xi32, #tpu.memory_space<hbm>>
      tpu.enqueue_dma source(%dma_start3A_410 : memref<96xi32, #tpu.memory_space<hbm>>) target(%arg7 : memref<96xi32, #tpu.memory_space<vmem>>) target_semaphore(%arg28 : memref<!tpu.dma_semaphore, #tpu.memory_space<semaphore_mem>>)
      %dma_start3A_411 = tpu.memref_slice %arg4[%add3A_408] : memref<320000xi32, #tpu.memory_space<hbm>> -> memref<96xi32, #tpu.memory_space<hbm>>
      %dma_start3A_412 = tpu.memref_slice %arg4[%add3A_408] : memref<320000xi32, #tpu.memory_space<hbm>> -> memref<96xi32, #tpu.memory_space<hbm>>
      tpu.enqueue_dma source(%dma_start3A_412 : memref<96xi32, #tpu.memory_space<hbm>>) target(%arg11 : memref<96xi32, #tpu.memory_space<vmem>>) target_semaphore(%arg28 : memref<!tpu.dma_semaphore, #tpu.memory_space<semaphore_mem>>)
      %dma_wait3A_413 = arith.constant 0 : i32
      %dma_wait3A_414 = tpu.memref_slice %arg3[%dma_wait3A_413] : memref<320000xi32, #tpu.memory_space<hbm>> -> memref<96xi32, #tpu.memory_space<hbm>>
      %dma_wait3A_415 = arith.constant 0 : i32
      %dma_wait3A_416 = tpu.memref_slice %arg3[%dma_wait3A_415] : memref<320000xi32, #tpu.memory_space<hbm>> -> memref<96xi32, #tpu.memory_space<hbm>>
      tpu.wait_dma2 semaphore(%arg31 : memref<!tpu.dma_semaphore, #tpu.memory_space<semaphore_mem>>) src(%dma_wait3A_416 : memref<96xi32, #tpu.memory_space<hbm>>) dst(%arg10 : memref<96xi32, #tpu.memory_space<vmem>>)
      %dma_wait3A_417 = arith.constant 0 : i32
      %dma_wait3A_418 = tpu.memref_slice %arg4[%dma_wait3A_417] : memref<320000xi32, #tpu.memory_space<hbm>> -> memref<96xi32, #tpu.memory_space<hbm>>
      %dma_wait3A_419 = arith.constant 0 : i32
      %dma_wait3A_420 = tpu.memref_slice %arg4[%dma_wait3A_419] : memref<320000xi32, #tpu.memory_space<hbm>> -> memref<96xi32, #tpu.memory_space<hbm>>
      tpu.wait_dma2 semaphore(%arg31 : memref<!tpu.dma_semaphore, #tpu.memory_space<semaphore_mem>>) src(%dma_wait3A_420 : memref<96xi32, #tpu.memory_space<hbm>>) dst(%arg14 : memref<96xi32, #tpu.memory_space<vmem>>)
      %dma_start3A_421 = arith.constant 0 : i32
      %dma_start3A_422 = arith.constant 0 : i32
      %dma_start3A_423 = tpu.memref_slice %arg2[%dma_start3A_421, %dma_start3A_422] : memref<10000x128xf32, #tpu.memory_space<hbm>> -> memref<10000x128xf32, #tpu.memory_space<hbm>>
      tpu.enqueue_indirect_dma source(%dma_start3A_423 : memref<10000x128xf32, #tpu.memory_space<hbm>>) target(%arg17 : memref<96x128xf32, #tpu.memory_space<vmem>>) offsets(%arg10 : memref<96xi32, #tpu.memory_space<vmem>>) semaphore(%arg24 : memref<!tpu.dma_semaphore, #tpu.memory_space<semaphore_mem>>)
      %add3A_424 = arith.constant 6 : i32
      %add3A_425 = arith.addi %add3A_237, %add3A_424 : i32
      %dma_wait3A_426 = arith.constant 0 : i32
      %dma_wait3A_427 = arith.constant 0 : i32
      %dma_wait3A_428 = tpu.memref_slice %arg2[%dma_wait3A_426, %dma_wait3A_427] : memref<10000x128xf32, #tpu.memory_space<hbm>> -> memref<10000x128xf32, #tpu.memory_space<hbm>>
      tpu.wait_indirect_dma semaphore(%arg23 : memref<!tpu.dma_semaphore, #tpu.memory_space<semaphore_mem>>) src(%dma_wait3A_428 : memref<10000x128xf32, #tpu.memory_space<hbm>>) dst(%arg16 : memref<96x128xf32, #tpu.memory_space<vmem>>)
      %dma_start3A_429 = arith.constant 0 : i32
      %dma_start3A_430 = arith.constant 0 : i32
      %dma_start3A_431 = tpu.memref_slice %arg21[%dma_start3A_429, %dma_start3A_430] : memref<10000x128xf32, #tpu.memory_space<vmem_shared>> -> memref<10000x128xf32, #tpu.memory_space<vmem_shared>>
      tpu.enqueue_indirect_dma source(%arg16 : memref<96x128xf32, #tpu.memory_space<vmem>>) target(%dma_start3A_431 : memref<10000x128xf32, #tpu.memory_space<vmem_shared>>) offsets(%arg13 : memref<96xi32, #tpu.memory_space<vmem>>) semaphore(%arg26 : memref<!tpu.dma_semaphore, #tpu.memory_space<semaphore_mem>>) {add = true}
      %dma_wait3A_432 = arith.constant 0 : i32
      %dma_wait3A_433 = arith.constant 0 : i32
      %dma_wait3A_434 = tpu.memref_slice %arg21[%dma_wait3A_432, %dma_wait3A_433] : memref<10000x128xf32, #tpu.memory_space<vmem_shared>> -> memref<10000x128xf32, #tpu.memory_space<vmem_shared>>
      tpu.wait_indirect_dma semaphore(%arg25 : memref<!tpu.dma_semaphore, #tpu.memory_space<semaphore_mem>>) src(%arg15 : memref<96x128xf32, #tpu.memory_space<vmem>>) dst(%dma_wait3A_434 : memref<10000x128xf32, #tpu.memory_space<vmem_shared>>)
      %add3A_435 = arith.constant 3 : i32
      %add3A_436 = arith.addi %add3A_425, %add3A_435 : i32
      %mul3A_437 = arith.constant 96 : i32
      %mul3A_438 = arith.muli %add3A_436, %mul3A_437 : i32
      %add3A_439 = arith.addi %mul3A_6, %mul3A_438 : i32
      %dma_start3A_440 = tpu.memref_slice %arg3[%add3A_439] : memref<320000xi32, #tpu.memory_space<hbm>> -> memref<96xi32, #tpu.memory_space<hbm>>
      %dma_start3A_441 = tpu.memref_slice %arg3[%add3A_439] : memref<320000xi32, #tpu.memory_space<hbm>> -> memref<96xi32, #tpu.memory_space<hbm>>
      tpu.enqueue_dma source(%dma_start3A_441 : memref<96xi32, #tpu.memory_space<hbm>>) target(%arg8 : memref<96xi32, #tpu.memory_space<vmem>>) target_semaphore(%arg29 : memref<!tpu.dma_semaphore, #tpu.memory_space<semaphore_mem>>)
      %dma_start3A_442 = tpu.memref_slice %arg4[%add3A_439] : memref<320000xi32, #tpu.memory_space<hbm>> -> memref<96xi32, #tpu.memory_space<hbm>>
      %dma_start3A_443 = tpu.memref_slice %arg4[%add3A_439] : memref<320000xi32, #tpu.memory_space<hbm>> -> memref<96xi32, #tpu.memory_space<hbm>>
      tpu.enqueue_dma source(%dma_start3A_443 : memref<96xi32, #tpu.memory_space<hbm>>) target(%arg12 : memref<96xi32, #tpu.memory_space<vmem>>) target_semaphore(%arg29 : memref<!tpu.dma_semaphore, #tpu.memory_space<semaphore_mem>>)
      %dma_wait3A_444 = arith.constant 0 : i32
      %dma_wait3A_445 = tpu.memref_slice %arg3[%dma_wait3A_444] : memref<320000xi32, #tpu.memory_space<hbm>> -> memref<96xi32, #tpu.memory_space<hbm>>
      %dma_wait3A_446 = arith.constant 0 : i32
      %dma_wait3A_447 = tpu.memref_slice %arg3[%dma_wait3A_446] : memref<320000xi32, #tpu.memory_space<hbm>> -> memref<96xi32, #tpu.memory_space<hbm>>
      tpu.wait_dma2 semaphore(%arg28 : memref<!tpu.dma_semaphore, #tpu.memory_space<semaphore_mem>>) src(%dma_wait3A_447 : memref<96xi32, #tpu.memory_space<hbm>>) dst(%arg7 : memref<96xi32, #tpu.memory_space<vmem>>)
      %dma_wait3A_448 = arith.constant 0 : i32
      %dma_wait3A_449 = tpu.memref_slice %arg4[%dma_wait3A_448] : memref<320000xi32, #tpu.memory_space<hbm>> -> memref<96xi32, #tpu.memory_space<hbm>>
      %dma_wait3A_450 = arith.constant 0 : i32
      %dma_wait3A_451 = tpu.memref_slice %arg4[%dma_wait3A_450] : memref<320000xi32, #tpu.memory_space<hbm>> -> memref<96xi32, #tpu.memory_space<hbm>>
      tpu.wait_dma2 semaphore(%arg28 : memref<!tpu.dma_semaphore, #tpu.memory_space<semaphore_mem>>) src(%dma_wait3A_451 : memref<96xi32, #tpu.memory_space<hbm>>) dst(%arg11 : memref<96xi32, #tpu.memory_space<vmem>>)
      %dma_start3A_452 = arith.constant 0 : i32
      %dma_start3A_453 = arith.constant 0 : i32
      %dma_start3A_454 = tpu.memref_slice %arg2[%dma_start3A_452, %dma_start3A_453] : memref<10000x128xf32, #tpu.memory_space<hbm>> -> memref<10000x128xf32, #tpu.memory_space<hbm>>
      tpu.enqueue_indirect_dma source(%dma_start3A_454 : memref<10000x128xf32, #tpu.memory_space<hbm>>) target(%arg15 : memref<96x128xf32, #tpu.memory_space<vmem>>) offsets(%arg7 : memref<96xi32, #tpu.memory_space<vmem>>) semaphore(%arg22 : memref<!tpu.dma_semaphore, #tpu.memory_space<semaphore_mem>>)
      %add3A_455 = arith.constant 7 : i32
      %add3A_456 = arith.addi %add3A_237, %add3A_455 : i32
      %dma_wait3A_457 = arith.constant 0 : i32
      %dma_wait3A_458 = arith.constant 0 : i32
      %dma_wait3A_459 = tpu.memref_slice %arg2[%dma_wait3A_457, %dma_wait3A_458] : memref<10000x128xf32, #tpu.memory_space<hbm>> -> memref<10000x128xf32, #tpu.memory_space<hbm>>
      tpu.wait_indirect_dma semaphore(%arg24 : memref<!tpu.dma_semaphore, #tpu.memory_space<semaphore_mem>>) src(%dma_wait3A_459 : memref<10000x128xf32, #tpu.memory_space<hbm>>) dst(%arg17 : memref<96x128xf32, #tpu.memory_space<vmem>>)
      %dma_start3A_460 = arith.constant 0 : i32
      %dma_start3A_461 = arith.constant 0 : i32
      %dma_start3A_462 = tpu.memref_slice %arg21[%dma_start3A_460, %dma_start3A_461] : memref<10000x128xf32, #tpu.memory_space<vmem_shared>> -> memref<10000x128xf32, #tpu.memory_space<vmem_shared>>
      tpu.enqueue_indirect_dma source(%arg17 : memref<96x128xf32, #tpu.memory_space<vmem>>) target(%dma_start3A_462 : memref<10000x128xf32, #tpu.memory_space<vmem_shared>>) offsets(%arg14 : memref<96xi32, #tpu.memory_space<vmem>>) semaphore(%arg27 : memref<!tpu.dma_semaphore, #tpu.memory_space<semaphore_mem>>) {add = true}
      %dma_wait3A_463 = arith.constant 0 : i32
      %dma_wait3A_464 = arith.constant 0 : i32
      %dma_wait3A_465 = tpu.memref_slice %arg21[%dma_wait3A_463, %dma_wait3A_464] : memref<10000x128xf32, #tpu.memory_space<vmem_shared>> -> memref<10000x128xf32, #tpu.memory_space<vmem_shared>>
      tpu.wait_indirect_dma semaphore(%arg26 : memref<!tpu.dma_semaphore, #tpu.memory_space<semaphore_mem>>) src(%arg16 : memref<96x128xf32, #tpu.memory_space<vmem>>) dst(%dma_wait3A_465 : memref<10000x128xf32, #tpu.memory_space<vmem_shared>>)
      %add3A_466 = arith.constant 3 : i32
      %add3A_467 = arith.addi %add3A_456, %add3A_466 : i32
      %mul3A_468 = arith.constant 96 : i32
      %mul3A_469 = arith.muli %add3A_467, %mul3A_468 : i32
      %add3A_470 = arith.addi %mul3A_6, %mul3A_469 : i32
      %dma_start3A_471 = tpu.memref_slice %arg3[%add3A_470] : memref<320000xi32, #tpu.memory_space<hbm>> -> memref<96xi32, #tpu.memory_space<hbm>>
      %dma_start3A_472 = tpu.memref_slice %arg3[%add3A_470] : memref<320000xi32, #tpu.memory_space<hbm>> -> memref<96xi32, #tpu.memory_space<hbm>>
      tpu.enqueue_dma source(%dma_start3A_472 : memref<96xi32, #tpu.memory_space<hbm>>) target(%arg9 : memref<96xi32, #tpu.memory_space<vmem>>) target_semaphore(%arg30 : memref<!tpu.dma_semaphore, #tpu.memory_space<semaphore_mem>>)
      %dma_start3A_473 = tpu.memref_slice %arg4[%add3A_470] : memref<320000xi32, #tpu.memory_space<hbm>> -> memref<96xi32, #tpu.memory_space<hbm>>
      %dma_start3A_474 = tpu.memref_slice %arg4[%add3A_470] : memref<320000xi32, #tpu.memory_space<hbm>> -> memref<96xi32, #tpu.memory_space<hbm>>
      tpu.enqueue_dma source(%dma_start3A_474 : memref<96xi32, #tpu.memory_space<hbm>>) target(%arg13 : memref<96xi32, #tpu.memory_space<vmem>>) target_semaphore(%arg30 : memref<!tpu.dma_semaphore, #tpu.memory_space<semaphore_mem>>)
      %dma_wait3A_475 = arith.constant 0 : i32
      %dma_wait3A_476 = tpu.memref_slice %arg3[%dma_wait3A_475] : memref<320000xi32, #tpu.memory_space<hbm>> -> memref<96xi32, #tpu.memory_space<hbm>>
      %dma_wait3A_477 = arith.constant 0 : i32
      %dma_wait3A_478 = tpu.memref_slice %arg3[%dma_wait3A_477] : memref<320000xi32, #tpu.memory_space<hbm>> -> memref<96xi32, #tpu.memory_space<hbm>>
      tpu.wait_dma2 semaphore(%arg29 : memref<!tpu.dma_semaphore, #tpu.memory_space<semaphore_mem>>) src(%dma_wait3A_478 : memref<96xi32, #tpu.memory_space<hbm>>) dst(%arg8 : memref<96xi32, #tpu.memory_space<vmem>>)
      %dma_wait3A_479 = arith.constant 0 : i32
      %dma_wait3A_480 = tpu.memref_slice %arg4[%dma_wait3A_479] : memref<320000xi32, #tpu.memory_space<hbm>> -> memref<96xi32, #tpu.memory_space<hbm>>
      %dma_wait3A_481 = arith.constant 0 : i32
      %dma_wait3A_482 = tpu.memref_slice %arg4[%dma_wait3A_481] : memref<320000xi32, #tpu.memory_space<hbm>> -> memref<96xi32, #tpu.memory_space<hbm>>
      tpu.wait_dma2 semaphore(%arg29 : memref<!tpu.dma_semaphore, #tpu.memory_space<semaphore_mem>>) src(%dma_wait3A_482 : memref<96xi32, #tpu.memory_space<hbm>>) dst(%arg12 : memref<96xi32, #tpu.memory_space<vmem>>)
      %dma_start3A_483 = arith.constant 0 : i32
      %dma_start3A_484 = arith.constant 0 : i32
      %dma_start3A_485 = tpu.memref_slice %arg2[%dma_start3A_483, %dma_start3A_484] : memref<10000x128xf32, #tpu.memory_space<hbm>> -> memref<10000x128xf32, #tpu.memory_space<hbm>>
      tpu.enqueue_indirect_dma source(%dma_start3A_485 : memref<10000x128xf32, #tpu.memory_space<hbm>>) target(%arg16 : memref<96x128xf32, #tpu.memory_space<vmem>>) offsets(%arg8 : memref<96xi32, #tpu.memory_space<vmem>>) semaphore(%arg23 : memref<!tpu.dma_semaphore, #tpu.memory_space<semaphore_mem>>)
      %add3A_486 = arith.constant 8 : i32
      %add3A_487 = arith.addi %add3A_237, %add3A_486 : i32
      %dma_wait3A_488 = arith.constant 0 : i32
      %dma_wait3A_489 = arith.constant 0 : i32
      %dma_wait3A_490 = tpu.memref_slice %arg2[%dma_wait3A_488, %dma_wait3A_489] : memref<10000x128xf32, #tpu.memory_space<hbm>> -> memref<10000x128xf32, #tpu.memory_space<hbm>>
      tpu.wait_indirect_dma semaphore(%arg22 : memref<!tpu.dma_semaphore, #tpu.memory_space<semaphore_mem>>) src(%dma_wait3A_490 : memref<10000x128xf32, #tpu.memory_space<hbm>>) dst(%arg15 : memref<96x128xf32, #tpu.memory_space<vmem>>)
      %dma_start3A_491 = arith.constant 0 : i32
      %dma_start3A_492 = arith.constant 0 : i32
      %dma_start3A_493 = tpu.memref_slice %arg21[%dma_start3A_491, %dma_start3A_492] : memref<10000x128xf32, #tpu.memory_space<vmem_shared>> -> memref<10000x128xf32, #tpu.memory_space<vmem_shared>>
      tpu.enqueue_indirect_dma source(%arg15 : memref<96x128xf32, #tpu.memory_space<vmem>>) target(%dma_start3A_493 : memref<10000x128xf32, #tpu.memory_space<vmem_shared>>) offsets(%arg11 : memref<96xi32, #tpu.memory_space<vmem>>) semaphore(%arg25 : memref<!tpu.dma_semaphore, #tpu.memory_space<semaphore_mem>>) {add = true}
      %dma_wait3A_494 = arith.constant 0 : i32
      %dma_wait3A_495 = arith.constant 0 : i32
      %dma_wait3A_496 = tpu.memref_slice %arg21[%dma_wait3A_494, %dma_wait3A_495] : memref<10000x128xf32, #tpu.memory_space<vmem_shared>> -> memref<10000x128xf32, #tpu.memory_space<vmem_shared>>
      tpu.wait_indirect_dma semaphore(%arg27 : memref<!tpu.dma_semaphore, #tpu.memory_space<semaphore_mem>>) src(%arg17 : memref<96x128xf32, #tpu.memory_space<vmem>>) dst(%dma_wait3A_496 : memref<10000x128xf32, #tpu.memory_space<vmem_shared>>)
      %add3A_497 = arith.constant 3 : i32
      %add3A_498 = arith.addi %add3A_487, %add3A_497 : i32
      %mul3A_499 = arith.constant 96 : i32
      %mul3A_500 = arith.muli %add3A_498, %mul3A_499 : i32
      %add3A_501 = arith.addi %mul3A_6, %mul3A_500 : i32
      %dma_start3A_502 = tpu.memref_slice %arg3[%add3A_501] : memref<320000xi32, #tpu.memory_space<hbm>> -> memref<96xi32, #tpu.memory_space<hbm>>
      %dma_start3A_503 = tpu.memref_slice %arg3[%add3A_501] : memref<320000xi32, #tpu.memory_space<hbm>> -> memref<96xi32, #tpu.memory_space<hbm>>
      tpu.enqueue_dma source(%dma_start3A_503 : memref<96xi32, #tpu.memory_space<hbm>>) target(%arg10 : memref<96xi32, #tpu.memory_space<vmem>>) target_semaphore(%arg31 : memref<!tpu.dma_semaphore, #tpu.memory_space<semaphore_mem>>)
      %dma_start3A_504 = tpu.memref_slice %arg4[%add3A_501] : memref<320000xi32, #tpu.memory_space<hbm>> -> memref<96xi32, #tpu.memory_space<hbm>>
      %dma_start3A_505 = tpu.memref_slice %arg4[%add3A_501] : memref<320000xi32, #tpu.memory_space<hbm>> -> memref<96xi32, #tpu.memory_space<hbm>>
      tpu.enqueue_dma source(%dma_start3A_505 : memref<96xi32, #tpu.memory_space<hbm>>) target(%arg14 : memref<96xi32, #tpu.memory_space<vmem>>) target_semaphore(%arg31 : memref<!tpu.dma_semaphore, #tpu.memory_space<semaphore_mem>>)
      %dma_wait3A_506 = arith.constant 0 : i32
      %dma_wait3A_507 = tpu.memref_slice %arg3[%dma_wait3A_506] : memref<320000xi32, #tpu.memory_space<hbm>> -> memref<96xi32, #tpu.memory_space<hbm>>
      %dma_wait3A_508 = arith.constant 0 : i32
      %dma_wait3A_509 = tpu.memref_slice %arg3[%dma_wait3A_508] : memref<320000xi32, #tpu.memory_space<hbm>> -> memref<96xi32, #tpu.memory_space<hbm>>
      tpu.wait_dma2 semaphore(%arg30 : memref<!tpu.dma_semaphore, #tpu.memory_space<semaphore_mem>>) src(%dma_wait3A_509 : memref<96xi32, #tpu.memory_space<hbm>>) dst(%arg9 : memref<96xi32, #tpu.memory_space<vmem>>)
      %dma_wait3A_510 = arith.constant 0 : i32
      %dma_wait3A_511 = tpu.memref_slice %arg4[%dma_wait3A_510] : memref<320000xi32, #tpu.memory_space<hbm>> -> memref<96xi32, #tpu.memory_space<hbm>>
      %dma_wait3A_512 = arith.constant 0 : i32
      %dma_wait3A_513 = tpu.memref_slice %arg4[%dma_wait3A_512] : memref<320000xi32, #tpu.memory_space<hbm>> -> memref<96xi32, #tpu.memory_space<hbm>>
      tpu.wait_dma2 semaphore(%arg30 : memref<!tpu.dma_semaphore, #tpu.memory_space<semaphore_mem>>) src(%dma_wait3A_513 : memref<96xi32, #tpu.memory_space<hbm>>) dst(%arg13 : memref<96xi32, #tpu.memory_space<vmem>>)
      %dma_start3A_514 = arith.constant 0 : i32
      %dma_start3A_515 = arith.constant 0 : i32
      %dma_start3A_516 = tpu.memref_slice %arg2[%dma_start3A_514, %dma_start3A_515] : memref<10000x128xf32, #tpu.memory_space<hbm>> -> memref<10000x128xf32, #tpu.memory_space<hbm>>
      tpu.enqueue_indirect_dma source(%dma_start3A_516 : memref<10000x128xf32, #tpu.memory_space<hbm>>) target(%arg17 : memref<96x128xf32, #tpu.memory_space<vmem>>) offsets(%arg9 : memref<96xi32, #tpu.memory_space<vmem>>) semaphore(%arg24 : memref<!tpu.dma_semaphore, #tpu.memory_space<semaphore_mem>>)
      %add3A_517 = arith.constant 9 : i32
      %add3A_518 = arith.addi %add3A_237, %add3A_517 : i32
      %dma_wait3A_519 = arith.constant 0 : i32
      %dma_wait3A_520 = arith.constant 0 : i32
      %dma_wait3A_521 = tpu.memref_slice %arg2[%dma_wait3A_519, %dma_wait3A_520] : memref<10000x128xf32, #tpu.memory_space<hbm>> -> memref<10000x128xf32, #tpu.memory_space<hbm>>
      tpu.wait_indirect_dma semaphore(%arg23 : memref<!tpu.dma_semaphore, #tpu.memory_space<semaphore_mem>>) src(%dma_wait3A_521 : memref<10000x128xf32, #tpu.memory_space<hbm>>) dst(%arg16 : memref<96x128xf32, #tpu.memory_space<vmem>>)
      %dma_start3A_522 = arith.constant 0 : i32
      %dma_start3A_523 = arith.constant 0 : i32
      %dma_start3A_524 = tpu.memref_slice %arg21[%dma_start3A_522, %dma_start3A_523] : memref<10000x128xf32, #tpu.memory_space<vmem_shared>> -> memref<10000x128xf32, #tpu.memory_space<vmem_shared>>
      tpu.enqueue_indirect_dma source(%arg16 : memref<96x128xf32, #tpu.memory_space<vmem>>) target(%dma_start3A_524 : memref<10000x128xf32, #tpu.memory_space<vmem_shared>>) offsets(%arg12 : memref<96xi32, #tpu.memory_space<vmem>>) semaphore(%arg26 : memref<!tpu.dma_semaphore, #tpu.memory_space<semaphore_mem>>) {add = true}
      %dma_wait3A_525 = arith.constant 0 : i32
      %dma_wait3A_526 = arith.constant 0 : i32
      %dma_wait3A_527 = tpu.memref_slice %arg21[%dma_wait3A_525, %dma_wait3A_526] : memref<10000x128xf32, #tpu.memory_space<vmem_shared>> -> memref<10000x128xf32, #tpu.memory_space<vmem_shared>>
      tpu.wait_indirect_dma semaphore(%arg25 : memref<!tpu.dma_semaphore, #tpu.memory_space<semaphore_mem>>) src(%arg15 : memref<96x128xf32, #tpu.memory_space<vmem>>) dst(%dma_wait3A_527 : memref<10000x128xf32, #tpu.memory_space<vmem_shared>>)
      %add3A_528 = arith.constant 3 : i32
      %add3A_529 = arith.addi %add3A_518, %add3A_528 : i32
      %mul3A_530 = arith.constant 96 : i32
      %mul3A_531 = arith.muli %add3A_529, %mul3A_530 : i32
      %add3A_532 = arith.addi %mul3A_6, %mul3A_531 : i32
      %dma_start3A_533 = tpu.memref_slice %arg3[%add3A_532] : memref<320000xi32, #tpu.memory_space<hbm>> -> memref<96xi32, #tpu.memory_space<hbm>>
      %dma_start3A_534 = tpu.memref_slice %arg3[%add3A_532] : memref<320000xi32, #tpu.memory_space<hbm>> -> memref<96xi32, #tpu.memory_space<hbm>>
      tpu.enqueue_dma source(%dma_start3A_534 : memref<96xi32, #tpu.memory_space<hbm>>) target(%arg7 : memref<96xi32, #tpu.memory_space<vmem>>) target_semaphore(%arg28 : memref<!tpu.dma_semaphore, #tpu.memory_space<semaphore_mem>>)
      %dma_start3A_535 = tpu.memref_slice %arg4[%add3A_532] : memref<320000xi32, #tpu.memory_space<hbm>> -> memref<96xi32, #tpu.memory_space<hbm>>
      %dma_start3A_536 = tpu.memref_slice %arg4[%add3A_532] : memref<320000xi32, #tpu.memory_space<hbm>> -> memref<96xi32, #tpu.memory_space<hbm>>
      tpu.enqueue_dma source(%dma_start3A_536 : memref<96xi32, #tpu.memory_space<hbm>>) target(%arg11 : memref<96xi32, #tpu.memory_space<vmem>>) target_semaphore(%arg28 : memref<!tpu.dma_semaphore, #tpu.memory_space<semaphore_mem>>)
      %dma_wait3A_537 = arith.constant 0 : i32
      %dma_wait3A_538 = tpu.memref_slice %arg3[%dma_wait3A_537] : memref<320000xi32, #tpu.memory_space<hbm>> -> memref<96xi32, #tpu.memory_space<hbm>>
      %dma_wait3A_539 = arith.constant 0 : i32
      %dma_wait3A_540 = tpu.memref_slice %arg3[%dma_wait3A_539] : memref<320000xi32, #tpu.memory_space<hbm>> -> memref<96xi32, #tpu.memory_space<hbm>>
      tpu.wait_dma2 semaphore(%arg31 : memref<!tpu.dma_semaphore, #tpu.memory_space<semaphore_mem>>) src(%dma_wait3A_540 : memref<96xi32, #tpu.memory_space<hbm>>) dst(%arg10 : memref<96xi32, #tpu.memory_space<vmem>>)
      %dma_wait3A_541 = arith.constant 0 : i32
      %dma_wait3A_542 = tpu.memref_slice %arg4[%dma_wait3A_541] : memref<320000xi32, #tpu.memory_space<hbm>> -> memref<96xi32, #tpu.memory_space<hbm>>
      %dma_wait3A_543 = arith.constant 0 : i32
      %dma_wait3A_544 = tpu.memref_slice %arg4[%dma_wait3A_543] : memref<320000xi32, #tpu.memory_space<hbm>> -> memref<96xi32, #tpu.memory_space<hbm>>
      tpu.wait_dma2 semaphore(%arg31 : memref<!tpu.dma_semaphore, #tpu.memory_space<semaphore_mem>>) src(%dma_wait3A_544 : memref<96xi32, #tpu.memory_space<hbm>>) dst(%arg14 : memref<96xi32, #tpu.memory_space<vmem>>)
      %dma_start3A_545 = arith.constant 0 : i32
      %dma_start3A_546 = arith.constant 0 : i32
      %dma_start3A_547 = tpu.memref_slice %arg2[%dma_start3A_545, %dma_start3A_546] : memref<10000x128xf32, #tpu.memory_space<hbm>> -> memref<10000x128xf32, #tpu.memory_space<hbm>>
      tpu.enqueue_indirect_dma source(%dma_start3A_547 : memref<10000x128xf32, #tpu.memory_space<hbm>>) target(%arg15 : memref<96x128xf32, #tpu.memory_space<vmem>>) offsets(%arg10 : memref<96xi32, #tpu.memory_space<vmem>>) semaphore(%arg22 : memref<!tpu.dma_semaphore, #tpu.memory_space<semaphore_mem>>)
      %add3A_548 = arith.constant 10 : i32
      %add3A_549 = arith.addi %add3A_237, %add3A_548 : i32
      %dma_wait3A_550 = arith.constant 0 : i32
      %dma_wait3A_551 = arith.constant 0 : i32
      %dma_wait3A_552 = tpu.memref_slice %arg2[%dma_wait3A_550, %dma_wait3A_551] : memref<10000x128xf32, #tpu.memory_space<hbm>> -> memref<10000x128xf32, #tpu.memory_space<hbm>>
      tpu.wait_indirect_dma semaphore(%arg24 : memref<!tpu.dma_semaphore, #tpu.memory_space<semaphore_mem>>) src(%dma_wait3A_552 : memref<10000x128xf32, #tpu.memory_space<hbm>>) dst(%arg17 : memref<96x128xf32, #tpu.memory_space<vmem>>)
      %dma_start3A_553 = arith.constant 0 : i32
      %dma_start3A_554 = arith.constant 0 : i32
      %dma_start3A_555 = tpu.memref_slice %arg21[%dma_start3A_553, %dma_start3A_554] : memref<10000x128xf32, #tpu.memory_space<vmem_shared>> -> memref<10000x128xf32, #tpu.memory_space<vmem_shared>>
      tpu.enqueue_indirect_dma source(%arg17 : memref<96x128xf32, #tpu.memory_space<vmem>>) target(%dma_start3A_555 : memref<10000x128xf32, #tpu.memory_space<vmem_shared>>) offsets(%arg13 : memref<96xi32, #tpu.memory_space<vmem>>) semaphore(%arg27 : memref<!tpu.dma_semaphore, #tpu.memory_space<semaphore_mem>>) {add = true}
      %dma_wait3A_556 = arith.constant 0 : i32
      %dma_wait3A_557 = arith.constant 0 : i32
      %dma_wait3A_558 = tpu.memref_slice %arg21[%dma_wait3A_556, %dma_wait3A_557] : memref<10000x128xf32, #tpu.memory_space<vmem_shared>> -> memref<10000x128xf32, #tpu.memory_space<vmem_shared>>
      tpu.wait_indirect_dma semaphore(%arg26 : memref<!tpu.dma_semaphore, #tpu.memory_space<semaphore_mem>>) src(%arg16 : memref<96x128xf32, #tpu.memory_space<vmem>>) dst(%dma_wait3A_558 : memref<10000x128xf32, #tpu.memory_space<vmem_shared>>)
      %add3A_559 = arith.constant 3 : i32
      %add3A_560 = arith.addi %add3A_549, %add3A_559 : i32
      %mul3A_561 = arith.constant 96 : i32
      %mul3A_562 = arith.muli %add3A_560, %mul3A_561 : i32
      %add3A_563 = arith.addi %mul3A_6, %mul3A_562 : i32
      %dma_start3A_564 = tpu.memref_slice %arg3[%add3A_563] : memref<320000xi32, #tpu.memory_space<hbm>> -> memref<96xi32, #tpu.memory_space<hbm>>
      %dma_start3A_565 = tpu.memref_slice %arg3[%add3A_563] : memref<320000xi32, #tpu.memory_space<hbm>> -> memref<96xi32, #tpu.memory_space<hbm>>
      tpu.enqueue_dma source(%dma_start3A_565 : memref<96xi32, #tpu.memory_space<hbm>>) target(%arg8 : memref<96xi32, #tpu.memory_space<vmem>>) target_semaphore(%arg29 : memref<!tpu.dma_semaphore, #tpu.memory_space<semaphore_mem>>)
      %dma_start3A_566 = tpu.memref_slice %arg4[%add3A_563] : memref<320000xi32, #tpu.memory_space<hbm>> -> memref<96xi32, #tpu.memory_space<hbm>>
      %dma_start3A_567 = tpu.memref_slice %arg4[%add3A_563] : memref<320000xi32, #tpu.memory_space<hbm>> -> memref<96xi32, #tpu.memory_space<hbm>>
      tpu.enqueue_dma source(%dma_start3A_567 : memref<96xi32, #tpu.memory_space<hbm>>) target(%arg12 : memref<96xi32, #tpu.memory_space<vmem>>) target_semaphore(%arg29 : memref<!tpu.dma_semaphore, #tpu.memory_space<semaphore_mem>>)
      %dma_wait3A_568 = arith.constant 0 : i32
      %dma_wait3A_569 = tpu.memref_slice %arg3[%dma_wait3A_568] : memref<320000xi32, #tpu.memory_space<hbm>> -> memref<96xi32, #tpu.memory_space<hbm>>
      %dma_wait3A_570 = arith.constant 0 : i32
      %dma_wait3A_571 = tpu.memref_slice %arg3[%dma_wait3A_570] : memref<320000xi32, #tpu.memory_space<hbm>> -> memref<96xi32, #tpu.memory_space<hbm>>
      tpu.wait_dma2 semaphore(%arg28 : memref<!tpu.dma_semaphore, #tpu.memory_space<semaphore_mem>>) src(%dma_wait3A_571 : memref<96xi32, #tpu.memory_space<hbm>>) dst(%arg7 : memref<96xi32, #tpu.memory_space<vmem>>)
      %dma_wait3A_572 = arith.constant 0 : i32
      %dma_wait3A_573 = tpu.memref_slice %arg4[%dma_wait3A_572] : memref<320000xi32, #tpu.memory_space<hbm>> -> memref<96xi32, #tpu.memory_space<hbm>>
      %dma_wait3A_574 = arith.constant 0 : i32
      %dma_wait3A_575 = tpu.memref_slice %arg4[%dma_wait3A_574] : memref<320000xi32, #tpu.memory_space<hbm>> -> memref<96xi32, #tpu.memory_space<hbm>>
      tpu.wait_dma2 semaphore(%arg28 : memref<!tpu.dma_semaphore, #tpu.memory_space<semaphore_mem>>) src(%dma_wait3A_575 : memref<96xi32, #tpu.memory_space<hbm>>) dst(%arg11 : memref<96xi32, #tpu.memory_space<vmem>>)
      %dma_start3A_576 = arith.constant 0 : i32
      %dma_start3A_577 = arith.constant 0 : i32
      %dma_start3A_578 = tpu.memref_slice %arg2[%dma_start3A_576, %dma_start3A_577] : memref<10000x128xf32, #tpu.memory_space<hbm>> -> memref<10000x128xf32, #tpu.memory_space<hbm>>
      tpu.enqueue_indirect_dma source(%dma_start3A_578 : memref<10000x128xf32, #tpu.memory_space<hbm>>) target(%arg16 : memref<96x128xf32, #tpu.memory_space<vmem>>) offsets(%arg7 : memref<96xi32, #tpu.memory_space<vmem>>) semaphore(%arg23 : memref<!tpu.dma_semaphore, #tpu.memory_space<semaphore_mem>>)
      %add3A_579 = arith.constant 11 : i32
      %add3A_580 = arith.addi %add3A_237, %add3A_579 : i32
      %dma_wait3A_581 = arith.constant 0 : i32
      %dma_wait3A_582 = arith.constant 0 : i32
      %dma_wait3A_583 = tpu.memref_slice %arg2[%dma_wait3A_581, %dma_wait3A_582] : memref<10000x128xf32, #tpu.memory_space<hbm>> -> memref<10000x128xf32, #tpu.memory_space<hbm>>
      tpu.wait_indirect_dma semaphore(%arg22 : memref<!tpu.dma_semaphore, #tpu.memory_space<semaphore_mem>>) src(%dma_wait3A_583 : memref<10000x128xf32, #tpu.memory_space<hbm>>) dst(%arg15 : memref<96x128xf32, #tpu.memory_space<vmem>>)
      %dma_start3A_584 = arith.constant 0 : i32
      %dma_start3A_585 = arith.constant 0 : i32
      %dma_start3A_586 = tpu.memref_slice %arg21[%dma_start3A_584, %dma_start3A_585] : memref<10000x128xf32, #tpu.memory_space<vmem_shared>> -> memref<10000x128xf32, #tpu.memory_space<vmem_shared>>
      tpu.enqueue_indirect_dma source(%arg15 : memref<96x128xf32, #tpu.memory_space<vmem>>) target(%dma_start3A_586 : memref<10000x128xf32, #tpu.memory_space<vmem_shared>>) offsets(%arg14 : memref<96xi32, #tpu.memory_space<vmem>>) semaphore(%arg25 : memref<!tpu.dma_semaphore, #tpu.memory_space<semaphore_mem>>) {add = true}
      %dma_wait3A_587 = arith.constant 0 : i32
      %dma_wait3A_588 = arith.constant 0 : i32
      %dma_wait3A_589 = tpu.memref_slice %arg21[%dma_wait3A_587, %dma_wait3A_588] : memref<10000x128xf32, #tpu.memory_space<vmem_shared>> -> memref<10000x128xf32, #tpu.memory_space<vmem_shared>>
      tpu.wait_indirect_dma semaphore(%arg27 : memref<!tpu.dma_semaphore, #tpu.memory_space<semaphore_mem>>) src(%arg17 : memref<96x128xf32, #tpu.memory_space<vmem>>) dst(%dma_wait3A_589 : memref<10000x128xf32, #tpu.memory_space<vmem_shared>>)
      %add3A_590 = arith.constant 3 : i32
      %add3A_591 = arith.addi %add3A_580, %add3A_590 : i32
      %mul3A_592 = arith.constant 96 : i32
      %mul3A_593 = arith.muli %add3A_591, %mul3A_592 : i32
      %add3A_594 = arith.addi %mul3A_6, %mul3A_593 : i32
      %dma_start3A_595 = tpu.memref_slice %arg3[%add3A_594] : memref<320000xi32, #tpu.memory_space<hbm>> -> memref<96xi32, #tpu.memory_space<hbm>>
      %dma_start3A_596 = tpu.memref_slice %arg3[%add3A_594] : memref<320000xi32, #tpu.memory_space<hbm>> -> memref<96xi32, #tpu.memory_space<hbm>>
      tpu.enqueue_dma source(%dma_start3A_596 : memref<96xi32, #tpu.memory_space<hbm>>) target(%arg9 : memref<96xi32, #tpu.memory_space<vmem>>) target_semaphore(%arg30 : memref<!tpu.dma_semaphore, #tpu.memory_space<semaphore_mem>>)
      %dma_start3A_597 = tpu.memref_slice %arg4[%add3A_594] : memref<320000xi32, #tpu.memory_space<hbm>> -> memref<96xi32, #tpu.memory_space<hbm>>
      %dma_start3A_598 = tpu.memref_slice %arg4[%add3A_594] : memref<320000xi32, #tpu.memory_space<hbm>> -> memref<96xi32, #tpu.memory_space<hbm>>
      tpu.enqueue_dma source(%dma_start3A_598 : memref<96xi32, #tpu.memory_space<hbm>>) target(%arg13 : memref<96xi32, #tpu.memory_space<vmem>>) target_semaphore(%arg30 : memref<!tpu.dma_semaphore, #tpu.memory_space<semaphore_mem>>)
      %dma_wait3A_599 = arith.constant 0 : i32
      %dma_wait3A_600 = tpu.memref_slice %arg3[%dma_wait3A_599] : memref<320000xi32, #tpu.memory_space<hbm>> -> memref<96xi32, #tpu.memory_space<hbm>>
      %dma_wait3A_601 = arith.constant 0 : i32
      %dma_wait3A_602 = tpu.memref_slice %arg3[%dma_wait3A_601] : memref<320000xi32, #tpu.memory_space<hbm>> -> memref<96xi32, #tpu.memory_space<hbm>>
      tpu.wait_dma2 semaphore(%arg29 : memref<!tpu.dma_semaphore, #tpu.memory_space<semaphore_mem>>) src(%dma_wait3A_602 : memref<96xi32, #tpu.memory_space<hbm>>) dst(%arg8 : memref<96xi32, #tpu.memory_space<vmem>>)
      %dma_wait3A_603 = arith.constant 0 : i32
      %dma_wait3A_604 = tpu.memref_slice %arg4[%dma_wait3A_603] : memref<320000xi32, #tpu.memory_space<hbm>> -> memref<96xi32, #tpu.memory_space<hbm>>
      %dma_wait3A_605 = arith.constant 0 : i32
      %dma_wait3A_606 = tpu.memref_slice %arg4[%dma_wait3A_605] : memref<320000xi32, #tpu.memory_space<hbm>> -> memref<96xi32, #tpu.memory_space<hbm>>
      tpu.wait_dma2 semaphore(%arg29 : memref<!tpu.dma_semaphore, #tpu.memory_space<semaphore_mem>>) src(%dma_wait3A_606 : memref<96xi32, #tpu.memory_space<hbm>>) dst(%arg12 : memref<96xi32, #tpu.memory_space<vmem>>)
      %dma_start3A_607 = arith.constant 0 : i32
      %dma_start3A_608 = arith.constant 0 : i32
      %dma_start3A_609 = tpu.memref_slice %arg2[%dma_start3A_607, %dma_start3A_608] : memref<10000x128xf32, #tpu.memory_space<hbm>> -> memref<10000x128xf32, #tpu.memory_space<hbm>>
      tpu.enqueue_indirect_dma source(%dma_start3A_609 : memref<10000x128xf32, #tpu.memory_space<hbm>>) target(%arg17 : memref<96x128xf32, #tpu.memory_space<vmem>>) offsets(%arg8 : memref<96xi32, #tpu.memory_space<vmem>>) semaphore(%arg24 : memref<!tpu.dma_semaphore, #tpu.memory_space<semaphore_mem>>)
    }
    %scan3A_151 = arith.constant 8 : i32
    %dma_wait3A_152 = arith.constant 0 : i32
    %dma_wait3A_153 = arith.constant 0 : i32
    %dma_wait3A_154 = tpu.memref_slice %arg2[%dma_wait3A_152, %dma_wait3A_153] : memref<10000x128xf32, #tpu.memory_space<hbm>> -> memref<10000x128xf32, #tpu.memory_space<hbm>>
    tpu.wait_indirect_dma semaphore(%arg23 : memref<!tpu.dma_semaphore, #tpu.memory_space<semaphore_mem>>) src(%dma_wait3A_154 : memref<10000x128xf32, #tpu.memory_space<hbm>>) dst(%arg16 : memref<96x128xf32, #tpu.memory_space<vmem>>)
    %dma_start3A_155 = arith.constant 0 : i32
    %dma_start3A_156 = arith.constant 0 : i32
    %dma_start3A_157 = tpu.memref_slice %arg21[%dma_start3A_155, %dma_start3A_156] : memref<10000x128xf32, #tpu.memory_space<vmem_shared>> -> memref<10000x128xf32, #tpu.memory_space<vmem_shared>>
    tpu.enqueue_indirect_dma source(%arg16 : memref<96x128xf32, #tpu.memory_space<vmem>>) target(%dma_start3A_157 : memref<10000x128xf32, #tpu.memory_space<vmem_shared>>) offsets(%arg11 : memref<96xi32, #tpu.memory_space<vmem>>) semaphore(%arg26 : memref<!tpu.dma_semaphore, #tpu.memory_space<semaphore_mem>>) {add = true}
    %dma_wait3A_158 = arith.constant 0 : i32
    %dma_wait3A_159 = arith.constant 0 : i32
    %dma_wait3A_160 = tpu.memref_slice %arg21[%dma_wait3A_158, %dma_wait3A_159] : memref<10000x128xf32, #tpu.memory_space<vmem_shared>> -> memref<10000x128xf32, #tpu.memory_space<vmem_shared>>
    tpu.wait_indirect_dma semaphore(%arg25 : memref<!tpu.dma_semaphore, #tpu.memory_space<semaphore_mem>>) src(%arg15 : memref<96x128xf32, #tpu.memory_space<vmem>>) dst(%dma_wait3A_160 : memref<10000x128xf32, #tpu.memory_space<vmem_shared>>)
    %add3A_161 = arith.constant 9888 : i32
    %add3A_162 = arith.addi %mul3A_6, %add3A_161 : i32
    %dma_start3A_163 = tpu.memref_slice %arg3[%add3A_162] : memref<320000xi32, #tpu.memory_space<hbm>> -> memref<96xi32, #tpu.memory_space<hbm>>
    %dma_start3A_164 = tpu.memref_slice %arg3[%add3A_162] : memref<320000xi32, #tpu.memory_space<hbm>> -> memref<96xi32, #tpu.memory_space<hbm>>
    tpu.enqueue_dma source(%dma_start3A_164 : memref<96xi32, #tpu.memory_space<hbm>>) target(%arg10 : memref<96xi32, #tpu.memory_space<vmem>>) target_semaphore(%arg31 : memref<!tpu.dma_semaphore, #tpu.memory_space<semaphore_mem>>)
    %dma_start3A_165 = tpu.memref_slice %arg4[%add3A_162] : memref<320000xi32, #tpu.memory_space<hbm>> -> memref<96xi32, #tpu.memory_space<hbm>>
    %dma_start3A_166 = tpu.memref_slice %arg4[%add3A_162] : memref<320000xi32, #tpu.memory_space<hbm>> -> memref<96xi32, #tpu.memory_space<hbm>>
    tpu.enqueue_dma source(%dma_start3A_166 : memref<96xi32, #tpu.memory_space<hbm>>) target(%arg14 : memref<96xi32, #tpu.memory_space<vmem>>) target_semaphore(%arg31 : memref<!tpu.dma_semaphore, #tpu.memory_space<semaphore_mem>>)
    %dma_wait3A_167 = arith.constant 0 : i32
    %dma_wait3A_168 = tpu.memref_slice %arg3[%dma_wait3A_167] : memref<320000xi32, #tpu.memory_space<hbm>> -> memref<96xi32, #tpu.memory_space<hbm>>
    %dma_wait3A_169 = arith.constant 0 : i32
    %dma_wait3A_170 = tpu.memref_slice %arg3[%dma_wait3A_169] : memref<320000xi32, #tpu.memory_space<hbm>> -> memref<96xi32, #tpu.memory_space<hbm>>
    tpu.wait_dma2 semaphore(%arg30 : memref<!tpu.dma_semaphore, #tpu.memory_space<semaphore_mem>>) src(%dma_wait3A_170 : memref<96xi32, #tpu.memory_space<hbm>>) dst(%arg9 : memref<96xi32, #tpu.memory_space<vmem>>)
    %dma_wait3A_171 = arith.constant 0 : i32
    %dma_wait3A_172 = tpu.memref_slice %arg4[%dma_wait3A_171] : memref<320000xi32, #tpu.memory_space<hbm>> -> memref<96xi32, #tpu.memory_space<hbm>>
    %dma_wait3A_173 = arith.constant 0 : i32
    %dma_wait3A_174 = tpu.memref_slice %arg4[%dma_wait3A_173] : memref<320000xi32, #tpu.memory_space<hbm>> -> memref<96xi32, #tpu.memory_space<hbm>>
    tpu.wait_dma2 semaphore(%arg30 : memref<!tpu.dma_semaphore, #tpu.memory_space<semaphore_mem>>) src(%dma_wait3A_174 : memref<96xi32, #tpu.memory_space<hbm>>) dst(%arg13 : memref<96xi32, #tpu.memory_space<vmem>>)
    %dma_start3A_175 = arith.constant 0 : i32
    %dma_start3A_176 = arith.constant 0 : i32
    %dma_start3A_177 = tpu.memref_slice %arg2[%dma_start3A_175, %dma_start3A_176] : memref<10000x128xf32, #tpu.memory_space<hbm>> -> memref<10000x128xf32, #tpu.memory_space<hbm>>
    tpu.enqueue_indirect_dma source(%dma_start3A_177 : memref<10000x128xf32, #tpu.memory_space<hbm>>) target(%arg15 : memref<96x128xf32, #tpu.memory_space<vmem>>) offsets(%arg9 : memref<96xi32, #tpu.memory_space<vmem>>) semaphore(%arg22 : memref<!tpu.dma_semaphore, #tpu.memory_space<semaphore_mem>>)
    %dma_wait3A_178 = arith.constant 0 : i32
    %dma_wait3A_179 = arith.constant 0 : i32
    %dma_wait3A_180 = tpu.memref_slice %arg2[%dma_wait3A_178, %dma_wait3A_179] : memref<10000x128xf32, #tpu.memory_space<hbm>> -> memref<10000x128xf32, #tpu.memory_space<hbm>>
    tpu.wait_indirect_dma semaphore(%arg24 : memref<!tpu.dma_semaphore, #tpu.memory_space<semaphore_mem>>) src(%dma_wait3A_180 : memref<10000x128xf32, #tpu.memory_space<hbm>>) dst(%arg17 : memref<96x128xf32, #tpu.memory_space<vmem>>)
    %dma_start3A_181 = arith.constant 0 : i32
    %dma_start3A_182 = arith.constant 0 : i32
    %dma_start3A_183 = tpu.memref_slice %arg21[%dma_start3A_181, %dma_start3A_182] : memref<10000x128xf32, #tpu.memory_space<vmem_shared>> -> memref<10000x128xf32, #tpu.memory_space<vmem_shared>>
    tpu.enqueue_indirect_dma source(%arg17 : memref<96x128xf32, #tpu.memory_space<vmem>>) target(%dma_start3A_183 : memref<10000x128xf32, #tpu.memory_space<vmem_shared>>) offsets(%arg12 : memref<96xi32, #tpu.memory_space<vmem>>) semaphore(%arg27 : memref<!tpu.dma_semaphore, #tpu.memory_space<semaphore_mem>>) {add = true}
    %dma_wait3A_184 = arith.constant 0 : i32
    %dma_wait3A_185 = arith.constant 0 : i32
    %dma_wait3A_186 = tpu.memref_slice %arg21[%dma_wait3A_184, %dma_wait3A_185] : memref<10000x128xf32, #tpu.memory_space<vmem_shared>> -> memref<10000x128xf32, #tpu.memory_space<vmem_shared>>
    tpu.wait_indirect_dma semaphore(%arg26 : memref<!tpu.dma_semaphore, #tpu.memory_space<semaphore_mem>>) src(%arg16 : memref<96x128xf32, #tpu.memory_space<vmem>>) dst(%dma_wait3A_186 : memref<10000x128xf32, #tpu.memory_space<vmem_shared>>)
    %dma_wait3A_187 = arith.constant 0 : i32
    %dma_wait3A_188 = tpu.memref_slice %arg3[%dma_wait3A_187] : memref<320000xi32, #tpu.memory_space<hbm>> -> memref<96xi32, #tpu.memory_space<hbm>>
    %dma_wait3A_189 = arith.constant 0 : i32
    %dma_wait3A_190 = tpu.memref_slice %arg3[%dma_wait3A_189] : memref<320000xi32, #tpu.memory_space<hbm>> -> memref<96xi32, #tpu.memory_space<hbm>>
    tpu.wait_dma2 semaphore(%arg31 : memref<!tpu.dma_semaphore, #tpu.memory_space<semaphore_mem>>) src(%dma_wait3A_190 : memref<96xi32, #tpu.memory_space<hbm>>) dst(%arg10 : memref<96xi32, #tpu.memory_space<vmem>>)
    %dma_wait3A_191 = arith.constant 0 : i32
    %dma_wait3A_192 = tpu.memref_slice %arg4[%dma_wait3A_191] : memref<320000xi32, #tpu.memory_space<hbm>> -> memref<96xi32, #tpu.memory_space<hbm>>
    %dma_wait3A_193 = arith.constant 0 : i32
    %dma_wait3A_194 = tpu.memref_slice %arg4[%dma_wait3A_193] : memref<320000xi32, #tpu.memory_space<hbm>> -> memref<96xi32, #tpu.memory_space<hbm>>
    tpu.wait_dma2 semaphore(%arg31 : memref<!tpu.dma_semaphore, #tpu.memory_space<semaphore_mem>>) src(%dma_wait3A_194 : memref<96xi32, #tpu.memory_space<hbm>>) dst(%arg14 : memref<96xi32, #tpu.memory_space<vmem>>)
    %dma_start3A_195 = arith.constant 0 : i32
    %dma_start3A_196 = arith.constant 0 : i32
    %dma_start3A_197 = tpu.memref_slice %arg2[%dma_start3A_195, %dma_start3A_196] : memref<10000x128xf32, #tpu.memory_space<hbm>> -> memref<10000x128xf32, #tpu.memory_space<hbm>>
    tpu.enqueue_indirect_dma source(%dma_start3A_197 : memref<10000x128xf32, #tpu.memory_space<hbm>>) target(%arg16 : memref<96x128xf32, #tpu.memory_space<vmem>>) offsets(%arg10 : memref<96xi32, #tpu.memory_space<vmem>>) semaphore(%arg23 : memref<!tpu.dma_semaphore, #tpu.memory_space<semaphore_mem>>)
    %dma_wait3A_198 = arith.constant 0 : i32
    %dma_wait3A_199 = arith.constant 0 : i32
    %dma_wait3A_200 = tpu.memref_slice %arg2[%dma_wait3A_198, %dma_wait3A_199] : memref<10000x128xf32, #tpu.memory_space<hbm>> -> memref<10000x128xf32, #tpu.memory_space<hbm>>
    tpu.wait_indirect_dma semaphore(%arg22 : memref<!tpu.dma_semaphore, #tpu.memory_space<semaphore_mem>>) src(%dma_wait3A_200 : memref<10000x128xf32, #tpu.memory_space<hbm>>) dst(%arg15 : memref<96x128xf32, #tpu.memory_space<vmem>>)
    %dma_start3A_201 = arith.constant 0 : i32
    %dma_start3A_202 = arith.constant 0 : i32
    %dma_start3A_203 = tpu.memref_slice %arg21[%dma_start3A_201, %dma_start3A_202] : memref<10000x128xf32, #tpu.memory_space<vmem_shared>> -> memref<10000x128xf32, #tpu.memory_space<vmem_shared>>
    tpu.enqueue_indirect_dma source(%arg15 : memref<96x128xf32, #tpu.memory_space<vmem>>) target(%dma_start3A_203 : memref<10000x128xf32, #tpu.memory_space<vmem_shared>>) offsets(%arg13 : memref<96xi32, #tpu.memory_space<vmem>>) semaphore(%arg25 : memref<!tpu.dma_semaphore, #tpu.memory_space<semaphore_mem>>) {add = true}
    %dma_wait3A_204 = arith.constant 0 : i32
    %dma_wait3A_205 = arith.constant 0 : i32
    %dma_wait3A_206 = tpu.memref_slice %arg21[%dma_wait3A_204, %dma_wait3A_205] : memref<10000x128xf32, #tpu.memory_space<vmem_shared>> -> memref<10000x128xf32, #tpu.memory_space<vmem_shared>>
    tpu.wait_indirect_dma semaphore(%arg27 : memref<!tpu.dma_semaphore, #tpu.memory_space<semaphore_mem>>) src(%arg17 : memref<96x128xf32, #tpu.memory_space<vmem>>) dst(%dma_wait3A_206 : memref<10000x128xf32, #tpu.memory_space<vmem_shared>>)
    %dma_wait3A_207 = arith.constant 0 : i32
    %dma_wait3A_208 = arith.constant 0 : i32
    %dma_wait3A_209 = tpu.memref_slice %arg2[%dma_wait3A_207, %dma_wait3A_208] : memref<10000x128xf32, #tpu.memory_space<hbm>> -> memref<10000x128xf32, #tpu.memory_space<hbm>>
    tpu.wait_indirect_dma semaphore(%arg23 : memref<!tpu.dma_semaphore, #tpu.memory_space<semaphore_mem>>) src(%dma_wait3A_209 : memref<10000x128xf32, #tpu.memory_space<hbm>>) dst(%arg16 : memref<96x128xf32, #tpu.memory_space<vmem>>)
    %dma_start3A_210 = arith.constant 0 : i32
    %dma_start3A_211 = arith.constant 0 : i32
    %dma_start3A_212 = tpu.memref_slice %arg21[%dma_start3A_210, %dma_start3A_211] : memref<10000x128xf32, #tpu.memory_space<vmem_shared>> -> memref<10000x128xf32, #tpu.memory_space<vmem_shared>>
    tpu.enqueue_indirect_dma source(%arg16 : memref<96x128xf32, #tpu.memory_space<vmem>>) target(%dma_start3A_212 : memref<10000x128xf32, #tpu.memory_space<vmem_shared>>) offsets(%arg14 : memref<96xi32, #tpu.memory_space<vmem>>) semaphore(%arg26 : memref<!tpu.dma_semaphore, #tpu.memory_space<semaphore_mem>>) {add = true}
    %dma_wait3A_213 = arith.constant 0 : i32
    %dma_wait3A_214 = arith.constant 0 : i32
    %dma_wait3A_215 = tpu.memref_slice %arg21[%dma_wait3A_213, %dma_wait3A_214] : memref<10000x128xf32, #tpu.memory_space<vmem_shared>> -> memref<10000x128xf32, #tpu.memory_space<vmem_shared>>
    tpu.wait_indirect_dma semaphore(%arg25 : memref<!tpu.dma_semaphore, #tpu.memory_space<semaphore_mem>>) src(%arg15 : memref<96x128xf32, #tpu.memory_space<vmem>>) dst(%dma_wait3A_215 : memref<10000x128xf32, #tpu.memory_space<vmem_shared>>)
    %dma_wait3A_216 = arith.constant 0 : i32
    %dma_wait3A_217 = arith.constant 0 : i32
    %dma_wait3A_218 = tpu.memref_slice %arg21[%dma_wait3A_216, %dma_wait3A_217] : memref<10000x128xf32, #tpu.memory_space<vmem_shared>> -> memref<10000x128xf32, #tpu.memory_space<vmem_shared>>
    tpu.wait_indirect_dma semaphore(%arg26 : memref<!tpu.dma_semaphore, #tpu.memory_space<semaphore_mem>>) src(%arg16 : memref<96x128xf32, #tpu.memory_space<vmem>>) dst(%dma_wait3A_218 : memref<10000x128xf32, #tpu.memory_space<vmem_shared>>)
    %add3A_219 = arith.constant 9984 : i32
    %add3A_220 = arith.addi %mul3A_6, %add3A_219 : i32
    "tpu.region"() ({
      %run_scoped3A = tpu.sem_alloc : memref<!tpu.dma_semaphore, #tpu.memory_space<semaphore_mem>>
      %dma_start3A_233 = tpu.memref_slice %arg3[%add3A_220] : memref<320000xi32, #tpu.memory_space<hbm>> -> memref<16xi32, #tpu.memory_space<hbm>>
      %dma_start3A_234 = tpu.memref_slice %arg3[%add3A_220] : memref<320000xi32, #tpu.memory_space<hbm>> -> memref<16xi32, #tpu.memory_space<hbm>>
      tpu.enqueue_dma source(%dma_start3A_234 : memref<16xi32, #tpu.memory_space<hbm>>) target(%arg18 : memref<16xi32, #tpu.memory_space<vmem>>) target_semaphore(%run_scoped3A : memref<!tpu.dma_semaphore, #tpu.memory_space<semaphore_mem>>)
      %dma_wait3A_235 = tpu.memref_slice %arg3[%add3A_220] : memref<320000xi32, #tpu.memory_space<hbm>> -> memref<16xi32, #tpu.memory_space<hbm>>
      %dma_wait3A_236 = tpu.memref_slice %arg3[%add3A_220] : memref<320000xi32, #tpu.memory_space<hbm>> -> memref<16xi32, #tpu.memory_space<hbm>>
      tpu.wait_dma2 semaphore(%run_scoped3A : memref<!tpu.dma_semaphore, #tpu.memory_space<semaphore_mem>>) src(%dma_wait3A_236 : memref<16xi32, #tpu.memory_space<hbm>>) dst(%arg18 : memref<16xi32, #tpu.memory_space<vmem>>)
      tpu.yield
    }) : () -> ()
    "tpu.region"() ({
      %run_scoped3A = tpu.sem_alloc : memref<!tpu.dma_semaphore, #tpu.memory_space<semaphore_mem>>
      %dma_start3A_233 = tpu.memref_slice %arg4[%add3A_220] : memref<320000xi32, #tpu.memory_space<hbm>> -> memref<16xi32, #tpu.memory_space<hbm>>
      %dma_start3A_234 = tpu.memref_slice %arg4[%add3A_220] : memref<320000xi32, #tpu.memory_space<hbm>> -> memref<16xi32, #tpu.memory_space<hbm>>
      tpu.enqueue_dma source(%dma_start3A_234 : memref<16xi32, #tpu.memory_space<hbm>>) target(%arg19 : memref<16xi32, #tpu.memory_space<vmem>>) target_semaphore(%run_scoped3A : memref<!tpu.dma_semaphore, #tpu.memory_space<semaphore_mem>>)
      %dma_wait3A_235 = tpu.memref_slice %arg4[%add3A_220] : memref<320000xi32, #tpu.memory_space<hbm>> -> memref<16xi32, #tpu.memory_space<hbm>>
      %dma_wait3A_236 = tpu.memref_slice %arg4[%add3A_220] : memref<320000xi32, #tpu.memory_space<hbm>> -> memref<16xi32, #tpu.memory_space<hbm>>
      tpu.wait_dma2 semaphore(%run_scoped3A : memref<!tpu.dma_semaphore, #tpu.memory_space<semaphore_mem>>) src(%dma_wait3A_236 : memref<16xi32, #tpu.memory_space<hbm>>) dst(%arg19 : memref<16xi32, #tpu.memory_space<vmem>>)
      tpu.yield
    }) : () -> ()
    %dma_start3A_221 = arith.constant 0 : i32
    %dma_start3A_222 = arith.constant 0 : i32
    %dma_start3A_223 = tpu.memref_slice %arg2[%dma_start3A_221, %dma_start3A_222] : memref<10000x128xf32, #tpu.memory_space<hbm>> -> memref<10000x128xf32, #tpu.memory_space<hbm>>
    tpu.enqueue_indirect_dma source(%dma_start3A_223 : memref<10000x128xf32, #tpu.memory_space<hbm>>) target(%arg20 : memref<16x128xf32, #tpu.memory_space<vmem>>) offsets(%arg18 : memref<16xi32, #tpu.memory_space<vmem>>) semaphore(%arg22 : memref<!tpu.dma_semaphore, #tpu.memory_space<semaphore_mem>>)
    %dma_wait3A_224 = arith.constant 0 : i32
    %dma_wait3A_225 = arith.constant 0 : i32
    %dma_wait3A_226 = tpu.memref_slice %arg2[%dma_wait3A_224, %dma_wait3A_225] : memref<10000x128xf32, #tpu.memory_space<hbm>> -> memref<10000x128xf32, #tpu.memory_space<hbm>>
    tpu.wait_indirect_dma semaphore(%arg22 : memref<!tpu.dma_semaphore, #tpu.memory_space<semaphore_mem>>) src(%dma_wait3A_226 : memref<10000x128xf32, #tpu.memory_space<hbm>>) dst(%arg20 : memref<16x128xf32, #tpu.memory_space<vmem>>)
    "tpu.region"() ({
      %run_scoped3A = tpu.sem_alloc : memref<!tpu.dma_semaphore, #tpu.memory_space<semaphore_mem>>
      %dma_start3A_233 = arith.constant 0 : i32
      %dma_start3A_234 = arith.constant 0 : i32
      %dma_start3A_235 = tpu.memref_slice %arg21[%dma_start3A_233, %dma_start3A_234] : memref<10000x128xf32, #tpu.memory_space<vmem_shared>> -> memref<10000x128xf32, #tpu.memory_space<vmem_shared>>
      tpu.enqueue_indirect_dma source(%arg20 : memref<16x128xf32, #tpu.memory_space<vmem>>) target(%dma_start3A_235 : memref<10000x128xf32, #tpu.memory_space<vmem_shared>>) offsets(%arg19 : memref<16xi32, #tpu.memory_space<vmem>>) semaphore(%run_scoped3A : memref<!tpu.dma_semaphore, #tpu.memory_space<semaphore_mem>>) {add = true}
      %dma_wait3A_236 = arith.constant 0 : i32
      %dma_wait3A_237 = arith.constant 0 : i32
      %dma_wait3A_238 = tpu.memref_slice %arg21[%dma_wait3A_236, %dma_wait3A_237] : memref<10000x128xf32, #tpu.memory_space<vmem_shared>> -> memref<10000x128xf32, #tpu.memory_space<vmem_shared>>
      tpu.wait_indirect_dma semaphore(%run_scoped3A : memref<!tpu.dma_semaphore, #tpu.memory_space<semaphore_mem>>) src(%arg20 : memref<16x128xf32, #tpu.memory_space<vmem>>) dst(%dma_wait3A_238 : memref<10000x128xf32, #tpu.memory_space<vmem_shared>>)
      tpu.yield
    }) : () -> ()
    %barrier3A_227 = arith.constant 0 : index
    tpu.barrier barrier_id(%barrier3A_227)
    "tpu.region"() ({
      %run_scoped3A = tpu.sem_alloc : memref<!tpu.dma_semaphore, #tpu.memory_space<semaphore_mem>>
      %dma_start3A_233 = arith.constant 0 : i32
      %dma_start3A_234 = tpu.memref_slice %arg6[%arg0, %mul3A_2, %dma_start3A_233] : memref<2x10000x128xf32, #tpu.memory_space<hbm>> -> memref<1x624x128xf32, #tpu.memory_space<hbm>>
      %dma_start3A_235 = tpu.memref_squeeze %dma_start3A_234 : memref<1x624x128xf32, #tpu.memory_space<hbm>> -> memref<624x128xf32, #tpu.memory_space<hbm>>
      %dma_start3A_236 = arith.constant 0 : i32
      %dma_start3A_237 = tpu.memref_slice %arg21[%mul3A_2, %dma_start3A_236] : memref<10000x128xf32, #tpu.memory_space<vmem_shared>> -> memref<624x128xf32, #tpu.memory_space<vmem_shared>>
      tpu.enqueue_dma source(%dma_start3A_237 : memref<624x128xf32, #tpu.memory_space<vmem_shared>>) target(%dma_start3A_235 : memref<624x128xf32, #tpu.memory_space<hbm>>) target_semaphore(%run_scoped3A : memref<!tpu.dma_semaphore, #tpu.memory_space<semaphore_mem>>)
      %dma_wait3A_238 = arith.constant 0 : i32
      %dma_wait3A_239 = tpu.memref_slice %arg6[%arg0, %mul3A_2, %dma_wait3A_238] : memref<2x10000x128xf32, #tpu.memory_space<hbm>> -> memref<1x624x128xf32, #tpu.memory_space<hbm>>
      %dma_wait3A_240 = tpu.memref_squeeze %dma_wait3A_239 : memref<1x624x128xf32, #tpu.memory_space<hbm>> -> memref<624x128xf32, #tpu.memory_space<hbm>>
      %dma_wait3A_241 = arith.constant 0 : i32
      %dma_wait3A_242 = tpu.memref_slice %arg21[%mul3A_2, %dma_wait3A_241] : memref<10000x128xf32, #tpu.memory_space<vmem_shared>> -> memref<624x128xf32, #tpu.memory_space<vmem_shared>>
      tpu.wait_dma2 semaphore(%run_scoped3A : memref<!tpu.dma_semaphore, #tpu.memory_space<semaphore_mem>>) src(%dma_wait3A_242 : memref<624x128xf32, #tpu.memory_space<vmem_shared>>) dst(%dma_wait3A_240 : memref<624x128xf32, #tpu.memory_space<hbm>>)
      tpu.yield
    }) : () -> ()
    %eq3A_228 = arith.constant 15 : i32
    %eq3A_229 = arith.cmpi eq, %arg1, %eq3A_228 : i32
    %convert_element_type3A_230 = arith.extui %eq3A_229 : i1 to i32
    %cond3A_231 = arith.constant 0 : i32
    %cond3A_232 = arith.cmpi ne, %convert_element_type3A_230, %cond3A_231 : i32
    scf.if %cond3A_232 {
      "tpu.region"() ({
        %run_scoped3A = tpu.sem_alloc : memref<!tpu.dma_semaphore, #tpu.memory_space<semaphore_mem>>
        %dma_start3A_233 = arith.constant 9984 : i32
        %dma_start3A_234 = arith.constant 0 : i32
        %dma_start3A_235 = tpu.memref_slice %arg6[%arg0, %dma_start3A_233, %dma_start3A_234] : memref<2x10000x128xf32, #tpu.memory_space<hbm>> -> memref<1x16x128xf32, #tpu.memory_space<hbm>>
        %dma_start3A_236 = tpu.memref_squeeze %dma_start3A_235 : memref<1x16x128xf32, #tpu.memory_space<hbm>> -> memref<16x128xf32, #tpu.memory_space<hbm>>
        %dma_start3A_237 = arith.constant 9984 : i32
        %dma_start3A_238 = arith.constant 0 : i32
        %dma_start3A_239 = tpu.memref_slice %arg21[%dma_start3A_237, %dma_start3A_238] : memref<10000x128xf32, #tpu.memory_space<vmem_shared>> -> memref<16x128xf32, #tpu.memory_space<vmem_shared>>
        tpu.enqueue_dma source(%dma_start3A_239 : memref<16x128xf32, #tpu.memory_space<vmem_shared>>) target(%dma_start3A_236 : memref<16x128xf32, #tpu.memory_space<hbm>>) target_semaphore(%run_scoped3A : memref<!tpu.dma_semaphore, #tpu.memory_space<semaphore_mem>>)
        %dma_wait3A_240 = arith.constant 9984 : i32
        %dma_wait3A_241 = arith.constant 0 : i32
        %dma_wait3A_242 = tpu.memref_slice %arg6[%arg0, %dma_wait3A_240, %dma_wait3A_241] : memref<2x10000x128xf32, #tpu.memory_space<hbm>> -> memref<1x16x128xf32, #tpu.memory_space<hbm>>
        %dma_wait3A_243 = tpu.memref_squeeze %dma_wait3A_242 : memref<1x16x128xf32, #tpu.memory_space<hbm>> -> memref<16x128xf32, #tpu.memory_space<hbm>>
        %dma_wait3A_244 = arith.constant 9984 : i32
        %dma_wait3A_245 = arith.constant 0 : i32
        %dma_wait3A_246 = tpu.memref_slice %arg21[%dma_wait3A_244, %dma_wait3A_245] : memref<10000x128xf32, #tpu.memory_space<vmem_shared>> -> memref<16x128xf32, #tpu.memory_space<vmem_shared>>
        tpu.wait_dma2 semaphore(%run_scoped3A : memref<!tpu.dma_semaphore, #tpu.memory_space<semaphore_mem>>) src(%dma_wait3A_246 : memref<16x128xf32, #tpu.memory_space<vmem_shared>>) dst(%dma_wait3A_243 : memref<16x128xf32, #tpu.memory_space<hbm>>)
        tpu.yield
      }) : () -> ()
    } else {
    }
    return
  }
}

#map = affine_map<(d0, d1) -> (0, 0)>
#map1 = affine_map<(d0, d1) -> (0)>
#map2 = affine_map<(d0, d1) -> (0, 0, 0)>
module attributes {stable_mosaic.version = 14 : i64} {
  func.func @_sc_agg_body(%arg0: i32, %arg1: i32, %arg2: memref<10000x128xf32, #tpu.memory_space<hbm>>, %arg3: memref<320000xi32, #tpu.memory_space<hbm>>, %arg4: memref<320000xi32, #tpu.memory_space<hbm>>, %arg5: memref<10000x128xf32, #tpu.memory_space<hbm>>, %arg6: memref<10000xf32, #tpu.memory_space<hbm>>, %arg7: memref<2x10000x128xf32, #tpu.memory_space<hbm>>, %arg8: memref<320000xf32, #tpu.memory_space<hbm>>, %arg9: memref<96xi32, #tpu.memory_space<vmem>>, %arg10: memref<96xi32, #tpu.memory_space<vmem>>, %arg11: memref<96xi32, #tpu.memory_space<vmem>>, %arg12: memref<96xi32, #tpu.memory_space<vmem>>, %arg13: memref<96xi32, #tpu.memory_space<vmem>>, %arg14: memref<96xi32, #tpu.memory_space<vmem>>, %arg15: memref<96xi32, #tpu.memory_space<vmem>>, %arg16: memref<96xi32, #tpu.memory_space<vmem>>, %arg17: memref<96x128xf32, #tpu.memory_space<vmem>>, %arg18: memref<96x128xf32, #tpu.memory_space<vmem>>, %arg19: memref<96x128xf32, #tpu.memory_space<vmem>>, %arg20: memref<16xi32, #tpu.memory_space<vmem>>, %arg21: memref<16xi32, #tpu.memory_space<vmem>>, %arg22: memref<16x128xf32, #tpu.memory_space<vmem>>, %arg23: memref<10000xf32, #tpu.memory_space<vmem>>, %arg24: memref<10000x128xf32, #tpu.memory_space<vmem_shared>>, %arg25: memref<!tpu.dma_semaphore, #tpu.memory_space<semaphore_mem>>, %arg26: memref<!tpu.dma_semaphore, #tpu.memory_space<semaphore_mem>>, %arg27: memref<!tpu.dma_semaphore, #tpu.memory_space<semaphore_mem>>, %arg28: memref<!tpu.dma_semaphore, #tpu.memory_space<semaphore_mem>>, %arg29: memref<!tpu.dma_semaphore, #tpu.memory_space<semaphore_mem>>, %arg30: memref<!tpu.dma_semaphore, #tpu.memory_space<semaphore_mem>>, %arg31: memref<!tpu.dma_semaphore, #tpu.memory_space<semaphore_mem>>, %arg32: memref<!tpu.dma_semaphore, #tpu.memory_space<semaphore_mem>>, %arg33: memref<!tpu.dma_semaphore, #tpu.memory_space<semaphore_mem>>, %arg34: memref<!tpu.dma_semaphore, #tpu.memory_space<semaphore_mem>>) attributes {dimension_semantics = [#tpu.dimension_semantics<core_parallel>, #tpu.dimension_semantics<subcore_parallel>], iteration_bounds = array<i64: 2, 16>, scalar_prefetch = 0 : i64, scratch_operands = 26 : i64, tpu.core_type = #tpu.core_type<sc_vector_subcore>, window_params = [{transform_indices = #map}, {transform_indices = #map1}, {transform_indices = #map1}, {transform_indices = #map}, {transform_indices = #map1}, {transform_indices = #map2}, {transform_indices = #map1}]} {
    %mul3A = arith.constant 2 : i32
    %mul3A_0 = arith.muli %arg1, %mul3A : i32
    %add3A = arith.addi %mul3A_0, %arg0 : i32
    %mul3A_1 = arith.constant 624 : i32
    %mul3A_2 = arith.muli %arg1, %mul3A_1 : i32
    "tpu.region"() ({
      %run_scoped3A = tpu.sem_alloc : memref<!tpu.dma_semaphore, #tpu.memory_space<semaphore_mem>>
      %dma_start3A_332 = arith.constant 0 : i32
      %dma_start3A_333 = tpu.memref_slice %arg24[%mul3A_2, %dma_start3A_332] : memref<10000x128xf32, #tpu.memory_space<vmem_shared>> -> memref<624x128xf32, #tpu.memory_space<vmem_shared>>
      %dma_start3A_334 = arith.constant 0 : i32
      %dma_start3A_335 = tpu.memref_slice %arg5[%mul3A_2, %dma_start3A_334] : memref<10000x128xf32, #tpu.memory_space<hbm>> -> memref<624x128xf32, #tpu.memory_space<hbm>>
      tpu.enqueue_dma source(%dma_start3A_335 : memref<624x128xf32, #tpu.memory_space<hbm>>) target(%dma_start3A_333 : memref<624x128xf32, #tpu.memory_space<vmem_shared>>) target_semaphore(%run_scoped3A : memref<!tpu.dma_semaphore, #tpu.memory_space<semaphore_mem>>)
      %dma_wait3A_336 = arith.constant 0 : i32
      %dma_wait3A_337 = tpu.memref_slice %arg24[%mul3A_2, %dma_wait3A_336] : memref<10000x128xf32, #tpu.memory_space<vmem_shared>> -> memref<624x128xf32, #tpu.memory_space<vmem_shared>>
      %dma_wait3A_338 = arith.constant 0 : i32
      %dma_wait3A_339 = tpu.memref_slice %arg5[%mul3A_2, %dma_wait3A_338] : memref<10000x128xf32, #tpu.memory_space<hbm>> -> memref<624x128xf32, #tpu.memory_space<hbm>>
      tpu.wait_dma2 semaphore(%run_scoped3A : memref<!tpu.dma_semaphore, #tpu.memory_space<semaphore_mem>>) src(%dma_wait3A_339 : memref<624x128xf32, #tpu.memory_space<hbm>>) dst(%dma_wait3A_337 : memref<624x128xf32, #tpu.memory_space<vmem_shared>>)
      tpu.yield
    }) : () -> ()
    "tpu.region"() ({
      %run_scoped3A = tpu.sem_alloc : memref<!tpu.dma_semaphore, #tpu.memory_space<semaphore_mem>>
      tpu.enqueue_dma source(%arg6 : memref<10000xf32, #tpu.memory_space<hbm>>) target(%arg23 : memref<10000xf32, #tpu.memory_space<vmem>>) target_semaphore(%run_scoped3A : memref<!tpu.dma_semaphore, #tpu.memory_space<semaphore_mem>>)
      tpu.wait_dma2 semaphore(%run_scoped3A : memref<!tpu.dma_semaphore, #tpu.memory_space<semaphore_mem>>) src(%arg6 : memref<10000xf32, #tpu.memory_space<hbm>>) dst(%arg23 : memref<10000xf32, #tpu.memory_space<vmem>>)
      tpu.yield
    }) : () -> ()
    %eq3A = arith.constant 15 : i32
    %eq3A_3 = arith.cmpi eq, %arg1, %eq3A : i32
    %convert_element_type3A = arith.extui %eq3A_3 : i1 to i32
    %cond3A = arith.constant 0 : i32
    %cond3A_4 = arith.cmpi ne, %convert_element_type3A, %cond3A : i32
    scf.if %cond3A_4 {
      "tpu.region"() ({
        %run_scoped3A = tpu.sem_alloc : memref<!tpu.dma_semaphore, #tpu.memory_space<semaphore_mem>>
        %dma_start3A_332 = arith.constant 9984 : i32
        %dma_start3A_333 = arith.constant 0 : i32
        %dma_start3A_334 = tpu.memref_slice %arg24[%dma_start3A_332, %dma_start3A_333] : memref<10000x128xf32, #tpu.memory_space<vmem_shared>> -> memref<16x128xf32, #tpu.memory_space<vmem_shared>>
        %dma_start3A_335 = arith.constant 9984 : i32
        %dma_start3A_336 = arith.constant 0 : i32
        %dma_start3A_337 = tpu.memref_slice %arg5[%dma_start3A_335, %dma_start3A_336] : memref<10000x128xf32, #tpu.memory_space<hbm>> -> memref<16x128xf32, #tpu.memory_space<hbm>>
        tpu.enqueue_dma source(%dma_start3A_337 : memref<16x128xf32, #tpu.memory_space<hbm>>) target(%dma_start3A_334 : memref<16x128xf32, #tpu.memory_space<vmem_shared>>) target_semaphore(%run_scoped3A : memref<!tpu.dma_semaphore, #tpu.memory_space<semaphore_mem>>)
        %dma_wait3A_338 = arith.constant 9984 : i32
        %dma_wait3A_339 = arith.constant 0 : i32
        %dma_wait3A_340 = tpu.memref_slice %arg24[%dma_wait3A_338, %dma_wait3A_339] : memref<10000x128xf32, #tpu.memory_space<vmem_shared>> -> memref<16x128xf32, #tpu.memory_space<vmem_shared>>
        %dma_wait3A_341 = arith.constant 9984 : i32
        %dma_wait3A_342 = arith.constant 0 : i32
        %dma_wait3A_343 = tpu.memref_slice %arg5[%dma_wait3A_341, %dma_wait3A_342] : memref<10000x128xf32, #tpu.memory_space<hbm>> -> memref<16x128xf32, #tpu.memory_space<hbm>>
        tpu.wait_dma2 semaphore(%run_scoped3A : memref<!tpu.dma_semaphore, #tpu.memory_space<semaphore_mem>>) src(%dma_wait3A_343 : memref<16x128xf32, #tpu.memory_space<hbm>>) dst(%dma_wait3A_340 : memref<16x128xf32, #tpu.memory_space<vmem_shared>>)
        tpu.yield
      }) : () -> ()
    } else {
    }
    %barrier3A = arith.constant 0 : index
    tpu.barrier barrier_id(%barrier3A)
    %mul3A_5 = arith.constant 10000 : i32
    %mul3A_6 = arith.muli %add3A, %mul3A_5 : i32
    %broadcast_in_dim3A = arith.constant 1.000000e+00 : f32
    %broadcast_in_dim3A_7 = vector.broadcast %broadcast_in_dim3A : f32 to vector<16xf32>
    %add3A_8 = arith.constant 0 : i32
    %add3A_9 = arith.addi %mul3A_6, %add3A_8 : i32
    %dma_start3A = tpu.memref_slice %arg3[%add3A_9] : memref<320000xi32, #tpu.memory_space<hbm>> -> memref<96xi32, #tpu.memory_space<hbm>>
    %dma_start3A_10 = tpu.memref_slice %arg3[%add3A_9] : memref<320000xi32, #tpu.memory_space<hbm>> -> memref<96xi32, #tpu.memory_space<hbm>>
    tpu.enqueue_dma source(%dma_start3A_10 : memref<96xi32, #tpu.memory_space<hbm>>) target(%arg9 : memref<96xi32, #tpu.memory_space<vmem>>) target_semaphore(%arg31 : memref<!tpu.dma_semaphore, #tpu.memory_space<semaphore_mem>>)
    %dma_start3A_11 = tpu.memref_slice %arg4[%add3A_9] : memref<320000xi32, #tpu.memory_space<hbm>> -> memref<96xi32, #tpu.memory_space<hbm>>
    %dma_start3A_12 = tpu.memref_slice %arg4[%add3A_9] : memref<320000xi32, #tpu.memory_space<hbm>> -> memref<96xi32, #tpu.memory_space<hbm>>
    tpu.enqueue_dma source(%dma_start3A_12 : memref<96xi32, #tpu.memory_space<hbm>>) target(%arg13 : memref<96xi32, #tpu.memory_space<vmem>>) target_semaphore(%arg31 : memref<!tpu.dma_semaphore, #tpu.memory_space<semaphore_mem>>)
    %add3A_13 = arith.constant 96 : i32
    %add3A_14 = arith.addi %mul3A_6, %add3A_13 : i32
    %dma_start3A_15 = tpu.memref_slice %arg3[%add3A_14] : memref<320000xi32, #tpu.memory_space<hbm>> -> memref<96xi32, #tpu.memory_space<hbm>>
    %dma_start3A_16 = tpu.memref_slice %arg3[%add3A_14] : memref<320000xi32, #tpu.memory_space<hbm>> -> memref<96xi32, #tpu.memory_space<hbm>>
    tpu.enqueue_dma source(%dma_start3A_16 : memref<96xi32, #tpu.memory_space<hbm>>) target(%arg10 : memref<96xi32, #tpu.memory_space<vmem>>) target_semaphore(%arg32 : memref<!tpu.dma_semaphore, #tpu.memory_space<semaphore_mem>>)
    %dma_start3A_17 = tpu.memref_slice %arg4[%add3A_14] : memref<320000xi32, #tpu.memory_space<hbm>> -> memref<96xi32, #tpu.memory_space<hbm>>
    %dma_start3A_18 = tpu.memref_slice %arg4[%add3A_14] : memref<320000xi32, #tpu.memory_space<hbm>> -> memref<96xi32, #tpu.memory_space<hbm>>
    tpu.enqueue_dma source(%dma_start3A_18 : memref<96xi32, #tpu.memory_space<hbm>>) target(%arg14 : memref<96xi32, #tpu.memory_space<vmem>>) target_semaphore(%arg32 : memref<!tpu.dma_semaphore, #tpu.memory_space<semaphore_mem>>)
    %add3A_19 = arith.constant 192 : i32
    %add3A_20 = arith.addi %mul3A_6, %add3A_19 : i32
    %dma_start3A_21 = tpu.memref_slice %arg3[%add3A_20] : memref<320000xi32, #tpu.memory_space<hbm>> -> memref<96xi32, #tpu.memory_space<hbm>>
    %dma_start3A_22 = tpu.memref_slice %arg3[%add3A_20] : memref<320000xi32, #tpu.memory_space<hbm>> -> memref<96xi32, #tpu.memory_space<hbm>>
    tpu.enqueue_dma source(%dma_start3A_22 : memref<96xi32, #tpu.memory_space<hbm>>) target(%arg11 : memref<96xi32, #tpu.memory_space<vmem>>) target_semaphore(%arg33 : memref<!tpu.dma_semaphore, #tpu.memory_space<semaphore_mem>>)
    %dma_start3A_23 = tpu.memref_slice %arg4[%add3A_20] : memref<320000xi32, #tpu.memory_space<hbm>> -> memref<96xi32, #tpu.memory_space<hbm>>
    %dma_start3A_24 = tpu.memref_slice %arg4[%add3A_20] : memref<320000xi32, #tpu.memory_space<hbm>> -> memref<96xi32, #tpu.memory_space<hbm>>
    tpu.enqueue_dma source(%dma_start3A_24 : memref<96xi32, #tpu.memory_space<hbm>>) target(%arg15 : memref<96xi32, #tpu.memory_space<vmem>>) target_semaphore(%arg33 : memref<!tpu.dma_semaphore, #tpu.memory_space<semaphore_mem>>)
    %dma_wait3A = arith.constant 0 : i32
    %dma_wait3A_25 = tpu.memref_slice %arg3[%dma_wait3A] : memref<320000xi32, #tpu.memory_space<hbm>> -> memref<96xi32, #tpu.memory_space<hbm>>
    %dma_wait3A_26 = arith.constant 0 : i32
    %dma_wait3A_27 = tpu.memref_slice %arg3[%dma_wait3A_26] : memref<320000xi32, #tpu.memory_space<hbm>> -> memref<96xi32, #tpu.memory_space<hbm>>
    tpu.wait_dma2 semaphore(%arg31 : memref<!tpu.dma_semaphore, #tpu.memory_space<semaphore_mem>>) src(%dma_wait3A_27 : memref<96xi32, #tpu.memory_space<hbm>>) dst(%arg9 : memref<96xi32, #tpu.memory_space<vmem>>)
    %dma_wait3A_28 = arith.constant 0 : i32
    %dma_wait3A_29 = tpu.memref_slice %arg4[%dma_wait3A_28] : memref<320000xi32, #tpu.memory_space<hbm>> -> memref<96xi32, #tpu.memory_space<hbm>>
    %dma_wait3A_30 = arith.constant 0 : i32
    %dma_wait3A_31 = tpu.memref_slice %arg4[%dma_wait3A_30] : memref<320000xi32, #tpu.memory_space<hbm>> -> memref<96xi32, #tpu.memory_space<hbm>>
    tpu.wait_dma2 semaphore(%arg31 : memref<!tpu.dma_semaphore, #tpu.memory_space<semaphore_mem>>) src(%dma_wait3A_31 : memref<96xi32, #tpu.memory_space<hbm>>) dst(%arg13 : memref<96xi32, #tpu.memory_space<vmem>>)
    %dma_start3A_32 = arith.constant 0 : i32
    %dma_start3A_33 = arith.constant 0 : i32
    %dma_start3A_34 = tpu.memref_slice %arg2[%dma_start3A_32, %dma_start3A_33] : memref<10000x128xf32, #tpu.memory_space<hbm>> -> memref<10000x128xf32, #tpu.memory_space<hbm>>
    tpu.enqueue_indirect_dma source(%dma_start3A_34 : memref<10000x128xf32, #tpu.memory_space<hbm>>) target(%arg17 : memref<96x128xf32, #tpu.memory_space<vmem>>) offsets(%arg9 : memref<96xi32, #tpu.memory_space<vmem>>) semaphore(%arg25 : memref<!tpu.dma_semaphore, #tpu.memory_space<semaphore_mem>>)
    %dma_wait3A_35 = arith.constant 0 : i32
    %dma_wait3A_36 = tpu.memref_slice %arg3[%dma_wait3A_35] : memref<320000xi32, #tpu.memory_space<hbm>> -> memref<96xi32, #tpu.memory_space<hbm>>
    %dma_wait3A_37 = arith.constant 0 : i32
    %dma_wait3A_38 = tpu.memref_slice %arg3[%dma_wait3A_37] : memref<320000xi32, #tpu.memory_space<hbm>> -> memref<96xi32, #tpu.memory_space<hbm>>
    tpu.wait_dma2 semaphore(%arg32 : memref<!tpu.dma_semaphore, #tpu.memory_space<semaphore_mem>>) src(%dma_wait3A_38 : memref<96xi32, #tpu.memory_space<hbm>>) dst(%arg10 : memref<96xi32, #tpu.memory_space<vmem>>)
    %dma_wait3A_39 = arith.constant 0 : i32
    %dma_wait3A_40 = tpu.memref_slice %arg4[%dma_wait3A_39] : memref<320000xi32, #tpu.memory_space<hbm>> -> memref<96xi32, #tpu.memory_space<hbm>>
    %dma_wait3A_41 = arith.constant 0 : i32
    %dma_wait3A_42 = tpu.memref_slice %arg4[%dma_wait3A_41] : memref<320000xi32, #tpu.memory_space<hbm>> -> memref<96xi32, #tpu.memory_space<hbm>>
    tpu.wait_dma2 semaphore(%arg32 : memref<!tpu.dma_semaphore, #tpu.memory_space<semaphore_mem>>) src(%dma_wait3A_42 : memref<96xi32, #tpu.memory_space<hbm>>) dst(%arg14 : memref<96xi32, #tpu.memory_space<vmem>>)
    %dma_start3A_43 = arith.constant 0 : i32
    %dma_start3A_44 = arith.constant 0 : i32
    %dma_start3A_45 = tpu.memref_slice %arg2[%dma_start3A_43, %dma_start3A_44] : memref<10000x128xf32, #tpu.memory_space<hbm>> -> memref<10000x128xf32, #tpu.memory_space<hbm>>
    tpu.enqueue_indirect_dma source(%dma_start3A_45 : memref<10000x128xf32, #tpu.memory_space<hbm>>) target(%arg18 : memref<96x128xf32, #tpu.memory_space<vmem>>) offsets(%arg10 : memref<96xi32, #tpu.memory_space<vmem>>) semaphore(%arg26 : memref<!tpu.dma_semaphore, #tpu.memory_space<semaphore_mem>>)
    %dma_wait3A_46 = arith.constant 0 : i32
    %dma_wait3A_47 = arith.constant 0 : i32
    %dma_wait3A_48 = tpu.memref_slice %arg2[%dma_wait3A_46, %dma_wait3A_47] : memref<10000x128xf32, #tpu.memory_space<hbm>> -> memref<10000x128xf32, #tpu.memory_space<hbm>>
    tpu.wait_indirect_dma semaphore(%arg25 : memref<!tpu.dma_semaphore, #tpu.memory_space<semaphore_mem>>) src(%dma_wait3A_48 : memref<10000x128xf32, #tpu.memory_space<hbm>>) dst(%arg17 : memref<96x128xf32, #tpu.memory_space<vmem>>)
    %dma_start3A_49 = arith.constant 0 : i32
    %dma_start3A_50 = arith.constant 0 : i32
    %dma_start3A_51 = tpu.memref_slice %arg24[%dma_start3A_49, %dma_start3A_50] : memref<10000x128xf32, #tpu.memory_space<vmem_shared>> -> memref<10000x128xf32, #tpu.memory_space<vmem_shared>>
    tpu.enqueue_indirect_dma source(%arg17 : memref<96x128xf32, #tpu.memory_space<vmem>>) target(%dma_start3A_51 : memref<10000x128xf32, #tpu.memory_space<vmem_shared>>) offsets(%arg13 : memref<96xi32, #tpu.memory_space<vmem>>) semaphore(%arg28 : memref<!tpu.dma_semaphore, #tpu.memory_space<semaphore_mem>>) {add = true}
    %get3A = arith.constant 0 : index
    %get3A_52 = tpu.vector_load %arg13[%get3A] {strides = array<i32>} : memref<96xi32, #tpu.memory_space<vmem>>, vector<16xi32>,
    tpu.vector_store_idx %arg23[%get3A_52], %broadcast_in_dim3A_7 {add = true} : memref<10000xf32, #tpu.memory_space<vmem>>[vector<16xi32>], vector<16xf32>,
    %get3A_53 = arith.constant 16 : index
    %get3A_54 = tpu.vector_load %arg13[%get3A_53] {strides = array<i32>} : memref<96xi32, #tpu.memory_space<vmem>>, vector<16xi32>,
    tpu.vector_store_idx %arg23[%get3A_54], %broadcast_in_dim3A_7 {add = true} : memref<10000xf32, #tpu.memory_space<vmem>>[vector<16xi32>], vector<16xf32>,
    %get3A_55 = arith.constant 32 : index
    %get3A_56 = tpu.vector_load %arg13[%get3A_55] {strides = array<i32>} : memref<96xi32, #tpu.memory_space<vmem>>, vector<16xi32>,
    tpu.vector_store_idx %arg23[%get3A_56], %broadcast_in_dim3A_7 {add = true} : memref<10000xf32, #tpu.memory_space<vmem>>[vector<16xi32>], vector<16xf32>,
    %get3A_57 = arith.constant 48 : index
    %get3A_58 = tpu.vector_load %arg13[%get3A_57] {strides = array<i32>} : memref<96xi32, #tpu.memory_space<vmem>>, vector<16xi32>,
    tpu.vector_store_idx %arg23[%get3A_58], %broadcast_in_dim3A_7 {add = true} : memref<10000xf32, #tpu.memory_space<vmem>>[vector<16xi32>], vector<16xf32>,
    %get3A_59 = arith.constant 64 : index
    %get3A_60 = tpu.vector_load %arg13[%get3A_59] {strides = array<i32>} : memref<96xi32, #tpu.memory_space<vmem>>, vector<16xi32>,
    tpu.vector_store_idx %arg23[%get3A_60], %broadcast_in_dim3A_7 {add = true} : memref<10000xf32, #tpu.memory_space<vmem>>[vector<16xi32>], vector<16xf32>,
    %get3A_61 = arith.constant 80 : index
    %get3A_62 = tpu.vector_load %arg13[%get3A_61] {strides = array<i32>} : memref<96xi32, #tpu.memory_space<vmem>>, vector<16xi32>,
    tpu.vector_store_idx %arg23[%get3A_62], %broadcast_in_dim3A_7 {add = true} : memref<10000xf32, #tpu.memory_space<vmem>>[vector<16xi32>], vector<16xf32>,
    %add3A_63 = arith.constant 288 : i32
    %add3A_64 = arith.addi %mul3A_6, %add3A_63 : i32
    %dma_start3A_65 = tpu.memref_slice %arg3[%add3A_64] : memref<320000xi32, #tpu.memory_space<hbm>> -> memref<96xi32, #tpu.memory_space<hbm>>
    %dma_start3A_66 = tpu.memref_slice %arg3[%add3A_64] : memref<320000xi32, #tpu.memory_space<hbm>> -> memref<96xi32, #tpu.memory_space<hbm>>
    tpu.enqueue_dma source(%dma_start3A_66 : memref<96xi32, #tpu.memory_space<hbm>>) target(%arg12 : memref<96xi32, #tpu.memory_space<vmem>>) target_semaphore(%arg34 : memref<!tpu.dma_semaphore, #tpu.memory_space<semaphore_mem>>)
    %dma_start3A_67 = tpu.memref_slice %arg4[%add3A_64] : memref<320000xi32, #tpu.memory_space<hbm>> -> memref<96xi32, #tpu.memory_space<hbm>>
    %dma_start3A_68 = tpu.memref_slice %arg4[%add3A_64] : memref<320000xi32, #tpu.memory_space<hbm>> -> memref<96xi32, #tpu.memory_space<hbm>>
    tpu.enqueue_dma source(%dma_start3A_68 : memref<96xi32, #tpu.memory_space<hbm>>) target(%arg16 : memref<96xi32, #tpu.memory_space<vmem>>) target_semaphore(%arg34 : memref<!tpu.dma_semaphore, #tpu.memory_space<semaphore_mem>>)
    %dma_wait3A_69 = arith.constant 0 : i32
    %dma_wait3A_70 = tpu.memref_slice %arg3[%dma_wait3A_69] : memref<320000xi32, #tpu.memory_space<hbm>> -> memref<96xi32, #tpu.memory_space<hbm>>
    %dma_wait3A_71 = arith.constant 0 : i32
    %dma_wait3A_72 = tpu.memref_slice %arg3[%dma_wait3A_71] : memref<320000xi32, #tpu.memory_space<hbm>> -> memref<96xi32, #tpu.memory_space<hbm>>
    tpu.wait_dma2 semaphore(%arg33 : memref<!tpu.dma_semaphore, #tpu.memory_space<semaphore_mem>>) src(%dma_wait3A_72 : memref<96xi32, #tpu.memory_space<hbm>>) dst(%arg11 : memref<96xi32, #tpu.memory_space<vmem>>)
    %dma_wait3A_73 = arith.constant 0 : i32
    %dma_wait3A_74 = tpu.memref_slice %arg4[%dma_wait3A_73] : memref<320000xi32, #tpu.memory_space<hbm>> -> memref<96xi32, #tpu.memory_space<hbm>>
    %dma_wait3A_75 = arith.constant 0 : i32
    %dma_wait3A_76 = tpu.memref_slice %arg4[%dma_wait3A_75] : memref<320000xi32, #tpu.memory_space<hbm>> -> memref<96xi32, #tpu.memory_space<hbm>>
    tpu.wait_dma2 semaphore(%arg33 : memref<!tpu.dma_semaphore, #tpu.memory_space<semaphore_mem>>) src(%dma_wait3A_76 : memref<96xi32, #tpu.memory_space<hbm>>) dst(%arg15 : memref<96xi32, #tpu.memory_space<vmem>>)
    %dma_start3A_77 = arith.constant 0 : i32
    %dma_start3A_78 = arith.constant 0 : i32
    %dma_start3A_79 = tpu.memref_slice %arg2[%dma_start3A_77, %dma_start3A_78] : memref<10000x128xf32, #tpu.memory_space<hbm>> -> memref<10000x128xf32, #tpu.memory_space<hbm>>
    tpu.enqueue_indirect_dma source(%dma_start3A_79 : memref<10000x128xf32, #tpu.memory_space<hbm>>) target(%arg19 : memref<96x128xf32, #tpu.memory_space<vmem>>) offsets(%arg11 : memref<96xi32, #tpu.memory_space<vmem>>) semaphore(%arg27 : memref<!tpu.dma_semaphore, #tpu.memory_space<semaphore_mem>>)
    %dma_wait3A_80 = arith.constant 0 : i32
    %dma_wait3A_81 = arith.constant 0 : i32
    %dma_wait3A_82 = tpu.memref_slice %arg2[%dma_wait3A_80, %dma_wait3A_81] : memref<10000x128xf32, #tpu.memory_space<hbm>> -> memref<10000x128xf32, #tpu.memory_space<hbm>>
    tpu.wait_indirect_dma semaphore(%arg26 : memref<!tpu.dma_semaphore, #tpu.memory_space<semaphore_mem>>) src(%dma_wait3A_82 : memref<10000x128xf32, #tpu.memory_space<hbm>>) dst(%arg18 : memref<96x128xf32, #tpu.memory_space<vmem>>)
    %dma_start3A_83 = arith.constant 0 : i32
    %dma_start3A_84 = arith.constant 0 : i32
    %dma_start3A_85 = tpu.memref_slice %arg24[%dma_start3A_83, %dma_start3A_84] : memref<10000x128xf32, #tpu.memory_space<vmem_shared>> -> memref<10000x128xf32, #tpu.memory_space<vmem_shared>>
    tpu.enqueue_indirect_dma source(%arg18 : memref<96x128xf32, #tpu.memory_space<vmem>>) target(%dma_start3A_85 : memref<10000x128xf32, #tpu.memory_space<vmem_shared>>) offsets(%arg14 : memref<96xi32, #tpu.memory_space<vmem>>) semaphore(%arg29 : memref<!tpu.dma_semaphore, #tpu.memory_space<semaphore_mem>>) {add = true}
    %get3A_86 = arith.constant 0 : index
    %get3A_87 = tpu.vector_load %arg14[%get3A_86] {strides = array<i32>} : memref<96xi32, #tpu.memory_space<vmem>>, vector<16xi32>,
    tpu.vector_store_idx %arg23[%get3A_87], %broadcast_in_dim3A_7 {add = true} : memref<10000xf32, #tpu.memory_space<vmem>>[vector<16xi32>], vector<16xf32>,
    %get3A_88 = arith.constant 16 : index
    %get3A_89 = tpu.vector_load %arg14[%get3A_88] {strides = array<i32>} : memref<96xi32, #tpu.memory_space<vmem>>, vector<16xi32>,
    tpu.vector_store_idx %arg23[%get3A_89], %broadcast_in_dim3A_7 {add = true} : memref<10000xf32, #tpu.memory_space<vmem>>[vector<16xi32>], vector<16xf32>,
    %get3A_90 = arith.constant 32 : index
    %get3A_91 = tpu.vector_load %arg14[%get3A_90] {strides = array<i32>} : memref<96xi32, #tpu.memory_space<vmem>>, vector<16xi32>,
    tpu.vector_store_idx %arg23[%get3A_91], %broadcast_in_dim3A_7 {add = true} : memref<10000xf32, #tpu.memory_space<vmem>>[vector<16xi32>], vector<16xf32>,
    %get3A_92 = arith.constant 48 : index
    %get3A_93 = tpu.vector_load %arg14[%get3A_92] {strides = array<i32>} : memref<96xi32, #tpu.memory_space<vmem>>, vector<16xi32>,
    tpu.vector_store_idx %arg23[%get3A_93], %broadcast_in_dim3A_7 {add = true} : memref<10000xf32, #tpu.memory_space<vmem>>[vector<16xi32>], vector<16xf32>,
    %get3A_94 = arith.constant 64 : index
    %get3A_95 = tpu.vector_load %arg14[%get3A_94] {strides = array<i32>} : memref<96xi32, #tpu.memory_space<vmem>>, vector<16xi32>,
    tpu.vector_store_idx %arg23[%get3A_95], %broadcast_in_dim3A_7 {add = true} : memref<10000xf32, #tpu.memory_space<vmem>>[vector<16xi32>], vector<16xf32>,
    %get3A_96 = arith.constant 80 : index
    %get3A_97 = tpu.vector_load %arg14[%get3A_96] {strides = array<i32>} : memref<96xi32, #tpu.memory_space<vmem>>, vector<16xi32>,
    tpu.vector_store_idx %arg23[%get3A_97], %broadcast_in_dim3A_7 {add = true} : memref<10000xf32, #tpu.memory_space<vmem>>[vector<16xi32>], vector<16xf32>,
    %dma_wait3A_98 = arith.constant 0 : i32
    %dma_wait3A_99 = arith.constant 0 : i32
    %dma_wait3A_100 = tpu.memref_slice %arg24[%dma_wait3A_98, %dma_wait3A_99] : memref<10000x128xf32, #tpu.memory_space<vmem_shared>> -> memref<10000x128xf32, #tpu.memory_space<vmem_shared>>
    tpu.wait_indirect_dma semaphore(%arg28 : memref<!tpu.dma_semaphore, #tpu.memory_space<semaphore_mem>>) src(%arg17 : memref<96x128xf32, #tpu.memory_space<vmem>>) dst(%dma_wait3A_100 : memref<10000x128xf32, #tpu.memory_space<vmem_shared>>)
    %add3A_101 = arith.constant 384 : i32
    %add3A_102 = arith.addi %mul3A_6, %add3A_101 : i32
    %dma_start3A_103 = tpu.memref_slice %arg3[%add3A_102] : memref<320000xi32, #tpu.memory_space<hbm>> -> memref<96xi32, #tpu.memory_space<hbm>>
    %dma_start3A_104 = tpu.memref_slice %arg3[%add3A_102] : memref<320000xi32, #tpu.memory_space<hbm>> -> memref<96xi32, #tpu.memory_space<hbm>>
    tpu.enqueue_dma source(%dma_start3A_104 : memref<96xi32, #tpu.memory_space<hbm>>) target(%arg9 : memref<96xi32, #tpu.memory_space<vmem>>) target_semaphore(%arg31 : memref<!tpu.dma_semaphore, #tpu.memory_space<semaphore_mem>>)
    %dma_start3A_105 = tpu.memref_slice %arg4[%add3A_102] : memref<320000xi32, #tpu.memory_space<hbm>> -> memref<96xi32, #tpu.memory_space<hbm>>
    %dma_start3A_106 = tpu.memref_slice %arg4[%add3A_102] : memref<320000xi32, #tpu.memory_space<hbm>> -> memref<96xi32, #tpu.memory_space<hbm>>
    tpu.enqueue_dma source(%dma_start3A_106 : memref<96xi32, #tpu.memory_space<hbm>>) target(%arg13 : memref<96xi32, #tpu.memory_space<vmem>>) target_semaphore(%arg31 : memref<!tpu.dma_semaphore, #tpu.memory_space<semaphore_mem>>)
    %dma_wait3A_107 = arith.constant 0 : i32
    %dma_wait3A_108 = tpu.memref_slice %arg3[%dma_wait3A_107] : memref<320000xi32, #tpu.memory_space<hbm>> -> memref<96xi32, #tpu.memory_space<hbm>>
    %dma_wait3A_109 = arith.constant 0 : i32
    %dma_wait3A_110 = tpu.memref_slice %arg3[%dma_wait3A_109] : memref<320000xi32, #tpu.memory_space<hbm>> -> memref<96xi32, #tpu.memory_space<hbm>>
    tpu.wait_dma2 semaphore(%arg34 : memref<!tpu.dma_semaphore, #tpu.memory_space<semaphore_mem>>) src(%dma_wait3A_110 : memref<96xi32, #tpu.memory_space<hbm>>) dst(%arg12 : memref<96xi32, #tpu.memory_space<vmem>>)
    %dma_wait3A_111 = arith.constant 0 : i32
    %dma_wait3A_112 = tpu.memref_slice %arg4[%dma_wait3A_111] : memref<320000xi32, #tpu.memory_space<hbm>> -> memref<96xi32, #tpu.memory_space<hbm>>
    %dma_wait3A_113 = arith.constant 0 : i32
    %dma_wait3A_114 = tpu.memref_slice %arg4[%dma_wait3A_113] : memref<320000xi32, #tpu.memory_space<hbm>> -> memref<96xi32, #tpu.memory_space<hbm>>
    tpu.wait_dma2 semaphore(%arg34 : memref<!tpu.dma_semaphore, #tpu.memory_space<semaphore_mem>>) src(%dma_wait3A_114 : memref<96xi32, #tpu.memory_space<hbm>>) dst(%arg16 : memref<96xi32, #tpu.memory_space<vmem>>)
    %dma_start3A_115 = arith.constant 0 : i32
    %dma_start3A_116 = arith.constant 0 : i32
    %dma_start3A_117 = tpu.memref_slice %arg2[%dma_start3A_115, %dma_start3A_116] : memref<10000x128xf32, #tpu.memory_space<hbm>> -> memref<10000x128xf32, #tpu.memory_space<hbm>>
    tpu.enqueue_indirect_dma source(%dma_start3A_117 : memref<10000x128xf32, #tpu.memory_space<hbm>>) target(%arg17 : memref<96x128xf32, #tpu.memory_space<vmem>>) offsets(%arg12 : memref<96xi32, #tpu.memory_space<vmem>>) semaphore(%arg25 : memref<!tpu.dma_semaphore, #tpu.memory_space<semaphore_mem>>)
    %dma_wait3A_118 = arith.constant 0 : i32
    %dma_wait3A_119 = arith.constant 0 : i32
    %dma_wait3A_120 = tpu.memref_slice %arg2[%dma_wait3A_118, %dma_wait3A_119] : memref<10000x128xf32, #tpu.memory_space<hbm>> -> memref<10000x128xf32, #tpu.memory_space<hbm>>
    tpu.wait_indirect_dma semaphore(%arg27 : memref<!tpu.dma_semaphore, #tpu.memory_space<semaphore_mem>>) src(%dma_wait3A_120 : memref<10000x128xf32, #tpu.memory_space<hbm>>) dst(%arg19 : memref<96x128xf32, #tpu.memory_space<vmem>>)
    %dma_start3A_121 = arith.constant 0 : i32
    %dma_start3A_122 = arith.constant 0 : i32
    %dma_start3A_123 = tpu.memref_slice %arg24[%dma_start3A_121, %dma_start3A_122] : memref<10000x128xf32, #tpu.memory_space<vmem_shared>> -> memref<10000x128xf32, #tpu.memory_space<vmem_shared>>
    tpu.enqueue_indirect_dma source(%arg19 : memref<96x128xf32, #tpu.memory_space<vmem>>) target(%dma_start3A_123 : memref<10000x128xf32, #tpu.memory_space<vmem_shared>>) offsets(%arg15 : memref<96xi32, #tpu.memory_space<vmem>>) semaphore(%arg30 : memref<!tpu.dma_semaphore, #tpu.memory_space<semaphore_mem>>) {add = true}
    %get3A_124 = arith.constant 0 : index
    %get3A_125 = tpu.vector_load %arg15[%get3A_124] {strides = array<i32>} : memref<96xi32, #tpu.memory_space<vmem>>, vector<16xi32>,
    tpu.vector_store_idx %arg23[%get3A_125], %broadcast_in_dim3A_7 {add = true} : memref<10000xf32, #tpu.memory_space<vmem>>[vector<16xi32>], vector<16xf32>,
    %get3A_126 = arith.constant 16 : index
    %get3A_127 = tpu.vector_load %arg15[%get3A_126] {strides = array<i32>} : memref<96xi32, #tpu.memory_space<vmem>>, vector<16xi32>,
    tpu.vector_store_idx %arg23[%get3A_127], %broadcast_in_dim3A_7 {add = true} : memref<10000xf32, #tpu.memory_space<vmem>>[vector<16xi32>], vector<16xf32>,
    %get3A_128 = arith.constant 32 : index
    %get3A_129 = tpu.vector_load %arg15[%get3A_128] {strides = array<i32>} : memref<96xi32, #tpu.memory_space<vmem>>, vector<16xi32>,
    tpu.vector_store_idx %arg23[%get3A_129], %broadcast_in_dim3A_7 {add = true} : memref<10000xf32, #tpu.memory_space<vmem>>[vector<16xi32>], vector<16xf32>,
    %get3A_130 = arith.constant 48 : index
    %get3A_131 = tpu.vector_load %arg15[%get3A_130] {strides = array<i32>} : memref<96xi32, #tpu.memory_space<vmem>>, vector<16xi32>,
    tpu.vector_store_idx %arg23[%get3A_131], %broadcast_in_dim3A_7 {add = true} : memref<10000xf32, #tpu.memory_space<vmem>>[vector<16xi32>], vector<16xf32>,
    %get3A_132 = arith.constant 64 : index
    %get3A_133 = tpu.vector_load %arg15[%get3A_132] {strides = array<i32>} : memref<96xi32, #tpu.memory_space<vmem>>, vector<16xi32>,
    tpu.vector_store_idx %arg23[%get3A_133], %broadcast_in_dim3A_7 {add = true} : memref<10000xf32, #tpu.memory_space<vmem>>[vector<16xi32>], vector<16xf32>,
    %get3A_134 = arith.constant 80 : index
    %get3A_135 = tpu.vector_load %arg15[%get3A_134] {strides = array<i32>} : memref<96xi32, #tpu.memory_space<vmem>>, vector<16xi32>,
    tpu.vector_store_idx %arg23[%get3A_135], %broadcast_in_dim3A_7 {add = true} : memref<10000xf32, #tpu.memory_space<vmem>>[vector<16xi32>], vector<16xf32>,
    %dma_wait3A_136 = arith.constant 0 : i32
    %dma_wait3A_137 = arith.constant 0 : i32
    %dma_wait3A_138 = tpu.memref_slice %arg24[%dma_wait3A_136, %dma_wait3A_137] : memref<10000x128xf32, #tpu.memory_space<vmem_shared>> -> memref<10000x128xf32, #tpu.memory_space<vmem_shared>>
    tpu.wait_indirect_dma semaphore(%arg29 : memref<!tpu.dma_semaphore, #tpu.memory_space<semaphore_mem>>) src(%arg18 : memref<96x128xf32, #tpu.memory_space<vmem>>) dst(%dma_wait3A_138 : memref<10000x128xf32, #tpu.memory_space<vmem_shared>>)
    %add3A_139 = arith.constant 480 : i32
    %add3A_140 = arith.addi %mul3A_6, %add3A_139 : i32
    %dma_start3A_141 = tpu.memref_slice %arg3[%add3A_140] : memref<320000xi32, #tpu.memory_space<hbm>> -> memref<96xi32, #tpu.memory_space<hbm>>
    %dma_start3A_142 = tpu.memref_slice %arg3[%add3A_140] : memref<320000xi32, #tpu.memory_space<hbm>> -> memref<96xi32, #tpu.memory_space<hbm>>
    tpu.enqueue_dma source(%dma_start3A_142 : memref<96xi32, #tpu.memory_space<hbm>>) target(%arg10 : memref<96xi32, #tpu.memory_space<vmem>>) target_semaphore(%arg32 : memref<!tpu.dma_semaphore, #tpu.memory_space<semaphore_mem>>)
    %dma_start3A_143 = tpu.memref_slice %arg4[%add3A_140] : memref<320000xi32, #tpu.memory_space<hbm>> -> memref<96xi32, #tpu.memory_space<hbm>>
    %dma_start3A_144 = tpu.memref_slice %arg4[%add3A_140] : memref<320000xi32, #tpu.memory_space<hbm>> -> memref<96xi32, #tpu.memory_space<hbm>>
    tpu.enqueue_dma source(%dma_start3A_144 : memref<96xi32, #tpu.memory_space<hbm>>) target(%arg14 : memref<96xi32, #tpu.memory_space<vmem>>) target_semaphore(%arg32 : memref<!tpu.dma_semaphore, #tpu.memory_space<semaphore_mem>>)
    %dma_wait3A_145 = arith.constant 0 : i32
    %dma_wait3A_146 = tpu.memref_slice %arg3[%dma_wait3A_145] : memref<320000xi32, #tpu.memory_space<hbm>> -> memref<96xi32, #tpu.memory_space<hbm>>
    %dma_wait3A_147 = arith.constant 0 : i32
    %dma_wait3A_148 = tpu.memref_slice %arg3[%dma_wait3A_147] : memref<320000xi32, #tpu.memory_space<hbm>> -> memref<96xi32, #tpu.memory_space<hbm>>
    tpu.wait_dma2 semaphore(%arg31 : memref<!tpu.dma_semaphore, #tpu.memory_space<semaphore_mem>>) src(%dma_wait3A_148 : memref<96xi32, #tpu.memory_space<hbm>>) dst(%arg9 : memref<96xi32, #tpu.memory_space<vmem>>)
    %dma_wait3A_149 = arith.constant 0 : i32
    %dma_wait3A_150 = tpu.memref_slice %arg4[%dma_wait3A_149] : memref<320000xi32, #tpu.memory_space<hbm>> -> memref<96xi32, #tpu.memory_space<hbm>>
    %dma_wait3A_151 = arith.constant 0 : i32
    %dma_wait3A_152 = tpu.memref_slice %arg4[%dma_wait3A_151] : memref<320000xi32, #tpu.memory_space<hbm>> -> memref<96xi32, #tpu.memory_space<hbm>>
    tpu.wait_dma2 semaphore(%arg31 : memref<!tpu.dma_semaphore, #tpu.memory_space<semaphore_mem>>) src(%dma_wait3A_152 : memref<96xi32, #tpu.memory_space<hbm>>) dst(%arg13 : memref<96xi32, #tpu.memory_space<vmem>>)
    %dma_start3A_153 = arith.constant 0 : i32
    %dma_start3A_154 = arith.constant 0 : i32
    %dma_start3A_155 = tpu.memref_slice %arg2[%dma_start3A_153, %dma_start3A_154] : memref<10000x128xf32, #tpu.memory_space<hbm>> -> memref<10000x128xf32, #tpu.memory_space<hbm>>
    tpu.enqueue_indirect_dma source(%dma_start3A_155 : memref<10000x128xf32, #tpu.memory_space<hbm>>) target(%arg18 : memref<96x128xf32, #tpu.memory_space<vmem>>) offsets(%arg9 : memref<96xi32, #tpu.memory_space<vmem>>) semaphore(%arg26 : memref<!tpu.dma_semaphore, #tpu.memory_space<semaphore_mem>>)
    %dma_wait3A_156 = arith.constant 0 : i32
    %dma_wait3A_157 = arith.constant 0 : i32
    %dma_wait3A_158 = tpu.memref_slice %arg2[%dma_wait3A_156, %dma_wait3A_157] : memref<10000x128xf32, #tpu.memory_space<hbm>> -> memref<10000x128xf32, #tpu.memory_space<hbm>>
    tpu.wait_indirect_dma semaphore(%arg25 : memref<!tpu.dma_semaphore, #tpu.memory_space<semaphore_mem>>) src(%dma_wait3A_158 : memref<10000x128xf32, #tpu.memory_space<hbm>>) dst(%arg17 : memref<96x128xf32, #tpu.memory_space<vmem>>)
    %dma_start3A_159 = arith.constant 0 : i32
    %dma_start3A_160 = arith.constant 0 : i32
    %dma_start3A_161 = tpu.memref_slice %arg24[%dma_start3A_159, %dma_start3A_160] : memref<10000x128xf32, #tpu.memory_space<vmem_shared>> -> memref<10000x128xf32, #tpu.memory_space<vmem_shared>>
    tpu.enqueue_indirect_dma source(%arg17 : memref<96x128xf32, #tpu.memory_space<vmem>>) target(%dma_start3A_161 : memref<10000x128xf32, #tpu.memory_space<vmem_shared>>) offsets(%arg16 : memref<96xi32, #tpu.memory_space<vmem>>) semaphore(%arg28 : memref<!tpu.dma_semaphore, #tpu.memory_space<semaphore_mem>>) {add = true}
    %get3A_162 = arith.constant 0 : index
    %get3A_163 = tpu.vector_load %arg16[%get3A_162] {strides = array<i32>} : memref<96xi32, #tpu.memory_space<vmem>>, vector<16xi32>,
    tpu.vector_store_idx %arg23[%get3A_163], %broadcast_in_dim3A_7 {add = true} : memref<10000xf32, #tpu.memory_space<vmem>>[vector<16xi32>], vector<16xf32>,
    %get3A_164 = arith.constant 16 : index
    %get3A_165 = tpu.vector_load %arg16[%get3A_164] {strides = array<i32>} : memref<96xi32, #tpu.memory_space<vmem>>, vector<16xi32>,
    tpu.vector_store_idx %arg23[%get3A_165], %broadcast_in_dim3A_7 {add = true} : memref<10000xf32, #tpu.memory_space<vmem>>[vector<16xi32>], vector<16xf32>,
    %get3A_166 = arith.constant 32 : index
    %get3A_167 = tpu.vector_load %arg16[%get3A_166] {strides = array<i32>} : memref<96xi32, #tpu.memory_space<vmem>>, vector<16xi32>,
    tpu.vector_store_idx %arg23[%get3A_167], %broadcast_in_dim3A_7 {add = true} : memref<10000xf32, #tpu.memory_space<vmem>>[vector<16xi32>], vector<16xf32>,
    %get3A_168 = arith.constant 48 : index
    %get3A_169 = tpu.vector_load %arg16[%get3A_168] {strides = array<i32>} : memref<96xi32, #tpu.memory_space<vmem>>, vector<16xi32>,
    tpu.vector_store_idx %arg23[%get3A_169], %broadcast_in_dim3A_7 {add = true} : memref<10000xf32, #tpu.memory_space<vmem>>[vector<16xi32>], vector<16xf32>,
    %get3A_170 = arith.constant 64 : index
    %get3A_171 = tpu.vector_load %arg16[%get3A_170] {strides = array<i32>} : memref<96xi32, #tpu.memory_space<vmem>>, vector<16xi32>,
    tpu.vector_store_idx %arg23[%get3A_171], %broadcast_in_dim3A_7 {add = true} : memref<10000xf32, #tpu.memory_space<vmem>>[vector<16xi32>], vector<16xf32>,
    %get3A_172 = arith.constant 80 : index
    %get3A_173 = tpu.vector_load %arg16[%get3A_172] {strides = array<i32>} : memref<96xi32, #tpu.memory_space<vmem>>, vector<16xi32>,
    tpu.vector_store_idx %arg23[%get3A_173], %broadcast_in_dim3A_7 {add = true} : memref<10000xf32, #tpu.memory_space<vmem>>[vector<16xi32>], vector<16xf32>,
    %dma_wait3A_174 = arith.constant 0 : i32
    %dma_wait3A_175 = arith.constant 0 : i32
    %dma_wait3A_176 = tpu.memref_slice %arg24[%dma_wait3A_174, %dma_wait3A_175] : memref<10000x128xf32, #tpu.memory_space<vmem_shared>> -> memref<10000x128xf32, #tpu.memory_space<vmem_shared>>
    tpu.wait_indirect_dma semaphore(%arg30 : memref<!tpu.dma_semaphore, #tpu.memory_space<semaphore_mem>>) src(%arg19 : memref<96x128xf32, #tpu.memory_space<vmem>>) dst(%dma_wait3A_176 : memref<10000x128xf32, #tpu.memory_space<vmem_shared>>)
    %add3A_177 = arith.constant 576 : i32
    %add3A_178 = arith.addi %mul3A_6, %add3A_177 : i32
    %dma_start3A_179 = tpu.memref_slice %arg3[%add3A_178] : memref<320000xi32, #tpu.memory_space<hbm>> -> memref<96xi32, #tpu.memory_space<hbm>>
    %dma_start3A_180 = tpu.memref_slice %arg3[%add3A_178] : memref<320000xi32, #tpu.memory_space<hbm>> -> memref<96xi32, #tpu.memory_space<hbm>>
    tpu.enqueue_dma source(%dma_start3A_180 : memref<96xi32, #tpu.memory_space<hbm>>) target(%arg11 : memref<96xi32, #tpu.memory_space<vmem>>) target_semaphore(%arg33 : memref<!tpu.dma_semaphore, #tpu.memory_space<semaphore_mem>>)
    %dma_start3A_181 = tpu.memref_slice %arg4[%add3A_178] : memref<320000xi32, #tpu.memory_space<hbm>> -> memref<96xi32, #tpu.memory_space<hbm>>
    %dma_start3A_182 = tpu.memref_slice %arg4[%add3A_178] : memref<320000xi32, #tpu.memory_space<hbm>> -> memref<96xi32, #tpu.memory_space<hbm>>
    tpu.enqueue_dma source(%dma_start3A_182 : memref<96xi32, #tpu.memory_space<hbm>>) target(%arg15 : memref<96xi32, #tpu.memory_space<vmem>>) target_semaphore(%arg33 : memref<!tpu.dma_semaphore, #tpu.memory_space<semaphore_mem>>)
    %dma_wait3A_183 = arith.constant 0 : i32
    %dma_wait3A_184 = tpu.memref_slice %arg3[%dma_wait3A_183] : memref<320000xi32, #tpu.memory_space<hbm>> -> memref<96xi32, #tpu.memory_space<hbm>>
    %dma_wait3A_185 = arith.constant 0 : i32
    %dma_wait3A_186 = tpu.memref_slice %arg3[%dma_wait3A_185] : memref<320000xi32, #tpu.memory_space<hbm>> -> memref<96xi32, #tpu.memory_space<hbm>>
    tpu.wait_dma2 semaphore(%arg32 : memref<!tpu.dma_semaphore, #tpu.memory_space<semaphore_mem>>) src(%dma_wait3A_186 : memref<96xi32, #tpu.memory_space<hbm>>) dst(%arg10 : memref<96xi32, #tpu.memory_space<vmem>>)
    %dma_wait3A_187 = arith.constant 0 : i32
    %dma_wait3A_188 = tpu.memref_slice %arg4[%dma_wait3A_187] : memref<320000xi32, #tpu.memory_space<hbm>> -> memref<96xi32, #tpu.memory_space<hbm>>
    %dma_wait3A_189 = arith.constant 0 : i32
    %dma_wait3A_190 = tpu.memref_slice %arg4[%dma_wait3A_189] : memref<320000xi32, #tpu.memory_space<hbm>> -> memref<96xi32, #tpu.memory_space<hbm>>
    tpu.wait_dma2 semaphore(%arg32 : memref<!tpu.dma_semaphore, #tpu.memory_space<semaphore_mem>>) src(%dma_wait3A_190 : memref<96xi32, #tpu.memory_space<hbm>>) dst(%arg14 : memref<96xi32, #tpu.memory_space<vmem>>)
    %dma_start3A_191 = arith.constant 0 : i32
    %dma_start3A_192 = arith.constant 0 : i32
    %dma_start3A_193 = tpu.memref_slice %arg2[%dma_start3A_191, %dma_start3A_192] : memref<10000x128xf32, #tpu.memory_space<hbm>> -> memref<10000x128xf32, #tpu.memory_space<hbm>>
    tpu.enqueue_indirect_dma source(%dma_start3A_193 : memref<10000x128xf32, #tpu.memory_space<hbm>>) target(%arg19 : memref<96x128xf32, #tpu.memory_space<vmem>>) offsets(%arg10 : memref<96xi32, #tpu.memory_space<vmem>>) semaphore(%arg27 : memref<!tpu.dma_semaphore, #tpu.memory_space<semaphore_mem>>)
    %scan3A = arith.constant 0 : i32
    %scan3A_194 = arith.constant 0 : i32
    %scan3A_195 = arith.constant 8 : i32
    %scan3A_196 = arith.addi %scan3A_194, %scan3A_195 : i32
    %scan3A_197 = arith.constant 1 : i32
    scf.for %scan3A_332 = %scan3A_194 to %scan3A_196 step %scan3A_197  : i32 {
      %mul3A_333 = arith.constant 12 : i32
      %mul3A_334 = arith.muli %mul3A_333, %scan3A_332 : i32
      %add3A_335 = arith.constant 4 : i32
      %add3A_336 = arith.addi %add3A_335, %mul3A_334 : i32
      %add3A_337 = arith.constant 0 : i32
      %add3A_338 = arith.addi %add3A_336, %add3A_337 : i32
      %dma_wait3A_339 = arith.constant 0 : i32
      %dma_wait3A_340 = arith.constant 0 : i32
      %dma_wait3A_341 = tpu.memref_slice %arg2[%dma_wait3A_339, %dma_wait3A_340] : memref<10000x128xf32, #tpu.memory_space<hbm>> -> memref<10000x128xf32, #tpu.memory_space<hbm>>
      tpu.wait_indirect_dma semaphore(%arg26 : memref<!tpu.dma_semaphore, #tpu.memory_space<semaphore_mem>>) src(%dma_wait3A_341 : memref<10000x128xf32, #tpu.memory_space<hbm>>) dst(%arg18 : memref<96x128xf32, #tpu.memory_space<vmem>>)
      %dma_start3A_342 = arith.constant 0 : i32
      %dma_start3A_343 = arith.constant 0 : i32
      %dma_start3A_344 = tpu.memref_slice %arg24[%dma_start3A_342, %dma_start3A_343] : memref<10000x128xf32, #tpu.memory_space<vmem_shared>> -> memref<10000x128xf32, #tpu.memory_space<vmem_shared>>
      tpu.enqueue_indirect_dma source(%arg18 : memref<96x128xf32, #tpu.memory_space<vmem>>) target(%dma_start3A_344 : memref<10000x128xf32, #tpu.memory_space<vmem_shared>>) offsets(%arg13 : memref<96xi32, #tpu.memory_space<vmem>>) semaphore(%arg29 : memref<!tpu.dma_semaphore, #tpu.memory_space<semaphore_mem>>) {add = true}
      %get3A_345 = arith.constant 0 : index
      %get3A_346 = tpu.vector_load %arg13[%get3A_345] {strides = array<i32>} : memref<96xi32, #tpu.memory_space<vmem>>, vector<16xi32>,
      tpu.vector_store_idx %arg23[%get3A_346], %broadcast_in_dim3A_7 {add = true} : memref<10000xf32, #tpu.memory_space<vmem>>[vector<16xi32>], vector<16xf32>,
      %get3A_347 = arith.constant 16 : index
      %get3A_348 = tpu.vector_load %arg13[%get3A_347] {strides = array<i32>} : memref<96xi32, #tpu.memory_space<vmem>>, vector<16xi32>,
      tpu.vector_store_idx %arg23[%get3A_348], %broadcast_in_dim3A_7 {add = true} : memref<10000xf32, #tpu.memory_space<vmem>>[vector<16xi32>], vector<16xf32>,
      %get3A_349 = arith.constant 32 : index
      %get3A_350 = tpu.vector_load %arg13[%get3A_349] {strides = array<i32>} : memref<96xi32, #tpu.memory_space<vmem>>, vector<16xi32>,
      tpu.vector_store_idx %arg23[%get3A_350], %broadcast_in_dim3A_7 {add = true} : memref<10000xf32, #tpu.memory_space<vmem>>[vector<16xi32>], vector<16xf32>,
      %get3A_351 = arith.constant 48 : index
      %get3A_352 = tpu.vector_load %arg13[%get3A_351] {strides = array<i32>} : memref<96xi32, #tpu.memory_space<vmem>>, vector<16xi32>,
      tpu.vector_store_idx %arg23[%get3A_352], %broadcast_in_dim3A_7 {add = true} : memref<10000xf32, #tpu.memory_space<vmem>>[vector<16xi32>], vector<16xf32>,
      %get3A_353 = arith.constant 64 : index
      %get3A_354 = tpu.vector_load %arg13[%get3A_353] {strides = array<i32>} : memref<96xi32, #tpu.memory_space<vmem>>, vector<16xi32>,
      tpu.vector_store_idx %arg23[%get3A_354], %broadcast_in_dim3A_7 {add = true} : memref<10000xf32, #tpu.memory_space<vmem>>[vector<16xi32>], vector<16xf32>,
      %get3A_355 = arith.constant 80 : index
      %get3A_356 = tpu.vector_load %arg13[%get3A_355] {strides = array<i32>} : memref<96xi32, #tpu.memory_space<vmem>>, vector<16xi32>,
      tpu.vector_store_idx %arg23[%get3A_356], %broadcast_in_dim3A_7 {add = true} : memref<10000xf32, #tpu.memory_space<vmem>>[vector<16xi32>], vector<16xf32>,
      %dma_wait3A_357 = arith.constant 0 : i32
      %dma_wait3A_358 = arith.constant 0 : i32
      %dma_wait3A_359 = tpu.memref_slice %arg24[%dma_wait3A_357, %dma_wait3A_358] : memref<10000x128xf32, #tpu.memory_space<vmem_shared>> -> memref<10000x128xf32, #tpu.memory_space<vmem_shared>>
      tpu.wait_indirect_dma semaphore(%arg28 : memref<!tpu.dma_semaphore, #tpu.memory_space<semaphore_mem>>) src(%arg17 : memref<96x128xf32, #tpu.memory_space<vmem>>) dst(%dma_wait3A_359 : memref<10000x128xf32, #tpu.memory_space<vmem_shared>>)
      %add3A_360 = arith.constant 3 : i32
      %add3A_361 = arith.addi %add3A_338, %add3A_360 : i32
      %mul3A_362 = arith.constant 96 : i32
      %mul3A_363 = arith.muli %add3A_361, %mul3A_362 : i32
      %add3A_364 = arith.addi %mul3A_6, %mul3A_363 : i32
      %dma_start3A_365 = tpu.memref_slice %arg3[%add3A_364] : memref<320000xi32, #tpu.memory_space<hbm>> -> memref<96xi32, #tpu.memory_space<hbm>>
      %dma_start3A_366 = tpu.memref_slice %arg3[%add3A_364] : memref<320000xi32, #tpu.memory_space<hbm>> -> memref<96xi32, #tpu.memory_space<hbm>>
      tpu.enqueue_dma source(%dma_start3A_366 : memref<96xi32, #tpu.memory_space<hbm>>) target(%arg12 : memref<96xi32, #tpu.memory_space<vmem>>) target_semaphore(%arg34 : memref<!tpu.dma_semaphore, #tpu.memory_space<semaphore_mem>>)
      %dma_start3A_367 = tpu.memref_slice %arg4[%add3A_364] : memref<320000xi32, #tpu.memory_space<hbm>> -> memref<96xi32, #tpu.memory_space<hbm>>
      %dma_start3A_368 = tpu.memref_slice %arg4[%add3A_364] : memref<320000xi32, #tpu.memory_space<hbm>> -> memref<96xi32, #tpu.memory_space<hbm>>
      tpu.enqueue_dma source(%dma_start3A_368 : memref<96xi32, #tpu.memory_space<hbm>>) target(%arg16 : memref<96xi32, #tpu.memory_space<vmem>>) target_semaphore(%arg34 : memref<!tpu.dma_semaphore, #tpu.memory_space<semaphore_mem>>)
      %dma_wait3A_369 = arith.constant 0 : i32
      %dma_wait3A_370 = tpu.memref_slice %arg3[%dma_wait3A_369] : memref<320000xi32, #tpu.memory_space<hbm>> -> memref<96xi32, #tpu.memory_space<hbm>>
      %dma_wait3A_371 = arith.constant 0 : i32
      %dma_wait3A_372 = tpu.memref_slice %arg3[%dma_wait3A_371] : memref<320000xi32, #tpu.memory_space<hbm>> -> memref<96xi32, #tpu.memory_space<hbm>>
      tpu.wait_dma2 semaphore(%arg33 : memref<!tpu.dma_semaphore, #tpu.memory_space<semaphore_mem>>) src(%dma_wait3A_372 : memref<96xi32, #tpu.memory_space<hbm>>) dst(%arg11 : memref<96xi32, #tpu.memory_space<vmem>>)
      %dma_wait3A_373 = arith.constant 0 : i32
      %dma_wait3A_374 = tpu.memref_slice %arg4[%dma_wait3A_373] : memref<320000xi32, #tpu.memory_space<hbm>> -> memref<96xi32, #tpu.memory_space<hbm>>
      %dma_wait3A_375 = arith.constant 0 : i32
      %dma_wait3A_376 = tpu.memref_slice %arg4[%dma_wait3A_375] : memref<320000xi32, #tpu.memory_space<hbm>> -> memref<96xi32, #tpu.memory_space<hbm>>
      tpu.wait_dma2 semaphore(%arg33 : memref<!tpu.dma_semaphore, #tpu.memory_space<semaphore_mem>>) src(%dma_wait3A_376 : memref<96xi32, #tpu.memory_space<hbm>>) dst(%arg15 : memref<96xi32, #tpu.memory_space<vmem>>)
      %dma_start3A_377 = arith.constant 0 : i32
      %dma_start3A_378 = arith.constant 0 : i32
      %dma_start3A_379 = tpu.memref_slice %arg2[%dma_start3A_377, %dma_start3A_378] : memref<10000x128xf32, #tpu.memory_space<hbm>> -> memref<10000x128xf32, #tpu.memory_space<hbm>>
      tpu.enqueue_indirect_dma source(%dma_start3A_379 : memref<10000x128xf32, #tpu.memory_space<hbm>>) target(%arg17 : memref<96x128xf32, #tpu.memory_space<vmem>>) offsets(%arg11 : memref<96xi32, #tpu.memory_space<vmem>>) semaphore(%arg25 : memref<!tpu.dma_semaphore, #tpu.memory_space<semaphore_mem>>)
      %add3A_380 = arith.constant 1 : i32
      %add3A_381 = arith.addi %add3A_336, %add3A_380 : i32
      %dma_wait3A_382 = arith.constant 0 : i32
      %dma_wait3A_383 = arith.constant 0 : i32
      %dma_wait3A_384 = tpu.memref_slice %arg2[%dma_wait3A_382, %dma_wait3A_383] : memref<10000x128xf32, #tpu.memory_space<hbm>> -> memref<10000x128xf32, #tpu.memory_space<hbm>>
      tpu.wait_indirect_dma semaphore(%arg27 : memref<!tpu.dma_semaphore, #tpu.memory_space<semaphore_mem>>) src(%dma_wait3A_384 : memref<10000x128xf32, #tpu.memory_space<hbm>>) dst(%arg19 : memref<96x128xf32, #tpu.memory_space<vmem>>)
      %dma_start3A_385 = arith.constant 0 : i32
      %dma_start3A_386 = arith.constant 0 : i32
      %dma_start3A_387 = tpu.memref_slice %arg24[%dma_start3A_385, %dma_start3A_386] : memref<10000x128xf32, #tpu.memory_space<vmem_shared>> -> memref<10000x128xf32, #tpu.memory_space<vmem_shared>>
      tpu.enqueue_indirect_dma source(%arg19 : memref<96x128xf32, #tpu.memory_space<vmem>>) target(%dma_start3A_387 : memref<10000x128xf32, #tpu.memory_space<vmem_shared>>) offsets(%arg14 : memref<96xi32, #tpu.memory_space<vmem>>) semaphore(%arg30 : memref<!tpu.dma_semaphore, #tpu.memory_space<semaphore_mem>>) {add = true}
      %get3A_388 = arith.constant 0 : index
      %get3A_389 = tpu.vector_load %arg14[%get3A_388] {strides = array<i32>} : memref<96xi32, #tpu.memory_space<vmem>>, vector<16xi32>,
      tpu.vector_store_idx %arg23[%get3A_389], %broadcast_in_dim3A_7 {add = true} : memref<10000xf32, #tpu.memory_space<vmem>>[vector<16xi32>], vector<16xf32>,
      %get3A_390 = arith.constant 16 : index
      %get3A_391 = tpu.vector_load %arg14[%get3A_390] {strides = array<i32>} : memref<96xi32, #tpu.memory_space<vmem>>, vector<16xi32>,
      tpu.vector_store_idx %arg23[%get3A_391], %broadcast_in_dim3A_7 {add = true} : memref<10000xf32, #tpu.memory_space<vmem>>[vector<16xi32>], vector<16xf32>,
      %get3A_392 = arith.constant 32 : index
      %get3A_393 = tpu.vector_load %arg14[%get3A_392] {strides = array<i32>} : memref<96xi32, #tpu.memory_space<vmem>>, vector<16xi32>,
      tpu.vector_store_idx %arg23[%get3A_393], %broadcast_in_dim3A_7 {add = true} : memref<10000xf32, #tpu.memory_space<vmem>>[vector<16xi32>], vector<16xf32>,
      %get3A_394 = arith.constant 48 : index
      %get3A_395 = tpu.vector_load %arg14[%get3A_394] {strides = array<i32>} : memref<96xi32, #tpu.memory_space<vmem>>, vector<16xi32>,
      tpu.vector_store_idx %arg23[%get3A_395], %broadcast_in_dim3A_7 {add = true} : memref<10000xf32, #tpu.memory_space<vmem>>[vector<16xi32>], vector<16xf32>,
      %get3A_396 = arith.constant 64 : index
      %get3A_397 = tpu.vector_load %arg14[%get3A_396] {strides = array<i32>} : memref<96xi32, #tpu.memory_space<vmem>>, vector<16xi32>,
      tpu.vector_store_idx %arg23[%get3A_397], %broadcast_in_dim3A_7 {add = true} : memref<10000xf32, #tpu.memory_space<vmem>>[vector<16xi32>], vector<16xf32>,
      %get3A_398 = arith.constant 80 : index
      %get3A_399 = tpu.vector_load %arg14[%get3A_398] {strides = array<i32>} : memref<96xi32, #tpu.memory_space<vmem>>, vector<16xi32>,
      tpu.vector_store_idx %arg23[%get3A_399], %broadcast_in_dim3A_7 {add = true} : memref<10000xf32, #tpu.memory_space<vmem>>[vector<16xi32>], vector<16xf32>,
      %dma_wait3A_400 = arith.constant 0 : i32
      %dma_wait3A_401 = arith.constant 0 : i32
      %dma_wait3A_402 = tpu.memref_slice %arg24[%dma_wait3A_400, %dma_wait3A_401] : memref<10000x128xf32, #tpu.memory_space<vmem_shared>> -> memref<10000x128xf32, #tpu.memory_space<vmem_shared>>
      tpu.wait_indirect_dma semaphore(%arg29 : memref<!tpu.dma_semaphore, #tpu.memory_space<semaphore_mem>>) src(%arg18 : memref<96x128xf32, #tpu.memory_space<vmem>>) dst(%dma_wait3A_402 : memref<10000x128xf32, #tpu.memory_space<vmem_shared>>)
      %add3A_403 = arith.constant 3 : i32
      %add3A_404 = arith.addi %add3A_381, %add3A_403 : i32
      %mul3A_405 = arith.constant 96 : i32
      %mul3A_406 = arith.muli %add3A_404, %mul3A_405 : i32
      %add3A_407 = arith.addi %mul3A_6, %mul3A_406 : i32
      %dma_start3A_408 = tpu.memref_slice %arg3[%add3A_407] : memref<320000xi32, #tpu.memory_space<hbm>> -> memref<96xi32, #tpu.memory_space<hbm>>
      %dma_start3A_409 = tpu.memref_slice %arg3[%add3A_407] : memref<320000xi32, #tpu.memory_space<hbm>> -> memref<96xi32, #tpu.memory_space<hbm>>
      tpu.enqueue_dma source(%dma_start3A_409 : memref<96xi32, #tpu.memory_space<hbm>>) target(%arg9 : memref<96xi32, #tpu.memory_space<vmem>>) target_semaphore(%arg31 : memref<!tpu.dma_semaphore, #tpu.memory_space<semaphore_mem>>)
      %dma_start3A_410 = tpu.memref_slice %arg4[%add3A_407] : memref<320000xi32, #tpu.memory_space<hbm>> -> memref<96xi32, #tpu.memory_space<hbm>>
      %dma_start3A_411 = tpu.memref_slice %arg4[%add3A_407] : memref<320000xi32, #tpu.memory_space<hbm>> -> memref<96xi32, #tpu.memory_space<hbm>>
      tpu.enqueue_dma source(%dma_start3A_411 : memref<96xi32, #tpu.memory_space<hbm>>) target(%arg13 : memref<96xi32, #tpu.memory_space<vmem>>) target_semaphore(%arg31 : memref<!tpu.dma_semaphore, #tpu.memory_space<semaphore_mem>>)
      %dma_wait3A_412 = arith.constant 0 : i32
      %dma_wait3A_413 = tpu.memref_slice %arg3[%dma_wait3A_412] : memref<320000xi32, #tpu.memory_space<hbm>> -> memref<96xi32, #tpu.memory_space<hbm>>
      %dma_wait3A_414 = arith.constant 0 : i32
      %dma_wait3A_415 = tpu.memref_slice %arg3[%dma_wait3A_414] : memref<320000xi32, #tpu.memory_space<hbm>> -> memref<96xi32, #tpu.memory_space<hbm>>
      tpu.wait_dma2 semaphore(%arg34 : memref<!tpu.dma_semaphore, #tpu.memory_space<semaphore_mem>>) src(%dma_wait3A_415 : memref<96xi32, #tpu.memory_space<hbm>>) dst(%arg12 : memref<96xi32, #tpu.memory_space<vmem>>)
      %dma_wait3A_416 = arith.constant 0 : i32
      %dma_wait3A_417 = tpu.memref_slice %arg4[%dma_wait3A_416] : memref<320000xi32, #tpu.memory_space<hbm>> -> memref<96xi32, #tpu.memory_space<hbm>>
      %dma_wait3A_418 = arith.constant 0 : i32
      %dma_wait3A_419 = tpu.memref_slice %arg4[%dma_wait3A_418] : memref<320000xi32, #tpu.memory_space<hbm>> -> memref<96xi32, #tpu.memory_space<hbm>>
      tpu.wait_dma2 semaphore(%arg34 : memref<!tpu.dma_semaphore, #tpu.memory_space<semaphore_mem>>) src(%dma_wait3A_419 : memref<96xi32, #tpu.memory_space<hbm>>) dst(%arg16 : memref<96xi32, #tpu.memory_space<vmem>>)
      %dma_start3A_420 = arith.constant 0 : i32
      %dma_start3A_421 = arith.constant 0 : i32
      %dma_start3A_422 = tpu.memref_slice %arg2[%dma_start3A_420, %dma_start3A_421] : memref<10000x128xf32, #tpu.memory_space<hbm>> -> memref<10000x128xf32, #tpu.memory_space<hbm>>
      tpu.enqueue_indirect_dma source(%dma_start3A_422 : memref<10000x128xf32, #tpu.memory_space<hbm>>) target(%arg18 : memref<96x128xf32, #tpu.memory_space<vmem>>) offsets(%arg12 : memref<96xi32, #tpu.memory_space<vmem>>) semaphore(%arg26 : memref<!tpu.dma_semaphore, #tpu.memory_space<semaphore_mem>>)
      %add3A_423 = arith.constant 2 : i32
      %add3A_424 = arith.addi %add3A_336, %add3A_423 : i32
      %dma_wait3A_425 = arith.constant 0 : i32
      %dma_wait3A_426 = arith.constant 0 : i32
      %dma_wait3A_427 = tpu.memref_slice %arg2[%dma_wait3A_425, %dma_wait3A_426] : memref<10000x128xf32, #tpu.memory_space<hbm>> -> memref<10000x128xf32, #tpu.memory_space<hbm>>
      tpu.wait_indirect_dma semaphore(%arg25 : memref<!tpu.dma_semaphore, #tpu.memory_space<semaphore_mem>>) src(%dma_wait3A_427 : memref<10000x128xf32, #tpu.memory_space<hbm>>) dst(%arg17 : memref<96x128xf32, #tpu.memory_space<vmem>>)
      %dma_start3A_428 = arith.constant 0 : i32
      %dma_start3A_429 = arith.constant 0 : i32
      %dma_start3A_430 = tpu.memref_slice %arg24[%dma_start3A_428, %dma_start3A_429] : memref<10000x128xf32, #tpu.memory_space<vmem_shared>> -> memref<10000x128xf32, #tpu.memory_space<vmem_shared>>
      tpu.enqueue_indirect_dma source(%arg17 : memref<96x128xf32, #tpu.memory_space<vmem>>) target(%dma_start3A_430 : memref<10000x128xf32, #tpu.memory_space<vmem_shared>>) offsets(%arg15 : memref<96xi32, #tpu.memory_space<vmem>>) semaphore(%arg28 : memref<!tpu.dma_semaphore, #tpu.memory_space<semaphore_mem>>) {add = true}
      %get3A_431 = arith.constant 0 : index
      %get3A_432 = tpu.vector_load %arg15[%get3A_431] {strides = array<i32>} : memref<96xi32, #tpu.memory_space<vmem>>, vector<16xi32>,
      tpu.vector_store_idx %arg23[%get3A_432], %broadcast_in_dim3A_7 {add = true} : memref<10000xf32, #tpu.memory_space<vmem>>[vector<16xi32>], vector<16xf32>,
      %get3A_433 = arith.constant 16 : index
      %get3A_434 = tpu.vector_load %arg15[%get3A_433] {strides = array<i32>} : memref<96xi32, #tpu.memory_space<vmem>>, vector<16xi32>,
      tpu.vector_store_idx %arg23[%get3A_434], %broadcast_in_dim3A_7 {add = true} : memref<10000xf32, #tpu.memory_space<vmem>>[vector<16xi32>], vector<16xf32>,
      %get3A_435 = arith.constant 32 : index
      %get3A_436 = tpu.vector_load %arg15[%get3A_435] {strides = array<i32>} : memref<96xi32, #tpu.memory_space<vmem>>, vector<16xi32>,
      tpu.vector_store_idx %arg23[%get3A_436], %broadcast_in_dim3A_7 {add = true} : memref<10000xf32, #tpu.memory_space<vmem>>[vector<16xi32>], vector<16xf32>,
      %get3A_437 = arith.constant 48 : index
      %get3A_438 = tpu.vector_load %arg15[%get3A_437] {strides = array<i32>} : memref<96xi32, #tpu.memory_space<vmem>>, vector<16xi32>,
      tpu.vector_store_idx %arg23[%get3A_438], %broadcast_in_dim3A_7 {add = true} : memref<10000xf32, #tpu.memory_space<vmem>>[vector<16xi32>], vector<16xf32>,
      %get3A_439 = arith.constant 64 : index
      %get3A_440 = tpu.vector_load %arg15[%get3A_439] {strides = array<i32>} : memref<96xi32, #tpu.memory_space<vmem>>, vector<16xi32>,
      tpu.vector_store_idx %arg23[%get3A_440], %broadcast_in_dim3A_7 {add = true} : memref<10000xf32, #tpu.memory_space<vmem>>[vector<16xi32>], vector<16xf32>,
      %get3A_441 = arith.constant 80 : index
      %get3A_442 = tpu.vector_load %arg15[%get3A_441] {strides = array<i32>} : memref<96xi32, #tpu.memory_space<vmem>>, vector<16xi32>,
      tpu.vector_store_idx %arg23[%get3A_442], %broadcast_in_dim3A_7 {add = true} : memref<10000xf32, #tpu.memory_space<vmem>>[vector<16xi32>], vector<16xf32>,
      %dma_wait3A_443 = arith.constant 0 : i32
      %dma_wait3A_444 = arith.constant 0 : i32
      %dma_wait3A_445 = tpu.memref_slice %arg24[%dma_wait3A_443, %dma_wait3A_444] : memref<10000x128xf32, #tpu.memory_space<vmem_shared>> -> memref<10000x128xf32, #tpu.memory_space<vmem_shared>>
      tpu.wait_indirect_dma semaphore(%arg30 : memref<!tpu.dma_semaphore, #tpu.memory_space<semaphore_mem>>) src(%arg19 : memref<96x128xf32, #tpu.memory_space<vmem>>) dst(%dma_wait3A_445 : memref<10000x128xf32, #tpu.memory_space<vmem_shared>>)
      %add3A_446 = arith.constant 3 : i32
      %add3A_447 = arith.addi %add3A_424, %add3A_446 : i32
      %mul3A_448 = arith.constant 96 : i32
      %mul3A_449 = arith.muli %add3A_447, %mul3A_448 : i32
      %add3A_450 = arith.addi %mul3A_6, %mul3A_449 : i32
      %dma_start3A_451 = tpu.memref_slice %arg3[%add3A_450] : memref<320000xi32, #tpu.memory_space<hbm>> -> memref<96xi32, #tpu.memory_space<hbm>>
      %dma_start3A_452 = tpu.memref_slice %arg3[%add3A_450] : memref<320000xi32, #tpu.memory_space<hbm>> -> memref<96xi32, #tpu.memory_space<hbm>>
      tpu.enqueue_dma source(%dma_start3A_452 : memref<96xi32, #tpu.memory_space<hbm>>) target(%arg10 : memref<96xi32, #tpu.memory_space<vmem>>) target_semaphore(%arg32 : memref<!tpu.dma_semaphore, #tpu.memory_space<semaphore_mem>>)
      %dma_start3A_453 = tpu.memref_slice %arg4[%add3A_450] : memref<320000xi32, #tpu.memory_space<hbm>> -> memref<96xi32, #tpu.memory_space<hbm>>
      %dma_start3A_454 = tpu.memref_slice %arg4[%add3A_450] : memref<320000xi32, #tpu.memory_space<hbm>> -> memref<96xi32, #tpu.memory_space<hbm>>
      tpu.enqueue_dma source(%dma_start3A_454 : memref<96xi32, #tpu.memory_space<hbm>>) target(%arg14 : memref<96xi32, #tpu.memory_space<vmem>>) target_semaphore(%arg32 : memref<!tpu.dma_semaphore, #tpu.memory_space<semaphore_mem>>)
      %dma_wait3A_455 = arith.constant 0 : i32
      %dma_wait3A_456 = tpu.memref_slice %arg3[%dma_wait3A_455] : memref<320000xi32, #tpu.memory_space<hbm>> -> memref<96xi32, #tpu.memory_space<hbm>>
      %dma_wait3A_457 = arith.constant 0 : i32
      %dma_wait3A_458 = tpu.memref_slice %arg3[%dma_wait3A_457] : memref<320000xi32, #tpu.memory_space<hbm>> -> memref<96xi32, #tpu.memory_space<hbm>>
      tpu.wait_dma2 semaphore(%arg31 : memref<!tpu.dma_semaphore, #tpu.memory_space<semaphore_mem>>) src(%dma_wait3A_458 : memref<96xi32, #tpu.memory_space<hbm>>) dst(%arg9 : memref<96xi32, #tpu.memory_space<vmem>>)
      %dma_wait3A_459 = arith.constant 0 : i32
      %dma_wait3A_460 = tpu.memref_slice %arg4[%dma_wait3A_459] : memref<320000xi32, #tpu.memory_space<hbm>> -> memref<96xi32, #tpu.memory_space<hbm>>
      %dma_wait3A_461 = arith.constant 0 : i32
      %dma_wait3A_462 = tpu.memref_slice %arg4[%dma_wait3A_461] : memref<320000xi32, #tpu.memory_space<hbm>> -> memref<96xi32, #tpu.memory_space<hbm>>
      tpu.wait_dma2 semaphore(%arg31 : memref<!tpu.dma_semaphore, #tpu.memory_space<semaphore_mem>>) src(%dma_wait3A_462 : memref<96xi32, #tpu.memory_space<hbm>>) dst(%arg13 : memref<96xi32, #tpu.memory_space<vmem>>)
      %dma_start3A_463 = arith.constant 0 : i32
      %dma_start3A_464 = arith.constant 0 : i32
      %dma_start3A_465 = tpu.memref_slice %arg2[%dma_start3A_463, %dma_start3A_464] : memref<10000x128xf32, #tpu.memory_space<hbm>> -> memref<10000x128xf32, #tpu.memory_space<hbm>>
      tpu.enqueue_indirect_dma source(%dma_start3A_465 : memref<10000x128xf32, #tpu.memory_space<hbm>>) target(%arg19 : memref<96x128xf32, #tpu.memory_space<vmem>>) offsets(%arg9 : memref<96xi32, #tpu.memory_space<vmem>>) semaphore(%arg27 : memref<!tpu.dma_semaphore, #tpu.memory_space<semaphore_mem>>)
      %add3A_466 = arith.constant 3 : i32
      %add3A_467 = arith.addi %add3A_336, %add3A_466 : i32
      %dma_wait3A_468 = arith.constant 0 : i32
      %dma_wait3A_469 = arith.constant 0 : i32
      %dma_wait3A_470 = tpu.memref_slice %arg2[%dma_wait3A_468, %dma_wait3A_469] : memref<10000x128xf32, #tpu.memory_space<hbm>> -> memref<10000x128xf32, #tpu.memory_space<hbm>>
      tpu.wait_indirect_dma semaphore(%arg26 : memref<!tpu.dma_semaphore, #tpu.memory_space<semaphore_mem>>) src(%dma_wait3A_470 : memref<10000x128xf32, #tpu.memory_space<hbm>>) dst(%arg18 : memref<96x128xf32, #tpu.memory_space<vmem>>)
      %dma_start3A_471 = arith.constant 0 : i32
      %dma_start3A_472 = arith.constant 0 : i32
      %dma_start3A_473 = tpu.memref_slice %arg24[%dma_start3A_471, %dma_start3A_472] : memref<10000x128xf32, #tpu.memory_space<vmem_shared>> -> memref<10000x128xf32, #tpu.memory_space<vmem_shared>>
      tpu.enqueue_indirect_dma source(%arg18 : memref<96x128xf32, #tpu.memory_space<vmem>>) target(%dma_start3A_473 : memref<10000x128xf32, #tpu.memory_space<vmem_shared>>) offsets(%arg16 : memref<96xi32, #tpu.memory_space<vmem>>) semaphore(%arg29 : memref<!tpu.dma_semaphore, #tpu.memory_space<semaphore_mem>>) {add = true}
      %get3A_474 = arith.constant 0 : index
      %get3A_475 = tpu.vector_load %arg16[%get3A_474] {strides = array<i32>} : memref<96xi32, #tpu.memory_space<vmem>>, vector<16xi32>,
      tpu.vector_store_idx %arg23[%get3A_475], %broadcast_in_dim3A_7 {add = true} : memref<10000xf32, #tpu.memory_space<vmem>>[vector<16xi32>], vector<16xf32>,
      %get3A_476 = arith.constant 16 : index
      %get3A_477 = tpu.vector_load %arg16[%get3A_476] {strides = array<i32>} : memref<96xi32, #tpu.memory_space<vmem>>, vector<16xi32>,
      tpu.vector_store_idx %arg23[%get3A_477], %broadcast_in_dim3A_7 {add = true} : memref<10000xf32, #tpu.memory_space<vmem>>[vector<16xi32>], vector<16xf32>,
      %get3A_478 = arith.constant 32 : index
      %get3A_479 = tpu.vector_load %arg16[%get3A_478] {strides = array<i32>} : memref<96xi32, #tpu.memory_space<vmem>>, vector<16xi32>,
      tpu.vector_store_idx %arg23[%get3A_479], %broadcast_in_dim3A_7 {add = true} : memref<10000xf32, #tpu.memory_space<vmem>>[vector<16xi32>], vector<16xf32>,
      %get3A_480 = arith.constant 48 : index
      %get3A_481 = tpu.vector_load %arg16[%get3A_480] {strides = array<i32>} : memref<96xi32, #tpu.memory_space<vmem>>, vector<16xi32>,
      tpu.vector_store_idx %arg23[%get3A_481], %broadcast_in_dim3A_7 {add = true} : memref<10000xf32, #tpu.memory_space<vmem>>[vector<16xi32>], vector<16xf32>,
      %get3A_482 = arith.constant 64 : index
      %get3A_483 = tpu.vector_load %arg16[%get3A_482] {strides = array<i32>} : memref<96xi32, #tpu.memory_space<vmem>>, vector<16xi32>,
      tpu.vector_store_idx %arg23[%get3A_483], %broadcast_in_dim3A_7 {add = true} : memref<10000xf32, #tpu.memory_space<vmem>>[vector<16xi32>], vector<16xf32>,
      %get3A_484 = arith.constant 80 : index
      %get3A_485 = tpu.vector_load %arg16[%get3A_484] {strides = array<i32>} : memref<96xi32, #tpu.memory_space<vmem>>, vector<16xi32>,
      tpu.vector_store_idx %arg23[%get3A_485], %broadcast_in_dim3A_7 {add = true} : memref<10000xf32, #tpu.memory_space<vmem>>[vector<16xi32>], vector<16xf32>,
      %dma_wait3A_486 = arith.constant 0 : i32
      %dma_wait3A_487 = arith.constant 0 : i32
      %dma_wait3A_488 = tpu.memref_slice %arg24[%dma_wait3A_486, %dma_wait3A_487] : memref<10000x128xf32, #tpu.memory_space<vmem_shared>> -> memref<10000x128xf32, #tpu.memory_space<vmem_shared>>
      tpu.wait_indirect_dma semaphore(%arg28 : memref<!tpu.dma_semaphore, #tpu.memory_space<semaphore_mem>>) src(%arg17 : memref<96x128xf32, #tpu.memory_space<vmem>>) dst(%dma_wait3A_488 : memref<10000x128xf32, #tpu.memory_space<vmem_shared>>)
      %add3A_489 = arith.constant 3 : i32
      %add3A_490 = arith.addi %add3A_467, %add3A_489 : i32
      %mul3A_491 = arith.constant 96 : i32
      %mul3A_492 = arith.muli %add3A_490, %mul3A_491 : i32
      %add3A_493 = arith.addi %mul3A_6, %mul3A_492 : i32
      %dma_start3A_494 = tpu.memref_slice %arg3[%add3A_493] : memref<320000xi32, #tpu.memory_space<hbm>> -> memref<96xi32, #tpu.memory_space<hbm>>
      %dma_start3A_495 = tpu.memref_slice %arg3[%add3A_493] : memref<320000xi32, #tpu.memory_space<hbm>> -> memref<96xi32, #tpu.memory_space<hbm>>
      tpu.enqueue_dma source(%dma_start3A_495 : memref<96xi32, #tpu.memory_space<hbm>>) target(%arg11 : memref<96xi32, #tpu.memory_space<vmem>>) target_semaphore(%arg33 : memref<!tpu.dma_semaphore, #tpu.memory_space<semaphore_mem>>)
      %dma_start3A_496 = tpu.memref_slice %arg4[%add3A_493] : memref<320000xi32, #tpu.memory_space<hbm>> -> memref<96xi32, #tpu.memory_space<hbm>>
      %dma_start3A_497 = tpu.memref_slice %arg4[%add3A_493] : memref<320000xi32, #tpu.memory_space<hbm>> -> memref<96xi32, #tpu.memory_space<hbm>>
      tpu.enqueue_dma source(%dma_start3A_497 : memref<96xi32, #tpu.memory_space<hbm>>) target(%arg15 : memref<96xi32, #tpu.memory_space<vmem>>) target_semaphore(%arg33 : memref<!tpu.dma_semaphore, #tpu.memory_space<semaphore_mem>>)
      %dma_wait3A_498 = arith.constant 0 : i32
      %dma_wait3A_499 = tpu.memref_slice %arg3[%dma_wait3A_498] : memref<320000xi32, #tpu.memory_space<hbm>> -> memref<96xi32, #tpu.memory_space<hbm>>
      %dma_wait3A_500 = arith.constant 0 : i32
      %dma_wait3A_501 = tpu.memref_slice %arg3[%dma_wait3A_500] : memref<320000xi32, #tpu.memory_space<hbm>> -> memref<96xi32, #tpu.memory_space<hbm>>
      tpu.wait_dma2 semaphore(%arg32 : memref<!tpu.dma_semaphore, #tpu.memory_space<semaphore_mem>>) src(%dma_wait3A_501 : memref<96xi32, #tpu.memory_space<hbm>>) dst(%arg10 : memref<96xi32, #tpu.memory_space<vmem>>)
      %dma_wait3A_502 = arith.constant 0 : i32
      %dma_wait3A_503 = tpu.memref_slice %arg4[%dma_wait3A_502] : memref<320000xi32, #tpu.memory_space<hbm>> -> memref<96xi32, #tpu.memory_space<hbm>>
      %dma_wait3A_504 = arith.constant 0 : i32
      %dma_wait3A_505 = tpu.memref_slice %arg4[%dma_wait3A_504] : memref<320000xi32, #tpu.memory_space<hbm>> -> memref<96xi32, #tpu.memory_space<hbm>>
      tpu.wait_dma2 semaphore(%arg32 : memref<!tpu.dma_semaphore, #tpu.memory_space<semaphore_mem>>) src(%dma_wait3A_505 : memref<96xi32, #tpu.memory_space<hbm>>) dst(%arg14 : memref<96xi32, #tpu.memory_space<vmem>>)
      %dma_start3A_506 = arith.constant 0 : i32
      %dma_start3A_507 = arith.constant 0 : i32
      %dma_start3A_508 = tpu.memref_slice %arg2[%dma_start3A_506, %dma_start3A_507] : memref<10000x128xf32, #tpu.memory_space<hbm>> -> memref<10000x128xf32, #tpu.memory_space<hbm>>
      tpu.enqueue_indirect_dma source(%dma_start3A_508 : memref<10000x128xf32, #tpu.memory_space<hbm>>) target(%arg17 : memref<96x128xf32, #tpu.memory_space<vmem>>) offsets(%arg10 : memref<96xi32, #tpu.memory_space<vmem>>) semaphore(%arg25 : memref<!tpu.dma_semaphore, #tpu.memory_space<semaphore_mem>>)
      %add3A_509 = arith.constant 4 : i32
      %add3A_510 = arith.addi %add3A_336, %add3A_509 : i32
      %dma_wait3A_511 = arith.constant 0 : i32
      %dma_wait3A_512 = arith.constant 0 : i32
      %dma_wait3A_513 = tpu.memref_slice %arg2[%dma_wait3A_511, %dma_wait3A_512] : memref<10000x128xf32, #tpu.memory_space<hbm>> -> memref<10000x128xf32, #tpu.memory_space<hbm>>
      tpu.wait_indirect_dma semaphore(%arg27 : memref<!tpu.dma_semaphore, #tpu.memory_space<semaphore_mem>>) src(%dma_wait3A_513 : memref<10000x128xf32, #tpu.memory_space<hbm>>) dst(%arg19 : memref<96x128xf32, #tpu.memory_space<vmem>>)
      %dma_start3A_514 = arith.constant 0 : i32
      %dma_start3A_515 = arith.constant 0 : i32
      %dma_start3A_516 = tpu.memref_slice %arg24[%dma_start3A_514, %dma_start3A_515] : memref<10000x128xf32, #tpu.memory_space<vmem_shared>> -> memref<10000x128xf32, #tpu.memory_space<vmem_shared>>
      tpu.enqueue_indirect_dma source(%arg19 : memref<96x128xf32, #tpu.memory_space<vmem>>) target(%dma_start3A_516 : memref<10000x128xf32, #tpu.memory_space<vmem_shared>>) offsets(%arg13 : memref<96xi32, #tpu.memory_space<vmem>>) semaphore(%arg30 : memref<!tpu.dma_semaphore, #tpu.memory_space<semaphore_mem>>) {add = true}
      %get3A_517 = arith.constant 0 : index
      %get3A_518 = tpu.vector_load %arg13[%get3A_517] {strides = array<i32>} : memref<96xi32, #tpu.memory_space<vmem>>, vector<16xi32>,
      tpu.vector_store_idx %arg23[%get3A_518], %broadcast_in_dim3A_7 {add = true} : memref<10000xf32, #tpu.memory_space<vmem>>[vector<16xi32>], vector<16xf32>,
      %get3A_519 = arith.constant 16 : index
      %get3A_520 = tpu.vector_load %arg13[%get3A_519] {strides = array<i32>} : memref<96xi32, #tpu.memory_space<vmem>>, vector<16xi32>,
      tpu.vector_store_idx %arg23[%get3A_520], %broadcast_in_dim3A_7 {add = true} : memref<10000xf32, #tpu.memory_space<vmem>>[vector<16xi32>], vector<16xf32>,
      %get3A_521 = arith.constant 32 : index
      %get3A_522 = tpu.vector_load %arg13[%get3A_521] {strides = array<i32>} : memref<96xi32, #tpu.memory_space<vmem>>, vector<16xi32>,
      tpu.vector_store_idx %arg23[%get3A_522], %broadcast_in_dim3A_7 {add = true} : memref<10000xf32, #tpu.memory_space<vmem>>[vector<16xi32>], vector<16xf32>,
      %get3A_523 = arith.constant 48 : index
      %get3A_524 = tpu.vector_load %arg13[%get3A_523] {strides = array<i32>} : memref<96xi32, #tpu.memory_space<vmem>>, vector<16xi32>,
      tpu.vector_store_idx %arg23[%get3A_524], %broadcast_in_dim3A_7 {add = true} : memref<10000xf32, #tpu.memory_space<vmem>>[vector<16xi32>], vector<16xf32>,
      %get3A_525 = arith.constant 64 : index
      %get3A_526 = tpu.vector_load %arg13[%get3A_525] {strides = array<i32>} : memref<96xi32, #tpu.memory_space<vmem>>, vector<16xi32>,
      tpu.vector_store_idx %arg23[%get3A_526], %broadcast_in_dim3A_7 {add = true} : memref<10000xf32, #tpu.memory_space<vmem>>[vector<16xi32>], vector<16xf32>,
      %get3A_527 = arith.constant 80 : index
      %get3A_528 = tpu.vector_load %arg13[%get3A_527] {strides = array<i32>} : memref<96xi32, #tpu.memory_space<vmem>>, vector<16xi32>,
      tpu.vector_store_idx %arg23[%get3A_528], %broadcast_in_dim3A_7 {add = true} : memref<10000xf32, #tpu.memory_space<vmem>>[vector<16xi32>], vector<16xf32>,
      %dma_wait3A_529 = arith.constant 0 : i32
      %dma_wait3A_530 = arith.constant 0 : i32
      %dma_wait3A_531 = tpu.memref_slice %arg24[%dma_wait3A_529, %dma_wait3A_530] : memref<10000x128xf32, #tpu.memory_space<vmem_shared>> -> memref<10000x128xf32, #tpu.memory_space<vmem_shared>>
      tpu.wait_indirect_dma semaphore(%arg29 : memref<!tpu.dma_semaphore, #tpu.memory_space<semaphore_mem>>) src(%arg18 : memref<96x128xf32, #tpu.memory_space<vmem>>) dst(%dma_wait3A_531 : memref<10000x128xf32, #tpu.memory_space<vmem_shared>>)
      %add3A_532 = arith.constant 3 : i32
      %add3A_533 = arith.addi %add3A_510, %add3A_532 : i32
      %mul3A_534 = arith.constant 96 : i32
      %mul3A_535 = arith.muli %add3A_533, %mul3A_534 : i32
      %add3A_536 = arith.addi %mul3A_6, %mul3A_535 : i32
      %dma_start3A_537 = tpu.memref_slice %arg3[%add3A_536] : memref<320000xi32, #tpu.memory_space<hbm>> -> memref<96xi32, #tpu.memory_space<hbm>>
      %dma_start3A_538 = tpu.memref_slice %arg3[%add3A_536] : memref<320000xi32, #tpu.memory_space<hbm>> -> memref<96xi32, #tpu.memory_space<hbm>>
      tpu.enqueue_dma source(%dma_start3A_538 : memref<96xi32, #tpu.memory_space<hbm>>) target(%arg12 : memref<96xi32, #tpu.memory_space<vmem>>) target_semaphore(%arg34 : memref<!tpu.dma_semaphore, #tpu.memory_space<semaphore_mem>>)
      %dma_start3A_539 = tpu.memref_slice %arg4[%add3A_536] : memref<320000xi32, #tpu.memory_space<hbm>> -> memref<96xi32, #tpu.memory_space<hbm>>
      %dma_start3A_540 = tpu.memref_slice %arg4[%add3A_536] : memref<320000xi32, #tpu.memory_space<hbm>> -> memref<96xi32, #tpu.memory_space<hbm>>
      tpu.enqueue_dma source(%dma_start3A_540 : memref<96xi32, #tpu.memory_space<hbm>>) target(%arg16 : memref<96xi32, #tpu.memory_space<vmem>>) target_semaphore(%arg34 : memref<!tpu.dma_semaphore, #tpu.memory_space<semaphore_mem>>)
      %dma_wait3A_541 = arith.constant 0 : i32
      %dma_wait3A_542 = tpu.memref_slice %arg3[%dma_wait3A_541] : memref<320000xi32, #tpu.memory_space<hbm>> -> memref<96xi32, #tpu.memory_space<hbm>>
      %dma_wait3A_543 = arith.constant 0 : i32
      %dma_wait3A_544 = tpu.memref_slice %arg3[%dma_wait3A_543] : memref<320000xi32, #tpu.memory_space<hbm>> -> memref<96xi32, #tpu.memory_space<hbm>>
      tpu.wait_dma2 semaphore(%arg33 : memref<!tpu.dma_semaphore, #tpu.memory_space<semaphore_mem>>) src(%dma_wait3A_544 : memref<96xi32, #tpu.memory_space<hbm>>) dst(%arg11 : memref<96xi32, #tpu.memory_space<vmem>>)
      %dma_wait3A_545 = arith.constant 0 : i32
      %dma_wait3A_546 = tpu.memref_slice %arg4[%dma_wait3A_545] : memref<320000xi32, #tpu.memory_space<hbm>> -> memref<96xi32, #tpu.memory_space<hbm>>
      %dma_wait3A_547 = arith.constant 0 : i32
      %dma_wait3A_548 = tpu.memref_slice %arg4[%dma_wait3A_547] : memref<320000xi32, #tpu.memory_space<hbm>> -> memref<96xi32, #tpu.memory_space<hbm>>
      tpu.wait_dma2 semaphore(%arg33 : memref<!tpu.dma_semaphore, #tpu.memory_space<semaphore_mem>>) src(%dma_wait3A_548 : memref<96xi32, #tpu.memory_space<hbm>>) dst(%arg15 : memref<96xi32, #tpu.memory_space<vmem>>)
      %dma_start3A_549 = arith.constant 0 : i32
      %dma_start3A_550 = arith.constant 0 : i32
      %dma_start3A_551 = tpu.memref_slice %arg2[%dma_start3A_549, %dma_start3A_550] : memref<10000x128xf32, #tpu.memory_space<hbm>> -> memref<10000x128xf32, #tpu.memory_space<hbm>>
      tpu.enqueue_indirect_dma source(%dma_start3A_551 : memref<10000x128xf32, #tpu.memory_space<hbm>>) target(%arg18 : memref<96x128xf32, #tpu.memory_space<vmem>>) offsets(%arg11 : memref<96xi32, #tpu.memory_space<vmem>>) semaphore(%arg26 : memref<!tpu.dma_semaphore, #tpu.memory_space<semaphore_mem>>)
      %add3A_552 = arith.constant 5 : i32
      %add3A_553 = arith.addi %add3A_336, %add3A_552 : i32
      %dma_wait3A_554 = arith.constant 0 : i32
      %dma_wait3A_555 = arith.constant 0 : i32
      %dma_wait3A_556 = tpu.memref_slice %arg2[%dma_wait3A_554, %dma_wait3A_555] : memref<10000x128xf32, #tpu.memory_space<hbm>> -> memref<10000x128xf32, #tpu.memory_space<hbm>>
      tpu.wait_indirect_dma semaphore(%arg25 : memref<!tpu.dma_semaphore, #tpu.memory_space<semaphore_mem>>) src(%dma_wait3A_556 : memref<10000x128xf32, #tpu.memory_space<hbm>>) dst(%arg17 : memref<96x128xf32, #tpu.memory_space<vmem>>)
      %dma_start3A_557 = arith.constant 0 : i32
      %dma_start3A_558 = arith.constant 0 : i32
      %dma_start3A_559 = tpu.memref_slice %arg24[%dma_start3A_557, %dma_start3A_558] : memref<10000x128xf32, #tpu.memory_space<vmem_shared>> -> memref<10000x128xf32, #tpu.memory_space<vmem_shared>>
      tpu.enqueue_indirect_dma source(%arg17 : memref<96x128xf32, #tpu.memory_space<vmem>>) target(%dma_start3A_559 : memref<10000x128xf32, #tpu.memory_space<vmem_shared>>) offsets(%arg14 : memref<96xi32, #tpu.memory_space<vmem>>) semaphore(%arg28 : memref<!tpu.dma_semaphore, #tpu.memory_space<semaphore_mem>>) {add = true}
      %get3A_560 = arith.constant 0 : index
      %get3A_561 = tpu.vector_load %arg14[%get3A_560] {strides = array<i32>} : memref<96xi32, #tpu.memory_space<vmem>>, vector<16xi32>,
      tpu.vector_store_idx %arg23[%get3A_561], %broadcast_in_dim3A_7 {add = true} : memref<10000xf32, #tpu.memory_space<vmem>>[vector<16xi32>], vector<16xf32>,
      %get3A_562 = arith.constant 16 : index
      %get3A_563 = tpu.vector_load %arg14[%get3A_562] {strides = array<i32>} : memref<96xi32, #tpu.memory_space<vmem>>, vector<16xi32>,
      tpu.vector_store_idx %arg23[%get3A_563], %broadcast_in_dim3A_7 {add = true} : memref<10000xf32, #tpu.memory_space<vmem>>[vector<16xi32>], vector<16xf32>,
      %get3A_564 = arith.constant 32 : index
      %get3A_565 = tpu.vector_load %arg14[%get3A_564] {strides = array<i32>} : memref<96xi32, #tpu.memory_space<vmem>>, vector<16xi32>,
      tpu.vector_store_idx %arg23[%get3A_565], %broadcast_in_dim3A_7 {add = true} : memref<10000xf32, #tpu.memory_space<vmem>>[vector<16xi32>], vector<16xf32>,
      %get3A_566 = arith.constant 48 : index
      %get3A_567 = tpu.vector_load %arg14[%get3A_566] {strides = array<i32>} : memref<96xi32, #tpu.memory_space<vmem>>, vector<16xi32>,
      tpu.vector_store_idx %arg23[%get3A_567], %broadcast_in_dim3A_7 {add = true} : memref<10000xf32, #tpu.memory_space<vmem>>[vector<16xi32>], vector<16xf32>,
      %get3A_568 = arith.constant 64 : index
      %get3A_569 = tpu.vector_load %arg14[%get3A_568] {strides = array<i32>} : memref<96xi32, #tpu.memory_space<vmem>>, vector<16xi32>,
      tpu.vector_store_idx %arg23[%get3A_569], %broadcast_in_dim3A_7 {add = true} : memref<10000xf32, #tpu.memory_space<vmem>>[vector<16xi32>], vector<16xf32>,
      %get3A_570 = arith.constant 80 : index
      %get3A_571 = tpu.vector_load %arg14[%get3A_570] {strides = array<i32>} : memref<96xi32, #tpu.memory_space<vmem>>, vector<16xi32>,
      tpu.vector_store_idx %arg23[%get3A_571], %broadcast_in_dim3A_7 {add = true} : memref<10000xf32, #tpu.memory_space<vmem>>[vector<16xi32>], vector<16xf32>,
      %dma_wait3A_572 = arith.constant 0 : i32
      %dma_wait3A_573 = arith.constant 0 : i32
      %dma_wait3A_574 = tpu.memref_slice %arg24[%dma_wait3A_572, %dma_wait3A_573] : memref<10000x128xf32, #tpu.memory_space<vmem_shared>> -> memref<10000x128xf32, #tpu.memory_space<vmem_shared>>
      tpu.wait_indirect_dma semaphore(%arg30 : memref<!tpu.dma_semaphore, #tpu.memory_space<semaphore_mem>>) src(%arg19 : memref<96x128xf32, #tpu.memory_space<vmem>>) dst(%dma_wait3A_574 : memref<10000x128xf32, #tpu.memory_space<vmem_shared>>)
      %add3A_575 = arith.constant 3 : i32
      %add3A_576 = arith.addi %add3A_553, %add3A_575 : i32
      %mul3A_577 = arith.constant 96 : i32
      %mul3A_578 = arith.muli %add3A_576, %mul3A_577 : i32
      %add3A_579 = arith.addi %mul3A_6, %mul3A_578 : i32
      %dma_start3A_580 = tpu.memref_slice %arg3[%add3A_579] : memref<320000xi32, #tpu.memory_space<hbm>> -> memref<96xi32, #tpu.memory_space<hbm>>
      %dma_start3A_581 = tpu.memref_slice %arg3[%add3A_579] : memref<320000xi32, #tpu.memory_space<hbm>> -> memref<96xi32, #tpu.memory_space<hbm>>
      tpu.enqueue_dma source(%dma_start3A_581 : memref<96xi32, #tpu.memory_space<hbm>>) target(%arg9 : memref<96xi32, #tpu.memory_space<vmem>>) target_semaphore(%arg31 : memref<!tpu.dma_semaphore, #tpu.memory_space<semaphore_mem>>)
      %dma_start3A_582 = tpu.memref_slice %arg4[%add3A_579] : memref<320000xi32, #tpu.memory_space<hbm>> -> memref<96xi32, #tpu.memory_space<hbm>>
      %dma_start3A_583 = tpu.memref_slice %arg4[%add3A_579] : memref<320000xi32, #tpu.memory_space<hbm>> -> memref<96xi32, #tpu.memory_space<hbm>>
      tpu.enqueue_dma source(%dma_start3A_583 : memref<96xi32, #tpu.memory_space<hbm>>) target(%arg13 : memref<96xi32, #tpu.memory_space<vmem>>) target_semaphore(%arg31 : memref<!tpu.dma_semaphore, #tpu.memory_space<semaphore_mem>>)
      %dma_wait3A_584 = arith.constant 0 : i32
      %dma_wait3A_585 = tpu.memref_slice %arg3[%dma_wait3A_584] : memref<320000xi32, #tpu.memory_space<hbm>> -> memref<96xi32, #tpu.memory_space<hbm>>
      %dma_wait3A_586 = arith.constant 0 : i32
      %dma_wait3A_587 = tpu.memref_slice %arg3[%dma_wait3A_586] : memref<320000xi32, #tpu.memory_space<hbm>> -> memref<96xi32, #tpu.memory_space<hbm>>
      tpu.wait_dma2 semaphore(%arg34 : memref<!tpu.dma_semaphore, #tpu.memory_space<semaphore_mem>>) src(%dma_wait3A_587 : memref<96xi32, #tpu.memory_space<hbm>>) dst(%arg12 : memref<96xi32, #tpu.memory_space<vmem>>)
      %dma_wait3A_588 = arith.constant 0 : i32
      %dma_wait3A_589 = tpu.memref_slice %arg4[%dma_wait3A_588] : memref<320000xi32, #tpu.memory_space<hbm>> -> memref<96xi32, #tpu.memory_space<hbm>>
      %dma_wait3A_590 = arith.constant 0 : i32
      %dma_wait3A_591 = tpu.memref_slice %arg4[%dma_wait3A_590] : memref<320000xi32, #tpu.memory_space<hbm>> -> memref<96xi32, #tpu.memory_space<hbm>>
      tpu.wait_dma2 semaphore(%arg34 : memref<!tpu.dma_semaphore, #tpu.memory_space<semaphore_mem>>) src(%dma_wait3A_591 : memref<96xi32, #tpu.memory_space<hbm>>) dst(%arg16 : memref<96xi32, #tpu.memory_space<vmem>>)
      %dma_start3A_592 = arith.constant 0 : i32
      %dma_start3A_593 = arith.constant 0 : i32
      %dma_start3A_594 = tpu.memref_slice %arg2[%dma_start3A_592, %dma_start3A_593] : memref<10000x128xf32, #tpu.memory_space<hbm>> -> memref<10000x128xf32, #tpu.memory_space<hbm>>
      tpu.enqueue_indirect_dma source(%dma_start3A_594 : memref<10000x128xf32, #tpu.memory_space<hbm>>) target(%arg19 : memref<96x128xf32, #tpu.memory_space<vmem>>) offsets(%arg12 : memref<96xi32, #tpu.memory_space<vmem>>) semaphore(%arg27 : memref<!tpu.dma_semaphore, #tpu.memory_space<semaphore_mem>>)
      %add3A_595 = arith.constant 6 : i32
      %add3A_596 = arith.addi %add3A_336, %add3A_595 : i32
      %dma_wait3A_597 = arith.constant 0 : i32
      %dma_wait3A_598 = arith.constant 0 : i32
      %dma_wait3A_599 = tpu.memref_slice %arg2[%dma_wait3A_597, %dma_wait3A_598] : memref<10000x128xf32, #tpu.memory_space<hbm>> -> memref<10000x128xf32, #tpu.memory_space<hbm>>
      tpu.wait_indirect_dma semaphore(%arg26 : memref<!tpu.dma_semaphore, #tpu.memory_space<semaphore_mem>>) src(%dma_wait3A_599 : memref<10000x128xf32, #tpu.memory_space<hbm>>) dst(%arg18 : memref<96x128xf32, #tpu.memory_space<vmem>>)
      %dma_start3A_600 = arith.constant 0 : i32
      %dma_start3A_601 = arith.constant 0 : i32
      %dma_start3A_602 = tpu.memref_slice %arg24[%dma_start3A_600, %dma_start3A_601] : memref<10000x128xf32, #tpu.memory_space<vmem_shared>> -> memref<10000x128xf32, #tpu.memory_space<vmem_shared>>
      tpu.enqueue_indirect_dma source(%arg18 : memref<96x128xf32, #tpu.memory_space<vmem>>) target(%dma_start3A_602 : memref<10000x128xf32, #tpu.memory_space<vmem_shared>>) offsets(%arg15 : memref<96xi32, #tpu.memory_space<vmem>>) semaphore(%arg29 : memref<!tpu.dma_semaphore, #tpu.memory_space<semaphore_mem>>) {add = true}
      %get3A_603 = arith.constant 0 : index
      %get3A_604 = tpu.vector_load %arg15[%get3A_603] {strides = array<i32>} : memref<96xi32, #tpu.memory_space<vmem>>, vector<16xi32>,
      tpu.vector_store_idx %arg23[%get3A_604], %broadcast_in_dim3A_7 {add = true} : memref<10000xf32, #tpu.memory_space<vmem>>[vector<16xi32>], vector<16xf32>,
      %get3A_605 = arith.constant 16 : index
      %get3A_606 = tpu.vector_load %arg15[%get3A_605] {strides = array<i32>} : memref<96xi32, #tpu.memory_space<vmem>>, vector<16xi32>,
      tpu.vector_store_idx %arg23[%get3A_606], %broadcast_in_dim3A_7 {add = true} : memref<10000xf32, #tpu.memory_space<vmem>>[vector<16xi32>], vector<16xf32>,
      %get3A_607 = arith.constant 32 : index
      %get3A_608 = tpu.vector_load %arg15[%get3A_607] {strides = array<i32>} : memref<96xi32, #tpu.memory_space<vmem>>, vector<16xi32>,
      tpu.vector_store_idx %arg23[%get3A_608], %broadcast_in_dim3A_7 {add = true} : memref<10000xf32, #tpu.memory_space<vmem>>[vector<16xi32>], vector<16xf32>,
      %get3A_609 = arith.constant 48 : index
      %get3A_610 = tpu.vector_load %arg15[%get3A_609] {strides = array<i32>} : memref<96xi32, #tpu.memory_space<vmem>>, vector<16xi32>,
      tpu.vector_store_idx %arg23[%get3A_610], %broadcast_in_dim3A_7 {add = true} : memref<10000xf32, #tpu.memory_space<vmem>>[vector<16xi32>], vector<16xf32>,
      %get3A_611 = arith.constant 64 : index
      %get3A_612 = tpu.vector_load %arg15[%get3A_611] {strides = array<i32>} : memref<96xi32, #tpu.memory_space<vmem>>, vector<16xi32>,
      tpu.vector_store_idx %arg23[%get3A_612], %broadcast_in_dim3A_7 {add = true} : memref<10000xf32, #tpu.memory_space<vmem>>[vector<16xi32>], vector<16xf32>,
      %get3A_613 = arith.constant 80 : index
      %get3A_614 = tpu.vector_load %arg15[%get3A_613] {strides = array<i32>} : memref<96xi32, #tpu.memory_space<vmem>>, vector<16xi32>,
      tpu.vector_store_idx %arg23[%get3A_614], %broadcast_in_dim3A_7 {add = true} : memref<10000xf32, #tpu.memory_space<vmem>>[vector<16xi32>], vector<16xf32>,
      %dma_wait3A_615 = arith.constant 0 : i32
      %dma_wait3A_616 = arith.constant 0 : i32
      %dma_wait3A_617 = tpu.memref_slice %arg24[%dma_wait3A_615, %dma_wait3A_616] : memref<10000x128xf32, #tpu.memory_space<vmem_shared>> -> memref<10000x128xf32, #tpu.memory_space<vmem_shared>>
      tpu.wait_indirect_dma semaphore(%arg28 : memref<!tpu.dma_semaphore, #tpu.memory_space<semaphore_mem>>) src(%arg17 : memref<96x128xf32, #tpu.memory_space<vmem>>) dst(%dma_wait3A_617 : memref<10000x128xf32, #tpu.memory_space<vmem_shared>>)
      %add3A_618 = arith.constant 3 : i32
      %add3A_619 = arith.addi %add3A_596, %add3A_618 : i32
      %mul3A_620 = arith.constant 96 : i32
      %mul3A_621 = arith.muli %add3A_619, %mul3A_620 : i32
      %add3A_622 = arith.addi %mul3A_6, %mul3A_621 : i32
      %dma_start3A_623 = tpu.memref_slice %arg3[%add3A_622] : memref<320000xi32, #tpu.memory_space<hbm>> -> memref<96xi32, #tpu.memory_space<hbm>>
      %dma_start3A_624 = tpu.memref_slice %arg3[%add3A_622] : memref<320000xi32, #tpu.memory_space<hbm>> -> memref<96xi32, #tpu.memory_space<hbm>>
      tpu.enqueue_dma source(%dma_start3A_624 : memref<96xi32, #tpu.memory_space<hbm>>) target(%arg10 : memref<96xi32, #tpu.memory_space<vmem>>) target_semaphore(%arg32 : memref<!tpu.dma_semaphore, #tpu.memory_space<semaphore_mem>>)
      %dma_start3A_625 = tpu.memref_slice %arg4[%add3A_622] : memref<320000xi32, #tpu.memory_space<hbm>> -> memref<96xi32, #tpu.memory_space<hbm>>
      %dma_start3A_626 = tpu.memref_slice %arg4[%add3A_622] : memref<320000xi32, #tpu.memory_space<hbm>> -> memref<96xi32, #tpu.memory_space<hbm>>
      tpu.enqueue_dma source(%dma_start3A_626 : memref<96xi32, #tpu.memory_space<hbm>>) target(%arg14 : memref<96xi32, #tpu.memory_space<vmem>>) target_semaphore(%arg32 : memref<!tpu.dma_semaphore, #tpu.memory_space<semaphore_mem>>)
      %dma_wait3A_627 = arith.constant 0 : i32
      %dma_wait3A_628 = tpu.memref_slice %arg3[%dma_wait3A_627] : memref<320000xi32, #tpu.memory_space<hbm>> -> memref<96xi32, #tpu.memory_space<hbm>>
      %dma_wait3A_629 = arith.constant 0 : i32
      %dma_wait3A_630 = tpu.memref_slice %arg3[%dma_wait3A_629] : memref<320000xi32, #tpu.memory_space<hbm>> -> memref<96xi32, #tpu.memory_space<hbm>>
      tpu.wait_dma2 semaphore(%arg31 : memref<!tpu.dma_semaphore, #tpu.memory_space<semaphore_mem>>) src(%dma_wait3A_630 : memref<96xi32, #tpu.memory_space<hbm>>) dst(%arg9 : memref<96xi32, #tpu.memory_space<vmem>>)
      %dma_wait3A_631 = arith.constant 0 : i32
      %dma_wait3A_632 = tpu.memref_slice %arg4[%dma_wait3A_631] : memref<320000xi32, #tpu.memory_space<hbm>> -> memref<96xi32, #tpu.memory_space<hbm>>
      %dma_wait3A_633 = arith.constant 0 : i32
      %dma_wait3A_634 = tpu.memref_slice %arg4[%dma_wait3A_633] : memref<320000xi32, #tpu.memory_space<hbm>> -> memref<96xi32, #tpu.memory_space<hbm>>
      tpu.wait_dma2 semaphore(%arg31 : memref<!tpu.dma_semaphore, #tpu.memory_space<semaphore_mem>>) src(%dma_wait3A_634 : memref<96xi32, #tpu.memory_space<hbm>>) dst(%arg13 : memref<96xi32, #tpu.memory_space<vmem>>)
      %dma_start3A_635 = arith.constant 0 : i32
      %dma_start3A_636 = arith.constant 0 : i32
      %dma_start3A_637 = tpu.memref_slice %arg2[%dma_start3A_635, %dma_start3A_636] : memref<10000x128xf32, #tpu.memory_space<hbm>> -> memref<10000x128xf32, #tpu.memory_space<hbm>>
      tpu.enqueue_indirect_dma source(%dma_start3A_637 : memref<10000x128xf32, #tpu.memory_space<hbm>>) target(%arg17 : memref<96x128xf32, #tpu.memory_space<vmem>>) offsets(%arg9 : memref<96xi32, #tpu.memory_space<vmem>>) semaphore(%arg25 : memref<!tpu.dma_semaphore, #tpu.memory_space<semaphore_mem>>)
      %add3A_638 = arith.constant 7 : i32
      %add3A_639 = arith.addi %add3A_336, %add3A_638 : i32
      %dma_wait3A_640 = arith.constant 0 : i32
      %dma_wait3A_641 = arith.constant 0 : i32
      %dma_wait3A_642 = tpu.memref_slice %arg2[%dma_wait3A_640, %dma_wait3A_641] : memref<10000x128xf32, #tpu.memory_space<hbm>> -> memref<10000x128xf32, #tpu.memory_space<hbm>>
      tpu.wait_indirect_dma semaphore(%arg27 : memref<!tpu.dma_semaphore, #tpu.memory_space<semaphore_mem>>) src(%dma_wait3A_642 : memref<10000x128xf32, #tpu.memory_space<hbm>>) dst(%arg19 : memref<96x128xf32, #tpu.memory_space<vmem>>)
      %dma_start3A_643 = arith.constant 0 : i32
      %dma_start3A_644 = arith.constant 0 : i32
      %dma_start3A_645 = tpu.memref_slice %arg24[%dma_start3A_643, %dma_start3A_644] : memref<10000x128xf32, #tpu.memory_space<vmem_shared>> -> memref<10000x128xf32, #tpu.memory_space<vmem_shared>>
      tpu.enqueue_indirect_dma source(%arg19 : memref<96x128xf32, #tpu.memory_space<vmem>>) target(%dma_start3A_645 : memref<10000x128xf32, #tpu.memory_space<vmem_shared>>) offsets(%arg16 : memref<96xi32, #tpu.memory_space<vmem>>) semaphore(%arg30 : memref<!tpu.dma_semaphore, #tpu.memory_space<semaphore_mem>>) {add = true}
      %get3A_646 = arith.constant 0 : index
      %get3A_647 = tpu.vector_load %arg16[%get3A_646] {strides = array<i32>} : memref<96xi32, #tpu.memory_space<vmem>>, vector<16xi32>,
      tpu.vector_store_idx %arg23[%get3A_647], %broadcast_in_dim3A_7 {add = true} : memref<10000xf32, #tpu.memory_space<vmem>>[vector<16xi32>], vector<16xf32>,
      %get3A_648 = arith.constant 16 : index
      %get3A_649 = tpu.vector_load %arg16[%get3A_648] {strides = array<i32>} : memref<96xi32, #tpu.memory_space<vmem>>, vector<16xi32>,
      tpu.vector_store_idx %arg23[%get3A_649], %broadcast_in_dim3A_7 {add = true} : memref<10000xf32, #tpu.memory_space<vmem>>[vector<16xi32>], vector<16xf32>,
      %get3A_650 = arith.constant 32 : index
      %get3A_651 = tpu.vector_load %arg16[%get3A_650] {strides = array<i32>} : memref<96xi32, #tpu.memory_space<vmem>>, vector<16xi32>,
      tpu.vector_store_idx %arg23[%get3A_651], %broadcast_in_dim3A_7 {add = true} : memref<10000xf32, #tpu.memory_space<vmem>>[vector<16xi32>], vector<16xf32>,
      %get3A_652 = arith.constant 48 : index
      %get3A_653 = tpu.vector_load %arg16[%get3A_652] {strides = array<i32>} : memref<96xi32, #tpu.memory_space<vmem>>, vector<16xi32>,
      tpu.vector_store_idx %arg23[%get3A_653], %broadcast_in_dim3A_7 {add = true} : memref<10000xf32, #tpu.memory_space<vmem>>[vector<16xi32>], vector<16xf32>,
      %get3A_654 = arith.constant 64 : index
      %get3A_655 = tpu.vector_load %arg16[%get3A_654] {strides = array<i32>} : memref<96xi32, #tpu.memory_space<vmem>>, vector<16xi32>,
      tpu.vector_store_idx %arg23[%get3A_655], %broadcast_in_dim3A_7 {add = true} : memref<10000xf32, #tpu.memory_space<vmem>>[vector<16xi32>], vector<16xf32>,
      %get3A_656 = arith.constant 80 : index
      %get3A_657 = tpu.vector_load %arg16[%get3A_656] {strides = array<i32>} : memref<96xi32, #tpu.memory_space<vmem>>, vector<16xi32>,
      tpu.vector_store_idx %arg23[%get3A_657], %broadcast_in_dim3A_7 {add = true} : memref<10000xf32, #tpu.memory_space<vmem>>[vector<16xi32>], vector<16xf32>,
      %dma_wait3A_658 = arith.constant 0 : i32
      %dma_wait3A_659 = arith.constant 0 : i32
      %dma_wait3A_660 = tpu.memref_slice %arg24[%dma_wait3A_658, %dma_wait3A_659] : memref<10000x128xf32, #tpu.memory_space<vmem_shared>> -> memref<10000x128xf32, #tpu.memory_space<vmem_shared>>
      tpu.wait_indirect_dma semaphore(%arg29 : memref<!tpu.dma_semaphore, #tpu.memory_space<semaphore_mem>>) src(%arg18 : memref<96x128xf32, #tpu.memory_space<vmem>>) dst(%dma_wait3A_660 : memref<10000x128xf32, #tpu.memory_space<vmem_shared>>)
      %add3A_661 = arith.constant 3 : i32
      %add3A_662 = arith.addi %add3A_639, %add3A_661 : i32
      %mul3A_663 = arith.constant 96 : i32
      %mul3A_664 = arith.muli %add3A_662, %mul3A_663 : i32
      %add3A_665 = arith.addi %mul3A_6, %mul3A_664 : i32
      %dma_start3A_666 = tpu.memref_slice %arg3[%add3A_665] : memref<320000xi32, #tpu.memory_space<hbm>> -> memref<96xi32, #tpu.memory_space<hbm>>
      %dma_start3A_667 = tpu.memref_slice %arg3[%add3A_665] : memref<320000xi32, #tpu.memory_space<hbm>> -> memref<96xi32, #tpu.memory_space<hbm>>
      tpu.enqueue_dma source(%dma_start3A_667 : memref<96xi32, #tpu.memory_space<hbm>>) target(%arg11 : memref<96xi32, #tpu.memory_space<vmem>>) target_semaphore(%arg33 : memref<!tpu.dma_semaphore, #tpu.memory_space<semaphore_mem>>)
      %dma_start3A_668 = tpu.memref_slice %arg4[%add3A_665] : memref<320000xi32, #tpu.memory_space<hbm>> -> memref<96xi32, #tpu.memory_space<hbm>>
      %dma_start3A_669 = tpu.memref_slice %arg4[%add3A_665] : memref<320000xi32, #tpu.memory_space<hbm>> -> memref<96xi32, #tpu.memory_space<hbm>>
      tpu.enqueue_dma source(%dma_start3A_669 : memref<96xi32, #tpu.memory_space<hbm>>) target(%arg15 : memref<96xi32, #tpu.memory_space<vmem>>) target_semaphore(%arg33 : memref<!tpu.dma_semaphore, #tpu.memory_space<semaphore_mem>>)
      %dma_wait3A_670 = arith.constant 0 : i32
      %dma_wait3A_671 = tpu.memref_slice %arg3[%dma_wait3A_670] : memref<320000xi32, #tpu.memory_space<hbm>> -> memref<96xi32, #tpu.memory_space<hbm>>
      %dma_wait3A_672 = arith.constant 0 : i32
      %dma_wait3A_673 = tpu.memref_slice %arg3[%dma_wait3A_672] : memref<320000xi32, #tpu.memory_space<hbm>> -> memref<96xi32, #tpu.memory_space<hbm>>
      tpu.wait_dma2 semaphore(%arg32 : memref<!tpu.dma_semaphore, #tpu.memory_space<semaphore_mem>>) src(%dma_wait3A_673 : memref<96xi32, #tpu.memory_space<hbm>>) dst(%arg10 : memref<96xi32, #tpu.memory_space<vmem>>)
      %dma_wait3A_674 = arith.constant 0 : i32
      %dma_wait3A_675 = tpu.memref_slice %arg4[%dma_wait3A_674] : memref<320000xi32, #tpu.memory_space<hbm>> -> memref<96xi32, #tpu.memory_space<hbm>>
      %dma_wait3A_676 = arith.constant 0 : i32
      %dma_wait3A_677 = tpu.memref_slice %arg4[%dma_wait3A_676] : memref<320000xi32, #tpu.memory_space<hbm>> -> memref<96xi32, #tpu.memory_space<hbm>>
      tpu.wait_dma2 semaphore(%arg32 : memref<!tpu.dma_semaphore, #tpu.memory_space<semaphore_mem>>) src(%dma_wait3A_677 : memref<96xi32, #tpu.memory_space<hbm>>) dst(%arg14 : memref<96xi32, #tpu.memory_space<vmem>>)
      %dma_start3A_678 = arith.constant 0 : i32
      %dma_start3A_679 = arith.constant 0 : i32
      %dma_start3A_680 = tpu.memref_slice %arg2[%dma_start3A_678, %dma_start3A_679] : memref<10000x128xf32, #tpu.memory_space<hbm>> -> memref<10000x128xf32, #tpu.memory_space<hbm>>
      tpu.enqueue_indirect_dma source(%dma_start3A_680 : memref<10000x128xf32, #tpu.memory_space<hbm>>) target(%arg18 : memref<96x128xf32, #tpu.memory_space<vmem>>) offsets(%arg10 : memref<96xi32, #tpu.memory_space<vmem>>) semaphore(%arg26 : memref<!tpu.dma_semaphore, #tpu.memory_space<semaphore_mem>>)
      %add3A_681 = arith.constant 8 : i32
      %add3A_682 = arith.addi %add3A_336, %add3A_681 : i32
      %dma_wait3A_683 = arith.constant 0 : i32
      %dma_wait3A_684 = arith.constant 0 : i32
      %dma_wait3A_685 = tpu.memref_slice %arg2[%dma_wait3A_683, %dma_wait3A_684] : memref<10000x128xf32, #tpu.memory_space<hbm>> -> memref<10000x128xf32, #tpu.memory_space<hbm>>
      tpu.wait_indirect_dma semaphore(%arg25 : memref<!tpu.dma_semaphore, #tpu.memory_space<semaphore_mem>>) src(%dma_wait3A_685 : memref<10000x128xf32, #tpu.memory_space<hbm>>) dst(%arg17 : memref<96x128xf32, #tpu.memory_space<vmem>>)
      %dma_start3A_686 = arith.constant 0 : i32
      %dma_start3A_687 = arith.constant 0 : i32
      %dma_start3A_688 = tpu.memref_slice %arg24[%dma_start3A_686, %dma_start3A_687] : memref<10000x128xf32, #tpu.memory_space<vmem_shared>> -> memref<10000x128xf32, #tpu.memory_space<vmem_shared>>
      tpu.enqueue_indirect_dma source(%arg17 : memref<96x128xf32, #tpu.memory_space<vmem>>) target(%dma_start3A_688 : memref<10000x128xf32, #tpu.memory_space<vmem_shared>>) offsets(%arg13 : memref<96xi32, #tpu.memory_space<vmem>>) semaphore(%arg28 : memref<!tpu.dma_semaphore, #tpu.memory_space<semaphore_mem>>) {add = true}
      %get3A_689 = arith.constant 0 : index
      %get3A_690 = tpu.vector_load %arg13[%get3A_689] {strides = array<i32>} : memref<96xi32, #tpu.memory_space<vmem>>, vector<16xi32>,
      tpu.vector_store_idx %arg23[%get3A_690], %broadcast_in_dim3A_7 {add = true} : memref<10000xf32, #tpu.memory_space<vmem>>[vector<16xi32>], vector<16xf32>,
      %get3A_691 = arith.constant 16 : index
      %get3A_692 = tpu.vector_load %arg13[%get3A_691] {strides = array<i32>} : memref<96xi32, #tpu.memory_space<vmem>>, vector<16xi32>,
      tpu.vector_store_idx %arg23[%get3A_692], %broadcast_in_dim3A_7 {add = true} : memref<10000xf32, #tpu.memory_space<vmem>>[vector<16xi32>], vector<16xf32>,
      %get3A_693 = arith.constant 32 : index
      %get3A_694 = tpu.vector_load %arg13[%get3A_693] {strides = array<i32>} : memref<96xi32, #tpu.memory_space<vmem>>, vector<16xi32>,
      tpu.vector_store_idx %arg23[%get3A_694], %broadcast_in_dim3A_7 {add = true} : memref<10000xf32, #tpu.memory_space<vmem>>[vector<16xi32>], vector<16xf32>,
      %get3A_695 = arith.constant 48 : index
      %get3A_696 = tpu.vector_load %arg13[%get3A_695] {strides = array<i32>} : memref<96xi32, #tpu.memory_space<vmem>>, vector<16xi32>,
      tpu.vector_store_idx %arg23[%get3A_696], %broadcast_in_dim3A_7 {add = true} : memref<10000xf32, #tpu.memory_space<vmem>>[vector<16xi32>], vector<16xf32>,
      %get3A_697 = arith.constant 64 : index
      %get3A_698 = tpu.vector_load %arg13[%get3A_697] {strides = array<i32>} : memref<96xi32, #tpu.memory_space<vmem>>, vector<16xi32>,
      tpu.vector_store_idx %arg23[%get3A_698], %broadcast_in_dim3A_7 {add = true} : memref<10000xf32, #tpu.memory_space<vmem>>[vector<16xi32>], vector<16xf32>,
      %get3A_699 = arith.constant 80 : index
      %get3A_700 = tpu.vector_load %arg13[%get3A_699] {strides = array<i32>} : memref<96xi32, #tpu.memory_space<vmem>>, vector<16xi32>,
      tpu.vector_store_idx %arg23[%get3A_700], %broadcast_in_dim3A_7 {add = true} : memref<10000xf32, #tpu.memory_space<vmem>>[vector<16xi32>], vector<16xf32>,
      %dma_wait3A_701 = arith.constant 0 : i32
      %dma_wait3A_702 = arith.constant 0 : i32
      %dma_wait3A_703 = tpu.memref_slice %arg24[%dma_wait3A_701, %dma_wait3A_702] : memref<10000x128xf32, #tpu.memory_space<vmem_shared>> -> memref<10000x128xf32, #tpu.memory_space<vmem_shared>>
      tpu.wait_indirect_dma semaphore(%arg30 : memref<!tpu.dma_semaphore, #tpu.memory_space<semaphore_mem>>) src(%arg19 : memref<96x128xf32, #tpu.memory_space<vmem>>) dst(%dma_wait3A_703 : memref<10000x128xf32, #tpu.memory_space<vmem_shared>>)
      %add3A_704 = arith.constant 3 : i32
      %add3A_705 = arith.addi %add3A_682, %add3A_704 : i32
      %mul3A_706 = arith.constant 96 : i32
      %mul3A_707 = arith.muli %add3A_705, %mul3A_706 : i32
      %add3A_708 = arith.addi %mul3A_6, %mul3A_707 : i32
      %dma_start3A_709 = tpu.memref_slice %arg3[%add3A_708] : memref<320000xi32, #tpu.memory_space<hbm>> -> memref<96xi32, #tpu.memory_space<hbm>>
      %dma_start3A_710 = tpu.memref_slice %arg3[%add3A_708] : memref<320000xi32, #tpu.memory_space<hbm>> -> memref<96xi32, #tpu.memory_space<hbm>>
      tpu.enqueue_dma source(%dma_start3A_710 : memref<96xi32, #tpu.memory_space<hbm>>) target(%arg12 : memref<96xi32, #tpu.memory_space<vmem>>) target_semaphore(%arg34 : memref<!tpu.dma_semaphore, #tpu.memory_space<semaphore_mem>>)
      %dma_start3A_711 = tpu.memref_slice %arg4[%add3A_708] : memref<320000xi32, #tpu.memory_space<hbm>> -> memref<96xi32, #tpu.memory_space<hbm>>
      %dma_start3A_712 = tpu.memref_slice %arg4[%add3A_708] : memref<320000xi32, #tpu.memory_space<hbm>> -> memref<96xi32, #tpu.memory_space<hbm>>
      tpu.enqueue_dma source(%dma_start3A_712 : memref<96xi32, #tpu.memory_space<hbm>>) target(%arg16 : memref<96xi32, #tpu.memory_space<vmem>>) target_semaphore(%arg34 : memref<!tpu.dma_semaphore, #tpu.memory_space<semaphore_mem>>)
      %dma_wait3A_713 = arith.constant 0 : i32
      %dma_wait3A_714 = tpu.memref_slice %arg3[%dma_wait3A_713] : memref<320000xi32, #tpu.memory_space<hbm>> -> memref<96xi32, #tpu.memory_space<hbm>>
      %dma_wait3A_715 = arith.constant 0 : i32
      %dma_wait3A_716 = tpu.memref_slice %arg3[%dma_wait3A_715] : memref<320000xi32, #tpu.memory_space<hbm>> -> memref<96xi32, #tpu.memory_space<hbm>>
      tpu.wait_dma2 semaphore(%arg33 : memref<!tpu.dma_semaphore, #tpu.memory_space<semaphore_mem>>) src(%dma_wait3A_716 : memref<96xi32, #tpu.memory_space<hbm>>) dst(%arg11 : memref<96xi32, #tpu.memory_space<vmem>>)
      %dma_wait3A_717 = arith.constant 0 : i32
      %dma_wait3A_718 = tpu.memref_slice %arg4[%dma_wait3A_717] : memref<320000xi32, #tpu.memory_space<hbm>> -> memref<96xi32, #tpu.memory_space<hbm>>
      %dma_wait3A_719 = arith.constant 0 : i32
      %dma_wait3A_720 = tpu.memref_slice %arg4[%dma_wait3A_719] : memref<320000xi32, #tpu.memory_space<hbm>> -> memref<96xi32, #tpu.memory_space<hbm>>
      tpu.wait_dma2 semaphore(%arg33 : memref<!tpu.dma_semaphore, #tpu.memory_space<semaphore_mem>>) src(%dma_wait3A_720 : memref<96xi32, #tpu.memory_space<hbm>>) dst(%arg15 : memref<96xi32, #tpu.memory_space<vmem>>)
      %dma_start3A_721 = arith.constant 0 : i32
      %dma_start3A_722 = arith.constant 0 : i32
      %dma_start3A_723 = tpu.memref_slice %arg2[%dma_start3A_721, %dma_start3A_722] : memref<10000x128xf32, #tpu.memory_space<hbm>> -> memref<10000x128xf32, #tpu.memory_space<hbm>>
      tpu.enqueue_indirect_dma source(%dma_start3A_723 : memref<10000x128xf32, #tpu.memory_space<hbm>>) target(%arg19 : memref<96x128xf32, #tpu.memory_space<vmem>>) offsets(%arg11 : memref<96xi32, #tpu.memory_space<vmem>>) semaphore(%arg27 : memref<!tpu.dma_semaphore, #tpu.memory_space<semaphore_mem>>)
      %add3A_724 = arith.constant 9 : i32
      %add3A_725 = arith.addi %add3A_336, %add3A_724 : i32
      %dma_wait3A_726 = arith.constant 0 : i32
      %dma_wait3A_727 = arith.constant 0 : i32
      %dma_wait3A_728 = tpu.memref_slice %arg2[%dma_wait3A_726, %dma_wait3A_727] : memref<10000x128xf32, #tpu.memory_space<hbm>> -> memref<10000x128xf32, #tpu.memory_space<hbm>>
      tpu.wait_indirect_dma semaphore(%arg26 : memref<!tpu.dma_semaphore, #tpu.memory_space<semaphore_mem>>) src(%dma_wait3A_728 : memref<10000x128xf32, #tpu.memory_space<hbm>>) dst(%arg18 : memref<96x128xf32, #tpu.memory_space<vmem>>)
      %dma_start3A_729 = arith.constant 0 : i32
      %dma_start3A_730 = arith.constant 0 : i32
      %dma_start3A_731 = tpu.memref_slice %arg24[%dma_start3A_729, %dma_start3A_730] : memref<10000x128xf32, #tpu.memory_space<vmem_shared>> -> memref<10000x128xf32, #tpu.memory_space<vmem_shared>>
      tpu.enqueue_indirect_dma source(%arg18 : memref<96x128xf32, #tpu.memory_space<vmem>>) target(%dma_start3A_731 : memref<10000x128xf32, #tpu.memory_space<vmem_shared>>) offsets(%arg14 : memref<96xi32, #tpu.memory_space<vmem>>) semaphore(%arg29 : memref<!tpu.dma_semaphore, #tpu.memory_space<semaphore_mem>>) {add = true}
      %get3A_732 = arith.constant 0 : index
      %get3A_733 = tpu.vector_load %arg14[%get3A_732] {strides = array<i32>} : memref<96xi32, #tpu.memory_space<vmem>>, vector<16xi32>,
      tpu.vector_store_idx %arg23[%get3A_733], %broadcast_in_dim3A_7 {add = true} : memref<10000xf32, #tpu.memory_space<vmem>>[vector<16xi32>], vector<16xf32>,
      %get3A_734 = arith.constant 16 : index
      %get3A_735 = tpu.vector_load %arg14[%get3A_734] {strides = array<i32>} : memref<96xi32, #tpu.memory_space<vmem>>, vector<16xi32>,
      tpu.vector_store_idx %arg23[%get3A_735], %broadcast_in_dim3A_7 {add = true} : memref<10000xf32, #tpu.memory_space<vmem>>[vector<16xi32>], vector<16xf32>,
      %get3A_736 = arith.constant 32 : index
      %get3A_737 = tpu.vector_load %arg14[%get3A_736] {strides = array<i32>} : memref<96xi32, #tpu.memory_space<vmem>>, vector<16xi32>,
      tpu.vector_store_idx %arg23[%get3A_737], %broadcast_in_dim3A_7 {add = true} : memref<10000xf32, #tpu.memory_space<vmem>>[vector<16xi32>], vector<16xf32>,
      %get3A_738 = arith.constant 48 : index
      %get3A_739 = tpu.vector_load %arg14[%get3A_738] {strides = array<i32>} : memref<96xi32, #tpu.memory_space<vmem>>, vector<16xi32>,
      tpu.vector_store_idx %arg23[%get3A_739], %broadcast_in_dim3A_7 {add = true} : memref<10000xf32, #tpu.memory_space<vmem>>[vector<16xi32>], vector<16xf32>,
      %get3A_740 = arith.constant 64 : index
      %get3A_741 = tpu.vector_load %arg14[%get3A_740] {strides = array<i32>} : memref<96xi32, #tpu.memory_space<vmem>>, vector<16xi32>,
      tpu.vector_store_idx %arg23[%get3A_741], %broadcast_in_dim3A_7 {add = true} : memref<10000xf32, #tpu.memory_space<vmem>>[vector<16xi32>], vector<16xf32>,
      %get3A_742 = arith.constant 80 : index
      %get3A_743 = tpu.vector_load %arg14[%get3A_742] {strides = array<i32>} : memref<96xi32, #tpu.memory_space<vmem>>, vector<16xi32>,
      tpu.vector_store_idx %arg23[%get3A_743], %broadcast_in_dim3A_7 {add = true} : memref<10000xf32, #tpu.memory_space<vmem>>[vector<16xi32>], vector<16xf32>,
      %dma_wait3A_744 = arith.constant 0 : i32
      %dma_wait3A_745 = arith.constant 0 : i32
      %dma_wait3A_746 = tpu.memref_slice %arg24[%dma_wait3A_744, %dma_wait3A_745] : memref<10000x128xf32, #tpu.memory_space<vmem_shared>> -> memref<10000x128xf32, #tpu.memory_space<vmem_shared>>
      tpu.wait_indirect_dma semaphore(%arg28 : memref<!tpu.dma_semaphore, #tpu.memory_space<semaphore_mem>>) src(%arg17 : memref<96x128xf32, #tpu.memory_space<vmem>>) dst(%dma_wait3A_746 : memref<10000x128xf32, #tpu.memory_space<vmem_shared>>)
      %add3A_747 = arith.constant 3 : i32
      %add3A_748 = arith.addi %add3A_725, %add3A_747 : i32
      %mul3A_749 = arith.constant 96 : i32
      %mul3A_750 = arith.muli %add3A_748, %mul3A_749 : i32
      %add3A_751 = arith.addi %mul3A_6, %mul3A_750 : i32
      %dma_start3A_752 = tpu.memref_slice %arg3[%add3A_751] : memref<320000xi32, #tpu.memory_space<hbm>> -> memref<96xi32, #tpu.memory_space<hbm>>
      %dma_start3A_753 = tpu.memref_slice %arg3[%add3A_751] : memref<320000xi32, #tpu.memory_space<hbm>> -> memref<96xi32, #tpu.memory_space<hbm>>
      tpu.enqueue_dma source(%dma_start3A_753 : memref<96xi32, #tpu.memory_space<hbm>>) target(%arg9 : memref<96xi32, #tpu.memory_space<vmem>>) target_semaphore(%arg31 : memref<!tpu.dma_semaphore, #tpu.memory_space<semaphore_mem>>)
      %dma_start3A_754 = tpu.memref_slice %arg4[%add3A_751] : memref<320000xi32, #tpu.memory_space<hbm>> -> memref<96xi32, #tpu.memory_space<hbm>>
      %dma_start3A_755 = tpu.memref_slice %arg4[%add3A_751] : memref<320000xi32, #tpu.memory_space<hbm>> -> memref<96xi32, #tpu.memory_space<hbm>>
      tpu.enqueue_dma source(%dma_start3A_755 : memref<96xi32, #tpu.memory_space<hbm>>) target(%arg13 : memref<96xi32, #tpu.memory_space<vmem>>) target_semaphore(%arg31 : memref<!tpu.dma_semaphore, #tpu.memory_space<semaphore_mem>>)
      %dma_wait3A_756 = arith.constant 0 : i32
      %dma_wait3A_757 = tpu.memref_slice %arg3[%dma_wait3A_756] : memref<320000xi32, #tpu.memory_space<hbm>> -> memref<96xi32, #tpu.memory_space<hbm>>
      %dma_wait3A_758 = arith.constant 0 : i32
      %dma_wait3A_759 = tpu.memref_slice %arg3[%dma_wait3A_758] : memref<320000xi32, #tpu.memory_space<hbm>> -> memref<96xi32, #tpu.memory_space<hbm>>
      tpu.wait_dma2 semaphore(%arg34 : memref<!tpu.dma_semaphore, #tpu.memory_space<semaphore_mem>>) src(%dma_wait3A_759 : memref<96xi32, #tpu.memory_space<hbm>>) dst(%arg12 : memref<96xi32, #tpu.memory_space<vmem>>)
      %dma_wait3A_760 = arith.constant 0 : i32
      %dma_wait3A_761 = tpu.memref_slice %arg4[%dma_wait3A_760] : memref<320000xi32, #tpu.memory_space<hbm>> -> memref<96xi32, #tpu.memory_space<hbm>>
      %dma_wait3A_762 = arith.constant 0 : i32
      %dma_wait3A_763 = tpu.memref_slice %arg4[%dma_wait3A_762] : memref<320000xi32, #tpu.memory_space<hbm>> -> memref<96xi32, #tpu.memory_space<hbm>>
      tpu.wait_dma2 semaphore(%arg34 : memref<!tpu.dma_semaphore, #tpu.memory_space<semaphore_mem>>) src(%dma_wait3A_763 : memref<96xi32, #tpu.memory_space<hbm>>) dst(%arg16 : memref<96xi32, #tpu.memory_space<vmem>>)
      %dma_start3A_764 = arith.constant 0 : i32
      %dma_start3A_765 = arith.constant 0 : i32
      %dma_start3A_766 = tpu.memref_slice %arg2[%dma_start3A_764, %dma_start3A_765] : memref<10000x128xf32, #tpu.memory_space<hbm>> -> memref<10000x128xf32, #tpu.memory_space<hbm>>
      tpu.enqueue_indirect_dma source(%dma_start3A_766 : memref<10000x128xf32, #tpu.memory_space<hbm>>) target(%arg17 : memref<96x128xf32, #tpu.memory_space<vmem>>) offsets(%arg12 : memref<96xi32, #tpu.memory_space<vmem>>) semaphore(%arg25 : memref<!tpu.dma_semaphore, #tpu.memory_space<semaphore_mem>>)
      %add3A_767 = arith.constant 10 : i32
      %add3A_768 = arith.addi %add3A_336, %add3A_767 : i32
      %dma_wait3A_769 = arith.constant 0 : i32
      %dma_wait3A_770 = arith.constant 0 : i32
      %dma_wait3A_771 = tpu.memref_slice %arg2[%dma_wait3A_769, %dma_wait3A_770] : memref<10000x128xf32, #tpu.memory_space<hbm>> -> memref<10000x128xf32, #tpu.memory_space<hbm>>
      tpu.wait_indirect_dma semaphore(%arg27 : memref<!tpu.dma_semaphore, #tpu.memory_space<semaphore_mem>>) src(%dma_wait3A_771 : memref<10000x128xf32, #tpu.memory_space<hbm>>) dst(%arg19 : memref<96x128xf32, #tpu.memory_space<vmem>>)
      %dma_start3A_772 = arith.constant 0 : i32
      %dma_start3A_773 = arith.constant 0 : i32
      %dma_start3A_774 = tpu.memref_slice %arg24[%dma_start3A_772, %dma_start3A_773] : memref<10000x128xf32, #tpu.memory_space<vmem_shared>> -> memref<10000x128xf32, #tpu.memory_space<vmem_shared>>
      tpu.enqueue_indirect_dma source(%arg19 : memref<96x128xf32, #tpu.memory_space<vmem>>) target(%dma_start3A_774 : memref<10000x128xf32, #tpu.memory_space<vmem_shared>>) offsets(%arg15 : memref<96xi32, #tpu.memory_space<vmem>>) semaphore(%arg30 : memref<!tpu.dma_semaphore, #tpu.memory_space<semaphore_mem>>) {add = true}
      %get3A_775 = arith.constant 0 : index
      %get3A_776 = tpu.vector_load %arg15[%get3A_775] {strides = array<i32>} : memref<96xi32, #tpu.memory_space<vmem>>, vector<16xi32>,
      tpu.vector_store_idx %arg23[%get3A_776], %broadcast_in_dim3A_7 {add = true} : memref<10000xf32, #tpu.memory_space<vmem>>[vector<16xi32>], vector<16xf32>,
      %get3A_777 = arith.constant 16 : index
      %get3A_778 = tpu.vector_load %arg15[%get3A_777] {strides = array<i32>} : memref<96xi32, #tpu.memory_space<vmem>>, vector<16xi32>,
      tpu.vector_store_idx %arg23[%get3A_778], %broadcast_in_dim3A_7 {add = true} : memref<10000xf32, #tpu.memory_space<vmem>>[vector<16xi32>], vector<16xf32>,
      %get3A_779 = arith.constant 32 : index
      %get3A_780 = tpu.vector_load %arg15[%get3A_779] {strides = array<i32>} : memref<96xi32, #tpu.memory_space<vmem>>, vector<16xi32>,
      tpu.vector_store_idx %arg23[%get3A_780], %broadcast_in_dim3A_7 {add = true} : memref<10000xf32, #tpu.memory_space<vmem>>[vector<16xi32>], vector<16xf32>,
      %get3A_781 = arith.constant 48 : index
      %get3A_782 = tpu.vector_load %arg15[%get3A_781] {strides = array<i32>} : memref<96xi32, #tpu.memory_space<vmem>>, vector<16xi32>,
      tpu.vector_store_idx %arg23[%get3A_782], %broadcast_in_dim3A_7 {add = true} : memref<10000xf32, #tpu.memory_space<vmem>>[vector<16xi32>], vector<16xf32>,
      %get3A_783 = arith.constant 64 : index
      %get3A_784 = tpu.vector_load %arg15[%get3A_783] {strides = array<i32>} : memref<96xi32, #tpu.memory_space<vmem>>, vector<16xi32>,
      tpu.vector_store_idx %arg23[%get3A_784], %broadcast_in_dim3A_7 {add = true} : memref<10000xf32, #tpu.memory_space<vmem>>[vector<16xi32>], vector<16xf32>,
      %get3A_785 = arith.constant 80 : index
      %get3A_786 = tpu.vector_load %arg15[%get3A_785] {strides = array<i32>} : memref<96xi32, #tpu.memory_space<vmem>>, vector<16xi32>,
      tpu.vector_store_idx %arg23[%get3A_786], %broadcast_in_dim3A_7 {add = true} : memref<10000xf32, #tpu.memory_space<vmem>>[vector<16xi32>], vector<16xf32>,
      %dma_wait3A_787 = arith.constant 0 : i32
      %dma_wait3A_788 = arith.constant 0 : i32
      %dma_wait3A_789 = tpu.memref_slice %arg24[%dma_wait3A_787, %dma_wait3A_788] : memref<10000x128xf32, #tpu.memory_space<vmem_shared>> -> memref<10000x128xf32, #tpu.memory_space<vmem_shared>>
      tpu.wait_indirect_dma semaphore(%arg29 : memref<!tpu.dma_semaphore, #tpu.memory_space<semaphore_mem>>) src(%arg18 : memref<96x128xf32, #tpu.memory_space<vmem>>) dst(%dma_wait3A_789 : memref<10000x128xf32, #tpu.memory_space<vmem_shared>>)
      %add3A_790 = arith.constant 3 : i32
      %add3A_791 = arith.addi %add3A_768, %add3A_790 : i32
      %mul3A_792 = arith.constant 96 : i32
      %mul3A_793 = arith.muli %add3A_791, %mul3A_792 : i32
      %add3A_794 = arith.addi %mul3A_6, %mul3A_793 : i32
      %dma_start3A_795 = tpu.memref_slice %arg3[%add3A_794] : memref<320000xi32, #tpu.memory_space<hbm>> -> memref<96xi32, #tpu.memory_space<hbm>>
      %dma_start3A_796 = tpu.memref_slice %arg3[%add3A_794] : memref<320000xi32, #tpu.memory_space<hbm>> -> memref<96xi32, #tpu.memory_space<hbm>>
      tpu.enqueue_dma source(%dma_start3A_796 : memref<96xi32, #tpu.memory_space<hbm>>) target(%arg10 : memref<96xi32, #tpu.memory_space<vmem>>) target_semaphore(%arg32 : memref<!tpu.dma_semaphore, #tpu.memory_space<semaphore_mem>>)
      %dma_start3A_797 = tpu.memref_slice %arg4[%add3A_794] : memref<320000xi32, #tpu.memory_space<hbm>> -> memref<96xi32, #tpu.memory_space<hbm>>
      %dma_start3A_798 = tpu.memref_slice %arg4[%add3A_794] : memref<320000xi32, #tpu.memory_space<hbm>> -> memref<96xi32, #tpu.memory_space<hbm>>
      tpu.enqueue_dma source(%dma_start3A_798 : memref<96xi32, #tpu.memory_space<hbm>>) target(%arg14 : memref<96xi32, #tpu.memory_space<vmem>>) target_semaphore(%arg32 : memref<!tpu.dma_semaphore, #tpu.memory_space<semaphore_mem>>)
      %dma_wait3A_799 = arith.constant 0 : i32
      %dma_wait3A_800 = tpu.memref_slice %arg3[%dma_wait3A_799] : memref<320000xi32, #tpu.memory_space<hbm>> -> memref<96xi32, #tpu.memory_space<hbm>>
      %dma_wait3A_801 = arith.constant 0 : i32
      %dma_wait3A_802 = tpu.memref_slice %arg3[%dma_wait3A_801] : memref<320000xi32, #tpu.memory_space<hbm>> -> memref<96xi32, #tpu.memory_space<hbm>>
      tpu.wait_dma2 semaphore(%arg31 : memref<!tpu.dma_semaphore, #tpu.memory_space<semaphore_mem>>) src(%dma_wait3A_802 : memref<96xi32, #tpu.memory_space<hbm>>) dst(%arg9 : memref<96xi32, #tpu.memory_space<vmem>>)
      %dma_wait3A_803 = arith.constant 0 : i32
      %dma_wait3A_804 = tpu.memref_slice %arg4[%dma_wait3A_803] : memref<320000xi32, #tpu.memory_space<hbm>> -> memref<96xi32, #tpu.memory_space<hbm>>
      %dma_wait3A_805 = arith.constant 0 : i32
      %dma_wait3A_806 = tpu.memref_slice %arg4[%dma_wait3A_805] : memref<320000xi32, #tpu.memory_space<hbm>> -> memref<96xi32, #tpu.memory_space<hbm>>
      tpu.wait_dma2 semaphore(%arg31 : memref<!tpu.dma_semaphore, #tpu.memory_space<semaphore_mem>>) src(%dma_wait3A_806 : memref<96xi32, #tpu.memory_space<hbm>>) dst(%arg13 : memref<96xi32, #tpu.memory_space<vmem>>)
      %dma_start3A_807 = arith.constant 0 : i32
      %dma_start3A_808 = arith.constant 0 : i32
      %dma_start3A_809 = tpu.memref_slice %arg2[%dma_start3A_807, %dma_start3A_808] : memref<10000x128xf32, #tpu.memory_space<hbm>> -> memref<10000x128xf32, #tpu.memory_space<hbm>>
      tpu.enqueue_indirect_dma source(%dma_start3A_809 : memref<10000x128xf32, #tpu.memory_space<hbm>>) target(%arg18 : memref<96x128xf32, #tpu.memory_space<vmem>>) offsets(%arg9 : memref<96xi32, #tpu.memory_space<vmem>>) semaphore(%arg26 : memref<!tpu.dma_semaphore, #tpu.memory_space<semaphore_mem>>)
      %add3A_810 = arith.constant 11 : i32
      %add3A_811 = arith.addi %add3A_336, %add3A_810 : i32
      %dma_wait3A_812 = arith.constant 0 : i32
      %dma_wait3A_813 = arith.constant 0 : i32
      %dma_wait3A_814 = tpu.memref_slice %arg2[%dma_wait3A_812, %dma_wait3A_813] : memref<10000x128xf32, #tpu.memory_space<hbm>> -> memref<10000x128xf32, #tpu.memory_space<hbm>>
      tpu.wait_indirect_dma semaphore(%arg25 : memref<!tpu.dma_semaphore, #tpu.memory_space<semaphore_mem>>) src(%dma_wait3A_814 : memref<10000x128xf32, #tpu.memory_space<hbm>>) dst(%arg17 : memref<96x128xf32, #tpu.memory_space<vmem>>)
      %dma_start3A_815 = arith.constant 0 : i32
      %dma_start3A_816 = arith.constant 0 : i32
      %dma_start3A_817 = tpu.memref_slice %arg24[%dma_start3A_815, %dma_start3A_816] : memref<10000x128xf32, #tpu.memory_space<vmem_shared>> -> memref<10000x128xf32, #tpu.memory_space<vmem_shared>>
      tpu.enqueue_indirect_dma source(%arg17 : memref<96x128xf32, #tpu.memory_space<vmem>>) target(%dma_start3A_817 : memref<10000x128xf32, #tpu.memory_space<vmem_shared>>) offsets(%arg16 : memref<96xi32, #tpu.memory_space<vmem>>) semaphore(%arg28 : memref<!tpu.dma_semaphore, #tpu.memory_space<semaphore_mem>>) {add = true}
      %get3A_818 = arith.constant 0 : index
      %get3A_819 = tpu.vector_load %arg16[%get3A_818] {strides = array<i32>} : memref<96xi32, #tpu.memory_space<vmem>>, vector<16xi32>,
      tpu.vector_store_idx %arg23[%get3A_819], %broadcast_in_dim3A_7 {add = true} : memref<10000xf32, #tpu.memory_space<vmem>>[vector<16xi32>], vector<16xf32>,
      %get3A_820 = arith.constant 16 : index
      %get3A_821 = tpu.vector_load %arg16[%get3A_820] {strides = array<i32>} : memref<96xi32, #tpu.memory_space<vmem>>, vector<16xi32>,
      tpu.vector_store_idx %arg23[%get3A_821], %broadcast_in_dim3A_7 {add = true} : memref<10000xf32, #tpu.memory_space<vmem>>[vector<16xi32>], vector<16xf32>,
      %get3A_822 = arith.constant 32 : index
      %get3A_823 = tpu.vector_load %arg16[%get3A_822] {strides = array<i32>} : memref<96xi32, #tpu.memory_space<vmem>>, vector<16xi32>,
      tpu.vector_store_idx %arg23[%get3A_823], %broadcast_in_dim3A_7 {add = true} : memref<10000xf32, #tpu.memory_space<vmem>>[vector<16xi32>], vector<16xf32>,
      %get3A_824 = arith.constant 48 : index
      %get3A_825 = tpu.vector_load %arg16[%get3A_824] {strides = array<i32>} : memref<96xi32, #tpu.memory_space<vmem>>, vector<16xi32>,
      tpu.vector_store_idx %arg23[%get3A_825], %broadcast_in_dim3A_7 {add = true} : memref<10000xf32, #tpu.memory_space<vmem>>[vector<16xi32>], vector<16xf32>,
      %get3A_826 = arith.constant 64 : index
      %get3A_827 = tpu.vector_load %arg16[%get3A_826] {strides = array<i32>} : memref<96xi32, #tpu.memory_space<vmem>>, vector<16xi32>,
      tpu.vector_store_idx %arg23[%get3A_827], %broadcast_in_dim3A_7 {add = true} : memref<10000xf32, #tpu.memory_space<vmem>>[vector<16xi32>], vector<16xf32>,
      %get3A_828 = arith.constant 80 : index
      %get3A_829 = tpu.vector_load %arg16[%get3A_828] {strides = array<i32>} : memref<96xi32, #tpu.memory_space<vmem>>, vector<16xi32>,
      tpu.vector_store_idx %arg23[%get3A_829], %broadcast_in_dim3A_7 {add = true} : memref<10000xf32, #tpu.memory_space<vmem>>[vector<16xi32>], vector<16xf32>,
      %dma_wait3A_830 = arith.constant 0 : i32
      %dma_wait3A_831 = arith.constant 0 : i32
      %dma_wait3A_832 = tpu.memref_slice %arg24[%dma_wait3A_830, %dma_wait3A_831] : memref<10000x128xf32, #tpu.memory_space<vmem_shared>> -> memref<10000x128xf32, #tpu.memory_space<vmem_shared>>
      tpu.wait_indirect_dma semaphore(%arg30 : memref<!tpu.dma_semaphore, #tpu.memory_space<semaphore_mem>>) src(%arg19 : memref<96x128xf32, #tpu.memory_space<vmem>>) dst(%dma_wait3A_832 : memref<10000x128xf32, #tpu.memory_space<vmem_shared>>)
      %add3A_833 = arith.constant 3 : i32
      %add3A_834 = arith.addi %add3A_811, %add3A_833 : i32
      %mul3A_835 = arith.constant 96 : i32
      %mul3A_836 = arith.muli %add3A_834, %mul3A_835 : i32
      %add3A_837 = arith.addi %mul3A_6, %mul3A_836 : i32
      %dma_start3A_838 = tpu.memref_slice %arg3[%add3A_837] : memref<320000xi32, #tpu.memory_space<hbm>> -> memref<96xi32, #tpu.memory_space<hbm>>
      %dma_start3A_839 = tpu.memref_slice %arg3[%add3A_837] : memref<320000xi32, #tpu.memory_space<hbm>> -> memref<96xi32, #tpu.memory_space<hbm>>
      tpu.enqueue_dma source(%dma_start3A_839 : memref<96xi32, #tpu.memory_space<hbm>>) target(%arg11 : memref<96xi32, #tpu.memory_space<vmem>>) target_semaphore(%arg33 : memref<!tpu.dma_semaphore, #tpu.memory_space<semaphore_mem>>)
      %dma_start3A_840 = tpu.memref_slice %arg4[%add3A_837] : memref<320000xi32, #tpu.memory_space<hbm>> -> memref<96xi32, #tpu.memory_space<hbm>>
      %dma_start3A_841 = tpu.memref_slice %arg4[%add3A_837] : memref<320000xi32, #tpu.memory_space<hbm>> -> memref<96xi32, #tpu.memory_space<hbm>>
      tpu.enqueue_dma source(%dma_start3A_841 : memref<96xi32, #tpu.memory_space<hbm>>) target(%arg15 : memref<96xi32, #tpu.memory_space<vmem>>) target_semaphore(%arg33 : memref<!tpu.dma_semaphore, #tpu.memory_space<semaphore_mem>>)
      %dma_wait3A_842 = arith.constant 0 : i32
      %dma_wait3A_843 = tpu.memref_slice %arg3[%dma_wait3A_842] : memref<320000xi32, #tpu.memory_space<hbm>> -> memref<96xi32, #tpu.memory_space<hbm>>
      %dma_wait3A_844 = arith.constant 0 : i32
      %dma_wait3A_845 = tpu.memref_slice %arg3[%dma_wait3A_844] : memref<320000xi32, #tpu.memory_space<hbm>> -> memref<96xi32, #tpu.memory_space<hbm>>
      tpu.wait_dma2 semaphore(%arg32 : memref<!tpu.dma_semaphore, #tpu.memory_space<semaphore_mem>>) src(%dma_wait3A_845 : memref<96xi32, #tpu.memory_space<hbm>>) dst(%arg10 : memref<96xi32, #tpu.memory_space<vmem>>)
      %dma_wait3A_846 = arith.constant 0 : i32
      %dma_wait3A_847 = tpu.memref_slice %arg4[%dma_wait3A_846] : memref<320000xi32, #tpu.memory_space<hbm>> -> memref<96xi32, #tpu.memory_space<hbm>>
      %dma_wait3A_848 = arith.constant 0 : i32
      %dma_wait3A_849 = tpu.memref_slice %arg4[%dma_wait3A_848] : memref<320000xi32, #tpu.memory_space<hbm>> -> memref<96xi32, #tpu.memory_space<hbm>>
      tpu.wait_dma2 semaphore(%arg32 : memref<!tpu.dma_semaphore, #tpu.memory_space<semaphore_mem>>) src(%dma_wait3A_849 : memref<96xi32, #tpu.memory_space<hbm>>) dst(%arg14 : memref<96xi32, #tpu.memory_space<vmem>>)
      %dma_start3A_850 = arith.constant 0 : i32
      %dma_start3A_851 = arith.constant 0 : i32
      %dma_start3A_852 = tpu.memref_slice %arg2[%dma_start3A_850, %dma_start3A_851] : memref<10000x128xf32, #tpu.memory_space<hbm>> -> memref<10000x128xf32, #tpu.memory_space<hbm>>
      tpu.enqueue_indirect_dma source(%dma_start3A_852 : memref<10000x128xf32, #tpu.memory_space<hbm>>) target(%arg19 : memref<96x128xf32, #tpu.memory_space<vmem>>) offsets(%arg10 : memref<96xi32, #tpu.memory_space<vmem>>) semaphore(%arg27 : memref<!tpu.dma_semaphore, #tpu.memory_space<semaphore_mem>>)
    }
    %scan3A_198 = arith.constant 8 : i32
    %dma_wait3A_199 = arith.constant 0 : i32
    %dma_wait3A_200 = arith.constant 0 : i32
    %dma_wait3A_201 = tpu.memref_slice %arg2[%dma_wait3A_199, %dma_wait3A_200] : memref<10000x128xf32, #tpu.memory_space<hbm>> -> memref<10000x128xf32, #tpu.memory_space<hbm>>
    tpu.wait_indirect_dma semaphore(%arg26 : memref<!tpu.dma_semaphore, #tpu.memory_space<semaphore_mem>>) src(%dma_wait3A_201 : memref<10000x128xf32, #tpu.memory_space<hbm>>) dst(%arg18 : memref<96x128xf32, #tpu.memory_space<vmem>>)
    %dma_start3A_202 = arith.constant 0 : i32
    %dma_start3A_203 = arith.constant 0 : i32
    %dma_start3A_204 = tpu.memref_slice %arg24[%dma_start3A_202, %dma_start3A_203] : memref<10000x128xf32, #tpu.memory_space<vmem_shared>> -> memref<10000x128xf32, #tpu.memory_space<vmem_shared>>
    tpu.enqueue_indirect_dma source(%arg18 : memref<96x128xf32, #tpu.memory_space<vmem>>) target(%dma_start3A_204 : memref<10000x128xf32, #tpu.memory_space<vmem_shared>>) offsets(%arg13 : memref<96xi32, #tpu.memory_space<vmem>>) semaphore(%arg29 : memref<!tpu.dma_semaphore, #tpu.memory_space<semaphore_mem>>) {add = true}
    %get3A_205 = arith.constant 0 : index
    %get3A_206 = tpu.vector_load %arg13[%get3A_205] {strides = array<i32>} : memref<96xi32, #tpu.memory_space<vmem>>, vector<16xi32>,
    tpu.vector_store_idx %arg23[%get3A_206], %broadcast_in_dim3A_7 {add = true} : memref<10000xf32, #tpu.memory_space<vmem>>[vector<16xi32>], vector<16xf32>,
    %get3A_207 = arith.constant 16 : index
    %get3A_208 = tpu.vector_load %arg13[%get3A_207] {strides = array<i32>} : memref<96xi32, #tpu.memory_space<vmem>>, vector<16xi32>,
    tpu.vector_store_idx %arg23[%get3A_208], %broadcast_in_dim3A_7 {add = true} : memref<10000xf32, #tpu.memory_space<vmem>>[vector<16xi32>], vector<16xf32>,
    %get3A_209 = arith.constant 32 : index
    %get3A_210 = tpu.vector_load %arg13[%get3A_209] {strides = array<i32>} : memref<96xi32, #tpu.memory_space<vmem>>, vector<16xi32>,
    tpu.vector_store_idx %arg23[%get3A_210], %broadcast_in_dim3A_7 {add = true} : memref<10000xf32, #tpu.memory_space<vmem>>[vector<16xi32>], vector<16xf32>,
    %get3A_211 = arith.constant 48 : index
    %get3A_212 = tpu.vector_load %arg13[%get3A_211] {strides = array<i32>} : memref<96xi32, #tpu.memory_space<vmem>>, vector<16xi32>,
    tpu.vector_store_idx %arg23[%get3A_212], %broadcast_in_dim3A_7 {add = true} : memref<10000xf32, #tpu.memory_space<vmem>>[vector<16xi32>], vector<16xf32>,
    %get3A_213 = arith.constant 64 : index
    %get3A_214 = tpu.vector_load %arg13[%get3A_213] {strides = array<i32>} : memref<96xi32, #tpu.memory_space<vmem>>, vector<16xi32>,
    tpu.vector_store_idx %arg23[%get3A_214], %broadcast_in_dim3A_7 {add = true} : memref<10000xf32, #tpu.memory_space<vmem>>[vector<16xi32>], vector<16xf32>,
    %get3A_215 = arith.constant 80 : index
    %get3A_216 = tpu.vector_load %arg13[%get3A_215] {strides = array<i32>} : memref<96xi32, #tpu.memory_space<vmem>>, vector<16xi32>,
    tpu.vector_store_idx %arg23[%get3A_216], %broadcast_in_dim3A_7 {add = true} : memref<10000xf32, #tpu.memory_space<vmem>>[vector<16xi32>], vector<16xf32>,
    %dma_wait3A_217 = arith.constant 0 : i32
    %dma_wait3A_218 = arith.constant 0 : i32
    %dma_wait3A_219 = tpu.memref_slice %arg24[%dma_wait3A_217, %dma_wait3A_218] : memref<10000x128xf32, #tpu.memory_space<vmem_shared>> -> memref<10000x128xf32, #tpu.memory_space<vmem_shared>>
    tpu.wait_indirect_dma semaphore(%arg28 : memref<!tpu.dma_semaphore, #tpu.memory_space<semaphore_mem>>) src(%arg17 : memref<96x128xf32, #tpu.memory_space<vmem>>) dst(%dma_wait3A_219 : memref<10000x128xf32, #tpu.memory_space<vmem_shared>>)
    %add3A_220 = arith.constant 9888 : i32
    %add3A_221 = arith.addi %mul3A_6, %add3A_220 : i32
    %dma_start3A_222 = tpu.memref_slice %arg3[%add3A_221] : memref<320000xi32, #tpu.memory_space<hbm>> -> memref<96xi32, #tpu.memory_space<hbm>>
    %dma_start3A_223 = tpu.memref_slice %arg3[%add3A_221] : memref<320000xi32, #tpu.memory_space<hbm>> -> memref<96xi32, #tpu.memory_space<hbm>>
    tpu.enqueue_dma source(%dma_start3A_223 : memref<96xi32, #tpu.memory_space<hbm>>) target(%arg12 : memref<96xi32, #tpu.memory_space<vmem>>) target_semaphore(%arg34 : memref<!tpu.dma_semaphore, #tpu.memory_space<semaphore_mem>>)
    %dma_start3A_224 = tpu.memref_slice %arg4[%add3A_221] : memref<320000xi32, #tpu.memory_space<hbm>> -> memref<96xi32, #tpu.memory_space<hbm>>
    %dma_start3A_225 = tpu.memref_slice %arg4[%add3A_221] : memref<320000xi32, #tpu.memory_space<hbm>> -> memref<96xi32, #tpu.memory_space<hbm>>
    tpu.enqueue_dma source(%dma_start3A_225 : memref<96xi32, #tpu.memory_space<hbm>>) target(%arg16 : memref<96xi32, #tpu.memory_space<vmem>>) target_semaphore(%arg34 : memref<!tpu.dma_semaphore, #tpu.memory_space<semaphore_mem>>)
    %dma_wait3A_226 = arith.constant 0 : i32
    %dma_wait3A_227 = tpu.memref_slice %arg3[%dma_wait3A_226] : memref<320000xi32, #tpu.memory_space<hbm>> -> memref<96xi32, #tpu.memory_space<hbm>>
    %dma_wait3A_228 = arith.constant 0 : i32
    %dma_wait3A_229 = tpu.memref_slice %arg3[%dma_wait3A_228] : memref<320000xi32, #tpu.memory_space<hbm>> -> memref<96xi32, #tpu.memory_space<hbm>>
    tpu.wait_dma2 semaphore(%arg33 : memref<!tpu.dma_semaphore, #tpu.memory_space<semaphore_mem>>) src(%dma_wait3A_229 : memref<96xi32, #tpu.memory_space<hbm>>) dst(%arg11 : memref<96xi32, #tpu.memory_space<vmem>>)
    %dma_wait3A_230 = arith.constant 0 : i32
    %dma_wait3A_231 = tpu.memref_slice %arg4[%dma_wait3A_230] : memref<320000xi32, #tpu.memory_space<hbm>> -> memref<96xi32, #tpu.memory_space<hbm>>
    %dma_wait3A_232 = arith.constant 0 : i32
    %dma_wait3A_233 = tpu.memref_slice %arg4[%dma_wait3A_232] : memref<320000xi32, #tpu.memory_space<hbm>> -> memref<96xi32, #tpu.memory_space<hbm>>
    tpu.wait_dma2 semaphore(%arg33 : memref<!tpu.dma_semaphore, #tpu.memory_space<semaphore_mem>>) src(%dma_wait3A_233 : memref<96xi32, #tpu.memory_space<hbm>>) dst(%arg15 : memref<96xi32, #tpu.memory_space<vmem>>)
    %dma_start3A_234 = arith.constant 0 : i32
    %dma_start3A_235 = arith.constant 0 : i32
    %dma_start3A_236 = tpu.memref_slice %arg2[%dma_start3A_234, %dma_start3A_235] : memref<10000x128xf32, #tpu.memory_space<hbm>> -> memref<10000x128xf32, #tpu.memory_space<hbm>>
    tpu.enqueue_indirect_dma source(%dma_start3A_236 : memref<10000x128xf32, #tpu.memory_space<hbm>>) target(%arg17 : memref<96x128xf32, #tpu.memory_space<vmem>>) offsets(%arg11 : memref<96xi32, #tpu.memory_space<vmem>>) semaphore(%arg25 : memref<!tpu.dma_semaphore, #tpu.memory_space<semaphore_mem>>)
    %dma_wait3A_237 = arith.constant 0 : i32
    %dma_wait3A_238 = arith.constant 0 : i32
    %dma_wait3A_239 = tpu.memref_slice %arg2[%dma_wait3A_237, %dma_wait3A_238] : memref<10000x128xf32, #tpu.memory_space<hbm>> -> memref<10000x128xf32, #tpu.memory_space<hbm>>
    tpu.wait_indirect_dma semaphore(%arg27 : memref<!tpu.dma_semaphore, #tpu.memory_space<semaphore_mem>>) src(%dma_wait3A_239 : memref<10000x128xf32, #tpu.memory_space<hbm>>) dst(%arg19 : memref<96x128xf32, #tpu.memory_space<vmem>>)
    %dma_start3A_240 = arith.constant 0 : i32
    %dma_start3A_241 = arith.constant 0 : i32
    %dma_start3A_242 = tpu.memref_slice %arg24[%dma_start3A_240, %dma_start3A_241] : memref<10000x128xf32, #tpu.memory_space<vmem_shared>> -> memref<10000x128xf32, #tpu.memory_space<vmem_shared>>
    tpu.enqueue_indirect_dma source(%arg19 : memref<96x128xf32, #tpu.memory_space<vmem>>) target(%dma_start3A_242 : memref<10000x128xf32, #tpu.memory_space<vmem_shared>>) offsets(%arg14 : memref<96xi32, #tpu.memory_space<vmem>>) semaphore(%arg30 : memref<!tpu.dma_semaphore, #tpu.memory_space<semaphore_mem>>) {add = true}
    %get3A_243 = arith.constant 0 : index
    %get3A_244 = tpu.vector_load %arg14[%get3A_243] {strides = array<i32>} : memref<96xi32, #tpu.memory_space<vmem>>, vector<16xi32>,
    tpu.vector_store_idx %arg23[%get3A_244], %broadcast_in_dim3A_7 {add = true} : memref<10000xf32, #tpu.memory_space<vmem>>[vector<16xi32>], vector<16xf32>,
    %get3A_245 = arith.constant 16 : index
    %get3A_246 = tpu.vector_load %arg14[%get3A_245] {strides = array<i32>} : memref<96xi32, #tpu.memory_space<vmem>>, vector<16xi32>,
    tpu.vector_store_idx %arg23[%get3A_246], %broadcast_in_dim3A_7 {add = true} : memref<10000xf32, #tpu.memory_space<vmem>>[vector<16xi32>], vector<16xf32>,
    %get3A_247 = arith.constant 32 : index
    %get3A_248 = tpu.vector_load %arg14[%get3A_247] {strides = array<i32>} : memref<96xi32, #tpu.memory_space<vmem>>, vector<16xi32>,
    tpu.vector_store_idx %arg23[%get3A_248], %broadcast_in_dim3A_7 {add = true} : memref<10000xf32, #tpu.memory_space<vmem>>[vector<16xi32>], vector<16xf32>,
    %get3A_249 = arith.constant 48 : index
    %get3A_250 = tpu.vector_load %arg14[%get3A_249] {strides = array<i32>} : memref<96xi32, #tpu.memory_space<vmem>>, vector<16xi32>,
    tpu.vector_store_idx %arg23[%get3A_250], %broadcast_in_dim3A_7 {add = true} : memref<10000xf32, #tpu.memory_space<vmem>>[vector<16xi32>], vector<16xf32>,
    %get3A_251 = arith.constant 64 : index
    %get3A_252 = tpu.vector_load %arg14[%get3A_251] {strides = array<i32>} : memref<96xi32, #tpu.memory_space<vmem>>, vector<16xi32>,
    tpu.vector_store_idx %arg23[%get3A_252], %broadcast_in_dim3A_7 {add = true} : memref<10000xf32, #tpu.memory_space<vmem>>[vector<16xi32>], vector<16xf32>,
    %get3A_253 = arith.constant 80 : index
    %get3A_254 = tpu.vector_load %arg14[%get3A_253] {strides = array<i32>} : memref<96xi32, #tpu.memory_space<vmem>>, vector<16xi32>,
    tpu.vector_store_idx %arg23[%get3A_254], %broadcast_in_dim3A_7 {add = true} : memref<10000xf32, #tpu.memory_space<vmem>>[vector<16xi32>], vector<16xf32>,
    %dma_wait3A_255 = arith.constant 0 : i32
    %dma_wait3A_256 = arith.constant 0 : i32
    %dma_wait3A_257 = tpu.memref_slice %arg24[%dma_wait3A_255, %dma_wait3A_256] : memref<10000x128xf32, #tpu.memory_space<vmem_shared>> -> memref<10000x128xf32, #tpu.memory_space<vmem_shared>>
    tpu.wait_indirect_dma semaphore(%arg29 : memref<!tpu.dma_semaphore, #tpu.memory_space<semaphore_mem>>) src(%arg18 : memref<96x128xf32, #tpu.memory_space<vmem>>) dst(%dma_wait3A_257 : memref<10000x128xf32, #tpu.memory_space<vmem_shared>>)
    %dma_wait3A_258 = arith.constant 0 : i32
    %dma_wait3A_259 = tpu.memref_slice %arg3[%dma_wait3A_258] : memref<320000xi32, #tpu.memory_space<hbm>> -> memref<96xi32, #tpu.memory_space<hbm>>
    %dma_wait3A_260 = arith.constant 0 : i32
    %dma_wait3A_261 = tpu.memref_slice %arg3[%dma_wait3A_260] : memref<320000xi32, #tpu.memory_space<hbm>> -> memref<96xi32, #tpu.memory_space<hbm>>
    tpu.wait_dma2 semaphore(%arg34 : memref<!tpu.dma_semaphore, #tpu.memory_space<semaphore_mem>>) src(%dma_wait3A_261 : memref<96xi32, #tpu.memory_space<hbm>>) dst(%arg12 : memref<96xi32, #tpu.memory_space<vmem>>)
    %dma_wait3A_262 = arith.constant 0 : i32
    %dma_wait3A_263 = tpu.memref_slice %arg4[%dma_wait3A_262] : memref<320000xi32, #tpu.memory_space<hbm>> -> memref<96xi32, #tpu.memory_space<hbm>>
    %dma_wait3A_264 = arith.constant 0 : i32
    %dma_wait3A_265 = tpu.memref_slice %arg4[%dma_wait3A_264] : memref<320000xi32, #tpu.memory_space<hbm>> -> memref<96xi32, #tpu.memory_space<hbm>>
    tpu.wait_dma2 semaphore(%arg34 : memref<!tpu.dma_semaphore, #tpu.memory_space<semaphore_mem>>) src(%dma_wait3A_265 : memref<96xi32, #tpu.memory_space<hbm>>) dst(%arg16 : memref<96xi32, #tpu.memory_space<vmem>>)
    %dma_start3A_266 = arith.constant 0 : i32
    %dma_start3A_267 = arith.constant 0 : i32
    %dma_start3A_268 = tpu.memref_slice %arg2[%dma_start3A_266, %dma_start3A_267] : memref<10000x128xf32, #tpu.memory_space<hbm>> -> memref<10000x128xf32, #tpu.memory_space<hbm>>
    tpu.enqueue_indirect_dma source(%dma_start3A_268 : memref<10000x128xf32, #tpu.memory_space<hbm>>) target(%arg18 : memref<96x128xf32, #tpu.memory_space<vmem>>) offsets(%arg12 : memref<96xi32, #tpu.memory_space<vmem>>) semaphore(%arg26 : memref<!tpu.dma_semaphore, #tpu.memory_space<semaphore_mem>>)
    %dma_wait3A_269 = arith.constant 0 : i32
    %dma_wait3A_270 = arith.constant 0 : i32
    %dma_wait3A_271 = tpu.memref_slice %arg2[%dma_wait3A_269, %dma_wait3A_270] : memref<10000x128xf32, #tpu.memory_space<hbm>> -> memref<10000x128xf32, #tpu.memory_space<hbm>>
    tpu.wait_indirect_dma semaphore(%arg25 : memref<!tpu.dma_semaphore, #tpu.memory_space<semaphore_mem>>) src(%dma_wait3A_271 : memref<10000x128xf32, #tpu.memory_space<hbm>>) dst(%arg17 : memref<96x128xf32, #tpu.memory_space<vmem>>)
    %dma_start3A_272 = arith.constant 0 : i32
    %dma_start3A_273 = arith.constant 0 : i32
    %dma_start3A_274 = tpu.memref_slice %arg24[%dma_start3A_272, %dma_start3A_273] : memref<10000x128xf32, #tpu.memory_space<vmem_shared>> -> memref<10000x128xf32, #tpu.memory_space<vmem_shared>>
    tpu.enqueue_indirect_dma source(%arg17 : memref<96x128xf32, #tpu.memory_space<vmem>>) target(%dma_start3A_274 : memref<10000x128xf32, #tpu.memory_space<vmem_shared>>) offsets(%arg15 : memref<96xi32, #tpu.memory_space<vmem>>) semaphore(%arg28 : memref<!tpu.dma_semaphore, #tpu.memory_space<semaphore_mem>>) {add = true}
    %get3A_275 = arith.constant 0 : index
    %get3A_276 = tpu.vector_load %arg15[%get3A_275] {strides = array<i32>} : memref<96xi32, #tpu.memory_space<vmem>>, vector<16xi32>,
    tpu.vector_store_idx %arg23[%get3A_276], %broadcast_in_dim3A_7 {add = true} : memref<10000xf32, #tpu.memory_space<vmem>>[vector<16xi32>], vector<16xf32>,
    %get3A_277 = arith.constant 16 : index
    %get3A_278 = tpu.vector_load %arg15[%get3A_277] {strides = array<i32>} : memref<96xi32, #tpu.memory_space<vmem>>, vector<16xi32>,
    tpu.vector_store_idx %arg23[%get3A_278], %broadcast_in_dim3A_7 {add = true} : memref<10000xf32, #tpu.memory_space<vmem>>[vector<16xi32>], vector<16xf32>,
    %get3A_279 = arith.constant 32 : index
    %get3A_280 = tpu.vector_load %arg15[%get3A_279] {strides = array<i32>} : memref<96xi32, #tpu.memory_space<vmem>>, vector<16xi32>,
    tpu.vector_store_idx %arg23[%get3A_280], %broadcast_in_dim3A_7 {add = true} : memref<10000xf32, #tpu.memory_space<vmem>>[vector<16xi32>], vector<16xf32>,
    %get3A_281 = arith.constant 48 : index
    %get3A_282 = tpu.vector_load %arg15[%get3A_281] {strides = array<i32>} : memref<96xi32, #tpu.memory_space<vmem>>, vector<16xi32>,
    tpu.vector_store_idx %arg23[%get3A_282], %broadcast_in_dim3A_7 {add = true} : memref<10000xf32, #tpu.memory_space<vmem>>[vector<16xi32>], vector<16xf32>,
    %get3A_283 = arith.constant 64 : index
    %get3A_284 = tpu.vector_load %arg15[%get3A_283] {strides = array<i32>} : memref<96xi32, #tpu.memory_space<vmem>>, vector<16xi32>,
    tpu.vector_store_idx %arg23[%get3A_284], %broadcast_in_dim3A_7 {add = true} : memref<10000xf32, #tpu.memory_space<vmem>>[vector<16xi32>], vector<16xf32>,
    %get3A_285 = arith.constant 80 : index
    %get3A_286 = tpu.vector_load %arg15[%get3A_285] {strides = array<i32>} : memref<96xi32, #tpu.memory_space<vmem>>, vector<16xi32>,
    tpu.vector_store_idx %arg23[%get3A_286], %broadcast_in_dim3A_7 {add = true} : memref<10000xf32, #tpu.memory_space<vmem>>[vector<16xi32>], vector<16xf32>,
    %dma_wait3A_287 = arith.constant 0 : i32
    %dma_wait3A_288 = arith.constant 0 : i32
    %dma_wait3A_289 = tpu.memref_slice %arg24[%dma_wait3A_287, %dma_wait3A_288] : memref<10000x128xf32, #tpu.memory_space<vmem_shared>> -> memref<10000x128xf32, #tpu.memory_space<vmem_shared>>
    tpu.wait_indirect_dma semaphore(%arg30 : memref<!tpu.dma_semaphore, #tpu.memory_space<semaphore_mem>>) src(%arg19 : memref<96x128xf32, #tpu.memory_space<vmem>>) dst(%dma_wait3A_289 : memref<10000x128xf32, #tpu.memory_space<vmem_shared>>)
    %dma_wait3A_290 = arith.constant 0 : i32
    %dma_wait3A_291 = arith.constant 0 : i32
    %dma_wait3A_292 = tpu.memref_slice %arg2[%dma_wait3A_290, %dma_wait3A_291] : memref<10000x128xf32, #tpu.memory_space<hbm>> -> memref<10000x128xf32, #tpu.memory_space<hbm>>
    tpu.wait_indirect_dma semaphore(%arg26 : memref<!tpu.dma_semaphore, #tpu.memory_space<semaphore_mem>>) src(%dma_wait3A_292 : memref<10000x128xf32, #tpu.memory_space<hbm>>) dst(%arg18 : memref<96x128xf32, #tpu.memory_space<vmem>>)
    %dma_start3A_293 = arith.constant 0 : i32
    %dma_start3A_294 = arith.constant 0 : i32
    %dma_start3A_295 = tpu.memref_slice %arg24[%dma_start3A_293, %dma_start3A_294] : memref<10000x128xf32, #tpu.memory_space<vmem_shared>> -> memref<10000x128xf32, #tpu.memory_space<vmem_shared>>
    tpu.enqueue_indirect_dma source(%arg18 : memref<96x128xf32, #tpu.memory_space<vmem>>) target(%dma_start3A_295 : memref<10000x128xf32, #tpu.memory_space<vmem_shared>>) offsets(%arg16 : memref<96xi32, #tpu.memory_space<vmem>>) semaphore(%arg29 : memref<!tpu.dma_semaphore, #tpu.memory_space<semaphore_mem>>) {add = true}
    %get3A_296 = arith.constant 0 : index
    %get3A_297 = tpu.vector_load %arg16[%get3A_296] {strides = array<i32>} : memref<96xi32, #tpu.memory_space<vmem>>, vector<16xi32>,
    tpu.vector_store_idx %arg23[%get3A_297], %broadcast_in_dim3A_7 {add = true} : memref<10000xf32, #tpu.memory_space<vmem>>[vector<16xi32>], vector<16xf32>,
    %get3A_298 = arith.constant 16 : index
    %get3A_299 = tpu.vector_load %arg16[%get3A_298] {strides = array<i32>} : memref<96xi32, #tpu.memory_space<vmem>>, vector<16xi32>,
    tpu.vector_store_idx %arg23[%get3A_299], %broadcast_in_dim3A_7 {add = true} : memref<10000xf32, #tpu.memory_space<vmem>>[vector<16xi32>], vector<16xf32>,
    %get3A_300 = arith.constant 32 : index
    %get3A_301 = tpu.vector_load %arg16[%get3A_300] {strides = array<i32>} : memref<96xi32, #tpu.memory_space<vmem>>, vector<16xi32>,
    tpu.vector_store_idx %arg23[%get3A_301], %broadcast_in_dim3A_7 {add = true} : memref<10000xf32, #tpu.memory_space<vmem>>[vector<16xi32>], vector<16xf32>,
    %get3A_302 = arith.constant 48 : index
    %get3A_303 = tpu.vector_load %arg16[%get3A_302] {strides = array<i32>} : memref<96xi32, #tpu.memory_space<vmem>>, vector<16xi32>,
    tpu.vector_store_idx %arg23[%get3A_303], %broadcast_in_dim3A_7 {add = true} : memref<10000xf32, #tpu.memory_space<vmem>>[vector<16xi32>], vector<16xf32>,
    %get3A_304 = arith.constant 64 : index
    %get3A_305 = tpu.vector_load %arg16[%get3A_304] {strides = array<i32>} : memref<96xi32, #tpu.memory_space<vmem>>, vector<16xi32>,
    tpu.vector_store_idx %arg23[%get3A_305], %broadcast_in_dim3A_7 {add = true} : memref<10000xf32, #tpu.memory_space<vmem>>[vector<16xi32>], vector<16xf32>,
    %get3A_306 = arith.constant 80 : index
    %get3A_307 = tpu.vector_load %arg16[%get3A_306] {strides = array<i32>} : memref<96xi32, #tpu.memory_space<vmem>>, vector<16xi32>,
    tpu.vector_store_idx %arg23[%get3A_307], %broadcast_in_dim3A_7 {add = true} : memref<10000xf32, #tpu.memory_space<vmem>>[vector<16xi32>], vector<16xf32>,
    %dma_wait3A_308 = arith.constant 0 : i32
    %dma_wait3A_309 = arith.constant 0 : i32
    %dma_wait3A_310 = tpu.memref_slice %arg24[%dma_wait3A_308, %dma_wait3A_309] : memref<10000x128xf32, #tpu.memory_space<vmem_shared>> -> memref<10000x128xf32, #tpu.memory_space<vmem_shared>>
    tpu.wait_indirect_dma semaphore(%arg28 : memref<!tpu.dma_semaphore, #tpu.memory_space<semaphore_mem>>) src(%arg17 : memref<96x128xf32, #tpu.memory_space<vmem>>) dst(%dma_wait3A_310 : memref<10000x128xf32, #tpu.memory_space<vmem_shared>>)
    %dma_wait3A_311 = arith.constant 0 : i32
    %dma_wait3A_312 = arith.constant 0 : i32
    %dma_wait3A_313 = tpu.memref_slice %arg24[%dma_wait3A_311, %dma_wait3A_312] : memref<10000x128xf32, #tpu.memory_space<vmem_shared>> -> memref<10000x128xf32, #tpu.memory_space<vmem_shared>>
    tpu.wait_indirect_dma semaphore(%arg29 : memref<!tpu.dma_semaphore, #tpu.memory_space<semaphore_mem>>) src(%arg18 : memref<96x128xf32, #tpu.memory_space<vmem>>) dst(%dma_wait3A_313 : memref<10000x128xf32, #tpu.memory_space<vmem_shared>>)
    %add3A_314 = arith.constant 9984 : i32
    %add3A_315 = arith.addi %mul3A_6, %add3A_314 : i32
    "tpu.region"() ({
      %run_scoped3A = tpu.sem_alloc : memref<!tpu.dma_semaphore, #tpu.memory_space<semaphore_mem>>
      %dma_start3A_332 = tpu.memref_slice %arg3[%add3A_315] : memref<320000xi32, #tpu.memory_space<hbm>> -> memref<16xi32, #tpu.memory_space<hbm>>
      %dma_start3A_333 = tpu.memref_slice %arg3[%add3A_315] : memref<320000xi32, #tpu.memory_space<hbm>> -> memref<16xi32, #tpu.memory_space<hbm>>
      tpu.enqueue_dma source(%dma_start3A_333 : memref<16xi32, #tpu.memory_space<hbm>>) target(%arg20 : memref<16xi32, #tpu.memory_space<vmem>>) target_semaphore(%run_scoped3A : memref<!tpu.dma_semaphore, #tpu.memory_space<semaphore_mem>>)
      %dma_wait3A_334 = tpu.memref_slice %arg3[%add3A_315] : memref<320000xi32, #tpu.memory_space<hbm>> -> memref<16xi32, #tpu.memory_space<hbm>>
      %dma_wait3A_335 = tpu.memref_slice %arg3[%add3A_315] : memref<320000xi32, #tpu.memory_space<hbm>> -> memref<16xi32, #tpu.memory_space<hbm>>
      tpu.wait_dma2 semaphore(%run_scoped3A : memref<!tpu.dma_semaphore, #tpu.memory_space<semaphore_mem>>) src(%dma_wait3A_335 : memref<16xi32, #tpu.memory_space<hbm>>) dst(%arg20 : memref<16xi32, #tpu.memory_space<vmem>>)
      tpu.yield
    }) : () -> ()
    "tpu.region"() ({
      %run_scoped3A = tpu.sem_alloc : memref<!tpu.dma_semaphore, #tpu.memory_space<semaphore_mem>>
      %dma_start3A_332 = tpu.memref_slice %arg4[%add3A_315] : memref<320000xi32, #tpu.memory_space<hbm>> -> memref<16xi32, #tpu.memory_space<hbm>>
      %dma_start3A_333 = tpu.memref_slice %arg4[%add3A_315] : memref<320000xi32, #tpu.memory_space<hbm>> -> memref<16xi32, #tpu.memory_space<hbm>>
      tpu.enqueue_dma source(%dma_start3A_333 : memref<16xi32, #tpu.memory_space<hbm>>) target(%arg21 : memref<16xi32, #tpu.memory_space<vmem>>) target_semaphore(%run_scoped3A : memref<!tpu.dma_semaphore, #tpu.memory_space<semaphore_mem>>)
      %dma_wait3A_334 = tpu.memref_slice %arg4[%add3A_315] : memref<320000xi32, #tpu.memory_space<hbm>> -> memref<16xi32, #tpu.memory_space<hbm>>
      %dma_wait3A_335 = tpu.memref_slice %arg4[%add3A_315] : memref<320000xi32, #tpu.memory_space<hbm>> -> memref<16xi32, #tpu.memory_space<hbm>>
      tpu.wait_dma2 semaphore(%run_scoped3A : memref<!tpu.dma_semaphore, #tpu.memory_space<semaphore_mem>>) src(%dma_wait3A_335 : memref<16xi32, #tpu.memory_space<hbm>>) dst(%arg21 : memref<16xi32, #tpu.memory_space<vmem>>)
      tpu.yield
    }) : () -> ()
    %dma_start3A_316 = arith.constant 0 : i32
    %dma_start3A_317 = arith.constant 0 : i32
    %dma_start3A_318 = tpu.memref_slice %arg2[%dma_start3A_316, %dma_start3A_317] : memref<10000x128xf32, #tpu.memory_space<hbm>> -> memref<10000x128xf32, #tpu.memory_space<hbm>>
    tpu.enqueue_indirect_dma source(%dma_start3A_318 : memref<10000x128xf32, #tpu.memory_space<hbm>>) target(%arg22 : memref<16x128xf32, #tpu.memory_space<vmem>>) offsets(%arg20 : memref<16xi32, #tpu.memory_space<vmem>>) semaphore(%arg25 : memref<!tpu.dma_semaphore, #tpu.memory_space<semaphore_mem>>)
    %dma_wait3A_319 = arith.constant 0 : i32
    %dma_wait3A_320 = arith.constant 0 : i32
    %dma_wait3A_321 = tpu.memref_slice %arg2[%dma_wait3A_319, %dma_wait3A_320] : memref<10000x128xf32, #tpu.memory_space<hbm>> -> memref<10000x128xf32, #tpu.memory_space<hbm>>
    tpu.wait_indirect_dma semaphore(%arg25 : memref<!tpu.dma_semaphore, #tpu.memory_space<semaphore_mem>>) src(%dma_wait3A_321 : memref<10000x128xf32, #tpu.memory_space<hbm>>) dst(%arg22 : memref<16x128xf32, #tpu.memory_space<vmem>>)
    "tpu.region"() ({
      %run_scoped3A = tpu.sem_alloc : memref<!tpu.dma_semaphore, #tpu.memory_space<semaphore_mem>>
      %dma_start3A_332 = arith.constant 0 : i32
      %dma_start3A_333 = arith.constant 0 : i32
      %dma_start3A_334 = tpu.memref_slice %arg24[%dma_start3A_332, %dma_start3A_333] : memref<10000x128xf32, #tpu.memory_space<vmem_shared>> -> memref<10000x128xf32, #tpu.memory_space<vmem_shared>>
      tpu.enqueue_indirect_dma source(%arg22 : memref<16x128xf32, #tpu.memory_space<vmem>>) target(%dma_start3A_334 : memref<10000x128xf32, #tpu.memory_space<vmem_shared>>) offsets(%arg21 : memref<16xi32, #tpu.memory_space<vmem>>) semaphore(%run_scoped3A : memref<!tpu.dma_semaphore, #tpu.memory_space<semaphore_mem>>) {add = true}
      %dma_wait3A_335 = arith.constant 0 : i32
      %dma_wait3A_336 = arith.constant 0 : i32
      %dma_wait3A_337 = tpu.memref_slice %arg24[%dma_wait3A_335, %dma_wait3A_336] : memref<10000x128xf32, #tpu.memory_space<vmem_shared>> -> memref<10000x128xf32, #tpu.memory_space<vmem_shared>>
      tpu.wait_indirect_dma semaphore(%run_scoped3A : memref<!tpu.dma_semaphore, #tpu.memory_space<semaphore_mem>>) src(%arg22 : memref<16x128xf32, #tpu.memory_space<vmem>>) dst(%dma_wait3A_337 : memref<10000x128xf32, #tpu.memory_space<vmem_shared>>)
      tpu.yield
    }) : () -> ()
    %get3A_322 = arith.constant 0 : index
    %get3A_323 = tpu.vector_load %arg21[%get3A_322] {strides = array<i32>} : memref<16xi32, #tpu.memory_space<vmem>>, vector<16xi32>,
    tpu.vector_store_idx %arg23[%get3A_323], %broadcast_in_dim3A_7 {add = true} : memref<10000xf32, #tpu.memory_space<vmem>>[vector<16xi32>], vector<16xf32>,
    %mul3A_324 = arith.constant 10000 : i32
    %mul3A_325 = arith.muli %add3A, %mul3A_324 : i32
    "tpu.region"() ({
      %run_scoped3A = tpu.sem_alloc : memref<!tpu.dma_semaphore, #tpu.memory_space<semaphore_mem>>
      %dma_start3A_332 = tpu.memref_slice %arg8[%mul3A_325] : memref<320000xf32, #tpu.memory_space<hbm>> -> memref<10000xf32, #tpu.memory_space<hbm>>
      %dma_start3A_333 = tpu.memref_slice %arg8[%mul3A_325] : memref<320000xf32, #tpu.memory_space<hbm>> -> memref<10000xf32, #tpu.memory_space<hbm>>
      tpu.enqueue_dma source(%arg23 : memref<10000xf32, #tpu.memory_space<vmem>>) target(%dma_start3A_333 : memref<10000xf32, #tpu.memory_space<hbm>>) target_semaphore(%run_scoped3A : memref<!tpu.dma_semaphore, #tpu.memory_space<semaphore_mem>>)
      %dma_wait3A_334 = tpu.memref_slice %arg8[%mul3A_325] : memref<320000xf32, #tpu.memory_space<hbm>> -> memref<10000xf32, #tpu.memory_space<hbm>>
      %dma_wait3A_335 = tpu.memref_slice %arg8[%mul3A_325] : memref<320000xf32, #tpu.memory_space<hbm>> -> memref<10000xf32, #tpu.memory_space<hbm>>
      tpu.wait_dma2 semaphore(%run_scoped3A : memref<!tpu.dma_semaphore, #tpu.memory_space<semaphore_mem>>) src(%arg23 : memref<10000xf32, #tpu.memory_space<vmem>>) dst(%dma_wait3A_335 : memref<10000xf32, #tpu.memory_space<hbm>>)
      tpu.yield
    }) : () -> ()
    %barrier3A_326 = arith.constant 0 : index
    tpu.barrier barrier_id(%barrier3A_326)
    "tpu.region"() ({
      %run_scoped3A = tpu.sem_alloc : memref<!tpu.dma_semaphore, #tpu.memory_space<semaphore_mem>>
      %dma_start3A_332 = arith.constant 0 : i32
      %dma_start3A_333 = tpu.memref_slice %arg7[%arg0, %mul3A_2, %dma_start3A_332] : memref<2x10000x128xf32, #tpu.memory_space<hbm>> -> memref<1x624x128xf32, #tpu.memory_space<hbm>>
      %dma_start3A_334 = tpu.memref_squeeze %dma_start3A_333 : memref<1x624x128xf32, #tpu.memory_space<hbm>> -> memref<624x128xf32, #tpu.memory_space<hbm>>
      %dma_start3A_335 = arith.constant 0 : i32
      %dma_start3A_336 = tpu.memref_slice %arg24[%mul3A_2, %dma_start3A_335] : memref<10000x128xf32, #tpu.memory_space<vmem_shared>> -> memref<624x128xf32, #tpu.memory_space<vmem_shared>>
      tpu.enqueue_dma source(%dma_start3A_336 : memref<624x128xf32, #tpu.memory_space<vmem_shared>>) target(%dma_start3A_334 : memref<624x128xf32, #tpu.memory_space<hbm>>) target_semaphore(%run_scoped3A : memref<!tpu.dma_semaphore, #tpu.memory_space<semaphore_mem>>)
      %dma_wait3A_337 = arith.constant 0 : i32
      %dma_wait3A_338 = tpu.memref_slice %arg7[%arg0, %mul3A_2, %dma_wait3A_337] : memref<2x10000x128xf32, #tpu.memory_space<hbm>> -> memref<1x624x128xf32, #tpu.memory_space<hbm>>
      %dma_wait3A_339 = tpu.memref_squeeze %dma_wait3A_338 : memref<1x624x128xf32, #tpu.memory_space<hbm>> -> memref<624x128xf32, #tpu.memory_space<hbm>>
      %dma_wait3A_340 = arith.constant 0 : i32
      %dma_wait3A_341 = tpu.memref_slice %arg24[%mul3A_2, %dma_wait3A_340] : memref<10000x128xf32, #tpu.memory_space<vmem_shared>> -> memref<624x128xf32, #tpu.memory_space<vmem_shared>>
      tpu.wait_dma2 semaphore(%run_scoped3A : memref<!tpu.dma_semaphore, #tpu.memory_space<semaphore_mem>>) src(%dma_wait3A_341 : memref<624x128xf32, #tpu.memory_space<vmem_shared>>) dst(%dma_wait3A_339 : memref<624x128xf32, #tpu.memory_space<hbm>>)
      tpu.yield
    }) : () -> ()
    %eq3A_327 = arith.constant 15 : i32
    %eq3A_328 = arith.cmpi eq, %arg1, %eq3A_327 : i32
    %convert_element_type3A_329 = arith.extui %eq3A_328 : i1 to i32
    %cond3A_330 = arith.constant 0 : i32
    %cond3A_331 = arith.cmpi ne, %convert_element_type3A_329, %cond3A_330 : i32
    scf.if %cond3A_331 {
      "tpu.region"() ({
        %run_scoped3A = tpu.sem_alloc : memref<!tpu.dma_semaphore, #tpu.memory_space<semaphore_mem>>
        %dma_start3A_332 = arith.constant 9984 : i32
        %dma_start3A_333 = arith.constant 0 : i32
        %dma_start3A_334 = tpu.memref_slice %arg7[%arg0, %dma_start3A_332, %dma_start3A_333] : memref<2x10000x128xf32, #tpu.memory_space<hbm>> -> memref<1x16x128xf32, #tpu.memory_space<hbm>>
        %dma_start3A_335 = tpu.memref_squeeze %dma_start3A_334 : memref<1x16x128xf32, #tpu.memory_space<hbm>> -> memref<16x128xf32, #tpu.memory_space<hbm>>
        %dma_start3A_336 = arith.constant 9984 : i32
        %dma_start3A_337 = arith.constant 0 : i32
        %dma_start3A_338 = tpu.memref_slice %arg24[%dma_start3A_336, %dma_start3A_337] : memref<10000x128xf32, #tpu.memory_space<vmem_shared>> -> memref<16x128xf32, #tpu.memory_space<vmem_shared>>
        tpu.enqueue_dma source(%dma_start3A_338 : memref<16x128xf32, #tpu.memory_space<vmem_shared>>) target(%dma_start3A_335 : memref<16x128xf32, #tpu.memory_space<hbm>>) target_semaphore(%run_scoped3A : memref<!tpu.dma_semaphore, #tpu.memory_space<semaphore_mem>>)
        %dma_wait3A_339 = arith.constant 9984 : i32
        %dma_wait3A_340 = arith.constant 0 : i32
        %dma_wait3A_341 = tpu.memref_slice %arg7[%arg0, %dma_wait3A_339, %dma_wait3A_340] : memref<2x10000x128xf32, #tpu.memory_space<hbm>> -> memref<1x16x128xf32, #tpu.memory_space<hbm>>
        %dma_wait3A_342 = tpu.memref_squeeze %dma_wait3A_341 : memref<1x16x128xf32, #tpu.memory_space<hbm>> -> memref<16x128xf32, #tpu.memory_space<hbm>>
        %dma_wait3A_343 = arith.constant 9984 : i32
        %dma_wait3A_344 = arith.constant 0 : i32
        %dma_wait3A_345 = tpu.memref_slice %arg24[%dma_wait3A_343, %dma_wait3A_344] : memref<10000x128xf32, #tpu.memory_space<vmem_shared>> -> memref<16x128xf32, #tpu.memory_space<vmem_shared>>
        tpu.wait_dma2 semaphore(%run_scoped3A : memref<!tpu.dma_semaphore, #tpu.memory_space<semaphore_mem>>) src(%dma_wait3A_345 : memref<16x128xf32, #tpu.memory_space<vmem_shared>>) dst(%dma_wait3A_342 : memref<16x128xf32, #tpu.memory_space<hbm>>)
        tpu.yield
      }) : () -> ()
    } else {
    }
    return
  }
}

#map = affine_map<(d0, d1) -> (0, 0)>
#map1 = affine_map<(d0, d1) -> (0)>
module attributes {stable_mosaic.version = 14 : i64} {
  func.func @_sc_score_body(%arg0: i32, %arg1: i32, %arg2: memref<10000x128xf32, #tpu.memory_space<hbm>>, %arg3: memref<32768xi32, #tpu.memory_space<hbm>>, %arg4: memref<10000xf32, #tpu.memory_space<hbm>>, %arg5: memref<32768x128xf32, #tpu.memory_space<hbm>>, %arg6: memref<32768xf32, #tpu.memory_space<hbm>>, %arg7: memref<128xi32, #tpu.memory_space<vmem>>, %arg8: memref<128x128xf32, #tpu.memory_space<vmem>>, %arg9: memref<10000xf32, #tpu.memory_space<vmem>>, %arg10: memref<128xf32, #tpu.memory_space<vmem>>, %arg11: memref<!tpu.dma_semaphore, #tpu.memory_space<semaphore_mem>>) attributes {dimension_semantics = [#tpu.dimension_semantics<core_parallel>, #tpu.dimension_semantics<subcore_parallel>], iteration_bounds = array<i64: 2, 16>, scalar_prefetch = 0 : i64, scratch_operands = 5 : i64, tpu.core_type = #tpu.core_type<sc_vector_subcore>, window_params = [{transform_indices = #map}, {transform_indices = #map1}, {transform_indices = #map1}, {transform_indices = #map}, {transform_indices = #map1}]} {
    %mul3A = arith.constant 2 : i32
    %mul3A_0 = arith.muli %arg1, %mul3A : i32
    %add3A = arith.addi %mul3A_0, %arg0 : i32
    %mul3A_1 = arith.constant 1024 : i32
    %mul3A_2 = arith.muli %add3A, %mul3A_1 : i32
    "tpu.region"() ({
      %run_scoped3A = tpu.sem_alloc : memref<!tpu.dma_semaphore, #tpu.memory_space<semaphore_mem>>
      tpu.enqueue_dma source(%arg4 : memref<10000xf32, #tpu.memory_space<hbm>>) target(%arg9 : memref<10000xf32, #tpu.memory_space<vmem>>) target_semaphore(%run_scoped3A : memref<!tpu.dma_semaphore, #tpu.memory_space<semaphore_mem>>)
      tpu.wait_dma2 semaphore(%run_scoped3A : memref<!tpu.dma_semaphore, #tpu.memory_space<semaphore_mem>>) src(%arg4 : memref<10000xf32, #tpu.memory_space<hbm>>) dst(%arg9 : memref<10000xf32, #tpu.memory_space<vmem>>)
      tpu.yield
    }) : () -> ()
    %scan3A = arith.constant 0 : i32
    %scan3A_3 = arith.constant 0 : i32
    %scan3A_4 = arith.constant 8 : i32
    %scan3A_5 = arith.addi %scan3A_3, %scan3A_4 : i32
    %scan3A_6 = arith.constant 1 : i32
    scf.for %scan3A_8 = %scan3A_3 to %scan3A_5 step %scan3A_6  : i32 {
      %mul3A_9 = arith.constant 128 : i32
      %mul3A_10 = arith.muli %scan3A_8, %mul3A_9 : i32
      %add3A_11 = arith.addi %mul3A_2, %mul3A_10 : i32
      "tpu.region"() ({
        %run_scoped3A = tpu.sem_alloc : memref<!tpu.dma_semaphore, #tpu.memory_space<semaphore_mem>>
        %dma_start3A_53 = tpu.memref_slice %arg3[%add3A_11] : memref<32768xi32, #tpu.memory_space<hbm>> -> memref<128xi32, #tpu.memory_space<hbm>>
        %dma_start3A_54 = tpu.memref_slice %arg3[%add3A_11] : memref<32768xi32, #tpu.memory_space<hbm>> -> memref<128xi32, #tpu.memory_space<hbm>>
        tpu.enqueue_dma source(%dma_start3A_54 : memref<128xi32, #tpu.memory_space<hbm>>) target(%arg7 : memref<128xi32, #tpu.memory_space<vmem>>) target_semaphore(%run_scoped3A : memref<!tpu.dma_semaphore, #tpu.memory_space<semaphore_mem>>)
        %dma_wait3A_55 = tpu.memref_slice %arg3[%add3A_11] : memref<32768xi32, #tpu.memory_space<hbm>> -> memref<128xi32, #tpu.memory_space<hbm>>
        %dma_wait3A_56 = tpu.memref_slice %arg3[%add3A_11] : memref<32768xi32, #tpu.memory_space<hbm>> -> memref<128xi32, #tpu.memory_space<hbm>>
        tpu.wait_dma2 semaphore(%run_scoped3A : memref<!tpu.dma_semaphore, #tpu.memory_space<semaphore_mem>>) src(%dma_wait3A_56 : memref<128xi32, #tpu.memory_space<hbm>>) dst(%arg7 : memref<128xi32, #tpu.memory_space<vmem>>)
        tpu.yield
      }) : () -> ()
      %dma_start3A = arith.constant 0 : i32
      %dma_start3A_12 = arith.constant 0 : i32
      %dma_start3A_13 = tpu.memref_slice %arg2[%dma_start3A, %dma_start3A_12] : memref<10000x128xf32, #tpu.memory_space<hbm>> -> memref<10000x128xf32, #tpu.memory_space<hbm>>
      tpu.enqueue_indirect_dma source(%dma_start3A_13 : memref<10000x128xf32, #tpu.memory_space<hbm>>) target(%arg8 : memref<128x128xf32, #tpu.memory_space<vmem>>) offsets(%arg7 : memref<128xi32, #tpu.memory_space<vmem>>) semaphore(%arg11 : memref<!tpu.dma_semaphore, #tpu.memory_space<semaphore_mem>>)
      %dma_wait3A = arith.constant 0 : i32
      %dma_wait3A_14 = arith.constant 0 : i32
      %dma_wait3A_15 = tpu.memref_slice %arg2[%dma_wait3A, %dma_wait3A_14] : memref<10000x128xf32, #tpu.memory_space<hbm>> -> memref<10000x128xf32, #tpu.memory_space<hbm>>
      tpu.wait_indirect_dma semaphore(%arg11 : memref<!tpu.dma_semaphore, #tpu.memory_space<semaphore_mem>>) src(%dma_wait3A_15 : memref<10000x128xf32, #tpu.memory_space<hbm>>) dst(%arg8 : memref<128x128xf32, #tpu.memory_space<vmem>>)
      "tpu.region"() ({
        %run_scoped3A = tpu.sem_alloc : memref<!tpu.dma_semaphore, #tpu.memory_space<semaphore_mem>>
        %dma_start3A_53 = arith.constant 0 : i32
        %dma_start3A_54 = tpu.memref_slice %arg5[%add3A_11, %dma_start3A_53] : memref<32768x128xf32, #tpu.memory_space<hbm>> -> memref<128x128xf32, #tpu.memory_space<hbm>>
        %dma_start3A_55 = arith.constant 0 : i32
        %dma_start3A_56 = tpu.memref_slice %arg5[%add3A_11, %dma_start3A_55] : memref<32768x128xf32, #tpu.memory_space<hbm>> -> memref<128x128xf32, #tpu.memory_space<hbm>>
        tpu.enqueue_dma source(%arg8 : memref<128x128xf32, #tpu.memory_space<vmem>>) target(%dma_start3A_56 : memref<128x128xf32, #tpu.memory_space<hbm>>) target_semaphore(%run_scoped3A : memref<!tpu.dma_semaphore, #tpu.memory_space<semaphore_mem>>)
        %dma_wait3A_57 = arith.constant 0 : i32
        %dma_wait3A_58 = tpu.memref_slice %arg5[%add3A_11, %dma_wait3A_57] : memref<32768x128xf32, #tpu.memory_space<hbm>> -> memref<128x128xf32, #tpu.memory_space<hbm>>
        %dma_wait3A_59 = arith.constant 0 : i32
        %dma_wait3A_60 = tpu.memref_slice %arg5[%add3A_11, %dma_wait3A_59] : memref<32768x128xf32, #tpu.memory_space<hbm>> -> memref<128x128xf32, #tpu.memory_space<hbm>>
        tpu.wait_dma2 semaphore(%run_scoped3A : memref<!tpu.dma_semaphore, #tpu.memory_space<semaphore_mem>>) src(%arg8 : memref<128x128xf32, #tpu.memory_space<vmem>>) dst(%dma_wait3A_60 : memref<128x128xf32, #tpu.memory_space<hbm>>)
        tpu.yield
      }) : () -> ()
      %get3A = arith.constant 0 : index
      %get3A_16 = tpu.vector_load %arg7[%get3A] {strides = array<i32>} : memref<128xi32, #tpu.memory_space<vmem>>, vector<16xi32>,
      %gather3A = tpu.vector_load_idx %arg9[%get3A_16] : memref<10000xf32, #tpu.memory_space<vmem>>[vector<16xi32>], vector<16xf32>,
      %swap3A = arith.constant 0 : index
      %swap3A_17 = tpu.vector_load %arg10[%swap3A] {strides = array<i32>} : memref<128xf32, #tpu.memory_space<vmem>>, vector<16xf32>,
      tpu.vector_store %arg10[%swap3A], %gather3A {strides = array<i32>} : memref<128xf32, #tpu.memory_space<vmem>>, vector<16xf32>,
      %get3A_18 = arith.constant 16 : index
      %get3A_19 = tpu.vector_load %arg7[%get3A_18] {strides = array<i32>} : memref<128xi32, #tpu.memory_space<vmem>>, vector<16xi32>,
      %gather3A_20 = tpu.vector_load_idx %arg9[%get3A_19] : memref<10000xf32, #tpu.memory_space<vmem>>[vector<16xi32>], vector<16xf32>,
      %swap3A_21 = arith.constant 16 : index
      %swap3A_22 = tpu.vector_load %arg10[%swap3A_21] {strides = array<i32>} : memref<128xf32, #tpu.memory_space<vmem>>, vector<16xf32>,
      tpu.vector_store %arg10[%swap3A_21], %gather3A_20 {strides = array<i32>} : memref<128xf32, #tpu.memory_space<vmem>>, vector<16xf32>,
      %get3A_23 = arith.constant 32 : index
      %get3A_24 = tpu.vector_load %arg7[%get3A_23] {strides = array<i32>} : memref<128xi32, #tpu.memory_space<vmem>>, vector<16xi32>,
      %gather3A_25 = tpu.vector_load_idx %arg9[%get3A_24] : memref<10000xf32, #tpu.memory_space<vmem>>[vector<16xi32>], vector<16xf32>,
      %swap3A_26 = arith.constant 32 : index
      %swap3A_27 = tpu.vector_load %arg10[%swap3A_26] {strides = array<i32>} : memref<128xf32, #tpu.memory_space<vmem>>, vector<16xf32>,
      tpu.vector_store %arg10[%swap3A_26], %gather3A_25 {strides = array<i32>} : memref<128xf32, #tpu.memory_space<vmem>>, vector<16xf32>,
      %get3A_28 = arith.constant 48 : index
      %get3A_29 = tpu.vector_load %arg7[%get3A_28] {strides = array<i32>} : memref<128xi32, #tpu.memory_space<vmem>>, vector<16xi32>,
      %gather3A_30 = tpu.vector_load_idx %arg9[%get3A_29] : memref<10000xf32, #tpu.memory_space<vmem>>[vector<16xi32>], vector<16xf32>,
      %swap3A_31 = arith.constant 48 : index
      %swap3A_32 = tpu.vector_load %arg10[%swap3A_31] {strides = array<i32>} : memref<128xf32, #tpu.memory_space<vmem>>, vector<16xf32>,
      tpu.vector_store %arg10[%swap3A_31], %gather3A_30 {strides = array<i32>} : memref<128xf32, #tpu.memory_space<vmem>>, vector<16xf32>,
      %get3A_33 = arith.constant 64 : index
      %get3A_34 = tpu.vector_load %arg7[%get3A_33] {strides = array<i32>} : memref<128xi32, #tpu.memory_space<vmem>>, vector<16xi32>,
      %gather3A_35 = tpu.vector_load_idx %arg9[%get3A_34] : memref<10000xf32, #tpu.memory_space<vmem>>[vector<16xi32>], vector<16xf32>,
      %swap3A_36 = arith.constant 64 : index
      %swap3A_37 = tpu.vector_load %arg10[%swap3A_36] {strides = array<i32>} : memref<128xf32, #tpu.memory_space<vmem>>, vector<16xf32>,
      tpu.vector_store %arg10[%swap3A_36], %gather3A_35 {strides = array<i32>} : memref<128xf32, #tpu.memory_space<vmem>>, vector<16xf32>,
      %get3A_38 = arith.constant 80 : index
      %get3A_39 = tpu.vector_load %arg7[%get3A_38] {strides = array<i32>} : memref<128xi32, #tpu.memory_space<vmem>>, vector<16xi32>,
      %gather3A_40 = tpu.vector_load_idx %arg9[%get3A_39] : memref<10000xf32, #tpu.memory_space<vmem>>[vector<16xi32>], vector<16xf32>,
      %swap3A_41 = arith.constant 80 : index
      %swap3A_42 = tpu.vector_load %arg10[%swap3A_41] {strides = array<i32>} : memref<128xf32, #tpu.memory_space<vmem>>, vector<16xf32>,
      tpu.vector_store %arg10[%swap3A_41], %gather3A_40 {strides = array<i32>} : memref<128xf32, #tpu.memory_space<vmem>>, vector<16xf32>,
      %get3A_43 = arith.constant 96 : index
      %get3A_44 = tpu.vector_load %arg7[%get3A_43] {strides = array<i32>} : memref<128xi32, #tpu.memory_space<vmem>>, vector<16xi32>,
      %gather3A_45 = tpu.vector_load_idx %arg9[%get3A_44] : memref<10000xf32, #tpu.memory_space<vmem>>[vector<16xi32>], vector<16xf32>,
      %swap3A_46 = arith.constant 96 : index
      %swap3A_47 = tpu.vector_load %arg10[%swap3A_46] {strides = array<i32>} : memref<128xf32, #tpu.memory_space<vmem>>, vector<16xf32>,
      tpu.vector_store %arg10[%swap3A_46], %gather3A_45 {strides = array<i32>} : memref<128xf32, #tpu.memory_space<vmem>>, vector<16xf32>,
      %get3A_48 = arith.constant 112 : index
      %get3A_49 = tpu.vector_load %arg7[%get3A_48] {strides = array<i32>} : memref<128xi32, #tpu.memory_space<vmem>>, vector<16xi32>,
      %gather3A_50 = tpu.vector_load_idx %arg9[%get3A_49] : memref<10000xf32, #tpu.memory_space<vmem>>[vector<16xi32>], vector<16xf32>,
      %swap3A_51 = arith.constant 112 : index
      %swap3A_52 = tpu.vector_load %arg10[%swap3A_51] {strides = array<i32>} : memref<128xf32, #tpu.memory_space<vmem>>, vector<16xf32>,
      tpu.vector_store %arg10[%swap3A_51], %gather3A_50 {strides = array<i32>} : memref<128xf32, #tpu.memory_space<vmem>>, vector<16xf32>,
      "tpu.region"() ({
        %run_scoped3A = tpu.sem_alloc : memref<!tpu.dma_semaphore, #tpu.memory_space<semaphore_mem>>
        %dma_start3A_53 = tpu.memref_slice %arg6[%add3A_11] : memref<32768xf32, #tpu.memory_space<hbm>> -> memref<128xf32, #tpu.memory_space<hbm>>
        %dma_start3A_54 = tpu.memref_slice %arg6[%add3A_11] : memref<32768xf32, #tpu.memory_space<hbm>> -> memref<128xf32, #tpu.memory_space<hbm>>
        tpu.enqueue_dma source(%arg10 : memref<128xf32, #tpu.memory_space<vmem>>) target(%dma_start3A_54 : memref<128xf32, #tpu.memory_space<hbm>>) target_semaphore(%run_scoped3A : memref<!tpu.dma_semaphore, #tpu.memory_space<semaphore_mem>>)
        %dma_wait3A_55 = tpu.memref_slice %arg6[%add3A_11] : memref<32768xf32, #tpu.memory_space<hbm>> -> memref<128xf32, #tpu.memory_space<hbm>>
        %dma_wait3A_56 = tpu.memref_slice %arg6[%add3A_11] : memref<32768xf32, #tpu.memory_space<hbm>> -> memref<128xf32, #tpu.memory_space<hbm>>
        tpu.wait_dma2 semaphore(%run_scoped3A : memref<!tpu.dma_semaphore, #tpu.memory_space<semaphore_mem>>) src(%arg10 : memref<128xf32, #tpu.memory_space<vmem>>) dst(%dma_wait3A_56 : memref<128xf32, #tpu.memory_space<hbm>>)
        tpu.yield
      }) : () -> ()
    }
    %scan3A_7 = arith.constant 8 : i32
    return
  }
}

module attributes {stable_mosaic.version = 14 : i64} {
  func.func @_tc_prep_body(%arg0: i32, %arg1: memref<2000x128xf32, #tpu.memory_space<vmem>>, %arg2: memref<128x128xf32, #tpu.memory_space<vmem>>, %arg3: memref<2000x128xf32, #tpu.memory_space<vmem>>, %arg4: memref<128x128xf32, #tpu.memory_space<vmem>>, %arg5: memref<1x128xf32, #tpu.memory_space<vmem>>, %arg6: memref<2000x128xf32, #tpu.memory_space<vmem>>, %arg7: memref<2000x128xf32, #tpu.memory_space<vmem>>) attributes {dimension_semantics = [#tpu.dimension_semantics<arbitrary>], iteration_bounds = array<i64: 5>, scalar_prefetch = 0 : i64, scratch_operands = 0 : i64, tpu.core_type = #tpu.core_type<tc>, window_params = [{transform_indices = @transform_0, window_bounds = array<i64: 2000, 128>}, {pipeline_mode = #tpu.pipeline_mode<synchronous>, transform_indices = @transform_1, window_bounds = array<i64: 128, 128>}, {transform_indices = @transform_2, window_bounds = array<i64: 2000, 128>}, {pipeline_mode = #tpu.pipeline_mode<synchronous>, transform_indices = @transform_3, window_bounds = array<i64: 128, 128>}, {pipeline_mode = #tpu.pipeline_mode<synchronous>, transform_indices = @transform_4, window_bounds = array<i64: 1, 128>}, {transform_indices = @transform_5, window_bounds = array<i64: 2000, 128>}, {transform_indices = @transform_6, window_bounds = array<i64: 2000, 128>}]} {
    %get3A = arith.constant 0 : index
    %get3A_0 = arith.constant 0 : index
    %get3A_1 = vector.load %arg1[%get3A, %get3A_0] : memref<2000x128xf32, #tpu.memory_space<vmem>>, vector<2000x128xf32>
    %get3A_2 = arith.constant 0 : index
    %get3A_3 = arith.constant 0 : index
    %get3A_4 = vector.load %arg2[%get3A_2, %get3A_3] : memref<128x128xf32, #tpu.memory_space<vmem>>, vector<128x128xf32>
    %dot_general3A = arith.constant dense<0.000000e+00> : vector<2000x128xf32>
    %dot_general3A_5 = tpu.matmul %get3A_1, %get3A_4, %dot_general3A {dimension_numbers = #tpu.dot_dimension_numbers<[1], [0], [0], [1], [0, 0, 1, 1], [], []>, transpose_lhs_hint = false} : vector<2000x128xf32>, vector<128x128xf32>, vector<2000x128xf32> -> vector<2000x128xf32>
    %get3A_6 = arith.constant 0 : index
    %get3A_7 = arith.constant 0 : index
    %get3A_8 = vector.load %arg3[%get3A_6, %get3A_7] : memref<2000x128xf32, #tpu.memory_space<vmem>>, vector<2000x128xf32>
    %add3A = arith.addf %dot_general3A_5, %get3A_8 : vector<2000x128xf32>
    %swap3A = arith.constant 0 : index
    %swap3A_9 = arith.constant 0 : index
    %swap3A_10 = vector.load %arg6[%swap3A, %swap3A_9] : memref<2000x128xf32, #tpu.memory_space<vmem>>, vector<2000x128xf32>
    tpu.vector_store %arg6[%swap3A, %swap3A_9], %add3A {strides = array<i32>} : memref<2000x128xf32, #tpu.memory_space<vmem>>, vector<2000x128xf32>,
    %get3A_11 = arith.constant 0 : index
    %get3A_12 = arith.constant 0 : index
    %get3A_13 = vector.load %arg4[%get3A_11, %get3A_12] : memref<128x128xf32, #tpu.memory_space<vmem>>, vector<128x128xf32>
    %dot_general3A_14 = arith.constant dense<0.000000e+00> : vector<2000x128xf32>
    %dot_general3A_15 = tpu.matmul %add3A, %get3A_13, %dot_general3A_14 {dimension_numbers = #tpu.dot_dimension_numbers<[1], [0], [0], [1], [0, 0, 1, 1], [], []>, transpose_lhs_hint = false} : vector<2000x128xf32>, vector<128x128xf32>, vector<2000x128xf32> -> vector<2000x128xf32>
    %get3A_16 = arith.constant 0 : index
    %get3A_17 = arith.constant 0 : index
    %get3A_18 = vector.load %arg5[%get3A_16, %get3A_17] : memref<1x128xf32, #tpu.memory_space<vmem>>, vector<1x128xf32>
    %add3A_19 = vector.broadcast %get3A_18 : vector<1x128xf32> to vector<2000x128xf32>
    %add3A_20 = arith.addf %dot_general3A_15, %add3A_19 : vector<2000x128xf32>
    %max3A = arith.constant 0.000000e+00 : f32
    %max3A_21 = vector.broadcast %max3A : f32 to vector<2000x128xf32>
    %max3A_22 = arith.maximumf %add3A_20, %max3A_21 : vector<2000x128xf32>
    %swap3A_23 = arith.constant 0 : index
    %swap3A_24 = arith.constant 0 : index
    %swap3A_25 = vector.load %arg7[%swap3A_23, %swap3A_24] : memref<2000x128xf32, #tpu.memory_space<vmem>>, vector<2000x128xf32>
    tpu.vector_store %arg7[%swap3A_23, %swap3A_24], %max3A_22 {strides = array<i32>} : memref<2000x128xf32, #tpu.memory_space<vmem>>, vector<2000x128xf32>,
    return
  }
  func.func @transform_0(%arg0: i32) -> (i32, i32) {
    %c0_i32 = arith.constant 0 : i32
    %c0_i32_0 = arith.constant 0 : i32
    return %arg0, %c0_i32 : i32, i32
  }
  func.func @transform_1(%arg0: i32) -> (i32, i32) {
    %c0_i32 = arith.constant 0 : i32
    %c0_i32_0 = arith.constant 0 : i32
    %c0_i32_1 = arith.constant 0 : i32
    return %c0_i32, %c0_i32_0 : i32, i32
  }
  func.func @transform_2(%arg0: i32) -> (i32, i32) {
    %c0_i32 = arith.constant 0 : i32
    %c0_i32_0 = arith.constant 0 : i32
    return %arg0, %c0_i32 : i32, i32
  }
  func.func @transform_3(%arg0: i32) -> (i32, i32) {
    %c0_i32 = arith.constant 0 : i32
    %c0_i32_0 = arith.constant 0 : i32
    %c0_i32_1 = arith.constant 0 : i32
    return %c0_i32, %c0_i32_0 : i32, i32
  }
  func.func @transform_4(%arg0: i32) -> (i32, i32) {
    %c0_i32 = arith.constant 0 : i32
    %c0_i32_0 = arith.constant 0 : i32
    %c0_i32_1 = arith.constant 0 : i32
    return %c0_i32, %c0_i32_0 : i32, i32
  }
  func.func @transform_5(%arg0: i32) -> (i32, i32) {
    %c0_i32 = arith.constant 0 : i32
    %c0_i32_0 = arith.constant 0 : i32
    return %arg0, %c0_i32 : i32, i32
  }
  func.func @transform_6(%arg0: i32) -> (i32, i32) {
    %c0_i32 = arith.constant 0 : i32
    %c0_i32_0 = arith.constant 0 : i32
    return %arg0, %c0_i32 : i32, i32
  }
}

module attributes {stable_mosaic.version = 14 : i64} {
  func.func @_tc_deg_body(%arg0: memref<32x10000xf32, #tpu.memory_space<vmem>>, %arg1: memref<10000x1xf32, #tpu.memory_space<vmem>>) attributes {dimension_semantics = [], scalar_prefetch = 0 : i64, scratch_operands = 0 : i64, tpu.core_type = #tpu.core_type<tc>} {
    %get3A = arith.constant 0 : index
    %get3A_0 = arith.constant 0 : index
    %get3A_1 = vector.load %arg0[%get3A, %get3A_0] : memref<32x10000xf32, #tpu.memory_space<vmem>>, vector<32x10000xf32>
    %broadcast_in_dim3A = arith.constant 1.000000e+00 : f32
    %broadcast_in_dim3A_2 = vector.broadcast %broadcast_in_dim3A : f32 to vector<32x1xf32>
    %dot_general3A = arith.constant dense<0.000000e+00> : vector<10000x1xf32>
    %dot_general3A_3 = tpu.matmul %get3A_1, %broadcast_in_dim3A_2, %dot_general3A {dimension_numbers = #tpu.dot_dimension_numbers<[0], [0], [1], [1], [0, 1, 1, 1], [], []>, transpose_lhs_hint = false} : vector<32x10000xf32>, vector<32x1xf32>, vector<10000x1xf32> -> vector<10000x1xf32>
    %max3A = arith.constant 1.000000e+00 : f32
    %max3A_4 = vector.broadcast %max3A : f32 to vector<10000x1xf32>
    %max3A_5 = arith.maximumf %dot_general3A_3, %max3A_4 : vector<10000x1xf32>
    %swap3A = arith.constant 0 : index
    %swap3A_6 = arith.constant 0 : index
    %swap3A_7 = vector.load %arg1[%swap3A, %swap3A_6] : memref<10000x1xf32, #tpu.memory_space<vmem>>, vector<10000x1xf32>
    tpu.vector_store %arg1[%swap3A, %swap3A_6], %max3A_5 {strides = array<i32>} : memref<10000x1xf32, #tpu.memory_space<vmem>>, vector<10000x1xf32>,
    return
  }
}

module attributes {stable_mosaic.version = 14 : i64} {
  func.func @_tc_comb1_body(%arg0: i32, %arg1: memref<2x2000x128xf32, #tpu.memory_space<vmem>>, %arg2: memref<2000x1xf32, #tpu.memory_space<vmem>>, %arg3: memref<2000x128xf32, #tpu.memory_space<vmem>>, %arg4: memref<256x128xf32, #tpu.memory_space<vmem>>, %arg5: memref<1x128xf32, #tpu.memory_space<vmem>>, %arg6: memref<128x128xf32, #tpu.memory_space<vmem>>, %arg7: memref<1x128xf32, #tpu.memory_space<vmem>>, %arg8: memref<2000x128xf32, #tpu.memory_space<vmem>>, %arg9: memref<2000x128xf32, #tpu.memory_space<vmem>>) attributes {dimension_semantics = [#tpu.dimension_semantics<arbitrary>], iteration_bounds = array<i64: 5>, scalar_prefetch = 0 : i64, scratch_operands = 0 : i64, tpu.core_type = #tpu.core_type<tc>, window_params = [{transform_indices = @transform_0, window_bounds = array<i64: 2, 2000, 128>}, {transform_indices = @transform_1, window_bounds = array<i64: 2000, 1>}, {transform_indices = @transform_2, window_bounds = array<i64: 2000, 128>}, {pipeline_mode = #tpu.pipeline_mode<synchronous>, transform_indices = @transform_3, window_bounds = array<i64: 256, 128>}, {pipeline_mode = #tpu.pipeline_mode<synchronous>, transform_indices = @transform_4, window_bounds = array<i64: 1, 128>}, {pipeline_mode = #tpu.pipeline_mode<synchronous>, transform_indices = @transform_5, window_bounds = array<i64: 128, 128>}, {pipeline_mode = #tpu.pipeline_mode<synchronous>, transform_indices = @transform_6, window_bounds = array<i64: 1, 128>}, {transform_indices = @transform_7, window_bounds = array<i64: 2000, 128>}, {transform_indices = @transform_8, window_bounds = array<i64: 2000, 128>}]} {
    %get3A = arith.constant 0 : index
    %get3A_0 = arith.constant 0 : index
    %get3A_1 = vector.load %arg2[%get3A, %get3A_0] : memref<2000x1xf32, #tpu.memory_space<vmem>>, vector<2000x1xf32>
    %get3A_2 = arith.constant 0 : index
    %get3A_3 = arith.constant 0 : index
    %get3A_4 = arith.constant 0 : index
    %get3A_5 = vector.load %arg1[%get3A_2, %get3A_3, %get3A_4] : memref<2x2000x128xf32, #tpu.memory_space<vmem>>, vector<1x2000x128xf32>
    %get3A_6 = vector.shape_cast %get3A_5 : vector<1x2000x128xf32> to vector<2000x128xf32>
    %get3A_7 = arith.constant 1 : index
    %get3A_8 = arith.constant 0 : index
    %get3A_9 = arith.constant 0 : index
    %get3A_10 = vector.load %arg1[%get3A_7, %get3A_8, %get3A_9] : memref<2x2000x128xf32, #tpu.memory_space<vmem>>, vector<1x2000x128xf32>
    %get3A_11 = vector.shape_cast %get3A_10 : vector<1x2000x128xf32> to vector<2000x128xf32>
    %add3A = arith.addf %get3A_6, %get3A_11 : vector<2000x128xf32>
    %div3A = vector.broadcast %get3A_1 : vector<2000x1xf32> to vector<2000x128xf32>
    %div3A_12 = arith.divf %add3A, %div3A : vector<2000x128xf32>
    %get3A_13 = arith.constant 0 : index
    %get3A_14 = arith.constant 0 : index
    %get3A_15 = vector.load %arg4[%get3A_13, %get3A_14] : memref<256x128xf32, #tpu.memory_space<vmem>>, vector<128x128xf32>
    %dot_general3A = arith.constant dense<0.000000e+00> : vector<2000x128xf32>
    %dot_general3A_16 = tpu.matmul %div3A_12, %get3A_15, %dot_general3A {dimension_numbers = #tpu.dot_dimension_numbers<[1], [0], [0], [1], [0, 0, 1, 1], [], []>, transpose_lhs_hint = false} : vector<2000x128xf32>, vector<128x128xf32>, vector<2000x128xf32> -> vector<2000x128xf32>
    %get3A_17 = arith.constant 0 : index
    %get3A_18 = arith.constant 0 : index
    %get3A_19 = vector.load %arg3[%get3A_17, %get3A_18] : memref<2000x128xf32, #tpu.memory_space<vmem>>, vector<2000x128xf32>
    %get3A_20 = arith.constant 128 : index
    %get3A_21 = arith.constant 0 : index
    %get3A_22 = vector.load %arg4[%get3A_20, %get3A_21] : memref<256x128xf32, #tpu.memory_space<vmem>>, vector<128x128xf32>
    %dot_general3A_23 = arith.constant dense<0.000000e+00> : vector<2000x128xf32>
    %dot_general3A_24 = tpu.matmul %get3A_19, %get3A_22, %dot_general3A_23 {dimension_numbers = #tpu.dot_dimension_numbers<[1], [0], [0], [1], [0, 0, 1, 1], [], []>, transpose_lhs_hint = false} : vector<2000x128xf32>, vector<128x128xf32>, vector<2000x128xf32> -> vector<2000x128xf32>
    %add3A_25 = arith.addf %dot_general3A_16, %dot_general3A_24 : vector<2000x128xf32>
    %get3A_26 = arith.constant 0 : index
    %get3A_27 = arith.constant 0 : index
    %get3A_28 = vector.load %arg5[%get3A_26, %get3A_27] : memref<1x128xf32, #tpu.memory_space<vmem>>, vector<1x128xf32>
    %add3A_29 = vector.broadcast %get3A_28 : vector<1x128xf32> to vector<2000x128xf32>
    %add3A_30 = arith.addf %add3A_25, %add3A_29 : vector<2000x128xf32>
    %max3A = arith.constant 0.000000e+00 : f32
    %max3A_31 = vector.broadcast %max3A : f32 to vector<2000x128xf32>
    %max3A_32 = arith.maximumf %add3A_30, %max3A_31 : vector<2000x128xf32>
    %mul3A = arith.mulf %max3A_32, %max3A_32 : vector<2000x128xf32>
    %reduce_sum3A = arith.constant dense<0.000000e+00> : vector<2000xf32>
    %reduce_sum3A_33 = vector.multi_reduction <add>, %mul3A, %reduce_sum3A [1] : vector<2000x128xf32> to vector<2000xf32>
    %broadcast_in_dim3A = vector.shape_cast %reduce_sum3A_33 : vector<2000xf32> to vector<2000x1xf32>
    %sqrt3A = math.sqrt %broadcast_in_dim3A : vector<2000x1xf32>
    %max3A_34 = arith.constant 9.99999997E-7 : f32
    %max3A_35 = vector.broadcast %max3A_34 : f32 to vector<2000x1xf32>
    %max3A_36 = arith.maximumf %sqrt3A, %max3A_35 : vector<2000x1xf32>
    %div3A_37 = vector.broadcast %max3A_36 : vector<2000x1xf32> to vector<2000x128xf32>
    %div3A_38 = arith.divf %max3A_32, %div3A_37 : vector<2000x128xf32>
    %swap3A = arith.constant 0 : index
    %swap3A_39 = arith.constant 0 : index
    %swap3A_40 = vector.load %arg8[%swap3A, %swap3A_39] : memref<2000x128xf32, #tpu.memory_space<vmem>>, vector<2000x128xf32>
    tpu.vector_store %arg8[%swap3A, %swap3A_39], %div3A_38 {strides = array<i32>} : memref<2000x128xf32, #tpu.memory_space<vmem>>, vector<2000x128xf32>,
    %get3A_41 = arith.constant 0 : index
    %get3A_42 = arith.constant 0 : index
    %get3A_43 = vector.load %arg6[%get3A_41, %get3A_42] : memref<128x128xf32, #tpu.memory_space<vmem>>, vector<128x128xf32>
    %dot_general3A_44 = arith.constant dense<0.000000e+00> : vector<2000x128xf32>
    %dot_general3A_45 = tpu.matmul %div3A_38, %get3A_43, %dot_general3A_44 {dimension_numbers = #tpu.dot_dimension_numbers<[1], [0], [0], [1], [0, 0, 1, 1], [], []>, transpose_lhs_hint = false} : vector<2000x128xf32>, vector<128x128xf32>, vector<2000x128xf32> -> vector<2000x128xf32>
    %get3A_46 = arith.constant 0 : index
    %get3A_47 = arith.constant 0 : index
    %get3A_48 = vector.load %arg7[%get3A_46, %get3A_47] : memref<1x128xf32, #tpu.memory_space<vmem>>, vector<1x128xf32>
    %add3A_49 = vector.broadcast %get3A_48 : vector<1x128xf32> to vector<2000x128xf32>
    %add3A_50 = arith.addf %dot_general3A_45, %add3A_49 : vector<2000x128xf32>
    %max3A_51 = arith.constant 0.000000e+00 : f32
    %max3A_52 = vector.broadcast %max3A_51 : f32 to vector<2000x128xf32>
    %max3A_53 = arith.maximumf %add3A_50, %max3A_52 : vector<2000x128xf32>
    %swap3A_54 = arith.constant 0 : index
    %swap3A_55 = arith.constant 0 : index
    %swap3A_56 = vector.load %arg9[%swap3A_54, %swap3A_55] : memref<2000x128xf32, #tpu.memory_space<vmem>>, vector<2000x128xf32>
    tpu.vector_store %arg9[%swap3A_54, %swap3A_55], %max3A_53 {strides = array<i32>} : memref<2000x128xf32, #tpu.memory_space<vmem>>, vector<2000x128xf32>,
    return
  }
  func.func @transform_0(%arg0: i32) -> (i32, i32, i32) {
    %c0_i32 = arith.constant 0 : i32
    %c0_i32_0 = arith.constant 0 : i32
    %c0_i32_1 = arith.constant 0 : i32
    return %c0_i32, %arg0, %c0_i32_0 : i32, i32, i32
  }
  func.func @transform_1(%arg0: i32) -> (i32, i32) {
    %c0_i32 = arith.constant 0 : i32
    %c0_i32_0 = arith.constant 0 : i32
    return %arg0, %c0_i32 : i32, i32
  }
  func.func @transform_2(%arg0: i32) -> (i32, i32) {
    %c0_i32 = arith.constant 0 : i32
    %c0_i32_0 = arith.constant 0 : i32
    return %arg0, %c0_i32 : i32, i32
  }
  func.func @transform_3(%arg0: i32) -> (i32, i32) {
    %c0_i32 = arith.constant 0 : i32
    %c0_i32_0 = arith.constant 0 : i32
    %c0_i32_1 = arith.constant 0 : i32
    return %c0_i32, %c0_i32_0 : i32, i32
  }
  func.func @transform_4(%arg0: i32) -> (i32, i32) {
    %c0_i32 = arith.constant 0 : i32
    %c0_i32_0 = arith.constant 0 : i32
    %c0_i32_1 = arith.constant 0 : i32
    return %c0_i32, %c0_i32_0 : i32, i32
  }
  func.func @transform_5(%arg0: i32) -> (i32, i32) {
    %c0_i32 = arith.constant 0 : i32
    %c0_i32_0 = arith.constant 0 : i32
    %c0_i32_1 = arith.constant 0 : i32
    return %c0_i32, %c0_i32_0 : i32, i32
  }
  func.func @transform_6(%arg0: i32) -> (i32, i32) {
    %c0_i32 = arith.constant 0 : i32
    %c0_i32_0 = arith.constant 0 : i32
    %c0_i32_1 = arith.constant 0 : i32
    return %c0_i32, %c0_i32_0 : i32, i32
  }
  func.func @transform_7(%arg0: i32) -> (i32, i32) {
    %c0_i32 = arith.constant 0 : i32
    %c0_i32_0 = arith.constant 0 : i32
    return %arg0, %c0_i32 : i32, i32
  }
  func.func @transform_8(%arg0: i32) -> (i32, i32) {
    %c0_i32 = arith.constant 0 : i32
    %c0_i32_0 = arith.constant 0 : i32
    return %arg0, %c0_i32 : i32, i32
  }
}

module attributes {stable_mosaic.version = 14 : i64} {
  func.func @_tc_comb2_body(%arg0: i32, %arg1: memref<2x2000x128xf32, #tpu.memory_space<vmem>>, %arg2: memref<2000x1xf32, #tpu.memory_space<vmem>>, %arg3: memref<2000x128xf32, #tpu.memory_space<vmem>>, %arg4: memref<2000x128xf32, #tpu.memory_space<vmem>>, %arg5: memref<256x128xf32, #tpu.memory_space<vmem>>, %arg6: memref<1x128xf32, #tpu.memory_space<vmem>>, %arg7: memref<2000x128xf32, #tpu.memory_space<vmem>>) attributes {dimension_semantics = [#tpu.dimension_semantics<arbitrary>], iteration_bounds = array<i64: 5>, scalar_prefetch = 0 : i64, scratch_operands = 0 : i64, tpu.core_type = #tpu.core_type<tc>, window_params = [{transform_indices = @transform_0, window_bounds = array<i64: 2, 2000, 128>}, {transform_indices = @transform_1, window_bounds = array<i64: 2000, 1>}, {transform_indices = @transform_2, window_bounds = array<i64: 2000, 128>}, {transform_indices = @transform_3, window_bounds = array<i64: 2000, 128>}, {pipeline_mode = #tpu.pipeline_mode<synchronous>, transform_indices = @transform_4, window_bounds = array<i64: 256, 128>}, {pipeline_mode = #tpu.pipeline_mode<synchronous>, transform_indices = @transform_5, window_bounds = array<i64: 1, 128>}, {transform_indices = @transform_6, window_bounds = array<i64: 2000, 128>}]} {
    %get3A = arith.constant 0 : index
    %get3A_0 = arith.constant 0 : index
    %get3A_1 = vector.load %arg2[%get3A, %get3A_0] : memref<2000x1xf32, #tpu.memory_space<vmem>>, vector<2000x1xf32>
    %get3A_2 = arith.constant 0 : index
    %get3A_3 = arith.constant 0 : index
    %get3A_4 = arith.constant 0 : index
    %get3A_5 = vector.load %arg1[%get3A_2, %get3A_3, %get3A_4] : memref<2x2000x128xf32, #tpu.memory_space<vmem>>, vector<1x2000x128xf32>
    %get3A_6 = vector.shape_cast %get3A_5 : vector<1x2000x128xf32> to vector<2000x128xf32>
    %get3A_7 = arith.constant 1 : index
    %get3A_8 = arith.constant 0 : index
    %get3A_9 = arith.constant 0 : index
    %get3A_10 = vector.load %arg1[%get3A_7, %get3A_8, %get3A_9] : memref<2x2000x128xf32, #tpu.memory_space<vmem>>, vector<1x2000x128xf32>
    %get3A_11 = vector.shape_cast %get3A_10 : vector<1x2000x128xf32> to vector<2000x128xf32>
    %add3A = arith.addf %get3A_6, %get3A_11 : vector<2000x128xf32>
    %div3A = vector.broadcast %get3A_1 : vector<2000x1xf32> to vector<2000x128xf32>
    %div3A_12 = arith.divf %add3A, %div3A : vector<2000x128xf32>
    %get3A_13 = arith.constant 0 : index
    %get3A_14 = arith.constant 0 : index
    %get3A_15 = vector.load %arg5[%get3A_13, %get3A_14] : memref<256x128xf32, #tpu.memory_space<vmem>>, vector<128x128xf32>
    %dot_general3A = arith.constant dense<0.000000e+00> : vector<2000x128xf32>
    %dot_general3A_16 = tpu.matmul %div3A_12, %get3A_15, %dot_general3A {dimension_numbers = #tpu.dot_dimension_numbers<[1], [0], [0], [1], [0, 0, 1, 1], [], []>, transpose_lhs_hint = false} : vector<2000x128xf32>, vector<128x128xf32>, vector<2000x128xf32> -> vector<2000x128xf32>
    %get3A_17 = arith.constant 0 : index
    %get3A_18 = arith.constant 0 : index
    %get3A_19 = vector.load %arg3[%get3A_17, %get3A_18] : memref<2000x128xf32, #tpu.memory_space<vmem>>, vector<2000x128xf32>
    %get3A_20 = arith.constant 128 : index
    %get3A_21 = arith.constant 0 : index
    %get3A_22 = vector.load %arg5[%get3A_20, %get3A_21] : memref<256x128xf32, #tpu.memory_space<vmem>>, vector<128x128xf32>
    %dot_general3A_23 = arith.constant dense<0.000000e+00> : vector<2000x128xf32>
    %dot_general3A_24 = tpu.matmul %get3A_19, %get3A_22, %dot_general3A_23 {dimension_numbers = #tpu.dot_dimension_numbers<[1], [0], [0], [1], [0, 0, 1, 1], [], []>, transpose_lhs_hint = false} : vector<2000x128xf32>, vector<128x128xf32>, vector<2000x128xf32> -> vector<2000x128xf32>
    %add3A_25 = arith.addf %dot_general3A_16, %dot_general3A_24 : vector<2000x128xf32>
    %get3A_26 = arith.constant 0 : index
    %get3A_27 = arith.constant 0 : index
    %get3A_28 = vector.load %arg6[%get3A_26, %get3A_27] : memref<1x128xf32, #tpu.memory_space<vmem>>, vector<1x128xf32>
    %add3A_29 = vector.broadcast %get3A_28 : vector<1x128xf32> to vector<2000x128xf32>
    %add3A_30 = arith.addf %add3A_25, %add3A_29 : vector<2000x128xf32>
    %max3A = arith.constant 0.000000e+00 : f32
    %max3A_31 = vector.broadcast %max3A : f32 to vector<2000x128xf32>
    %max3A_32 = arith.maximumf %add3A_30, %max3A_31 : vector<2000x128xf32>
    %mul3A = arith.mulf %max3A_32, %max3A_32 : vector<2000x128xf32>
    %reduce_sum3A = arith.constant dense<0.000000e+00> : vector<2000xf32>
    %reduce_sum3A_33 = vector.multi_reduction <add>, %mul3A, %reduce_sum3A [1] : vector<2000x128xf32> to vector<2000xf32>
    %broadcast_in_dim3A = vector.shape_cast %reduce_sum3A_33 : vector<2000xf32> to vector<2000x1xf32>
    %sqrt3A = math.sqrt %broadcast_in_dim3A : vector<2000x1xf32>
    %max3A_34 = arith.constant 9.99999997E-7 : f32
    %max3A_35 = vector.broadcast %max3A_34 : f32 to vector<2000x1xf32>
    %max3A_36 = arith.maximumf %sqrt3A, %max3A_35 : vector<2000x1xf32>
    %div3A_37 = vector.broadcast %max3A_36 : vector<2000x1xf32> to vector<2000x128xf32>
    %div3A_38 = arith.divf %max3A_32, %div3A_37 : vector<2000x128xf32>
    %get3A_39 = arith.constant 0 : index
    %get3A_40 = arith.constant 0 : index
    %get3A_41 = vector.load %arg4[%get3A_39, %get3A_40] : memref<2000x128xf32, #tpu.memory_space<vmem>>, vector<2000x128xf32>
    %add3A_42 = arith.addf %get3A_41, %div3A_38 : vector<2000x128xf32>
    %swap3A = arith.constant 0 : index
    %swap3A_43 = arith.constant 0 : index
    %swap3A_44 = vector.load %arg7[%swap3A, %swap3A_43] : memref<2000x128xf32, #tpu.memory_space<vmem>>, vector<2000x128xf32>
    tpu.vector_store %arg7[%swap3A, %swap3A_43], %add3A_42 {strides = array<i32>} : memref<2000x128xf32, #tpu.memory_space<vmem>>, vector<2000x128xf32>,
    return
  }
  func.func @transform_0(%arg0: i32) -> (i32, i32, i32) {
    %c0_i32 = arith.constant 0 : i32
    %c0_i32_0 = arith.constant 0 : i32
    %c0_i32_1 = arith.constant 0 : i32
    return %c0_i32, %arg0, %c0_i32_0 : i32, i32, i32
  }
  func.func @transform_1(%arg0: i32) -> (i32, i32) {
    %c0_i32 = arith.constant 0 : i32
    %c0_i32_0 = arith.constant 0 : i32
    return %arg0, %c0_i32 : i32, i32
  }
  func.func @transform_2(%arg0: i32) -> (i32, i32) {
    %c0_i32 = arith.constant 0 : i32
    %c0_i32_0 = arith.constant 0 : i32
    return %arg0, %c0_i32 : i32, i32
  }
  func.func @transform_3(%arg0: i32) -> (i32, i32) {
    %c0_i32 = arith.constant 0 : i32
    %c0_i32_0 = arith.constant 0 : i32
    return %arg0, %c0_i32 : i32, i32
  }
  func.func @transform_4(%arg0: i32) -> (i32, i32) {
    %c0_i32 = arith.constant 0 : i32
    %c0_i32_0 = arith.constant 0 : i32
    %c0_i32_1 = arith.constant 0 : i32
    return %c0_i32, %c0_i32_0 : i32, i32
  }
  func.func @transform_5(%arg0: i32) -> (i32, i32) {
    %c0_i32 = arith.constant 0 : i32
    %c0_i32_0 = arith.constant 0 : i32
    %c0_i32_1 = arith.constant 0 : i32
    return %c0_i32, %c0_i32_0 : i32, i32
  }
  func.func @transform_6(%arg0: i32) -> (i32, i32) {
    %c0_i32 = arith.constant 0 : i32
    %c0_i32_0 = arith.constant 0 : i32
    return %arg0, %c0_i32 : i32, i32
  }
}

module attributes {stable_mosaic.version = 14 : i64} {
  func.func @_tc_score_body(%arg0: i32, %arg1: memref<4x2048x128xf32, #tpu.memory_space<vmem>>, %arg2: memref<4x2048xf32, #tpu.memory_space<vmem>>, %arg3: memref<1x2048xf32, #tpu.memory_space<vmem>>) attributes {dimension_semantics = [#tpu.dimension_semantics<arbitrary>], iteration_bounds = array<i64: 4>, scalar_prefetch = 0 : i64, scratch_operands = 0 : i64, tpu.core_type = #tpu.core_type<tc>, window_params = [{transform_indices = @transform_0, window_bounds = array<i64: 4, 2048, 128>}, {transform_indices = @transform_1, window_bounds = array<i64: 4, 2048>}, {transform_indices = @transform_2, window_bounds = array<i64: 1, 2048>}]} {
    %get3A = arith.constant 0 : index
    %get3A_0 = arith.constant 0 : index
    %get3A_1 = arith.constant 0 : index
    %get3A_2 = vector.load %arg1[%get3A, %get3A_0, %get3A_1] : memref<4x2048x128xf32, #tpu.memory_space<vmem>>, vector<1x2048x128xf32>
    %get3A_3 = vector.shape_cast %get3A_2 : vector<1x2048x128xf32> to vector<2048x128xf32>
    %get3A_4 = arith.constant 1 : index
    %get3A_5 = arith.constant 0 : index
    %get3A_6 = arith.constant 0 : index
    %get3A_7 = vector.load %arg1[%get3A_4, %get3A_5, %get3A_6] : memref<4x2048x128xf32, #tpu.memory_space<vmem>>, vector<1x2048x128xf32>
    %get3A_8 = vector.shape_cast %get3A_7 : vector<1x2048x128xf32> to vector<2048x128xf32>
    %mul3A = arith.mulf %get3A_3, %get3A_8 : vector<2048x128xf32>
    %reduce_sum3A = arith.constant dense<0.000000e+00> : vector<2048xf32>
    %reduce_sum3A_9 = vector.multi_reduction <add>, %mul3A, %reduce_sum3A [1] : vector<2048x128xf32> to vector<2048xf32>
    %get3A_10 = arith.constant 0 : index
    %get3A_11 = arith.constant 0 : index
    %get3A_12 = vector.load %arg2[%get3A_10, %get3A_11] : memref<4x2048xf32, #tpu.memory_space<vmem>>, vector<1x2048xf32>
    %get3A_13 = vector.shape_cast %get3A_12 : vector<1x2048xf32> to vector<2048xf32>
    %add3A = arith.addf %reduce_sum3A_9, %get3A_13 : vector<2048xf32>
    %get3A_14 = arith.constant 1 : index
    %get3A_15 = arith.constant 0 : index
    %get3A_16 = vector.load %arg2[%get3A_14, %get3A_15] : memref<4x2048xf32, #tpu.memory_space<vmem>>, vector<1x2048xf32>
    %get3A_17 = vector.shape_cast %get3A_16 : vector<1x2048xf32> to vector<2048xf32>
    %add3A_18 = arith.addf %add3A, %get3A_17 : vector<2048xf32>
    %get3A_19 = arith.constant 2 : index
    %get3A_20 = arith.constant 0 : index
    %get3A_21 = arith.constant 0 : index
    %get3A_22 = vector.load %arg1[%get3A_19, %get3A_20, %get3A_21] : memref<4x2048x128xf32, #tpu.memory_space<vmem>>, vector<1x2048x128xf32>
    %get3A_23 = vector.shape_cast %get3A_22 : vector<1x2048x128xf32> to vector<2048x128xf32>
    %get3A_24 = arith.constant 3 : index
    %get3A_25 = arith.constant 0 : index
    %get3A_26 = arith.constant 0 : index
    %get3A_27 = vector.load %arg1[%get3A_24, %get3A_25, %get3A_26] : memref<4x2048x128xf32, #tpu.memory_space<vmem>>, vector<1x2048x128xf32>
    %get3A_28 = vector.shape_cast %get3A_27 : vector<1x2048x128xf32> to vector<2048x128xf32>
    %mul3A_29 = arith.mulf %get3A_23, %get3A_28 : vector<2048x128xf32>
    %reduce_sum3A_30 = arith.constant dense<0.000000e+00> : vector<2048xf32>
    %reduce_sum3A_31 = vector.multi_reduction <add>, %mul3A_29, %reduce_sum3A_30 [1] : vector<2048x128xf32> to vector<2048xf32>
    %get3A_32 = arith.constant 2 : index
    %get3A_33 = arith.constant 0 : index
    %get3A_34 = vector.load %arg2[%get3A_32, %get3A_33] : memref<4x2048xf32, #tpu.memory_space<vmem>>, vector<1x2048xf32>
    %get3A_35 = vector.shape_cast %get3A_34 : vector<1x2048xf32> to vector<2048xf32>
    %add3A_36 = arith.addf %reduce_sum3A_31, %get3A_35 : vector<2048xf32>
    %get3A_37 = arith.constant 3 : index
    %get3A_38 = arith.constant 0 : index
    %get3A_39 = vector.load %arg2[%get3A_37, %get3A_38] : memref<4x2048xf32, #tpu.memory_space<vmem>>, vector<1x2048xf32>
    %get3A_40 = vector.shape_cast %get3A_39 : vector<1x2048xf32> to vector<2048xf32>
    %add3A_41 = arith.addf %add3A_36, %get3A_40 : vector<2048xf32>
    %sub3A = arith.subf %add3A_41, %add3A_18 : vector<2048xf32>
    %add3A_42 = arith.constant 1.000000e+00 : f32
    %add3A_43 = vector.broadcast %add3A_42 : f32 to vector<2048xf32>
    %add3A_44 = arith.addf %sub3A, %add3A_43 : vector<2048xf32>
    %max3A = arith.constant 0.000000e+00 : f32
    %max3A_45 = vector.broadcast %max3A : f32 to vector<2048xf32>
    %max3A_46 = arith.maximumf %add3A_44, %max3A_45 : vector<2048xf32>
    %broadcast_in_dim3A = vector.shape_cast %max3A_46 : vector<2048xf32> to vector<1x2048xf32>
    %swap3A = arith.constant 0 : index
    %swap3A_47 = arith.constant 0 : index
    %swap3A_48 = vector.load %arg3[%swap3A, %swap3A_47] : memref<1x2048xf32, #tpu.memory_space<vmem>>, vector<1x2048xf32>
    tpu.vector_store %arg3[%swap3A, %swap3A_47], %broadcast_in_dim3A {strides = array<i32>} : memref<1x2048xf32, #tpu.memory_space<vmem>>, vector<1x2048xf32>,
    return
  }
  func.func @transform_0(%arg0: i32) -> (i32, i32, i32) {
    %c0_i32 = arith.constant 0 : i32
    %c0_i32_0 = arith.constant 0 : i32
    %c0_i32_1 = arith.constant 0 : i32
    return %c0_i32, %arg0, %c0_i32_0 : i32, i32, i32
  }
  func.func @transform_1(%arg0: i32) -> (i32, i32) {
    %c0_i32 = arith.constant 0 : i32
    %c0_i32_0 = arith.constant 0 : i32
    return %c0_i32, %arg0 : i32, i32
  }
  func.func @transform_2(%arg0: i32) -> (i32, i32) {
    %c0_i32 = arith.constant 0 : i32
    %c0_i32_0 = arith.constant 0 : i32
    return %c0_i32, %arg0 : i32, i32
  }
}

</mosaic_0001>

<sc_bundles>
// kernel: kernel.10.cloned.1.call-start
scs
__scs_entry_jumppad:
0x0: {  	(pc) =	sbr.rel $0x88, $3  }
0x1: {  	(tag) =	ssettag $0x0;
	lr =	simm.s32 $0x1  }
0x2: {  	[smem:$0x3F92] =	sst lr;
	_ =	strace $0xD0000000  }
0x3: {  	_ = 	snop  }
0x4: {  	_ = 	snop  }
0x5: {  	_ = 	snop  }
0x6: {  	_ = 	snop  }
0x7: {  	_ = 	snop  }
__scs_overlays_trampoline_lowered:
0x8: {  	[smem:$0x3FA1] =	sst s0  }
0x9: {  	[smem:$0x3FA2] =	sst s1  }
0xa: {  	[smem:$0x3FA3] =	sst s2  }
0xb: {  	[smem:$0x3FA4] =	sst s3  }
0xc: {  	[smem:$0x3FA5] =	sst s4  }
0xd: {  	[smem:$0x3FA6] =	sst s5  }
0xe: {  	[smem:$0x3FA7] =	sst s6  }
0xf: {  	[smem:$0x3FA8] =	sst s7  }
0x10: {  	[smem:$0x3FA9] =	sst s8  }
0x11: {  	[smem:$0x3FAA] =	sst s9;
	s0 =	simm.s32 @!p0 $0x0  }
0x12: {  	s1 =	sld [smem:$0x3F90];
	s0 =	simm.s32 @p0 $0x1  }
0x13: {  	[smem:$0x3FAB] =	sst s0;
	s0 =	simm.s32 @!p1 $0x0  }
0x14: {  	s2 =	sld [smem:$0x3F8F];
	s0 =	simm.s32 @p1 $0x1  }
0x15: {  	[smem:$0x3FAC] =	sst s0;
	s0 =	simm.s32 @!p2 $0x0  }
0x16: {  	s3 =	sld [smem:$0x3FDB];
	s0 =	simm.s32 @p2 $0x1  }
0x17: {  	s4 =	simm.s32 $0x1BF5;
	[smem:$0x3FAE] =	sst s0  }
0x18: {  	s0 =	sld [smem:$0x3F91];
	_ =	swait.ge [sflag:s4], $0x0  }
0x19: {  	s7 =	sld [smem:$0x3F92]  }
0x1a: {  	s8 =	sadd.s32 $0xFFFFE003, lr  }
0x1b: {  	s9 =	sadd.s32 $0xFFFFFEF7, lr;
	s5 =	simm.s32 $0xFFFFFFFF;
	p2 =	slt.u32 s8, $0xFFFFF086  }
0x1c: {  	p1 =	slt.u32 s9, $0xF7A;
	s5 =	simm.s32 @!p2 $0x0  }
0x1d: {  	s5 =	simm.s32 @p1 $0x1;
	p0 =	seq.s32 s7, s2  }
0x1e: {  	s7 =	smul.u32 @!p0 $0xF7A, s2;
	p2 =	seq.s32 @!p0 s5, $0x0  }
0x1f: {  	s9 =	smul.u32 $0xF7A, s1;
	s8 =	simm.s32 @!p0 $0x1BF5;
	p2 =	por !p2, p0  }
0x20: {  	[sflag:s8] =	ssyncset.s32 @!p0 $0xFFFFF086;
	s6 =	sadd.s32 @!p0 s3, s7;
	s7 =	simm.s32 @!p0 $0x108  }
0x21: {  	s3 =	sadd.s32 s3, s9;
	s6 =	sadd.s32 @!p0 $0x88, s6;
	s7 =	simm.s32 @p2 $0x1082  }
0x22: {  	[simem:s7], [sflag:s8] =	dma.local @!p0 [hbm:s6], $0xF7A  }
0x23: {  	s9 =	sor.u32 $0xD0000000, s2;
	s6 =	simm.s32 $0x108;
	_ =	swait.ge @!p0 [sflag:s8], $0x0  }
0x24: {  	s3 =	sadd.s32 $0x88, s3;
	s6 =	simm.s32 @!p1 $0x1082;
	[sflag:s4] =	ssyncset.s32 $0xFFFFF086  }
0x25: {  	[simem:s6], [sflag:s4] =	dma.local [hbm:s3], $0xF7A  }
0x26: {  	[smem:$0x3F92] =	sst s1;
	(tag) =	ssettag s2;
	_ =	strace s9  }
0x27: {  	s1 =	sld [smem:$0x3FA2]  }
0x28: {  	s2 =	sld [smem:$0x3FA3]  }
0x29: {  	s4 =	sld [smem:$0x3FA5]  }
0x2a: {  	p0 =	seq.s32 s5, $0x0;
	s5 =	sld [smem:$0x3FA6]  }
0x2b: {  	s6 =	sld [smem:$0x3FA7]  }
0x2c: {  	s7 =	sld [smem:$0x3FA8]  }
0x2d: {  	s3 =	simm.s32 $0x108;
	s8 =	sld [smem:$0x3FA9]  }
0x2e: {  	s3 =	simm.s32 @!p0 $0x1082;
	s9 =	sld [smem:$0x3FAA]  }
0x2f: {  	lr =	sadd.s32 s0, s3;
	s0 =	sld [smem:$0x3FA1]  }
0x30: {  	s3 =	sld [smem:$0x3FA4]  }
0x31: {  	[smem:$0x3FAD] =	sst s10  }
0x32: {  	s10 =	sld [smem:$0x3FAB];
	_ =	sdelay $0x3  }
0x33: {  	p0 =	seq.s32 s10, $0x1;
	s10 =	sld [smem:$0x3FAD];
	_ =	sdelay $0x3  }
0x34: {  	[smem:$0x3FAD] =	sst s10  }
0x35: {  	s10 =	sld [smem:$0x3FAC];
	_ =	sdelay $0x3  }
0x36: {  	p1 =	seq.s32 s10, $0x1;
	s10 =	sld [smem:$0x3FAD];
	_ =	sdelay $0x3  }
0x37: {  	[smem:$0x3FAD] =	sst s10  }
0x38: {  	s10 =	sld [smem:$0x3FAE]  }
0x39: {  	_ = 	snop;
	(pc) =	sbr.ind lr, $3  }
0x3a: {  	_ = 	snop  }
0x3b: {  	_ = 	snop  }
0x3c: {  	p2 =	seq.s32 s10, $0x1;
	s10 =	sld [smem:$0x3FAD]  }
0x3d: {  	_ =	shalt  }
0x3e: {  	_ =	shalt  }
0x3f: {  	_ =	shalt  }
0x40: {  	_ =	shalt  }
0x41: {  	_ =	shalt  }
0x42: {  	_ =	shalt  }
0x43: {  	_ =	shalt  }
0x44: {  	_ =	shalt  }
0x45: {  	_ =	shalt  }
0x46: {  	_ =	shalt  }
0x47: {  	_ =	shalt  }
0x48: {  	_ =	shalt  }
0x49: {  	_ =	shalt  }
0x4a: {  	_ =	shalt  }
0x4b: {  	_ =	shalt  }
0x4c: {  	_ =	shalt  }
0x4d: {  	_ =	shalt  }
0x4e: {  	_ =	shalt  }
0x4f: {  	_ =	shalt  }
0x50: {  	_ =	shalt  }
0x51: {  	_ =	shalt  }
0x52: {  	_ =	shalt  }
0x53: {  	_ =	shalt  }
0x54: {  	_ =	shalt  }
0x55: {  	_ =	shalt  }
0x56: {  	_ =	shalt  }
0x57: {  	_ =	shalt  }
0x58: {  	_ =	shalt  }
0x59: {  	_ =	shalt  }
0x5a: {  	_ =	shalt  }
0x5b: {  	_ =	shalt  }
0x5c: {  	_ =	shalt  }
0x5d: {  	_ =	shalt  }
0x5e: {  	_ =	shalt  }
0x5f: {  	_ =	shalt  }
0x60: {  	_ =	shalt  }
0x61: {  	_ =	shalt  }
0x62: {  	_ =	shalt  }
0x63: {  	_ =	shalt  }
0x64: {  	_ =	shalt  }
0x65: {  	_ =	shalt  }
0x66: {  	_ =	shalt  }
0x67: {  	_ =	shalt  }
0x68: {  	_ =	shalt  }
0x69: {  	_ =	shalt  }
0x6a: {  	_ =	shalt  }
0x6b: {  	_ =	shalt  }
0x6c: {  	_ =	shalt  }
0x6d: {  	_ =	shalt  }
0x6e: {  	_ =	shalt  }
0x6f: {  	_ =	shalt  }
0x70: {  	_ =	shalt  }
0x71: {  	_ =	shalt  }
0x72: {  	_ =	shalt  }
0x73: {  	_ =	shalt  }
0x74: {  	_ =	shalt  }
0x75: {  	_ =	shalt  }
0x76: {  	_ =	shalt  }
0x77: {  	_ =	shalt  }
0x78: {  	_ =	shalt  }
0x79: {  	_ =	shalt  }
0x7a: {  	_ =	shalt  }
0x7b: {  	_ =	shalt  }
0x7c: {  	_ =	shalt  }
0x7d: {  	_ =	shalt  }
0x7e: {  	_ =	shalt  }
0x7f: {  	_ =	shalt  }
0x80: {  	_ =	shalt  }
0x81: {  	_ =	shalt  }
0x82: {  	_ =	shalt  }
0x83: {  	_ =	shalt  }
0x84: {  	_ =	shalt  }
0x85: {  	_ =	shalt  }
0x86: {  	_ =	shalt  }
0x87: {  	_ =	shalt  }
.Lfunc_end0:
.L_simem_size_0:
called_computation_lowered:
.L_overlay_start_0:
0x88: {  	s2 =	sld [smem:$0x3FD9]  }
0x89: {  	s3 =	sld [smem:$0x3FFE];
	_ =	sdelay $0x1  }
0x8a: {  	s1 =	srdreg.scid  }
0x8b: {  	s0 =	sand.u32 $0x1, s1  }
0x8c: {  	s16 =	sshll.u32 s0, $0xA;
	s2 =	sadd.s32 s3, s2  }
0x8d: {  	s2 =	sadd.s32 s2, s16  }
0x8e: {  	[smem:$0x3FB9] =	sst s2  }
0x8f: {  	_ = 	snop  }
0x90: {  	(tm) =	ssettm $0x1  }
0x91: {  	s17 =	sld [smem:$0x3FFB];
	_ =	sdelay $0x3  }
0x92: {  	_ =	strace s17  }
0x93: {  	s2 =	sld [smem:$0x3FFC];
	_ =	sdelay $0x3  }
0x94: {  	_ =	strace s2  }
0x95: {  	s2 =	sld [smem:$0x3FFD];
	_ =	sdelay $0x3  }
0x96: {  	_ =	strace s2  }
0x97: {  	_ =	strace $0x8FFFFFFF  }
0x98: {  	s18 =	sld [smem:$0x3FDB];
	_ =	sdelay $0x1  }
0x99: {  	s19 =	simm.s32 $_scs_section_size  }
0x9a: {  	s4 =	simm.s32 $_size__tile_overlayer_lowered;
	s5 =	simm.s32 $_tile_overlayer_lowered  }
0x9b: {  	s22 =	simm.s32 $0x1BFF;
	s21 =	sshll.u32 s5, $0x1;
	s2 =	sadd.s32 s19, s18  }
0x9c: {  	s6 =	simm.s32 $0x0;
	s20 =	sshll.u32 s4, $0x1;
	s4 =	sadd.s32 s21, s2  }
0x9d: {  	[timem:s6], [sflag:s22] =	dma.local [hbm:s4], s20  }
0x9e: {  	_ =	swait.ge [sflag:s22], s20  }
0x9f: {  	s3 =	ssub.s32 $0x0, s20;
	[sflag:s22] =	ssyncset.done $0x0  }
0xa0: {  	[sflag:s22] =	ssyncadd.s32 s3;
	_ =	sdelay $0x1  }
0xa1: {  	s23 =	simm.s32 $0x1B8B  }
0xa2: {  	_ =	swait.ge [sflag:s23], $0x1  }
0xa3: {  	[sflag:s23] =	ssyncset.done $0x0  }
0xa4: {  	s25 =	simm.s32 $0x1B8E;
	s24 =	sld [smem:$0x3FFE];
	[sflag:s23] =	ssyncadd.s32 $0xFFFFFFFF  }
0xa5: {  	s26 =	simm.s32 $execute0_lowered;
	[smem:$0x3FD2] =	sst s25  }
0xa6: {  	s4 =	sshll.u32 s26, $0x1;
	_ =	strace $0x80000046;
	[dreg:$0x1] =	wrdreg $0xFFFFFFFF  }
0xa7: {  	s28 =	simm.s32 $_size_execute0_lowered;
	s2 =	sadd.s32 s2, s4;
	[dreg:$0x0] =	wrdreg $0x0  }
0xa8: {  	s4 =	sshll.u32 s28, $0x1;
	[dreg:$0x2] =	wrdreg s2  }
0xa9: {  	[dreg:$0x3] =	wrdreg s4  }
0xaa: {  	[dreg:$0x4] =	wrdreg $0xC0  }
0xab: {  	_ =	task [dreg:s6], $0x5FFFF  }
0xac: {  	[dreg:$0x1] =	wrdreg $0xFFFFFFFF  }
0xad: {  	[dreg:$0x0] =	wrdreg $0x60  }
0xae: {  	[dreg:$0x2] =	wrdreg s24  }
0xaf: {  	[dreg:$0x3] =	wrdreg $0xC4800  }
0xb0: {  	[dreg:$0x4] =	wrdreg $0x9  }
0xb1: {  	_ =	task.clear_ibuf [dreg:s6], $0x5FFFF;
	_ =	strace $0x90000046  }
0xb2: {  	s29 =	simm.s32 $0x9;
	_ =	strace $0x80000048  }
0xb3: {  	_ =	swait.ge [sflag:s29], $0x1  }
0xb4: {  	[sflag:s29] =	ssyncadd.s32 $0xFFFFFFFF  }
0xb5: {  	_ =	strace $0x90000048  }
0xb6: {  	_ =	sfence  }
0xb7: {  	s30 =	sld [smem:$0x0];
	_ =	sdelay $0x2  }
0xb8: {  	s31 =	sshll.u32 s1, $0xD;
	s1 =	sshrl.u32 s1, $0x2  }
0xb9: {  	s3 =	sand.u32 $0x4000, s31;
	s1 =	sadd.s32 s1, s30  }
0xba: {  	s0 =	sor.u32 s3, s0;
	s1 =	sshll.u32 s1, $0x11  }
0xbb: {  	s0 =	sor.u32 s1, s0  }
0xbc: {  	s0 =	sadd.s32 $0x8F2B, s0  }
0xbd: {  	[sflag:s0] =	ssyncadd.remote.s32 $0x1  }
0xbe: {  	_ =	sfence.sel $0xFFFF  }
0xbf: {  	[dreg:$0x0] =	wrdreg $0xFFFFFFFF;
	(pc) =	sbr.abs _section_cstart, $3  }
0xc0: {  	[dreg:$0x1] =	wrdreg $0xFFFFFFFF  }
0xc1: {  	_ =	task.clear_ibuf [dreg:s6], $0x2FFFF;
	_ =	strace $0x9FFFFFFF  }
0xc2: {  	(tm) =	ssettm $0x7FFFFFFF  }
0xc3: {  	_ =	shalt  }
tec
execute0_lowered:
.L_overlay_start_1:
0x0: {  	(tag) =	ssettag $0x1  }
0x1: {  	s12 =	rddreg [dreg:$0x0]  }
0x2: {  	s1 =	rddreg [dreg:$0x1];
	s3 =	simm.s32 $0x0  }
0x3: {  	s16 =	stileid.u32;
	s0 =	srdreg.scid;
	s28 =	simm.s32 $0x6400  }
0x4: {  	s29 =	simm.s32 $0x2;
	s30 =	simm.s32 $0x4;
	s31 =	simm.s32 $0xA  }
0x5: {  	[smem:$0x7FF] =	sst s3;
	s10 =	smul.u32 $0x13800, s16;
	s11 =	sand.u32 $0x1, s0  }
0x6: {  	s23 =	sshll.u32 s16, $0x1;
	s4 =	sadd.s32 $0x17200, s12;
	s5 =	sadd.s32 $0xD400, s12  }
0x7: {  	s18 =	sadd.s32 $0x3600, s12;
	s24 =	sadd.s32 $0x65600, s12;
	s13 =	smul.u32 $0x4E000, s16  }
0x8: {  	s9 =	sadd.s32 $0x6FA00, s12;
	s15 =	smul.u32 $0x4E20, s16;
	s26 =	sshll.u32 s16, $0x6  }
0x9: {  	p0 =	sne.s32 s16, $0xF;
	s16 =	simm.s32 $0x100;
	_ =	strace $0x80000047  }
0xa: {  	s0 =	sor.u32 s11, s23;
	[dreg:$0x19] =	wrdreg s24;
	s25 =	smul.u32 $0x2710, s11  }
0xb: {  	s7 =	ssub.s32 $0x2, s11;
	s17 =	sor.u32 $0x1C0B, s26;
	s11 =	smul.u32 $0x138800, s11  }
0xc: {  	[smem:$0x7F5] =	sst s5;
	s2 =	sshrl.u32 s10, $0x3;
	s0 =	smul.u32 $0x2710, s0  }
0xd: {  	s14 =	sshrl.u32 s7, $0x1;
	s13 =	sshrl.u32 s13, $0x2;
	s8 =	sadd.s32 s2, s12  }
0xe: {  	s7 =	ssub.s32 s7, s14;
	s13 =	sadd.s32 s13, s1;
	s10 =	sadd.s32 s10, s11  }
0xf: {  	s11 =	sshrl.u32 s11, $0x3;
	s0 =	sshrl.u32 s0, $0x3;
	[dreg:$0x1a] =	wrdreg s13  }
0x10: {  	s8 =	sadd.s32 $0x3E400, s8;
	s10 =	sshrl.u32 s10, $0x3;
	s7 =	smax.u32 s7, $0x1  }
0x11: {  	s2 =	sadd.s32 s0, s12;
	[dreg:$0x1b] =	wrdreg s8;
	s6 =	sadd.s32 $0xC, s0  }
0x12: {  	s8 =	sadd.s32 s25, s15;
	s12 =	sadd.s32 $0x65400, s12;
	[smem:$0x7FA] =	sst s7  }
0x13: {  	s10 =	sadd.s32 s9, s10;
	s9 =	sadd.s32 s9, s11;
	[dreg:$0x1d] =	wrdreg s12  }
0x14: {  	s7 =	simm.s32 $0x6;
	s19 =	sadd.s32 s5, s6;
	[smem:$0x7E8] =	sst s10  }
0x15: {  	s20 =	sadd.s32 $0x6C0, s8;
	s13 =	sadd.s32 s18, s6;
	[dreg:$0x1e] =	wrdreg s19  }
0x16: {  	s2 =	sadd.s32 $0x65C00, s2;
	[dreg:$0x1f] =	wrdreg s13;
	s13 =	sadd.s32 $0x18, s0  }
0x17: {  	s12 =	sshrl.u32 s20, $0x3;
	[smem:$0x7F8] =	sst s2;
	s21 =	sadd.s32 s5, s13  }
0x18: {  	s15 =	sadd.s32 $0x660, s8;
	s22 =	sadd.s32 s12, s18;
	[smem:$0x7E6] =	sst s21  }
0x19: {  	s23 =	sshrl.u32 s15, $0x3;
	s12 =	sadd.s32 s12, s5;
	[dreg:$0x3] =	wrdreg s22  }
0x1a: {  	s25 =	sadd.s32 $0x600, s8;
	s24 =	sadd.s32 s23, s18;
	[dreg:$0x4] =	wrdreg s12  }
0x1b: {  	s6 =	sshrl.u32 s25, $0x3;
	s26 =	sadd.s32 s23, s5;
	[dreg:$0x5] =	wrdreg s24  }
0x1c: {  	s19 =	sadd.s32 $0x5A0, s8;
	s15 =	sadd.s32 s6, s18;
	[dreg:$0x6] =	wrdreg s26  }
0x1d: {  	s20 =	sadd.s32 s6, s5;
	s23 =	sadd.s32 $0x540, s8;
	[dreg:$0x7] =	wrdreg s15  }
0x1e: {  	s13 =	sadd.s32 s18, s13;
	s21 =	sshrl.u32 s19, $0x3;
	[dreg:$0x8] =	wrdreg s20  }
0x1f: {  	s6 =	sadd.s32 $0x4E0, s8;
	[smem:$0x7E7] =	sst s13;
	s22 =	sadd.s32 s21, s18  }
0x20: {  	s25 =	sshrl.u32 s23, $0x3;
	s24 =	sadd.s32 s21, s5;
	[dreg:$0x9] =	wrdreg s22  }
0x21: {  	s15 =	sshrl.u32 s6, $0x3;
	s26 =	sadd.s32 s25, s18;
	[dreg:$0xa] =	wrdreg s24  }
0x22: {  	s20 =	sadd.s32 $0x420, s8;
	s14 =	sadd.s32 s25, s5;
	[dreg:$0xb] =	wrdreg s26  }
0x23: {  	s13 =	sadd.s32 $0x360, s8;
	s19 =	sadd.s32 s15, s18;
	[dreg:$0xc] =	wrdreg s14  }
0x24: {  	s21 =	sadd.s32 s15, s5;
	s12 =	sshrl.u32 s13, $0x3;
	[dreg:$0xd] =	wrdreg s19  }
0x25: {  	s13 =	sadd.s32 $0x30, s0;
	[dreg:$0xe] =	wrdreg s21;
	s19 =	sadd.s32 s12, s18  }
0x26: {  	s22 =	sshrl.u32 s20, $0x3;
	s21 =	sadd.s32 s12, s5;
	[dreg:$0x13] =	wrdreg s19  }
0x27: {  	s24 =	sadd.s32 $0x3C0, s8;
	s11 =	sadd.s32 s18, s13;
	[dreg:$0x14] =	wrdreg s21  }
0x28: {  	s20 =	sadd.s32 $0x300, s8;
	s23 =	sadd.s32 s22, s18;
	[smem:$0x7EC] =	sst s11  }
0x29: {  	s25 =	sadd.s32 s22, s5;
	s26 =	sshrl.u32 s24, $0x3;
	[dreg:$0xf] =	wrdreg s23  }
0x2a: {  	s24 =	sadd.s32 $0x2A0, s8;
	s8 =	sadd.s32 $0x480, s8;
	[dreg:$0x10] =	wrdreg s25  }
0x2b: {  	s2 =	simm.s32 $0x5;
	s6 =	sadd.s32 s26, s18;
	[smem:$0x7FB] =	sst s8  }
0x2c: {  	s22 =	sshrl.u32 s20, $0x3;
	s14 =	sadd.s32 s26, s5;
	[dreg:$0x11] =	wrdreg s6  }
0x2d: {  	s15 =	sadd.s32 $0x24, s0;
	s23 =	sadd.s32 s22, s18;
	[dreg:$0x12] =	wrdreg s14  }
0x2e: {  	s20 =	sadd.s32 $0x48, s0;
	s25 =	sadd.s32 s5, s15;
	[dreg:$0x15] =	wrdreg s23  }
0x2f: {  	s26 =	sadd.s32 s22, s5;
	s10 =	sshrl.u32 s24, $0x3;
	[smem:$0x7E9] =	sst s25  }
0x30: {  	s21 =	sadd.s32 s5, s20;
	s22 =	sadd.s32 $0x4D4, s0;
	[dreg:$0x16] =	wrdreg s26  }
0x31: {  	s11 =	sadd.s32 s18, s20;
	s24 =	sadd.s32 s5, s0;
	[smem:$0x7EF] =	sst s21  }
0x32: {  	s20 =	simm.s32 $0x400;
	s6 =	sadd.s32 s18, s15;
	[smem:$0x7F0] =	sst s11  }
0x33: {  	s12 =	sadd.s32 s10, s18;
	s10 =	sadd.s32 s10, s5;
	[smem:$0x7F3] =	sst s24  }
0x34: {  	s14 =	sadd.s32 s5, s13;
	s15 =	sadd.s32 $0x3C, s0;
	[smem:$0x7EA] =	sst s6  }
0x35: {  	s23 =	sadd.s32 s5, s22;
	s25 =	sadd.s32 s18, s0;
	[dreg:$0x17] =	wrdreg s12  }
0x36: {  	s0 =	sadd.s32 $0x4E0, s0;
	s11 =	simm.s32 $0xB;
	[dreg:$0x18] =	wrdreg s10  }
0x37: {  	s13 =	simm.s32 $0x200;
	s21 =	simm.s32 $0x8;
	[smem:$0x7EB] =	sst s14  }
0x38: {  	s24 =	simm.s32 $0x180;
	s19 =	sadd.s32 s5, s15;
	[smem:$0x7F1] =	sst s23  }
0x39: {  	s10 =	sadd.s32 s18, s15;
	[smem:$0x7F4] =	sst s25;
	s26 =	sadd.s32 s5, s0  }
0x3a: {  	s6 =	smov.u32 s18;
	s0 =	sadd.s32 s18, s0;
	[smem:$0x7ED] =	sst s19  }
0x3b: {  	s5 =	sadd.s32 $0x27000, s9;
	s9 =	sadd.s32 $0x138000, s1;
	[smem:$0x7EE] =	sst s10  }
0x3c: {  	s12 =	simm.s32 $0x9D00;
	s14 =	simm.s32 $0x80;
	[smem:$0x7F6] =	sst s26  }
0x3d: {  	s15 =	simm.s32 $0x280;
	s23 =	simm.s32 $0x1;
	[smem:$0x7F7] =	sst s0  }
0x3e: {  	s25 =	simm.s32 $0x380;
	s10 =	sadd.s32 s18, s22;
	[smem:$0x7F9] =	sst s5  }
0x3f: {  	s5 =	smov.u32 s17;
	[smem:$0x7FC] =	sst s9;
	s17 =	simm.s32 $0x300  }
0x40: {  	s18 =	simm.s32 $0x7;
	s19 =	simm.s32 $0x60;
	[smem:$0x7F2] =	sst s10  }
0x41: {  	s22 =	simm.s32 $0x3400;
	s10 =	simm.s32 $0x0;
	[dreg:$0x1c] =	wrdreg s5  }
0x42: {  	v0 =	vimm.f32 $1.000000000e+00;
	s26 =	simm.s32 $0x9;
	s0 =	simm.s32 $0x3;
	[smem:$0x7FD] =	sst s10  }
.LBB2_1:
0x43: {  	s8 =	rddreg [dreg:$0x1a]  }
0x44: {  	s10 =	rddreg [dreg:$0x1b];
	s9 =	sshrl.u32 s8, $0x3  }
0x45: {  	[smem:$0x7E4] =	sst s9  }
0x46: {  	[spmem:s9], [sflag:s5] =	dma.local [hbm:s10], $0x2700  }
0x47: {  	_ =	swait.ge [sflag:s11], $0x2700  }
0x48: {  	[sflag:s11] =	ssyncset.done $0x0  }
0x49: {  	s9 =	rddreg [dreg:$0x19];
	[sflag:s11] =	ssyncadd.s32 $0xFFFFD900  }
0x4a: {  	[tilespmem:s12], [sflag:$0xB] =	stream.linear.gather [hbm4b:s9+s3], $0x2780, $0x38;
	[tilespmem:$0x1FD00] =	vst v63  }
0x4b: {  	_ =	swait.ge [sflag:s11], $0x2780  }
0x4c: {  	s8 =	sld [smem:$0x7FC];
	_ =	sdelay $0x2  }
0x4d: {  	[sflag:s11] =	ssyncset.done $0x0;
	s9 =	sshrl.u32 @!p0 s8, $0x3;
	s8 =	rddreg [dreg:$0x1d]  }
0x4e: {  	[sflag:s11] =	ssyncadd.s32 $0xFFFFD880;
	[smem:$0x7E5] =	sst s9  }
0x4f: {  	[spmem:s9], [sflag:s5] =	dma.local @!p0 [hbm:s8], $0x100  }
0x50: {  	s8 =	simm.s32 @!p0 $0xB  }
0x51: {  	_ =	swait.ge @!p0 [sflag:s8], $0x100  }
0x52: {  	[sflag:s8] =	ssyncset.done @!p0 $0x0  }
0x53: {  	[sflag:s8] =	ssyncadd.s32 @!p0 $0xFFFFFF00  }
0x54: {  	[bflag:$0x0] =	sbarrier.arrive $0xFFFF  }
0x55: {  	s10 =	sld [smem:$0x7F3];
	_ =	sdelay $0x1  }
0x56: {  	s11 =	sld [smem:$0x7F4]  }
0x57: {  	[tilespmem:s3], [sflag:$0x7] =	stream.linear.gather [hbm4b:s10+s3], $0x60, $0x38;
	[tilespmem:$0x1FD00] =	vst v63  }
0x58: {  	s5 =	rddreg [dreg:$0x1e]  }
0x59: {  	[tilespmem:s13], [sflag:$0x7] =	stream.linear.gather [hbm4b:s11+s3], $0x60, $0x38;
	[tilespmem:$0x1FD00] =	vst v63  }
0x5a: {  	s9 =	rddreg [dreg:$0x1f]  }
0x5b: {  	[tilespmem:s14], [sflag:$0x8] =	stream.linear.gather [hbm4b:s5+s3], $0x60, $0x38;
	[tilespmem:$0x1FD00] =	vst v63  }
0x5c: {  	s10 =	sld [smem:$0x7E6]  }
0x5d: {  	[tilespmem:s15], [sflag:$0x8] =	stream.linear.gather [hbm4b:s9+s3], $0x60, $0x38;
	[tilespmem:$0x1FD00] =	vst v63  }
0x5e: {  	s11 =	sld [smem:$0x7E7]  }
0x5f: {  	[tilespmem:s16], [sflag:$0x9] =	stream.linear.gather [hbm4b:s10+s3], $0x60, $0x38;
	[tilespmem:$0x1FD00] =	vst v63  }
0x60: {  	_ = 	snop  }
0x61: {  	[tilespmem:s17], [sflag:$0x9] =	stream.linear.gather [hbm4b:s11+s3], $0x60, $0x38;
	[tilespmem:$0x1FD00] =	vst v63  }
0x62: {  	_ =	swait.ge [sflag:s18], $0x60  }
0x63: {  	[sflag:s18] =	ssyncset.done $0x0  }
0x64: {  	[sflag:s18] =	ssyncadd.s32 $0xFFFFFFA0  }
0x65: {  	_ =	swait.ge [sflag:s18], $0x60  }
0x66: {  	[sflag:s18] =	ssyncset.done $0x0  }
0x67: {  	[sflag:s18] =	ssyncadd.s32 $0xFFFFFFA0  }
0x68: {  	[tilespmem:s20], [sflag:$0x1] =	stream.indirect.gather [hbm4b:s4+s19], $0x80, s3, s19, $0xb8;
	[tilespmem:$0x1FD00] =	vst v63  }
0x69: {  	_ =	swait.ge [sflag:s21], $0x60  }
0x6a: {  	[sflag:s21] =	ssyncset.done $0x0  }
0x6b: {  	[sflag:s21] =	ssyncadd.s32 $0xFFFFFFA0  }
0x6c: {  	_ =	swait.ge [sflag:s21], $0x60  }
0x6d: {  	[sflag:s21] =	ssyncset.done $0x0  }
0x6e: {  	[sflag:s21] =	ssyncadd.s32 $0xFFFFFFA0  }
0x6f: {  	[tilespmem:s22], [sflag:$0x2] =	stream.indirect.gather [hbm4b:s4+s19], $0x80, s14, s19, $0xb8;
	[tilespmem:$0x1FD00] =	vst v63  }
0x70: {  	_ =	swait.ge [sflag:s23], $0x3000  }
0x71: {  	[sflag:s23] =	ssyncset.done $0x0  }
0x72: {  	[sflag:s23] =	ssyncadd.s32 $0xFFFFD000  }
0x73: {  	[spmem:s1] =	stream.indirect.scatter.add.f32 [tilespmem:s20], [sflag:$0x4], $0x80, s13, s19, $0xb8;
	[tilespmem:$0x1FD00] =	vst v63  }
0x74: {  	v1 =	vld [tilespmem:$0x200];
	_ =	sdelay $0x7  }
0x75: {  	[tilespmem:v1+s12+$0x0] =	vst.idx.add.f32.msk $0xffff, v0  }
0x76: {  	v1 =	vld [tilespmem:$0x210];
	_ =	sdelay $0x7  }
0x77: {  	[tilespmem:v1+s12+$0x0] =	vst.idx.add.f32.msk $0xffff, v0  }
0x78: {  	v1 =	vld [tilespmem:$0x220];
	_ =	sdelay $0x7  }
0x79: {  	[tilespmem:v1+s12+$0x0] =	vst.idx.add.f32.msk $0xffff, v0  }
0x7a: {  	v1 =	vld [tilespmem:$0x230];
	_ =	sdelay $0x7  }
0x7b: {  	[tilespmem:v1+s12+$0x0] =	vst.idx.add.f32.msk $0xffff, v0  }
0x7c: {  	v1 =	vld [tilespmem:$0x240];
	_ =	sdelay $0x7  }
0x7d: {  	[tilespmem:v1+s12+$0x0] =	vst.idx.add.f32.msk $0xffff, v0  }
0x7e: {  	v1 =	vld [tilespmem:$0x250];
	_ =	sdelay $0x5  }
0x7f: {  	s5 =	sld [smem:$0x7E9];
	_ =	sdelay $0x1  }
0x80: {  	s9 =	sld [smem:$0x7EA];
	[tilespmem:v1+s12+$0x0] =	vst.idx.add.f32.msk $0xffff, v0  }
0x81: {  	[tilespmem:s24], [sflag:$0xA] =	stream.linear.gather [hbm4b:s5+s3], $0x60, $0x38;
	[tilespmem:$0x1FD00] =	vst v63  }
0x82: {  	_ = 	snop  }
0x83: {  	[tilespmem:s25], [sflag:$0xA] =	stream.linear.gather [hbm4b:s9+s3], $0x60, $0x38;
	[tilespmem:$0x1FD00] =	vst v63  }
0x84: {  	_ =	swait.ge [sflag:s26], $0x60  }
0x85: {  	[sflag:s26] =	ssyncset.done $0x0  }
0x86: {  	[sflag:s26] =	ssyncadd.s32 $0xFFFFFFA0  }
0x87: {  	_ =	swait.ge [sflag:s26], $0x60  }
0x88: {  	[sflag:s26] =	ssyncset.done $0x0  }
0x89: {  	[sflag:s26] =	ssyncadd.s32 $0xFFFFFFA0  }
0x8a: {  	[tilespmem:s28], [sflag:$0x3] =	stream.indirect.gather [hbm4b:s4+s19], $0x80, s16, s19, $0xb8;
	[tilespmem:$0x1FD00] =	vst v63  }
0x8b: {  	_ =	swait.ge [sflag:s29], $0x3000  }
0x8c: {  	[sflag:s29] =	ssyncset.done $0x0  }
0x8d: {  	[sflag:s29] =	ssyncadd.s32 $0xFFFFD000  }
0x8e: {  	[spmem:s1] =	stream.indirect.scatter.add.f32 [tilespmem:s22], [sflag:$0x5], $0x80, s15, s19, $0xb8;
	[tilespmem:$0x1FD00] =	vst v63  }
0x8f: {  	v1 =	vld [tilespmem:$0x280];
	_ =	sdelay $0x7  }
0x90: {  	[tilespmem:v1+s12+$0x0] =	vst.idx.add.f32.msk $0xffff, v0  }
0x91: {  	v1 =	vld [tilespmem:$0x290];
	_ =	sdelay $0x7  }
0x92: {  	[tilespmem:v1+s12+$0x0] =	vst.idx.add.f32.msk $0xffff, v0  }
0x93: {  	v1 =	vld [tilespmem:$0x2A0];
	_ =	sdelay $0x7  }
0x94: {  	[tilespmem:v1+s12+$0x0] =	vst.idx.add.f32.msk $0xffff, v0  }
0x95: {  	v1 =	vld [tilespmem:$0x2B0];
	_ =	sdelay $0x7  }
0x96: {  	[tilespmem:v1+s12+$0x0] =	vst.idx.add.f32.msk $0xffff, v0  }
0x97: {  	v1 =	vld [tilespmem:$0x2C0];
	_ =	sdelay $0x7  }
0x98: {  	[tilespmem:v1+s12+$0x0] =	vst.idx.add.f32.msk $0xffff, v0  }
0x99: {  	v1 =	vld [tilespmem:$0x2D0];
	_ =	sdelay $0x7  }
0x9a: {  	[tilespmem:v1+s12+$0x0] =	vst.idx.add.f32.msk $0xffff, v0  }
0x9b: {  	_ =	swait.ge [sflag:s30], $0x3000  }
0x9c: {  	s10 =	sld [smem:$0x7EB]  }
0x9d: {  	[sflag:s30] =	ssyncset.done $0x0  }
0x9e: {  	s11 =	sld [smem:$0x7EC];
	[sflag:s30] =	ssyncadd.s32 $0xFFFFD000  }
0x9f: {  	[tilespmem:s3], [sflag:$0x7] =	stream.linear.gather [hbm4b:s10+s3], $0x60, $0x38;
	[tilespmem:$0x1FD00] =	vst v63  }
0xa0: {  	_ = 	snop  }
0xa1: {  	[tilespmem:s13], [sflag:$0x7] =	stream.linear.gather [hbm4b:s11+s3], $0x60, $0x38;
	[tilespmem:$0x1FD00] =	vst v63  }
0xa2: {  	_ =	swait.ge [sflag:s31], $0x60  }
0xa3: {  	[sflag:s31] =	ssyncset.done $0x0  }
0xa4: {  	[sflag:s31] =	ssyncadd.s32 $0xFFFFFFA0  }
0xa5: {  	_ =	swait.ge [sflag:s31], $0x60  }
0xa6: {  	[sflag:s31] =	ssyncset.done $0x0  }
0xa7: {  	[sflag:s31] =	ssyncadd.s32 $0xFFFFFFA0  }
0xa8: {  	[tilespmem:s20], [sflag:$0x1] =	stream.indirect.gather [hbm4b:s4+s19], $0x80, s24, s19, $0xb8;
	[tilespmem:$0x1FD00] =	vst v63  }
0xa9: {  	_ =	swait.ge [sflag:s0], $0x3000  }
0xaa: {  	[sflag:s0] =	ssyncset.done $0x0  }
0xab: {  	[sflag:s0] =	ssyncadd.s32 $0xFFFFD000  }
0xac: {  	[spmem:s1] =	stream.indirect.scatter.add.f32 [tilespmem:s28], [sflag:$0x6], $0x80, s17, s19, $0xb8;
	[tilespmem:$0x1FD00] =	vst v63  }
0xad: {  	v1 =	vld [tilespmem:$0x300];
	_ =	sdelay $0x7  }
0xae: {  	[tilespmem:v1+s12+$0x0] =	vst.idx.add.f32.msk $0xffff, v0  }
0xaf: {  	v1 =	vld [tilespmem:$0x310];
	_ =	sdelay $0x7  }
0xb0: {  	[tilespmem:v1+s12+$0x0] =	vst.idx.add.f32.msk $0xffff, v0  }
0xb1: {  	v1 =	vld [tilespmem:$0x320];
	_ =	sdelay $0x7  }
0xb2: {  	[tilespmem:v1+s12+$0x0] =	vst.idx.add.f32.msk $0xffff, v0  }
0xb3: {  	v1 =	vld [tilespmem:$0x330];
	_ =	sdelay $0x7  }
0xb4: {  	[tilespmem:v1+s12+$0x0] =	vst.idx.add.f32.msk $0xffff, v0  }
0xb5: {  	v1 =	vld [tilespmem:$0x340];
	_ =	sdelay $0x7  }
0xb6: {  	[tilespmem:v1+s12+$0x0] =	vst.idx.add.f32.msk $0xffff, v0  }
0xb7: {  	v1 =	vld [tilespmem:$0x350];
	_ =	sdelay $0x7  }
0xb8: {  	[tilespmem:v1+s12+$0x0] =	vst.idx.add.f32.msk $0xffff, v0  }
0xb9: {  	_ =	swait.ge [sflag:s2], $0x3000  }
0xba: {  	s5 =	sld [smem:$0x7ED]  }
0xbb: {  	[sflag:s2] =	ssyncset.done $0x0  }
0xbc: {  	s9 =	sld [smem:$0x7EE];
	[sflag:s2] =	ssyncadd.s32 $0xFFFFD000  }
0xbd: {  	[tilespmem:s14], [sflag:$0x8] =	stream.linear.gather [hbm4b:s5+s3], $0x60, $0x38;
	[tilespmem:$0x1FD00] =	vst v63  }
0xbe: {  	_ = 	snop  }
0xbf: {  	[tilespmem:s15], [sflag:$0x8] =	stream.linear.gather [hbm4b:s9+s3], $0x60, $0x38;
	[tilespmem:$0x1FD00] =	vst v63  }
0xc0: {  	_ =	swait.ge [sflag:s18], $0x60  }
0xc1: {  	[sflag:s18] =	ssyncset.done $0x0  }
0xc2: {  	[sflag:s18] =	ssyncadd.s32 $0xFFFFFFA0  }
0xc3: {  	_ =	swait.ge [sflag:s18], $0x60  }
0xc4: {  	[sflag:s18] =	ssyncset.done $0x0  }
0xc5: {  	[sflag:s18] =	ssyncadd.s32 $0xFFFFFFA0  }
0xc6: {  	[tilespmem:s22], [sflag:$0x2] =	stream.indirect.gather [hbm4b:s4+s19], $0x80, s3, s19, $0xb8;
	[tilespmem:$0x1FD00] =	vst v63  }
0xc7: {  	_ =	swait.ge [sflag:s23], $0x3000  }
0xc8: {  	[sflag:s23] =	ssyncset.done $0x0  }
0xc9: {  	[sflag:s23] =	ssyncadd.s32 $0xFFFFD000  }
0xca: {  	[spmem:s1] =	stream.indirect.scatter.add.f32 [tilespmem:s20], [sflag:$0x4], $0x80, s25, s19, $0xb8;
	[tilespmem:$0x1FD00] =	vst v63  }
0xcb: {  	v1 =	vld [tilespmem:$0x380];
	_ =	sdelay $0x7  }
0xcc: {  	[tilespmem:v1+s12+$0x0] =	vst.idx.add.f32.msk $0xffff, v0  }
0xcd: {  	v1 =	vld [tilespmem:$0x390];
	_ =	sdelay $0x7  }
0xce: {  	[tilespmem:v1+s12+$0x0] =	vst.idx.add.f32.msk $0xffff, v0  }
0xcf: {  	v1 =	vld [tilespmem:$0x3A0];
	_ =	sdelay $0x7  }
0xd0: {  	[tilespmem:v1+s12+$0x0] =	vst.idx.add.f32.msk $0xffff, v0  }
0xd1: {  	v1 =	vld [tilespmem:$0x3B0];
	_ =	sdelay $0x7  }
0xd2: {  	[tilespmem:v1+s12+$0x0] =	vst.idx.add.f32.msk $0xffff, v0  }
0xd3: {  	v1 =	vld [tilespmem:$0x3C0];
	_ =	sdelay $0x7  }
0xd4: {  	[tilespmem:v1+s12+$0x0] =	vst.idx.add.f32.msk $0xffff, v0  }
0xd5: {  	v1 =	vld [tilespmem:$0x3D0];
	_ =	sdelay $0x7  }
0xd6: {  	[tilespmem:v1+s12+$0x0] =	vst.idx.add.f32.msk $0xffff, v0  }
0xd7: {  	_ =	swait.ge [sflag:s7], $0x3000  }
0xd8: {  	s10 =	sld [smem:$0x7EF]  }
0xd9: {  	[sflag:s7] =	ssyncset.done $0x0  }
0xda: {  	s11 =	sld [smem:$0x7F0];
	[sflag:s7] =	ssyncadd.s32 $0xFFFFD000  }
0xdb: {  	[tilespmem:s16], [sflag:$0x9] =	stream.linear.gather [hbm4b:s10+s3], $0x60, $0x38;
	[tilespmem:$0x1FD00] =	vst v63  }
0xdc: {  	_ = 	snop  }
0xdd: {  	[tilespmem:s17], [sflag:$0x9] =	stream.linear.gather [hbm4b:s11+s3], $0x60, $0x38;
	[tilespmem:$0x1FD00] =	vst v63  }
0xde: {  	_ =	swait.ge [sflag:s21], $0x60  }
0xdf: {  	[sflag:s21] =	ssyncset.done $0x0  }
0xe0: {  	[sflag:s21] =	ssyncadd.s32 $0xFFFFFFA0  }
0xe1: {  	_ =	swait.ge [sflag:s21], $0x60  }
0xe2: {  	[sflag:s21] =	ssyncset.done $0x0  }
0xe3: {  	s10 =	simm.s32 $0x0;
	s8 =	sld [smem:$0x7FB];
	[sflag:s21] =	ssyncadd.s32 $0xFFFFFFA0  }
0xe4: {  	[tilespmem:s28], [sflag:$0x3] =	stream.indirect.gather [hbm4b:s4+s19], $0x80, s14, s19, $0xb8;
	[tilespmem:$0x1FD00] =	vst v63  }
.LBB2_2:
0xe5: {  	_ =	swait.ge [sflag:s29], $0x3000  }
0xe6: {  	[sflag:s29] =	ssyncset.done $0x0  }
0xe7: {  	[sflag:s29] =	ssyncadd.s32 $0xFFFFD000  }
0xe8: {  	[spmem:s1] =	stream.indirect.scatter.add.f32 [tilespmem:s22], [sflag:$0x5], $0x80, s13, s19, $0xb8;
	[tilespmem:$0x1FD00] =	vst v63  }
0xe9: {  	v1 =	vld [tilespmem:$0x200];
	_ =	sdelay $0x7  }
0xea: {  	[tilespmem:v1+s12+$0x0] =	vst.idx.add.f32.msk $0xffff, v0  }
0xeb: {  	v1 =	vld [tilespmem:$0x210];
	_ =	sdelay $0x7  }
0xec: {  	[tilespmem:v1+s12+$0x0] =	vst.idx.add.f32.msk $0xffff, v0  }
0xed: {  	v1 =	vld [tilespmem:$0x220];
	_ =	sdelay $0x7  }
0xee: {  	[tilespmem:v1+s12+$0x0] =	vst.idx.add.f32.msk $0xffff, v0  }
0xef: {  	v1 =	vld [tilespmem:$0x230];
	_ =	sdelay $0x7  }
0xf0: {  	[tilespmem:v1+s12+$0x0] =	vst.idx.add.f32.msk $0xffff, v0  }
0xf1: {  	v1 =	vld [tilespmem:$0x240];
	_ =	sdelay $0x7  }
0xf2: {  	[tilespmem:v1+s12+$0x0] =	vst.idx.add.f32.msk $0xffff, v0  }
0xf3: {  	v1 =	vld [tilespmem:$0x250];
	_ =	sdelay $0x7  }
0xf4: {  	[tilespmem:v1+s12+$0x0] =	vst.idx.add.f32.msk $0xffff, v0  }
0xf5: {  	_ =	swait.ge [sflag:s30], $0x3000  }
0xf6: {  	s9 =	rddreg [dreg:$0x18];
	[sflag:s30] =	ssyncset.done $0x0  }
0xf7: {  	s11 =	rddreg [dreg:$0x17];
	[sflag:s30] =	ssyncadd.s32 $0xFFFFD000;
	s9 =	sadd.s32 s10, s9  }
0xf8: {  	[tilespmem:s24], [sflag:$0xA] =	stream.linear.gather [hbm4b:s9+s3], $0x60, $0x38;
	[tilespmem:$0x1FD00] =	vst v63  }
0xf9: {  	s5 =	sadd.s32 s10, s11  }
0xfa: {  	[tilespmem:s25], [sflag:$0xA] =	stream.linear.gather [hbm4b:s5+s3], $0x60, $0x38;
	[tilespmem:$0x1FD00] =	vst v63  }
0xfb: {  	_ =	swait.ge [sflag:s26], $0x60  }
0xfc: {  	[sflag:s26] =	ssyncset.done $0x0  }
0xfd: {  	[sflag:s26] =	ssyncadd.s32 $0xFFFFFFA0  }
0xfe: {  	_ =	swait.ge [sflag:s26], $0x60  }
0xff: {  	[sflag:s26] =	ssyncset.done $0x0  }
0x100: {  	[sflag:s26] =	ssyncadd.s32 $0xFFFFFFA0  }
0x101: {  	[tilespmem:s20], [sflag:$0x1] =	stream.indirect.gather [hbm4b:s4+s19], $0x80, s16, s19, $0xb8;
	[tilespmem:$0x1FD00] =	vst v63  }
0x102: {  	_ =	swait.ge [sflag:s0], $0x3000  }
0x103: {  	[sflag:s0] =	ssyncset.done $0x0  }
0x104: {  	[sflag:s0] =	ssyncadd.s32 $0xFFFFD000  }
0x105: {  	[spmem:s1] =	stream.indirect.scatter.add.f32 [tilespmem:s28], [sflag:$0x6], $0x80, s15, s19, $0xb8;
	[tilespmem:$0x1FD00] =	vst v63  }
0x106: {  	v1 =	vld [tilespmem:$0x280];
	_ =	sdelay $0x7  }
0x107: {  	[tilespmem:v1+s12+$0x0] =	vst.idx.add.f32.msk $0xffff, v0  }
0x108: {  	v1 =	vld [tilespmem:$0x290];
	_ =	sdelay $0x7  }
0x109: {  	[tilespmem:v1+s12+$0x0] =	vst.idx.add.f32.msk $0xffff, v0  }
0x10a: {  	v1 =	vld [tilespmem:$0x2A0];
	_ =	sdelay $0x7  }
0x10b: {  	[tilespmem:v1+s12+$0x0] =	vst.idx.add.f32.msk $0xffff, v0  }
0x10c: {  	v1 =	vld [tilespmem:$0x2B0];
	_ =	sdelay $0x7  }
0x10d: {  	[tilespmem:v1+s12+$0x0] =	vst.idx.add.f32.msk $0xffff, v0  }
0x10e: {  	v1 =	vld [tilespmem:$0x2C0];
	_ =	sdelay $0x7  }
0x10f: {  	[tilespmem:v1+s12+$0x0] =	vst.idx.add.f32.msk $0xffff, v0  }
0x110: {  	v1 =	vld [tilespmem:$0x2D0];
	_ =	sdelay $0x7  }
0x111: {  	[tilespmem:v1+s12+$0x0] =	vst.idx.add.f32.msk $0xffff, v0  }
0x112: {  	_ =	swait.ge [sflag:s2], $0x3000  }
0x113: {  	s11 =	rddreg [dreg:$0x16];
	[sflag:s2] =	ssyncset.done $0x0  }
0x114: {  	s5 =	rddreg [dreg:$0x15];
	[sflag:s2] =	ssyncadd.s32 $0xFFFFD000;
	s9 =	sadd.s32 s10, s11  }
0x115: {  	[tilespmem:s3], [sflag:$0x7] =	stream.linear.gather [hbm4b:s9+s3], $0x60, $0x38;
	[tilespmem:$0x1FD00] =	vst v63  }
0x116: {  	s5 =	sadd.s32 s10, s5  }
0x117: {  	[tilespmem:s13], [sflag:$0x7] =	stream.linear.gather [hbm4b:s5+s3], $0x60, $0x38;
	[tilespmem:$0x1FD00] =	vst v63  }
0x118: {  	_ =	swait.ge [sflag:s31], $0x60  }
0x119: {  	[sflag:s31] =	ssyncset.done $0x0  }
0x11a: {  	[sflag:s31] =	ssyncadd.s32 $0xFFFFFFA0  }
0x11b: {  	_ =	swait.ge [sflag:s31], $0x60  }
0x11c: {  	[sflag:s31] =	ssyncset.done $0x0  }
0x11d: {  	[sflag:s31] =	ssyncadd.s32 $0xFFFFFFA0  }
0x11e: {  	[tilespmem:s22], [sflag:$0x2] =	stream.indirect.gather [hbm4b:s4+s19], $0x80, s24, s19, $0xb8;
	[tilespmem:$0x1FD00] =	vst v63  }
0x11f: {  	_ =	swait.ge [sflag:s23], $0x3000  }
0x120: {  	[sflag:s23] =	ssyncset.done $0x0  }
0x121: {  	[sflag:s23] =	ssyncadd.s32 $0xFFFFD000  }
0x122: {  	[spmem:s1] =	stream.indirect.scatter.add.f32 [tilespmem:s20], [sflag:$0x4], $0x80, s17, s19, $0xb8;
	[tilespmem:$0x1FD00] =	vst v63  }
0x123: {  	v1 =	vld [tilespmem:$0x300];
	_ =	sdelay $0x7  }
0x124: {  	[tilespmem:v1+s12+$0x0] =	vst.idx.add.f32.msk $0xffff, v0  }
0x125: {  	v1 =	vld [tilespmem:$0x310];
	_ =	sdelay $0x7  }
0x126: {  	[tilespmem:v1+s12+$0x0] =	vst.idx.add.f32.msk $0xffff, v0  }
0x127: {  	v1 =	vld [tilespmem:$0x320];
	_ =	sdelay $0x7  }
0x128: {  	[tilespmem:v1+s12+$0x0] =	vst.idx.add.f32.msk $0xffff, v0  }
0x129: {  	v1 =	vld [tilespmem:$0x330];
	_ =	sdelay $0x7  }
0x12a: {  	[tilespmem:v1+s12+$0x0] =	vst.idx.add.f32.msk $0xffff, v0  }
0x12b: {  	v1 =	vld [tilespmem:$0x340];
	_ =	sdelay $0x7  }
0x12c: {  	[tilespmem:v1+s12+$0x0] =	vst.idx.add.f32.msk $0xffff, v0  }
0x12d: {  	v1 =	vld [tilespmem:$0x350];
	_ =	sdelay $0x7  }
0x12e: {  	[tilespmem:v1+s12+$0x0] =	vst.idx.add.f32.msk $0xffff, v0  }
0x12f: {  	_ =	swait.ge [sflag:s7], $0x3000  }
0x130: {  	s11 =	rddreg [dreg:$0x14];
	[sflag:s7] =	ssyncset.done $0x0  }
0x131: {  	s5 =	rddreg [dreg:$0x13];
	[sflag:s7] =	ssyncadd.s32 $0xFFFFD000;
	s9 =	sadd.s32 s10, s11  }
0x132: {  	[tilespmem:s14], [sflag:$0x8] =	stream.linear.gather [hbm4b:s9+s3], $0x60, $0x38;
	[tilespmem:$0x1FD00] =	vst v63  }
0x133: {  	s5 =	sadd.s32 s10, s5  }
0x134: {  	[tilespmem:s15], [sflag:$0x8] =	stream.linear.gather [hbm4b:s5+s3], $0x60, $0x38;
	[tilespmem:$0x1FD00] =	vst v63  }
0x135: {  	_ =	swait.ge [sflag:s18], $0x60  }
0x136: {  	[sflag:s18] =	ssyncset.done $0x0  }
0x137: {  	[sflag:s18] =	ssyncadd.s32 $0xFFFFFFA0  }
0x138: {  	_ =	swait.ge [sflag:s18], $0x60  }
0x139: {  	[sflag:s18] =	ssyncset.done $0x0  }
0x13a: {  	[sflag:s18] =	ssyncadd.s32 $0xFFFFFFA0  }
0x13b: {  	[tilespmem:s28], [sflag:$0x3] =	stream.indirect.gather [hbm4b:s4+s19], $0x80, s3, s19, $0xb8;
	[tilespmem:$0x1FD00] =	vst v63  }
0x13c: {  	_ =	swait.ge [sflag:s29], $0x3000  }
0x13d: {  	[sflag:s29] =	ssyncset.done $0x0  }
0x13e: {  	[sflag:s29] =	ssyncadd.s32 $0xFFFFD000  }
0x13f: {  	[spmem:s1] =	stream.indirect.scatter.add.f32 [tilespmem:s22], [sflag:$0x5], $0x80, s25, s19, $0xb8;
	[tilespmem:$0x1FD00] =	vst v63  }
0x140: {  	v1 =	vld [tilespmem:$0x380];
	_ =	sdelay $0x7  }
0x141: {  	[tilespmem:v1+s12+$0x0] =	vst.idx.add.f32.msk $0xffff, v0  }
0x142: {  	v1 =	vld [tilespmem:$0x390];
	_ =	sdelay $0x7  }
0x143: {  	[tilespmem:v1+s12+$0x0] =	vst.idx.add.f32.msk $0xffff, v0  }
0x144: {  	v1 =	vld [tilespmem:$0x3A0];
	_ =	sdelay $0x7  }
0x145: {  	[tilespmem:v1+s12+$0x0] =	vst.idx.add.f32.msk $0xffff, v0  }
0x146: {  	v1 =	vld [tilespmem:$0x3B0];
	_ =	sdelay $0x7  }
0x147: {  	[tilespmem:v1+s12+$0x0] =	vst.idx.add.f32.msk $0xffff, v0  }
0x148: {  	v1 =	vld [tilespmem:$0x3C0];
	_ =	sdelay $0x7  }
0x149: {  	[tilespmem:v1+s12+$0x0] =	vst.idx.add.f32.msk $0xffff, v0  }
0x14a: {  	v1 =	vld [tilespmem:$0x3D0];
	_ =	sdelay $0x7  }
0x14b: {  	[tilespmem:v1+s12+$0x0] =	vst.idx.add.f32.msk $0xffff, v0  }
0x14c: {  	_ =	swait.ge [sflag:s30], $0x3000  }
0x14d: {  	s11 =	rddreg [dreg:$0x12];
	[sflag:s30] =	ssyncset.done $0x0  }
0x14e: {  	s5 =	rddreg [dreg:$0x11];
	[sflag:s30] =	ssyncadd.s32 $0xFFFFD000;
	s9 =	sadd.s32 s10, s11  }
0x14f: {  	[tilespmem:s16], [sflag:$0x9] =	stream.linear.gather [hbm4b:s9+s3], $0x60, $0x38;
	[tilespmem:$0x1FD00] =	vst v63  }
0x150: {  	s5 =	sadd.s32 s10, s5  }
0x151: {  	[tilespmem:s17], [sflag:$0x9] =	stream.linear.gather [hbm4b:s5+s3], $0x60, $0x38;
	[tilespmem:$0x1FD00] =	vst v63  }
0x152: {  	_ =	swait.ge [sflag:s21], $0x60  }
0x153: {  	[sflag:s21] =	ssyncset.done $0x0  }
0x154: {  	[sflag:s21] =	ssyncadd.s32 $0xFFFFFFA0  }
0x155: {  	_ =	swait.ge [sflag:s21], $0x60  }
0x156: {  	[sflag:s21] =	ssyncset.done $0x0  }
0x157: {  	[sflag:s21] =	ssyncadd.s32 $0xFFFFFFA0  }
0x158: {  	[tilespmem:s20], [sflag:$0x1] =	stream.indirect.gather [hbm4b:s4+s19], $0x80, s14, s19, $0xb8;
	[tilespmem:$0x1FD00] =	vst v63  }
0x159: {  	_ =	swait.ge [sflag:s0], $0x3000  }
0x15a: {  	[sflag:s0] =	ssyncset.done $0x0  }
0x15b: {  	[sflag:s0] =	ssyncadd.s32 $0xFFFFD000  }
0x15c: {  	[spmem:s1] =	stream.indirect.scatter.add.f32 [tilespmem:s28], [sflag:$0x6], $0x80, s13, s19, $0xb8;
	[tilespmem:$0x1FD00] =	vst v63  }
0x15d: {  	v1 =	vld [tilespmem:$0x200];
	_ =	sdelay $0x7  }
0x15e: {  	[tilespmem:v1+s12+$0x0] =	vst.idx.add.f32.msk $0xffff, v0  }
0x15f: {  	v1 =	vld [tilespmem:$0x210];
	_ =	sdelay $0x7  }
0x160: {  	[tilespmem:v1+s12+$0x0] =	vst.idx.add.f32.msk $0xffff, v0  }
0x161: {  	v1 =	vld [tilespmem:$0x220];
	_ =	sdelay $0x7  }
0x162: {  	[tilespmem:v1+s12+$0x0] =	vst.idx.add.f32.msk $0xffff, v0  }
0x163: {  	v1 =	vld [tilespmem:$0x230];
	_ =	sdelay $0x7  }
0x164: {  	[tilespmem:v1+s12+$0x0] =	vst.idx.add.f32.msk $0xffff, v0  }
0x165: {  	v1 =	vld [tilespmem:$0x240];
	_ =	sdelay $0x7  }
0x166: {  	[tilespmem:v1+s12+$0x0] =	vst.idx.add.f32.msk $0xffff, v0  }
0x167: {  	v1 =	vld [tilespmem:$0x250];
	_ =	sdelay $0x7  }
0x168: {  	[tilespmem:v1+s12+$0x0] =	vst.idx.add.f32.msk $0xffff, v0  }
0x169: {  	_ =	swait.ge [sflag:s2], $0x3000  }
0x16a: {  	s11 =	rddreg [dreg:$0x10];
	[sflag:s2] =	ssyncset.done $0x0  }
0x16b: {  	s5 =	rddreg [dreg:$0xf];
	[sflag:s2] =	ssyncadd.s32 $0xFFFFD000;
	s9 =	sadd.s32 s10, s11  }
0x16c: {  	[tilespmem:s24], [sflag:$0xA] =	stream.linear.gather [hbm4b:s9+s3], $0x60, $0x38;
	[tilespmem:$0x1FD00] =	vst v63  }
0x16d: {  	s11 =	sadd.s32 s10, s5  }
0x16e: {  	[tilespmem:s25], [sflag:$0xA] =	stream.linear.gather [hbm4b:s11+s3], $0x60, $0x38;
	[tilespmem:$0x1FD00] =	vst v63  }
0x16f: {  	_ =	swait.ge [sflag:s26], $0x60  }
0x170: {  	[sflag:s26] =	ssyncset.done $0x0  }
0x171: {  	[sflag:s26] =	ssyncadd.s32 $0xFFFFFFA0  }
0x172: {  	_ =	swait.ge [sflag:s26], $0x60  }
0x173: {  	[sflag:s26] =	ssyncset.done $0x0  }
0x174: {  	[sflag:s26] =	ssyncadd.s32 $0xFFFFFFA0  }
0x175: {  	[tilespmem:s22], [sflag:$0x2] =	stream.indirect.gather [hbm4b:s4+s19], $0x80, s16, s19, $0xb8;
	[tilespmem:$0x1FD00] =	vst v63  }
0x176: {  	_ =	swait.ge [sflag:s23], $0x3000  }
0x177: {  	[sflag:s23] =	ssyncset.done $0x0  }
0x178: {  	[sflag:s23] =	ssyncadd.s32 $0xFFFFD000  }
0x179: {  	[spmem:s1] =	stream.indirect.scatter.add.f32 [tilespmem:s20], [sflag:$0x4], $0x80, s15, s19, $0xb8;
	[tilespmem:$0x1FD00] =	vst v63  }
0x17a: {  	v1 =	vld [tilespmem:$0x280];
	_ =	sdelay $0x7  }
0x17b: {  	[tilespmem:v1+s12+$0x0] =	vst.idx.add.f32.msk $0xffff, v0  }
0x17c: {  	v1 =	vld [tilespmem:$0x290];
	_ =	sdelay $0x7  }
0x17d: {  	[tilespmem:v1+s12+$0x0] =	vst.idx.add.f32.msk $0xffff, v0  }
0x17e: {  	v1 =	vld [tilespmem:$0x2A0];
	_ =	sdelay $0x7  }
0x17f: {  	[tilespmem:v1+s12+$0x0] =	vst.idx.add.f32.msk $0xffff, v0  }
0x180: {  	v1 =	vld [tilespmem:$0x2B0];
	_ =	sdelay $0x7  }
0x181: {  	[tilespmem:v1+s12+$0x0] =	vst.idx.add.f32.msk $0xffff, v0  }
0x182: {  	v1 =	vld [tilespmem:$0x2C0];
	_ =	sdelay $0x7  }
0x183: {  	[tilespmem:v1+s12+$0x0] =	vst.idx.add.f32.msk $0xffff, v0  }
0x184: {  	v1 =	vld [tilespmem:$0x2D0];
	_ =	sdelay $0x7  }
0x185: {  	[tilespmem:v1+s12+$0x0] =	vst.idx.add.f32.msk $0xffff, v0  }
0x186: {  	_ =	swait.ge [sflag:s7], $0x3000  }
0x187: {  	s5 =	sld [smem:$0x7F5];
	_ =	sdelay $0x1  }
0x188: {  	s9 =	sshrl.u32 s8, $0x3;
	[sflag:s7] =	ssyncset.done $0x0  }
0x189: {  	[sflag:s7] =	ssyncadd.s32 $0xFFFFD000;
	s5 =	sadd.s32 s5, s9  }
0x18a: {  	[tilespmem:s3], [sflag:$0x7] =	stream.linear.gather [hbm4b:s5+s3], $0x60, $0x38;
	[tilespmem:$0x1FD00] =	vst v63  }
0x18b: {  	s9 =	sadd.s32 s6, s9  }
0x18c: {  	[tilespmem:s13], [sflag:$0x7] =	stream.linear.gather [hbm4b:s9+s3], $0x60, $0x38;
	[tilespmem:$0x1FD00] =	vst v63  }
0x18d: {  	_ =	swait.ge [sflag:s31], $0x60  }
0x18e: {  	[sflag:s31] =	ssyncset.done $0x0  }
0x18f: {  	[sflag:s31] =	ssyncadd.s32 $0xFFFFFFA0  }
0x190: {  	_ =	swait.ge [sflag:s31], $0x60  }
0x191: {  	[sflag:s31] =	ssyncset.done $0x0  }
0x192: {  	[sflag:s31] =	ssyncadd.s32 $0xFFFFFFA0  }
0x193: {  	[tilespmem:s28], [sflag:$0x3] =	stream.indirect.gather [hbm4b:s4+s19], $0x80, s24, s19, $0xb8;
	[tilespmem:$0x1FD00] =	vst v63  }
0x194: {  	_ =	swait.ge [sflag:s29], $0x3000  }
0x195: {  	[sflag:s29] =	ssyncset.done $0x0  }
0x196: {  	[sflag:s29] =	ssyncadd.s32 $0xFFFFD000  }
0x197: {  	[spmem:s1] =	stream.indirect.scatter.add.f32 [tilespmem:s22], [sflag:$0x5], $0x80, s17, s19, $0xb8;
	[tilespmem:$0x1FD00] =	vst v63  }
0x198: {  	v1 =	vld [tilespmem:$0x300];
	_ =	sdelay $0x7  }
0x199: {  	[tilespmem:v1+s12+$0x0] =	vst.idx.add.f32.msk $0xffff, v0  }
0x19a: {  	v1 =	vld [tilespmem:$0x310];
	_ =	sdelay $0x7  }
0x19b: {  	[tilespmem:v1+s12+$0x0] =	vst.idx.add.f32.msk $0xffff, v0  }
0x19c: {  	v1 =	vld [tilespmem:$0x320];
	_ =	sdelay $0x7  }
0x19d: {  	[tilespmem:v1+s12+$0x0] =	vst.idx.add.f32.msk $0xffff, v0  }
0x19e: {  	v1 =	vld [tilespmem:$0x330];
	_ =	sdelay $0x7  }
0x19f: {  	[tilespmem:v1+s12+$0x0] =	vst.idx.add.f32.msk $0xffff, v0  }
0x1a0: {  	v1 =	vld [tilespmem:$0x340];
	_ =	sdelay $0x7  }
0x1a1: {  	[tilespmem:v1+s12+$0x0] =	vst.idx.add.f32.msk $0xffff, v0  }
0x1a2: {  	v1 =	vld [tilespmem:$0x350];
	_ =	sdelay $0x7  }
0x1a3: {  	[tilespmem:v1+s12+$0x0] =	vst.idx.add.f32.msk $0xffff, v0  }
0x1a4: {  	_ =	swait.ge [sflag:s30], $0x3000  }
0x1a5: {  	s11 =	rddreg [dreg:$0xe];
	[sflag:s30] =	ssyncset.done $0x0  }
0x1a6: {  	s5 =	rddreg [dreg:$0xd];
	[sflag:s30] =	ssyncadd.s32 $0xFFFFD000;
	s9 =	sadd.s32 s10, s11  }
0x1a7: {  	[tilespmem:s14], [sflag:$0x8] =	stream.linear.gather [hbm4b:s9+s3], $0x60, $0x38;
	[tilespmem:$0x1FD00] =	vst v63  }
0x1a8: {  	s5 =	sadd.s32 s10, s5  }
0x1a9: {  	[tilespmem:s15], [sflag:$0x8] =	stream.linear.gather [hbm4b:s5+s3], $0x60, $0x38;
	[tilespmem:$0x1FD00] =	vst v63  }
0x1aa: {  	_ =	swait.ge [sflag:s18], $0x60  }
0x1ab: {  	[sflag:s18] =	ssyncset.done $0x0  }
0x1ac: {  	[sflag:s18] =	ssyncadd.s32 $0xFFFFFFA0  }
0x1ad: {  	_ =	swait.ge [sflag:s18], $0x60  }
0x1ae: {  	[sflag:s18] =	ssyncset.done $0x0  }
0x1af: {  	[sflag:s18] =	ssyncadd.s32 $0xFFFFFFA0  }
0x1b0: {  	[tilespmem:s20], [sflag:$0x1] =	stream.indirect.gather [hbm4b:s4+s19], $0x80, s3, s19, $0xb8;
	[tilespmem:$0x1FD00] =	vst v63  }
0x1b1: {  	_ =	swait.ge [sflag:s0], $0x3000  }
0x1b2: {  	[sflag:s0] =	ssyncset.done $0x0  }
0x1b3: {  	[sflag:s0] =	ssyncadd.s32 $0xFFFFD000  }
0x1b4: {  	[spmem:s1] =	stream.indirect.scatter.add.f32 [tilespmem:s28], [sflag:$0x6], $0x80, s25, s19, $0xb8;
	[tilespmem:$0x1FD00] =	vst v63  }
0x1b5: {  	v1 =	vld [tilespmem:$0x380];
	_ =	sdelay $0x7  }
0x1b6: {  	[tilespmem:v1+s12+$0x0] =	vst.idx.add.f32.msk $0xffff, v0  }
0x1b7: {  	v1 =	vld [tilespmem:$0x390];
	_ =	sdelay $0x7  }
0x1b8: {  	[tilespmem:v1+s12+$0x0] =	vst.idx.add.f32.msk $0xffff, v0  }
0x1b9: {  	v1 =	vld [tilespmem:$0x3A0];
	_ =	sdelay $0x7  }
0x1ba: {  	[tilespmem:v1+s12+$0x0] =	vst.idx.add.f32.msk $0xffff, v0  }
0x1bb: {  	v1 =	vld [tilespmem:$0x3B0];
	_ =	sdelay $0x7  }
0x1bc: {  	[tilespmem:v1+s12+$0x0] =	vst.idx.add.f32.msk $0xffff, v0  }
0x1bd: {  	v1 =	vld [tilespmem:$0x3C0];
	_ =	sdelay $0x7  }
0x1be: {  	[tilespmem:v1+s12+$0x0] =	vst.idx.add.f32.msk $0xffff, v0  }
0x1bf: {  	v1 =	vld [tilespmem:$0x3D0];
	_ =	sdelay $0x7  }
0x1c0: {  	[tilespmem:v1+s12+$0x0] =	vst.idx.add.f32.msk $0xffff, v0  }
0x1c1: {  	_ =	swait.ge [sflag:s2], $0x3000  }
0x1c2: {  	s11 =	rddreg [dreg:$0xc];
	[sflag:s2] =	ssyncset.done $0x0  }
0x1c3: {  	s5 =	rddreg [dreg:$0xb];
	[sflag:s2] =	ssyncadd.s32 $0xFFFFD000;
	s9 =	sadd.s32 s10, s11  }
0x1c4: {  	[tilespmem:s16], [sflag:$0x9] =	stream.linear.gather [hbm4b:s9+s3], $0x60, $0x38;
	[tilespmem:$0x1FD00] =	vst v63  }
0x1c5: {  	s5 =	sadd.s32 s10, s5  }
0x1c6: {  	[tilespmem:s17], [sflag:$0x9] =	stream.linear.gather [hbm4b:s5+s3], $0x60, $0x38;
	[tilespmem:$0x1FD00] =	vst v63  }
0x1c7: {  	_ =	swait.ge [sflag:s21], $0x60  }
0x1c8: {  	[sflag:s21] =	ssyncset.done $0x0  }
0x1c9: {  	[sflag:s21] =	ssyncadd.s32 $0xFFFFFFA0  }
0x1ca: {  	_ =	swait.ge [sflag:s21], $0x60  }
0x1cb: {  	[sflag:s21] =	ssyncset.done $0x0  }
0x1cc: {  	[sflag:s21] =	ssyncadd.s32 $0xFFFFFFA0  }
0x1cd: {  	[tilespmem:s22], [sflag:$0x2] =	stream.indirect.gather [hbm4b:s4+s19], $0x80, s14, s19, $0xb8;
	[tilespmem:$0x1FD00] =	vst v63  }
0x1ce: {  	_ =	swait.ge [sflag:s23], $0x3000  }
0x1cf: {  	[sflag:s23] =	ssyncset.done $0x0  }
0x1d0: {  	[sflag:s23] =	ssyncadd.s32 $0xFFFFD000  }
0x1d1: {  	[spmem:s1] =	stream.indirect.scatter.add.f32 [tilespmem:s20], [sflag:$0x4], $0x80, s13, s19, $0xb8;
	[tilespmem:$0x1FD00] =	vst v63  }
0x1d2: {  	v1 =	vld [tilespmem:$0x200];
	_ =	sdelay $0x7  }
0x1d3: {  	[tilespmem:v1+s12+$0x0] =	vst.idx.add.f32.msk $0xffff, v0  }
0x1d4: {  	v1 =	vld [tilespmem:$0x210];
	_ =	sdelay $0x7  }
0x1d5: {  	[tilespmem:v1+s12+$0x0] =	vst.idx.add.f32.msk $0xffff, v0  }
0x1d6: {  	v1 =	vld [tilespmem:$0x220];
	_ =	sdelay $0x7  }
0x1d7: {  	[tilespmem:v1+s12+$0x0] =	vst.idx.add.f32.msk $0xffff, v0  }
0x1d8: {  	v1 =	vld [tilespmem:$0x230];
	_ =	sdelay $0x7  }
0x1d9: {  	[tilespmem:v1+s12+$0x0] =	vst.idx.add.f32.msk $0xffff, v0  }
0x1da: {  	v1 =	vld [tilespmem:$0x240];
	_ =	sdelay $0x7  }
0x1db: {  	[tilespmem:v1+s12+$0x0] =	vst.idx.add.f32.msk $0xffff, v0  }
0x1dc: {  	v1 =	vld [tilespmem:$0x250];
	_ =	sdelay $0x7  }
0x1dd: {  	[tilespmem:v1+s12+$0x0] =	vst.idx.add.f32.msk $0xffff, v0  }
0x1de: {  	_ =	swait.ge [sflag:s7], $0x3000  }
0x1df: {  	s11 =	rddreg [dreg:$0xa];
	[sflag:s7] =	ssyncset.done $0x0  }
0x1e0: {  	s5 =	rddreg [dreg:$0x9];
	[sflag:s7] =	ssyncadd.s32 $0xFFFFD000;
	s9 =	sadd.s32 s10, s11  }
0x1e1: {  	[tilespmem:s24], [sflag:$0xA] =	stream.linear.gather [hbm4b:s9+s3], $0x60, $0x38;
	[tilespmem:$0x1FD00] =	vst v63  }
0x1e2: {  	s5 =	sadd.s32 s10, s5  }
0x1e3: {  	[tilespmem:s25], [sflag:$0xA] =	stream.linear.gather [hbm4b:s5+s3], $0x60, $0x38;
	[tilespmem:$0x1FD00] =	vst v63  }
0x1e4: {  	_ =	swait.ge [sflag:s26], $0x60  }
0x1e5: {  	[sflag:s26] =	ssyncset.done $0x0  }
0x1e6: {  	[sflag:s26] =	ssyncadd.s32 $0xFFFFFFA0  }
0x1e7: {  	_ =	swait.ge [sflag:s26], $0x60  }
0x1e8: {  	[sflag:s26] =	ssyncset.done $0x0  }
0x1e9: {  	[sflag:s26] =	ssyncadd.s32 $0xFFFFFFA0  }
0x1ea: {  	[tilespmem:s28], [sflag:$0x3] =	stream.indirect.gather [hbm4b:s4+s19], $0x80, s16, s19, $0xb8;
	[tilespmem:$0x1FD00] =	vst v63  }
0x1eb: {  	_ =	swait.ge [sflag:s29], $0x3000  }
0x1ec: {  	[sflag:s29] =	ssyncset.done $0x0  }
0x1ed: {  	[sflag:s29] =	ssyncadd.s32 $0xFFFFD000  }
0x1ee: {  	[spmem:s1] =	stream.indirect.scatter.add.f32 [tilespmem:s22], [sflag:$0x5], $0x80, s15, s19, $0xb8;
	[tilespmem:$0x1FD00] =	vst v63  }
0x1ef: {  	v1 =	vld [tilespmem:$0x280];
	_ =	sdelay $0x7  }
0x1f0: {  	[tilespmem:v1+s12+$0x0] =	vst.idx.add.f32.msk $0xffff, v0  }
0x1f1: {  	v1 =	vld [tilespmem:$0x290];
	_ =	sdelay $0x7  }
0x1f2: {  	[tilespmem:v1+s12+$0x0] =	vst.idx.add.f32.msk $0xffff, v0  }
0x1f3: {  	v1 =	vld [tilespmem:$0x2A0];
	_ =	sdelay $0x7  }
0x1f4: {  	[tilespmem:v1+s12+$0x0] =	vst.idx.add.f32.msk $0xffff, v0  }
0x1f5: {  	v1 =	vld [tilespmem:$0x2B0];
	_ =	sdelay $0x7  }
0x1f6: {  	[tilespmem:v1+s12+$0x0] =	vst.idx.add.f32.msk $0xffff, v0  }
0x1f7: {  	v1 =	vld [tilespmem:$0x2C0];
	_ =	sdelay $0x7  }
0x1f8: {  	[tilespmem:v1+s12+$0x0] =	vst.idx.add.f32.msk $0xffff, v0  }
0x1f9: {  	v1 =	vld [tilespmem:$0x2D0];
	_ =	sdelay $0x7  }
0x1fa: {  	[tilespmem:v1+s12+$0x0] =	vst.idx.add.f32.msk $0xffff, v0  }
0x1fb: {  	_ =	swait.ge [sflag:s30], $0x3000  }
0x1fc: {  	s11 =	rddreg [dreg:$0x8];
	[sflag:s30] =	ssyncset.done $0x0  }
0x1fd: {  	s5 =	rddreg [dreg:$0x7];
	[sflag:s30] =	ssyncadd.s32 $0xFFFFD000;
	s9 =	sadd.s32 s10, s11  }
0x1fe: {  	[tilespmem:s3], [sflag:$0x7] =	stream.linear.gather [hbm4b:s9+s3], $0x60, $0x38;
	[tilespmem:$0x1FD00] =	vst v63  }
0x1ff: {  	s5 =	sadd.s32 s10, s5  }
0x200: {  	[tilespmem:s13], [sflag:$0x7] =	stream.linear.gather [hbm4b:s5+s3], $0x60, $0x38;
	[tilespmem:$0x1FD00] =	vst v63  }
0x201: {  	_ =	swait.ge [sflag:s31], $0x60  }
0x202: {  	[sflag:s31] =	ssyncset.done $0x0  }
0x203: {  	[sflag:s31] =	ssyncadd.s32 $0xFFFFFFA0  }
0x204: {  	_ =	swait.ge [sflag:s31], $0x60  }
0x205: {  	[sflag:s31] =	ssyncset.done $0x0  }
0x206: {  	[sflag:s31] =	ssyncadd.s32 $0xFFFFFFA0  }
0x207: {  	[tilespmem:s20], [sflag:$0x1] =	stream.indirect.gather [hbm4b:s4+s19], $0x80, s24, s19, $0xb8;
	[tilespmem:$0x1FD00] =	vst v63  }
0x208: {  	_ =	swait.ge [sflag:s0], $0x3000  }
0x209: {  	[sflag:s0] =	ssyncset.done $0x0  }
0x20a: {  	[sflag:s0] =	ssyncadd.s32 $0xFFFFD000  }
0x20b: {  	[spmem:s1] =	stream.indirect.scatter.add.f32 [tilespmem:s28], [sflag:$0x6], $0x80, s17, s19, $0xb8;
	[tilespmem:$0x1FD00] =	vst v63  }
0x20c: {  	v1 =	vld [tilespmem:$0x300];
	_ =	sdelay $0x7  }
0x20d: {  	[tilespmem:v1+s12+$0x0] =	vst.idx.add.f32.msk $0xffff, v0  }
0x20e: {  	v1 =	vld [tilespmem:$0x310];
	_ =	sdelay $0x7  }
0x20f: {  	[tilespmem:v1+s12+$0x0] =	vst.idx.add.f32.msk $0xffff, v0  }
0x210: {  	v1 =	vld [tilespmem:$0x320];
	_ =	sdelay $0x7  }
0x211: {  	[tilespmem:v1+s12+$0x0] =	vst.idx.add.f32.msk $0xffff, v0  }
0x212: {  	v1 =	vld [tilespmem:$0x330];
	_ =	sdelay $0x7  }
0x213: {  	[tilespmem:v1+s12+$0x0] =	vst.idx.add.f32.msk $0xffff, v0  }
0x214: {  	v1 =	vld [tilespmem:$0x340];
	_ =	sdelay $0x7  }
0x215: {  	[tilespmem:v1+s12+$0x0] =	vst.idx.add.f32.msk $0xffff, v0  }
0x216: {  	v1 =	vld [tilespmem:$0x350];
	_ =	sdelay $0x7  }
0x217: {  	[tilespmem:v1+s12+$0x0] =	vst.idx.add.f32.msk $0xffff, v0  }
0x218: {  	_ =	swait.ge [sflag:s2], $0x3000  }
0x219: {  	s11 =	rddreg [dreg:$0x6];
	[sflag:s2] =	ssyncset.done $0x0  }
0x21a: {  	s5 =	rddreg [dreg:$0x5];
	[sflag:s2] =	ssyncadd.s32 $0xFFFFD000;
	s9 =	sadd.s32 s10, s11  }
0x21b: {  	[tilespmem:s14], [sflag:$0x8] =	stream.linear.gather [hbm4b:s9+s3], $0x60, $0x38;
	[tilespmem:$0x1FD00] =	vst v63  }
0x21c: {  	s5 =	sadd.s32 s10, s5  }
0x21d: {  	[tilespmem:s15], [sflag:$0x8] =	stream.linear.gather [hbm4b:s5+s3], $0x60, $0x38;
	[tilespmem:$0x1FD00] =	vst v63  }
0x21e: {  	_ =	swait.ge [sflag:s18], $0x60  }
0x21f: {  	[sflag:s18] =	ssyncset.done $0x0  }
0x220: {  	[sflag:s18] =	ssyncadd.s32 $0xFFFFFFA0  }
0x221: {  	_ =	swait.ge [sflag:s18], $0x60  }
0x222: {  	[sflag:s18] =	ssyncset.done $0x0  }
0x223: {  	[sflag:s18] =	ssyncadd.s32 $0xFFFFFFA0  }
0x224: {  	[tilespmem:s22], [sflag:$0x2] =	stream.indirect.gather [hbm4b:s4+s19], $0x80, s3, s19, $0xb8;
	[tilespmem:$0x1FD00] =	vst v63  }
0x225: {  	_ =	swait.ge [sflag:s23], $0x3000  }
0x226: {  	[sflag:s23] =	ssyncset.done $0x0  }
0x227: {  	[sflag:s23] =	ssyncadd.s32 $0xFFFFD000  }
0x228: {  	[spmem:s1] =	stream.indirect.scatter.add.f32 [tilespmem:s20], [sflag:$0x4], $0x80, s25, s19, $0xb8;
	[tilespmem:$0x1FD00] =	vst v63  }
0x229: {  	v1 =	vld [tilespmem:$0x380];
	_ =	sdelay $0x7  }
0x22a: {  	[tilespmem:v1+s12+$0x0] =	vst.idx.add.f32.msk $0xffff, v0  }
0x22b: {  	v1 =	vld [tilespmem:$0x390];
	_ =	sdelay $0x7  }
0x22c: {  	[tilespmem:v1+s12+$0x0] =	vst.idx.add.f32.msk $0xffff, v0  }
0x22d: {  	v1 =	vld [tilespmem:$0x3A0];
	_ =	sdelay $0x7  }
0x22e: {  	[tilespmem:v1+s12+$0x0] =	vst.idx.add.f32.msk $0xffff, v0  }
0x22f: {  	v1 =	vld [tilespmem:$0x3B0];
	_ =	sdelay $0x7  }
0x230: {  	[tilespmem:v1+s12+$0x0] =	vst.idx.add.f32.msk $0xffff, v0  }
0x231: {  	v1 =	vld [tilespmem:$0x3C0];
	_ =	sdelay $0x7  }
0x232: {  	[tilespmem:v1+s12+$0x0] =	vst.idx.add.f32.msk $0xffff, v0  }
0x233: {  	v1 =	vld [tilespmem:$0x3D0];
	_ =	sdelay $0x7  }
0x234: {  	[tilespmem:v1+s12+$0x0] =	vst.idx.add.f32.msk $0xffff, v0  }
0x235: {  	_ =	swait.ge [sflag:s7], $0x3000  }
0x236: {  	s11 =	rddreg [dreg:$0x4];
	[sflag:s7] =	ssyncset.done $0x0  }
0x237: {  	s5 =	rddreg [dreg:$0x3];
	[sflag:s7] =	ssyncadd.s32 $0xFFFFD000;
	s9 =	sadd.s32 s10, s11  }
0x238: {  	[tilespmem:s16], [sflag:$0x9] =	stream.linear.gather [hbm4b:s9+s3], $0x60, $0x38;
	[tilespmem:$0x1FD00] =	vst v63  }
0x239: {  	s11 =	sadd.s32 s10, s5  }
0x23a: {  	[tilespmem:s17], [sflag:$0x9] =	stream.linear.gather [hbm4b:s11+s3], $0x60, $0x38;
	[tilespmem:$0x1FD00] =	vst v63  }
0x23b: {  	_ =	swait.ge [sflag:s21], $0x60  }
0x23c: {  	p1 =	sne.s32 s10, $0x3F0;
	[sflag:s21] =	ssyncset.done $0x0  }
.Ltmp0:
0x23d: {  	[sflag:s21] =	ssyncadd.s32 $0xFFFFFFA0;
	(pc) =	sbr.rel @p1 .LBB2_2-.Ltmp0, $4  }
0x23e: {  	_ =	swait.ge [sflag:s21], $0x60  }
0x23f: {  	[sflag:s21] =	ssyncset.done $0x0  }
0x240: {  	s8 =	sadd.s32 $0x480, s8;
	s10 =	sadd.s32 $0x90, s10;
	[sflag:s21] =	ssyncadd.s32 $0xFFFFFFA0  }
0x241: {  	[tilespmem:s28], [sflag:$0x3] =	stream.indirect.gather [hbm4b:s4+s19], $0x80, s14, s19, $0xb8;
	[tilespmem:$0x1FD00] =	vst v63  }
0x242: {  	_ =	swait.ge [sflag:s29], $0x3000  }
0x243: {  	[sflag:s29] =	ssyncset.done $0x0  }
0x244: {  	[sflag:s29] =	ssyncadd.s32 $0xFFFFD000  }
0x245: {  	[spmem:s1] =	stream.indirect.scatter.add.f32 [tilespmem:s22], [sflag:$0x5], $0x80, s13, s19, $0xb8;
	[tilespmem:$0x1FD00] =	vst v63  }
0x246: {  	v1 =	vld [tilespmem:$0x200];
	_ =	sdelay $0x7  }
0x247: {  	[tilespmem:v1+s12+$0x0] =	vst.idx.add.f32.msk $0xffff, v0  }
0x248: {  	v1 =	vld [tilespmem:$0x210];
	_ =	sdelay $0x7  }
0x249: {  	[tilespmem:v1+s12+$0x0] =	vst.idx.add.f32.msk $0xffff, v0  }
0x24a: {  	v1 =	vld [tilespmem:$0x220];
	_ =	sdelay $0x7  }
0x24b: {  	[tilespmem:v1+s12+$0x0] =	vst.idx.add.f32.msk $0xffff, v0  }
0x24c: {  	v1 =	vld [tilespmem:$0x230];
	_ =	sdelay $0x7  }
0x24d: {  	[tilespmem:v1+s12+$0x0] =	vst.idx.add.f32.msk $0xffff, v0  }
0x24e: {  	v1 =	vld [tilespmem:$0x240];
	_ =	sdelay $0x7  }
0x24f: {  	[tilespmem:v1+s12+$0x0] =	vst.idx.add.f32.msk $0xffff, v0  }
0x250: {  	v1 =	vld [tilespmem:$0x250];
	_ =	sdelay $0x7  }
0x251: {  	[tilespmem:v1+s12+$0x0] =	vst.idx.add.f32.msk $0xffff, v0  }
0x252: {  	_ =	swait.ge [sflag:s30], $0x3000  }
0x253: {  	s8 =	sld [smem:$0x7F1]  }
0x254: {  	[sflag:s30] =	ssyncset.done $0x0  }
0x255: {  	s10 =	sld [smem:$0x7F2];
	[sflag:s30] =	ssyncadd.s32 $0xFFFFD000  }
0x256: {  	[tilespmem:s24], [sflag:$0xA] =	stream.linear.gather [hbm4b:s8+s3], $0x60, $0x38;
	[tilespmem:$0x1FD00] =	vst v63  }
0x257: {  	_ = 	snop  }
0x258: {  	[tilespmem:s25], [sflag:$0xA] =	stream.linear.gather [hbm4b:s10+s3], $0x60, $0x38;
	[tilespmem:$0x1FD00] =	vst v63  }
0x259: {  	_ =	swait.ge [sflag:s26], $0x60  }
0x25a: {  	[sflag:s26] =	ssyncset.done $0x0  }
0x25b: {  	[sflag:s26] =	ssyncadd.s32 $0xFFFFFFA0  }
0x25c: {  	_ =	swait.ge [sflag:s26], $0x60  }
0x25d: {  	[sflag:s26] =	ssyncset.done $0x0  }
0x25e: {  	[sflag:s26] =	ssyncadd.s32 $0xFFFFFFA0  }
0x25f: {  	[tilespmem:s20], [sflag:$0x1] =	stream.indirect.gather [hbm4b:s4+s19], $0x80, s16, s19, $0xb8;
	[tilespmem:$0x1FD00] =	vst v63  }
0x260: {  	_ =	swait.ge [sflag:s0], $0x3000  }
0x261: {  	[sflag:s0] =	ssyncset.done $0x0  }
0x262: {  	[sflag:s0] =	ssyncadd.s32 $0xFFFFD000  }
0x263: {  	[spmem:s1] =	stream.indirect.scatter.add.f32 [tilespmem:s28], [sflag:$0x6], $0x80, s15, s19, $0xb8;
	[tilespmem:$0x1FD00] =	vst v63  }
0x264: {  	v1 =	vld [tilespmem:$0x280];
	_ =	sdelay $0x7  }
0x265: {  	[tilespmem:v1+s12+$0x0] =	vst.idx.add.f32.msk $0xffff, v0  }
0x266: {  	v1 =	vld [tilespmem:$0x290];
	_ =	sdelay $0x7  }
0x267: {  	[tilespmem:v1+s12+$0x0] =	vst.idx.add.f32.msk $0xffff, v0  }
0x268: {  	v1 =	vld [tilespmem:$0x2A0];
	_ =	sdelay $0x7  }
0x269: {  	[tilespmem:v1+s12+$0x0] =	vst.idx.add.f32.msk $0xffff, v0  }
0x26a: {  	v1 =	vld [tilespmem:$0x2B0];
	_ =	sdelay $0x7  }
0x26b: {  	[tilespmem:v1+s12+$0x0] =	vst.idx.add.f32.msk $0xffff, v0  }
0x26c: {  	v1 =	vld [tilespmem:$0x2C0];
	_ =	sdelay $0x7  }
0x26d: {  	[tilespmem:v1+s12+$0x0] =	vst.idx.add.f32.msk $0xffff, v0  }
0x26e: {  	v1 =	vld [tilespmem:$0x2D0];
	_ =	sdelay $0x7  }
0x26f: {  	[tilespmem:v1+s12+$0x0] =	vst.idx.add.f32.msk $0xffff, v0  }
0x270: {  	_ =	swait.ge [sflag:s2], $0x3000  }
0x271: {  	[sflag:s2] =	ssyncset.done $0x0  }
0x272: {  	[sflag:s2] =	ssyncadd.s32 $0xFFFFD000  }
0x273: {  	_ =	swait.ge [sflag:s31], $0x60  }
0x274: {  	[sflag:s31] =	ssyncset.done $0x0  }
0x275: {  	[sflag:s31] =	ssyncadd.s32 $0xFFFFFFA0  }
0x276: {  	_ =	swait.ge [sflag:s31], $0x60  }
0x277: {  	[sflag:s31] =	ssyncset.done $0x0  }
0x278: {  	[sflag:s31] =	ssyncadd.s32 $0xFFFFFFA0  }
0x279: {  	[tilespmem:s22], [sflag:$0x2] =	stream.indirect.gather [hbm4b:s4+s19], $0x80, s24, s19, $0xb8;
	[tilespmem:$0x1FD00] =	vst v63  }
0x27a: {  	_ =	swait.ge [sflag:s23], $0x3000  }
0x27b: {  	[sflag:s23] =	ssyncset.done $0x0  }
0x27c: {  	[sflag:s23] =	ssyncadd.s32 $0xFFFFD000  }
0x27d: {  	[spmem:s1] =	stream.indirect.scatter.add.f32 [tilespmem:s20], [sflag:$0x4], $0x80, s17, s19, $0xb8;
	[tilespmem:$0x1FD00] =	vst v63  }
0x27e: {  	v1 =	vld [tilespmem:$0x300];
	_ =	sdelay $0x7  }
0x27f: {  	[tilespmem:v1+s12+$0x0] =	vst.idx.add.f32.msk $0xffff, v0  }
0x280: {  	v1 =	vld [tilespmem:$0x310];
	_ =	sdelay $0x7  }
0x281: {  	[tilespmem:v1+s12+$0x0] =	vst.idx.add.f32.msk $0xffff, v0  }
0x282: {  	v1 =	vld [tilespmem:$0x320];
	_ =	sdelay $0x7  }
0x283: {  	[tilespmem:v1+s12+$0x0] =	vst.idx.add.f32.msk $0xffff, v0  }
0x284: {  	v1 =	vld [tilespmem:$0x330];
	_ =	sdelay $0x7  }
0x285: {  	[tilespmem:v1+s12+$0x0] =	vst.idx.add.f32.msk $0xffff, v0  }
0x286: {  	v1 =	vld [tilespmem:$0x340];
	_ =	sdelay $0x7  }
0x287: {  	[tilespmem:v1+s12+$0x0] =	vst.idx.add.f32.msk $0xffff, v0  }
0x288: {  	v1 =	vld [tilespmem:$0x350];
	_ =	sdelay $0x7  }
0x289: {  	[tilespmem:v1+s12+$0x0] =	vst.idx.add.f32.msk $0xffff, v0  }
0x28a: {  	_ =	swait.ge [sflag:s7], $0x3000  }
0x28b: {  	[sflag:s7] =	ssyncset.done $0x0  }
0x28c: {  	[sflag:s7] =	ssyncadd.s32 $0xFFFFD000  }
0x28d: {  	_ =	swait.ge [sflag:s29], $0x3000  }
0x28e: {  	[sflag:s29] =	ssyncset.done $0x0  }
0x28f: {  	[sflag:s29] =	ssyncadd.s32 $0xFFFFD000  }
0x290: {  	[spmem:s1] =	stream.indirect.scatter.add.f32 [tilespmem:s22], [sflag:$0x5], $0x80, s25, s19, $0xb8;
	[tilespmem:$0x1FD00] =	vst v63  }
0x291: {  	v1 =	vld [tilespmem:$0x380];
	_ =	sdelay $0x7  }
0x292: {  	[tilespmem:v1+s12+$0x0] =	vst.idx.add.f32.msk $0xffff, v0  }
0x293: {  	v1 =	vld [tilespmem:$0x390];
	_ =	sdelay $0x7  }
0x294: {  	[tilespmem:v1+s12+$0x0] =	vst.idx.add.f32.msk $0xffff, v0  }
0x295: {  	v1 =	vld [tilespmem:$0x3A0];
	_ =	sdelay $0x7  }
0x296: {  	[tilespmem:v1+s12+$0x0] =	vst.idx.add.f32.msk $0xffff, v0  }
0x297: {  	v1 =	vld [tilespmem:$0x3B0];
	_ =	sdelay $0x7  }
0x298: {  	[tilespmem:v1+s12+$0x0] =	vst.idx.add.f32.msk $0xffff, v0  }
0x299: {  	v1 =	vld [tilespmem:$0x3C0];
	_ =	sdelay $0x7  }
0x29a: {  	[tilespmem:v1+s12+$0x0] =	vst.idx.add.f32.msk $0xffff, v0  }
0x29b: {  	v1 =	vld [tilespmem:$0x3D0];
	_ =	sdelay $0x7  }
0x29c: {  	[tilespmem:v1+s12+$0x0] =	vst.idx.add.f32.msk $0xffff, v0  }
0x29d: {  	_ =	swait.ge [sflag:s30], $0x3000  }
0x29e: {  	[sflag:s30] =	ssyncset.done $0x0  }
0x29f: {  	[sflag:s30] =	ssyncadd.s32 $0xFFFFD000  }
0x2a0: {  	_ =	swait.ge [sflag:s2], $0x3000  }
0x2a1: {  	s11 =	sld [smem:$0x7F6]  }
0x2a2: {  	[sflag:s2] =	ssyncset.done $0x0  }
0x2a3: {  	s5 =	simm.s32 $0x9400;
	[sflag:s2] =	ssyncadd.s32 $0xFFFFD000  }
0x2a4: {  	[tilespmem:s5], [sflag:$0xB] =	stream.linear.gather [hbm4b:s11+s3], $0x10, $0x38;
	[tilespmem:$0x1FD00] =	vst v63  }
0x2a5: {  	s11 =	simm.s32 $0xB  }
0x2a6: {  	_ =	swait.ge [sflag:s11], $0x10  }
0x2a7: {  	s9 =	sld [smem:$0x7F7]  }
0x2a8: {  	[sflag:s11] =	ssyncset.done $0x0  }
0x2a9: {  	s10 =	simm.s32 $0x9480;
	[sflag:s11] =	ssyncadd.s32 $0xFFFFFFF0  }
0x2aa: {  	[tilespmem:s10], [sflag:$0xB] =	stream.linear.gather [hbm4b:s9+s3], $0x10, $0x38;
	[tilespmem:$0x1FD00] =	vst v63  }
0x2ab: {  	_ =	swait.ge [sflag:s11], $0x10  }
0x2ac: {  	[sflag:s11] =	ssyncset.done $0x0  }
0x2ad: {  	s8 =	simm.s32 $0x10;
	s9 =	simm.s32 $0x9500;
	[sflag:s11] =	ssyncadd.s32 $0xFFFFFFF0  }
0x2ae: {  	[tilespmem:s9], [sflag:$0x1] =	stream.indirect.gather [hbm4b:s4+s8], $0x80, s5, s8, $0xb8;
	[tilespmem:$0x1FD00] =	vst v63  }
0x2af: {  	_ =	swait.ge [sflag:s23], $0x800  }
0x2b0: {  	[sflag:s23] =	ssyncset.done $0x0  }
0x2b1: {  	[sflag:s23] =	ssyncadd.s32 $0xFFFFF800  }
0x2b2: {  	[spmem:s1] =	stream.indirect.scatter.add.f32 [tilespmem:s9], [sflag:$0xB], $0x80, s10, s8, $0xb8;
	[tilespmem:$0x1FD00] =	vst v63  }
0x2b3: {  	_ =	swait.ge [sflag:s11], $0x800  }
0x2b4: {  	[sflag:s11] =	ssyncset.done $0x0  }
0x2b5: {  	[sflag:s11] =	ssyncadd.s32 $0xFFFFF800  }
0x2b6: {  	v1 =	vld [tilespmem:$0x9480];
	_ =	sdelay $0x5  }
0x2b7: {  	s5 =	sld [smem:$0x7F8];
	_ =	sdelay $0x1  }
0x2b8: {  	[tilespmem:v1+s12+$0x0] =	vst.idx.add.f32.msk $0xffff, v0  }
0x2b9: {  	[hbm4b:s5+s3] =	stream.linear.scatter [tilespmem:s12], [sflag:$0xB], $0x2710, $0x38;
	[tilespmem:$0x1FD00] =	vst v63  }
0x2ba: {  	_ =	swait.ge [sflag:s11], $0x2710  }
0x2bb: {  	[sflag:s11] =	ssyncset.done $0x0  }
0x2bc: {  	[sflag:s11] =	ssyncadd.s32 $0xFFFFD8F0  }
0x2bd: {  	[bflag:$0x0] =	sbarrier.arrive $0xFFFF  }
0x2be: {  	s9 =	sld [smem:$0x7E8]  }
0x2bf: {  	s10 =	sld [smem:$0x7E4];
	_ =	sdelay $0x1  }
0x2c0: {  	s5 =	rddreg [dreg:$0x1c]  }
0x2c1: {  	[hbm:s9], [sflag:s5] =	dma.local [spmem:s10], $0x2700  }
0x2c2: {  	_ =	swait.ge [sflag:s11], $0x2700  }
0x2c3: {  	s8 =	sld [smem:$0x7F9]  }
0x2c4: {  	s9 =	sld [smem:$0x7E5]  }
0x2c5: {  	[sflag:s11] =	ssyncset.done $0x0  }
0x2c6: {  	[sflag:s11] =	ssyncadd.s32 $0xFFFFD900  }
0x2c7: {  	[hbm:s8], [sflag:s5] =	dma.local @!p0 [spmem:s9], $0x100  }
0x2c8: {  	s8 =	simm.s32 @!p0 $0xB  }
0x2c9: {  	_ =	swait.ge @!p0 [sflag:s8], $0x100  }
0x2ca: {  	s10 =	sld [smem:$0x7FD];
	_ =	sdelay $0x2  }
0x2cb: {  	s9 =	sadd.s32 $0x1, s10;
	s10 =	sld [smem:$0x7FA];
	_ =	sdelay $0x2  }
0x2cc: {  	p1 =	sne.s32 s9, s10  }
.Ltmp1:
0x2cd: {  	_ = 	snop;
	(pc) =	sbr.rel @p1 .LBB2_1-.Ltmp1, $3  }
0x2ce: {  	_ =	sdelay $0x1  }
0x2cf: {  	[sflag:s8] =	ssyncset.done @!p0 $0x0  }
0x2d0: {  	[sflag:s8] =	ssyncadd.s32 @!p0 $0xFFFFFF00;
	[smem:$0x7FD] =	sst s9  }
0x2d1: {  	_ =	sfence.sel $0x180000  }
0x2d2: {  	[bflag:$0x0] =	sbarrier.arrive $0xFFFF  }
0x2d3: {  	_ =	strace $0x90000047  }
0x2d4: {  	s0 =	stileid.u32;
	[bflag:$0x2] =	sbarrier.arrive $0xFFFF  }
0x2d5: {  	p0 =	sne.s32 s0, $0x0;
	s0 =	rddreg [dreg:$0x2]  }
0x2d6: {  	s0 =	sadd.s32 @!p0 $0x100000, s0  }
0x2d7: {  	[sflag:s0] =	ssyncadd.tile.s32 @!p0 $0x1;
	_ =	shalt  }
.Lfunc_end2:
_tile_overlayer_lowered:
.L_overlay_start_2:
0x2d8: {  	(tag) =	ssettag $0x2  }
0x2d9: {  	s0 =	rddreg [dreg:$0x0];
	s2 =	stileid.u32  }
0x2da: {  	s1 =	rddreg [dreg:$0x1];
	p0 =	sne.s32 s2, $0x0  }
0x2db: {  	s3 =	rddreg [dreg:$0x2];
	[bflag:$0x3] =	sbarrier.arrive $0xFFFF;
	s2 =	simm.s32 @!p0 $0x1C0B  }
0x2dc: {  	[timem:s3], [sflag:s2] =	dma.local @!p0 [hbm:s0], s1  }
0x2dd: {  	s0 =	simm.s32 @!p0 $0xB  }
0x2de: {  	_ =	swait.ge @!p0 [sflag:s0], s1  }
0x2df: {  	s1 =	ssub.s32 @!p0 $0x0, s1;
	[sflag:s0] =	ssyncset.done @!p0 $0x0  }
0x2e0: {  	[sflag:s0] =	ssyncadd.s32 @!p0 s1  }
0x2e1: {  	[bflag:$0x3] =	sbarrier.arrive $0xFFFF  }
0x2e2: {  	_ =	shalt  }

// kernel: kernel.13.cloned.1.call-start
scs
__scs_entry_jumppad:
0x0: {  	(pc) =	sbr.rel $0x88, $3  }
0x1: {  	(tag) =	ssettag $0x0;
	lr =	simm.s32 $0x1  }
0x2: {  	[smem:$0x3F92] =	sst lr;
	_ =	strace $0xD0000000  }
0x3: {  	_ = 	snop  }
0x4: {  	_ = 	snop  }
0x5: {  	_ = 	snop  }
0x6: {  	_ = 	snop  }
0x7: {  	_ = 	snop  }
__scs_overlays_trampoline_lowered:
0x8: {  	[smem:$0x3FA1] =	sst s0  }
0x9: {  	[smem:$0x3FA2] =	sst s1  }
0xa: {  	[smem:$0x3FA3] =	sst s2  }
0xb: {  	[smem:$0x3FA4] =	sst s3  }
0xc: {  	[smem:$0x3FA5] =	sst s4  }
0xd: {  	[smem:$0x3FA6] =	sst s5  }
0xe: {  	[smem:$0x3FA7] =	sst s6  }
0xf: {  	[smem:$0x3FA8] =	sst s7  }
0x10: {  	[smem:$0x3FA9] =	sst s8  }
0x11: {  	[smem:$0x3FAA] =	sst s9;
	s0 =	simm.s32 @!p0 $0x0  }
0x12: {  	s1 =	sld [smem:$0x3F90];
	s0 =	simm.s32 @p0 $0x1  }
0x13: {  	[smem:$0x3FAB] =	sst s0;
	s0 =	simm.s32 @!p1 $0x0  }
0x14: {  	s2 =	sld [smem:$0x3F8F];
	s0 =	simm.s32 @p1 $0x1  }
0x15: {  	[smem:$0x3FAC] =	sst s0;
	s0 =	simm.s32 @!p2 $0x0  }
0x16: {  	s3 =	sld [smem:$0x3FDB];
	s0 =	simm.s32 @p2 $0x1  }
0x17: {  	s4 =	simm.s32 $0x1BF5;
	[smem:$0x3FAE] =	sst s0  }
0x18: {  	s0 =	sld [smem:$0x3F91];
	_ =	swait.ge [sflag:s4], $0x0  }
0x19: {  	s7 =	sld [smem:$0x3F92]  }
0x1a: {  	s8 =	sadd.s32 $0xFFFFE003, lr  }
0x1b: {  	s9 =	sadd.s32 $0xFFFFFEF7, lr;
	s5 =	simm.s32 $0xFFFFFFFF;
	p2 =	slt.u32 s8, $0xFFFFF086  }
0x1c: {  	p1 =	slt.u32 s9, $0xF7A;
	s5 =	simm.s32 @!p2 $0x0  }
0x1d: {  	s5 =	simm.s32 @p1 $0x1;
	p0 =	seq.s32 s7, s2  }
0x1e: {  	s7 =	smul.u32 @!p0 $0xF7A, s2;
	p2 =	seq.s32 @!p0 s5, $0x0  }
0x1f: {  	s9 =	smul.u32 $0xF7A, s1;
	s8 =	simm.s32 @!p0 $0x1BF5;
	p2 =	por !p2, p0  }
0x20: {  	[sflag:s8] =	ssyncset.s32 @!p0 $0xFFFFF086;
	s6 =	sadd.s32 @!p0 s3, s7;
	s7 =	simm.s32 @!p0 $0x108  }
0x21: {  	s3 =	sadd.s32 s3, s9;
	s6 =	sadd.s32 @!p0 $0x88, s6;
	s7 =	simm.s32 @p2 $0x1082  }
0x22: {  	[simem:s7], [sflag:s8] =	dma.local @!p0 [hbm:s6], $0xF7A  }
0x23: {  	s9 =	sor.u32 $0xD0000000, s2;
	s6 =	simm.s32 $0x108;
	_ =	swait.ge @!p0 [sflag:s8], $0x0  }
0x24: {  	s3 =	sadd.s32 $0x88, s3;
	s6 =	simm.s32 @!p1 $0x1082;
	[sflag:s4] =	ssyncset.s32 $0xFFFFF086  }
0x25: {  	[simem:s6], [sflag:s4] =	dma.local [hbm:s3], $0xF7A  }
0x26: {  	[smem:$0x3F92] =	sst s1;
	(tag) =	ssettag s2;
	_ =	strace s9  }
0x27: {  	s1 =	sld [smem:$0x3FA2]  }
0x28: {  	s2 =	sld [smem:$0x3FA3]  }
0x29: {  	s4 =	sld [smem:$0x3FA5]  }
0x2a: {  	p0 =	seq.s32 s5, $0x0;
	s5 =	sld [smem:$0x3FA6]  }
0x2b: {  	s6 =	sld [smem:$0x3FA7]  }
0x2c: {  	s7 =	sld [smem:$0x3FA8]  }
0x2d: {  	s3 =	simm.s32 $0x108;
	s8 =	sld [smem:$0x3FA9]  }
0x2e: {  	s3 =	simm.s32 @!p0 $0x1082;
	s9 =	sld [smem:$0x3FAA]  }
0x2f: {  	lr =	sadd.s32 s0, s3;
	s0 =	sld [smem:$0x3FA1]  }
0x30: {  	s3 =	sld [smem:$0x3FA4]  }
0x31: {  	[smem:$0x3FAD] =	sst s10  }
0x32: {  	s10 =	sld [smem:$0x3FAB];
	_ =	sdelay $0x3  }
0x33: {  	p0 =	seq.s32 s10, $0x1;
	s10 =	sld [smem:$0x3FAD];
	_ =	sdelay $0x3  }
0x34: {  	[smem:$0x3FAD] =	sst s10  }
0x35: {  	s10 =	sld [smem:$0x3FAC];
	_ =	sdelay $0x3  }
0x36: {  	p1 =	seq.s32 s10, $0x1;
	s10 =	sld [smem:$0x3FAD];
	_ =	sdelay $0x3  }
0x37: {  	[smem:$0x3FAD] =	sst s10  }
0x38: {  	s10 =	sld [smem:$0x3FAE]  }
0x39: {  	_ = 	snop;
	(pc) =	sbr.ind lr, $3  }
0x3a: {  	_ = 	snop  }
0x3b: {  	_ = 	snop  }
0x3c: {  	p2 =	seq.s32 s10, $0x1;
	s10 =	sld [smem:$0x3FAD]  }
0x3d: {  	_ =	shalt  }
0x3e: {  	_ =	shalt  }
0x3f: {  	_ =	shalt  }
0x40: {  	_ =	shalt  }
0x41: {  	_ =	shalt  }
0x42: {  	_ =	shalt  }
0x43: {  	_ =	shalt  }
0x44: {  	_ =	shalt  }
0x45: {  	_ =	shalt  }
0x46: {  	_ =	shalt  }
0x47: {  	_ =	shalt  }
0x48: {  	_ =	shalt  }
0x49: {  	_ =	shalt  }
0x4a: {  	_ =	shalt  }
0x4b: {  	_ =	shalt  }
0x4c: {  	_ =	shalt  }
0x4d: {  	_ =	shalt  }
0x4e: {  	_ =	shalt  }
0x4f: {  	_ =	shalt  }
0x50: {  	_ =	shalt  }
0x51: {  	_ =	shalt  }
0x52: {  	_ =	shalt  }
0x53: {  	_ =	shalt  }
0x54: {  	_ =	shalt  }
0x55: {  	_ =	shalt  }
0x56: {  	_ =	shalt  }
0x57: {  	_ =	shalt  }
0x58: {  	_ =	shalt  }
0x59: {  	_ =	shalt  }
0x5a: {  	_ =	shalt  }
0x5b: {  	_ =	shalt  }
0x5c: {  	_ =	shalt  }
0x5d: {  	_ =	shalt  }
0x5e: {  	_ =	shalt  }
0x5f: {  	_ =	shalt  }
0x60: {  	_ =	shalt  }
0x61: {  	_ =	shalt  }
0x62: {  	_ =	shalt  }
0x63: {  	_ =	shalt  }
0x64: {  	_ =	shalt  }
0x65: {  	_ =	shalt  }
0x66: {  	_ =	shalt  }
0x67: {  	_ =	shalt  }
0x68: {  	_ =	shalt  }
0x69: {  	_ =	shalt  }
0x6a: {  	_ =	shalt  }
0x6b: {  	_ =	shalt  }
0x6c: {  	_ =	shalt  }
0x6d: {  	_ =	shalt  }
0x6e: {  	_ =	shalt  }
0x6f: {  	_ =	shalt  }
0x70: {  	_ =	shalt  }
0x71: {  	_ =	shalt  }
0x72: {  	_ =	shalt  }
0x73: {  	_ =	shalt  }
0x74: {  	_ =	shalt  }
0x75: {  	_ =	shalt  }
0x76: {  	_ =	shalt  }
0x77: {  	_ =	shalt  }
0x78: {  	_ =	shalt  }
0x79: {  	_ =	shalt  }
0x7a: {  	_ =	shalt  }
0x7b: {  	_ =	shalt  }
0x7c: {  	_ =	shalt  }
0x7d: {  	_ =	shalt  }
0x7e: {  	_ =	shalt  }
0x7f: {  	_ =	shalt  }
0x80: {  	_ =	shalt  }
0x81: {  	_ =	shalt  }
0x82: {  	_ =	shalt  }
0x83: {  	_ =	shalt  }
0x84: {  	_ =	shalt  }
0x85: {  	_ =	shalt  }
0x86: {  	_ =	shalt  }
0x87: {  	_ =	shalt  }
.Lfunc_end0:
.L_simem_size_0:
called_computation.1_lowered:
.L_overlay_start_0:
0x88: {  	s2 =	sld [smem:$0x3FD9]  }
0x89: {  	s3 =	sld [smem:$0x3FFE];
	_ =	sdelay $0x1  }
0x8a: {  	s1 =	srdreg.scid  }
0x8b: {  	s0 =	sand.u32 $0x1, s1  }
0x8c: {  	s16 =	sshll.u32 s0, $0xA;
	s2 =	sadd.s32 s3, s2  }
0x8d: {  	s2 =	sadd.s32 s2, s16  }
0x8e: {  	[smem:$0x3FB9] =	sst s2  }
0x8f: {  	_ = 	snop  }
0x90: {  	(tm) =	ssettm $0x1  }
0x91: {  	s17 =	sld [smem:$0x3FFB];
	_ =	sdelay $0x3  }
0x92: {  	_ =	strace s17  }
0x93: {  	s2 =	sld [smem:$0x3FFC];
	_ =	sdelay $0x3  }
0x94: {  	_ =	strace s2  }
0x95: {  	s2 =	sld [smem:$0x3FFD];
	_ =	sdelay $0x3  }
0x96: {  	_ =	strace s2  }
0x97: {  	_ =	strace $0x8FFFFFFF  }
0x98: {  	s18 =	sld [smem:$0x3FDB];
	_ =	sdelay $0x1  }
0x99: {  	s19 =	simm.s32 $_scs_section_size  }
0x9a: {  	s4 =	simm.s32 $_size__tile_overlayer_lowered;
	s5 =	simm.s32 $_tile_overlayer_lowered  }
0x9b: {  	s22 =	simm.s32 $0x1BFF;
	s21 =	sshll.u32 s5, $0x1;
	s2 =	sadd.s32 s19, s18  }
0x9c: {  	s6 =	simm.s32 $0x0;
	s20 =	sshll.u32 s4, $0x1;
	s4 =	sadd.s32 s21, s2  }
0x9d: {  	[timem:s6], [sflag:s22] =	dma.local [hbm:s4], s20  }
0x9e: {  	_ =	swait.ge [sflag:s22], s20  }
0x9f: {  	s3 =	ssub.s32 $0x0, s20;
	[sflag:s22] =	ssyncset.done $0x0  }
0xa0: {  	[sflag:s22] =	ssyncadd.s32 s3;
	_ =	sdelay $0x1  }
0xa1: {  	s23 =	simm.s32 $0x1B8B  }
0xa2: {  	_ =	swait.ge [sflag:s23], $0x1  }
0xa3: {  	[sflag:s23] =	ssyncset.done $0x0  }
0xa4: {  	s25 =	simm.s32 $0x1B8E;
	s24 =	sld [smem:$0x3FFE];
	[sflag:s23] =	ssyncadd.s32 $0xFFFFFFFF  }
0xa5: {  	s26 =	simm.s32 $execute0_lowered;
	[smem:$0x3FD2] =	sst s25  }
0xa6: {  	s4 =	sshll.u32 s26, $0x1;
	_ =	strace $0x80000049;
	[dreg:$0x1] =	wrdreg $0xFFFFFFFF  }
0xa7: {  	s28 =	simm.s32 $_size_execute0_lowered;
	s2 =	sadd.s32 s2, s4;
	[dreg:$0x0] =	wrdreg $0x0  }
0xa8: {  	s4 =	sshll.u32 s28, $0x1;
	[dreg:$0x2] =	wrdreg s2  }
0xa9: {  	[dreg:$0x3] =	wrdreg s4  }
0xaa: {  	[dreg:$0x4] =	wrdreg $0xC0  }
0xab: {  	_ =	task [dreg:s6], $0x5FFFF  }
0xac: {  	[dreg:$0x1] =	wrdreg $0xFFFFFFFF  }
0xad: {  	[dreg:$0x0] =	wrdreg $0x60  }
0xae: {  	[dreg:$0x2] =	wrdreg s24  }
0xaf: {  	[dreg:$0x3] =	wrdreg $0x9D000  }
0xb0: {  	[dreg:$0x4] =	wrdreg $0x9  }
0xb1: {  	_ =	task.clear_ibuf [dreg:s6], $0x5FFFF;
	_ =	strace $0x90000049  }
0xb2: {  	s29 =	simm.s32 $0x9;
	_ =	strace $0x8000004B  }
0xb3: {  	_ =	swait.ge [sflag:s29], $0x1  }
0xb4: {  	[sflag:s29] =	ssyncadd.s32 $0xFFFFFFFF  }
0xb5: {  	_ =	strace $0x9000004B  }
0xb6: {  	_ =	sfence  }
0xb7: {  	s30 =	sld [smem:$0x0];
	_ =	sdelay $0x2  }
0xb8: {  	s31 =	sshll.u32 s1, $0xD;
	s1 =	sshrl.u32 s1, $0x2  }
0xb9: {  	s3 =	sand.u32 $0x4000, s31;
	s1 =	sadd.s32 s1, s30  }
0xba: {  	s0 =	sor.u32 s3, s0;
	s1 =	sshll.u32 s1, $0x11  }
0xbb: {  	s0 =	sor.u32 s1, s0  }
0xbc: {  	s0 =	sadd.s32 $0x8F2B, s0  }
0xbd: {  	[sflag:s0] =	ssyncadd.remote.s32 $0x1  }
0xbe: {  	_ =	sfence.sel $0xFFFF  }
0xbf: {  	[dreg:$0x0] =	wrdreg $0xFFFFFFFF;
	(pc) =	sbr.abs _section_cstart, $3  }
0xc0: {  	[dreg:$0x1] =	wrdreg $0xFFFFFFFF  }
0xc1: {  	_ =	task.clear_ibuf [dreg:s6], $0x2FFFF;
	_ =	strace $0x9FFFFFFF  }
0xc2: {  	(tm) =	ssettm $0x7FFFFFFF  }
0xc3: {  	_ =	shalt  }
tec
execute0_lowered:
.L_overlay_start_1:
0x0: {  	(tag) =	ssettag $0x1  }
0x1: {  	s8 =	rddreg [dreg:$0x0]  }
0x2: {  	s2 =	rddreg [dreg:$0x1];
	s3 =	simm.s32 $0x0  }
0x3: {  	s15 =	stileid.u32;
	s7 =	srdreg.scid;
	s28 =	simm.s32 $0xA  }
0x4: {  	s29 =	simm.s32 $0x3;
	s30 =	simm.s32 $0x5;
	s31 =	simm.s32 $0x6  }
0x5: {  	[smem:$0x7FF] =	sst s3;
	s1 =	smul.u32 $0x13800, s15;
	s4 =	sadd.s32 $0x17200, s8  }
0x6: {  	s5 =	sadd.s32 $0xD400, s8;
	s6 =	sadd.s32 $0x3600, s8;
	s9 =	smul.u32 $0x4E000, s15  }
0x7: {  	s10 =	sand.u32 $0x1, s7;
	s20 =	sshll.u32 s15, $0x1;
	s23 =	smul.u32 $0x4E20, s15  }
0x8: {  	s24 =	sshll.u32 s15, $0x6;
	p0 =	sne.s32 s15, $0xF;
	s15 =	simm.s32 $0x7  }
0x9: {  	_ =	strace $0x8000004A;
	s21 =	ssub.s32 $0x2, s10;
	s14 =	smul.u32 $0x2710, s10  }
0xa: {  	s7 =	sor.u32 s10, s20;
	s16 =	sor.u32 $0x1C0B, s24;
	s10 =	smul.u32 $0x138800, s10  }
0xb: {  	s0 =	sshrl.u32 s1, $0x3;
	s12 =	sshrl.u32 s21, $0x1;
	s13 =	sshrl.u32 s9, $0x2  }
0xc: {  	s7 =	smul.u32 $0x2710, s7;
	s9 =	sadd.s32 $0x65600, s8;
	s11 =	sadd.s32 s0, s8  }
0xd: {  	s0 =	ssub.s32 s21, s12;
	s22 =	sadd.s32 s13, s2;
	s8 =	sadd.s32 $0x65400, s8  }
0xe: {  	s1 =	sadd.s32 s1, s10;
	[dreg:$0x19] =	wrdreg s22;
	s11 =	sadd.s32 $0x3E400, s11  }
0xf: {  	s7 =	sshrl.u32 s7, $0x3;
	[dreg:$0x1c] =	wrdreg s8;
	s8 =	sadd.s32 s14, s23  }
0x10: {  	s1 =	sshrl.u32 s1, $0x3;
	s0 =	smax.u32 s0, $0x1;
	[dreg:$0x1a] =	wrdreg s11  }
0x11: {  	s25 =	sadd.s32 $0xC, s7;
	s1 =	sadd.s32 s9, s1;
	[smem:$0x7FB] =	sst s0  }
0x12: {  	s13 =	sadd.s32 $0x18, s7;
	s26 =	sadd.s32 s5, s25;
	[smem:$0x7EF] =	sst s1  }
0x13: {  	s11 =	sadd.s32 $0x24, s7;
	s12 =	sadd.s32 s6, s25;
	[dreg:$0x1d] =	wrdreg s26  }
0x14: {  	s17 =	sadd.s32 $0x6C0, s8;
	s14 =	sadd.s32 s5, s13;
	[dreg:$0x1e] =	wrdreg s12  }
0x15: {  	s22 =	sadd.s32 $0x600, s8;
	s18 =	sadd.s32 s5, s11;
	[dreg:$0x1f] =	wrdreg s14  }
0x16: {  	s19 =	sshrl.u32 s17, $0x3;
	s11 =	sadd.s32 s6, s11;
	[smem:$0x7EB] =	sst s18  }
0x17: {  	s24 =	sshrl.u32 s22, $0x3;
	s12 =	sadd.s32 s6, s13;
	[smem:$0x7EC] =	sst s11  }
0x18: {  	s22 =	sadd.s32 $0x4E0, s8;
	s13 =	sadd.s32 s19, s6;
	[smem:$0x7EA] =	sst s12  }
0x19: {  	s14 =	sadd.s32 $0x660, s8;
	s25 =	sadd.s32 s24, s6;
	[dreg:$0x3] =	wrdreg s13  }
0x1a: {  	s26 =	sadd.s32 $0x5A0, s8;
	s12 =	sadd.s32 s19, s5;
	[dreg:$0x7] =	wrdreg s25  }
0x1b: {  	s20 =	sshrl.u32 s14, $0x3;
	s13 =	sadd.s32 s24, s5;
	[dreg:$0x4] =	wrdreg s12  }
0x1c: {  	s18 =	sadd.s32 $0x540, s8;
	s21 =	sadd.s32 s20, s6;
	[dreg:$0x8] =	wrdreg s13  }
0x1d: {  	s14 =	sshrl.u32 s26, $0x3;
	s23 =	sadd.s32 s20, s5;
	[dreg:$0x5] =	wrdreg s21  }
0x1e: {  	s11 =	simm.s32 $0x80;
	s17 =	sadd.s32 s14, s6;
	[dreg:$0x6] =	wrdreg s23  }
0x1f: {  	s24 =	sshrl.u32 s22, $0x3;
	s19 =	sadd.s32 s14, s5;
	[dreg:$0x9] =	wrdreg s17  }
0x20: {  	s26 =	sadd.s32 $0x420, s8;
	s25 =	sadd.s32 s24, s6;
	[dreg:$0xa] =	wrdreg s19  }
0x21: {  	s20 =	sshrl.u32 s18, $0x3;
	s13 =	sadd.s32 s24, s5;
	[dreg:$0xd] =	wrdreg s25  }
0x22: {  	s22 =	sadd.s32 $0x360, s8;
	s21 =	sadd.s32 s20, s6;
	[dreg:$0xe] =	wrdreg s13  }
0x23: {  	s14 =	sshrl.u32 s26, $0x3;
	s23 =	sadd.s32 s20, s5;
	[dreg:$0xb] =	wrdreg s21  }
0x24: {  	s18 =	sadd.s32 $0x3C0, s8;
	s17 =	sadd.s32 s14, s6;
	[dreg:$0xc] =	wrdreg s23  }
0x25: {  	s24 =	sshrl.u32 s22, $0x3;
	s19 =	sadd.s32 s14, s5;
	[dreg:$0xf] =	wrdreg s17  }
0x26: {  	s20 =	sshrl.u32 s18, $0x3;
	s25 =	sadd.s32 s24, s6;
	[dreg:$0x10] =	wrdreg s19  }
0x27: {  	s26 =	sadd.s32 $0x300, s8;
	s21 =	sadd.s32 s20, s6;
	[dreg:$0x13] =	wrdreg s25  }
0x28: {  	s12 =	sshrl.u32 s10, $0x3;
	s23 =	sadd.s32 s20, s5;
	[dreg:$0x11] =	wrdreg s21  }
0x29: {  	s18 =	sshrl.u32 s26, $0x3;
	s17 =	sadd.s32 s24, s5;
	[dreg:$0x12] =	wrdreg s23  }
0x2a: {  	s14 =	sadd.s32 $0x3C, s7;
	s19 =	sadd.s32 s18, s6;
	[dreg:$0x14] =	wrdreg s17  }
0x2b: {  	s1 =	sadd.s32 s9, s12;
	s9 =	sadd.s32 s6, s14;
	[dreg:$0x15] =	wrdreg s19  }
0x2c: {  	s10 =	simm.s32 $0x200;
	s1 =	sadd.s32 $0x27000, s1;
	[smem:$0x7F1] =	sst s9  }
0x2d: {  	s24 =	sadd.s32 $0x30, s7;
	s21 =	sadd.s32 s18, s5;
	[smem:$0x7FA] =	sst s1  }
0x2e: {  	s12 =	simm.s32 $0x280;
	s25 =	sadd.s32 s5, s24;
	[dreg:$0x16] =	wrdreg s21  }
0x2f: {  	s20 =	sadd.s32 $0x2A0, s8;
	s26 =	sadd.s32 s6, s24;
	[smem:$0x7ED] =	sst s25  }
0x30: {  	s22 =	sshrl.u32 s20, $0x3;
	s17 =	sadd.s32 s5, s14;
	[smem:$0x7EE] =	sst s26  }
0x31: {  	s18 =	sadd.s32 $0x48, s7;
	s20 =	sadd.s32 s5, s7;
	[smem:$0x7F0] =	sst s17  }
0x32: {  	s1 =	smov.u32 s16;
	s14 =	simm.s32 $0x300;
	[smem:$0x7F4] =	sst s20  }
0x33: {  	s16 =	simm.s32 $0x60;
	s23 =	sadd.s32 s22, s6;
	[dreg:$0x1b] =	wrdreg s1  }
0x34: {  	s13 =	sadd.s32 s22, s5;
	s19 =	sadd.s32 s5, s18;
	[dreg:$0x17] =	wrdreg s23  }
0x35: {  	s9 =	sadd.s32 s6, s18;
	s21 =	sadd.s32 s6, s7;
	[dreg:$0x18] =	wrdreg s13  }
0x36: {  	s22 =	sadd.s32 $0x4D4, s7;
	s7 =	sadd.s32 $0x4E0, s7;
	[smem:$0x7F2] =	sst s19  }
0x37: {  	s25 =	sadd.s32 $0x480, s8;
	s26 =	sadd.s32 $0x138000, s2;
	[smem:$0x7F3] =	sst s9  }
0x38: {  	s8 =	simm.s32 $0xB;
	s17 =	simm.s32 $0x400;
	[smem:$0x7F5] =	sst s21  }
0x39: {  	s18 =	simm.s32 $0x8;
	s20 =	simm.s32 $0x1;
	[smem:$0x7FC] =	sst s25  }
0x3a: {  	s23 =	sadd.s32 s5, s22;
	s9 =	sadd.s32 s6, s22;
	[smem:$0x7FD] =	sst s26  }
0x3b: {  	s24 =	sadd.s32 s5, s7;
	s7 =	sadd.s32 s6, s7;
	[smem:$0x7F6] =	sst s23  }
0x3c: {  	s13 =	simm.s32 $0x100;
	s19 =	simm.s32 $0x3400;
	[smem:$0x7F7] =	sst s9  }
0x3d: {  	s21 =	simm.s32 $0x180;
	s22 =	simm.s32 $0x380;
	[smem:$0x7F8] =	sst s24  }
0x3e: {  	s25 =	simm.s32 $0x2;
	s26 =	simm.s32 $0x4;
	[smem:$0x7F9] =	sst s7  }
0x3f: {  	s23 =	simm.s32 $0x9;
	s24 =	simm.s32 $0x6400;
	s9 =	simm.s32 $0x0  }
.LBB2_1:
0x40: {  	[smem:$0x7E7] =	sst s9  }
0x41: {  	s0 =	rddreg [dreg:$0x19]  }
0x42: {  	s9 =	rddreg [dreg:$0x1a];
	s7 =	sshrl.u32 s0, $0x3  }
0x43: {  	[smem:$0x7E8] =	sst s7  }
0x44: {  	[spmem:s7], [sflag:s1] =	dma.local [hbm:s9], $0x2700  }
0x45: {  	_ =	swait.ge [sflag:s8], $0x2700  }
0x46: {  	s0 =	sld [smem:$0x7FD];
	_ =	sdelay $0x2  }
0x47: {  	[sflag:s8] =	ssyncset.done $0x0;
	s7 =	sshrl.u32 @!p0 s0, $0x3;
	s0 =	rddreg [dreg:$0x1c]  }
0x48: {  	[sflag:s8] =	ssyncadd.s32 $0xFFFFD900;
	[smem:$0x7E9] =	sst s7  }
0x49: {  	[spmem:s7], [sflag:s1] =	dma.local @!p0 [hbm:s0], $0x100  }
0x4a: {  	s1 =	simm.s32 @!p0 $0xB  }
0x4b: {  	_ =	swait.ge @!p0 [sflag:s1], $0x100  }
0x4c: {  	[sflag:s1] =	ssyncset.done @!p0 $0x0  }
0x4d: {  	[sflag:s1] =	ssyncadd.s32 @!p0 $0xFFFFFF00  }
0x4e: {  	[bflag:$0x0] =	sbarrier.arrive $0xFFFF  }
0x4f: {  	s7 =	sld [smem:$0x7F4];
	_ =	sdelay $0x1  }
0x50: {  	s8 =	sld [smem:$0x7F5]  }
0x51: {  	[tilespmem:s3], [sflag:$0x7] =	stream.linear.gather [hbm4b:s7+s3], $0x60, $0x38;
	[tilespmem:$0x1D580] =	vst v63  }
0x52: {  	s9 =	rddreg [dreg:$0x1d]  }
0x53: {  	[tilespmem:s10], [sflag:$0x7] =	stream.linear.gather [hbm4b:s8+s3], $0x60, $0x38;
	[tilespmem:$0x1D580] =	vst v63  }
0x54: {  	s1 =	rddreg [dreg:$0x1e]  }
0x55: {  	[tilespmem:s11], [sflag:$0x8] =	stream.linear.gather [hbm4b:s9+s3], $0x60, $0x38;
	[tilespmem:$0x1D580] =	vst v63  }
0x56: {  	s7 =	rddreg [dreg:$0x1f]  }
0x57: {  	[tilespmem:s12], [sflag:$0x8] =	stream.linear.gather [hbm4b:s1+s3], $0x60, $0x38;
	[tilespmem:$0x1D580] =	vst v63  }
0x58: {  	s8 =	sld [smem:$0x7EA]  }
0x59: {  	[tilespmem:s13], [sflag:$0x9] =	stream.linear.gather [hbm4b:s7+s3], $0x60, $0x38;
	[tilespmem:$0x1D580] =	vst v63  }
0x5a: {  	_ = 	snop  }
0x5b: {  	[tilespmem:s14], [sflag:$0x9] =	stream.linear.gather [hbm4b:s8+s3], $0x60, $0x38;
	[tilespmem:$0x1D580] =	vst v63  }
0x5c: {  	_ =	swait.ge [sflag:s15], $0x60  }
0x5d: {  	[sflag:s15] =	ssyncset.done $0x0  }
0x5e: {  	[sflag:s15] =	ssyncadd.s32 $0xFFFFFFA0  }
0x5f: {  	_ =	swait.ge [sflag:s15], $0x60  }
0x60: {  	[sflag:s15] =	ssyncset.done $0x0  }
0x61: {  	[sflag:s15] =	ssyncadd.s32 $0xFFFFFFA0  }
0x62: {  	[tilespmem:s17], [sflag:$0x1] =	stream.indirect.gather [hbm4b:s4+s16], $0x80, s3, s16, $0xb8;
	[tilespmem:$0x1D580] =	vst v63  }
0x63: {  	_ =	swait.ge [sflag:s18], $0x60  }
0x64: {  	[sflag:s18] =	ssyncset.done $0x0  }
0x65: {  	[sflag:s18] =	ssyncadd.s32 $0xFFFFFFA0  }
0x66: {  	_ =	swait.ge [sflag:s18], $0x60  }
0x67: {  	[sflag:s18] =	ssyncset.done $0x0  }
0x68: {  	[sflag:s18] =	ssyncadd.s32 $0xFFFFFFA0  }
0x69: {  	[tilespmem:s19], [sflag:$0x2] =	stream.indirect.gather [hbm4b:s4+s16], $0x80, s11, s16, $0xb8;
	[tilespmem:$0x1D580] =	vst v63  }
0x6a: {  	_ =	swait.ge [sflag:s20], $0x3000  }
0x6b: {  	[sflag:s20] =	ssyncset.done $0x0  }
0x6c: {  	s9 =	sld [smem:$0x7EB];
	[sflag:s20] =	ssyncadd.s32 $0xFFFFD000  }
0x6d: {  	[spmem:s2] =	stream.indirect.scatter.add.f32 [tilespmem:s17], [sflag:$0x4], $0x80, s10, s16, $0xb8;
	[tilespmem:$0x1D580] =	vst v63  }
0x6e: {  	s1 =	sld [smem:$0x7EC]  }
0x6f: {  	[tilespmem:s21], [sflag:$0xA] =	stream.linear.gather [hbm4b:s9+s3], $0x60, $0x38;
	[tilespmem:$0x1D580] =	vst v63  }
0x70: {  	_ = 	snop  }
0x71: {  	[tilespmem:s22], [sflag:$0xA] =	stream.linear.gather [hbm4b:s1+s3], $0x60, $0x38;
	[tilespmem:$0x1D580] =	vst v63  }
0x72: {  	_ =	swait.ge [sflag:s23], $0x60  }
0x73: {  	[sflag:s23] =	ssyncset.done $0x0  }
0x74: {  	[sflag:s23] =	ssyncadd.s32 $0xFFFFFFA0  }
0x75: {  	_ =	swait.ge [sflag:s23], $0x60  }
0x76: {  	[sflag:s23] =	ssyncset.done $0x0  }
0x77: {  	[sflag:s23] =	ssyncadd.s32 $0xFFFFFFA0  }
0x78: {  	[tilespmem:s24], [sflag:$0x3] =	stream.indirect.gather [hbm4b:s4+s16], $0x80, s13, s16, $0xb8;
	[tilespmem:$0x1D580] =	vst v63  }
0x79: {  	_ =	swait.ge [sflag:s25], $0x3000  }
0x7a: {  	[sflag:s25] =	ssyncset.done $0x0  }
0x7b: {  	[sflag:s25] =	ssyncadd.s32 $0xFFFFD000  }
0x7c: {  	[spmem:s2] =	stream.indirect.scatter.add.f32 [tilespmem:s19], [sflag:$0x5], $0x80, s12, s16, $0xb8;
	[tilespmem:$0x1D580] =	vst v63  }
0x7d: {  	_ =	swait.ge [sflag:s26], $0x3000  }
0x7e: {  	s7 =	sld [smem:$0x7ED]  }
0x7f: {  	[sflag:s26] =	ssyncset.done $0x0  }
0x80: {  	s8 =	sld [smem:$0x7EE];
	[sflag:s26] =	ssyncadd.s32 $0xFFFFD000  }
0x81: {  	[tilespmem:s3], [sflag:$0x7] =	stream.linear.gather [hbm4b:s7+s3], $0x60, $0x38;
	[tilespmem:$0x1D580] =	vst v63  }
0x82: {  	_ = 	snop  }
0x83: {  	[tilespmem:s10], [sflag:$0x7] =	stream.linear.gather [hbm4b:s8+s3], $0x60, $0x38;
	[tilespmem:$0x1D580] =	vst v63  }
0x84: {  	_ =	swait.ge [sflag:s28], $0x60  }
0x85: {  	[sflag:s28] =	ssyncset.done $0x0  }
0x86: {  	[sflag:s28] =	ssyncadd.s32 $0xFFFFFFA0  }
0x87: {  	_ =	swait.ge [sflag:s28], $0x60  }
0x88: {  	[sflag:s28] =	ssyncset.done $0x0  }
0x89: {  	[sflag:s28] =	ssyncadd.s32 $0xFFFFFFA0  }
0x8a: {  	[tilespmem:s17], [sflag:$0x1] =	stream.indirect.gather [hbm4b:s4+s16], $0x80, s21, s16, $0xb8;
	[tilespmem:$0x1D580] =	vst v63  }
0x8b: {  	_ =	swait.ge [sflag:s29], $0x3000  }
0x8c: {  	[sflag:s29] =	ssyncset.done $0x0  }
0x8d: {  	[sflag:s29] =	ssyncadd.s32 $0xFFFFD000  }
0x8e: {  	[spmem:s2] =	stream.indirect.scatter.add.f32 [tilespmem:s24], [sflag:$0x6], $0x80, s14, s16, $0xb8;
	[tilespmem:$0x1D580] =	vst v63  }
0x8f: {  	_ =	swait.ge [sflag:s30], $0x3000  }
0x90: {  	s9 =	sld [smem:$0x7F0]  }
0x91: {  	[sflag:s30] =	ssyncset.done $0x0  }
0x92: {  	s1 =	sld [smem:$0x7F1];
	[sflag:s30] =	ssyncadd.s32 $0xFFFFD000  }
0x93: {  	[tilespmem:s11], [sflag:$0x8] =	stream.linear.gather [hbm4b:s9+s3], $0x60, $0x38;
	[tilespmem:$0x1D580] =	vst v63  }
0x94: {  	_ = 	snop  }
0x95: {  	[tilespmem:s12], [sflag:$0x8] =	stream.linear.gather [hbm4b:s1+s3], $0x60, $0x38;
	[tilespmem:$0x1D580] =	vst v63  }
0x96: {  	_ =	swait.ge [sflag:s15], $0x60  }
0x97: {  	[sflag:s15] =	ssyncset.done $0x0  }
0x98: {  	[sflag:s15] =	ssyncadd.s32 $0xFFFFFFA0  }
0x99: {  	_ =	swait.ge [sflag:s15], $0x60  }
0x9a: {  	[sflag:s15] =	ssyncset.done $0x0  }
0x9b: {  	[sflag:s15] =	ssyncadd.s32 $0xFFFFFFA0  }
0x9c: {  	[tilespmem:s19], [sflag:$0x2] =	stream.indirect.gather [hbm4b:s4+s16], $0x80, s3, s16, $0xb8;
	[tilespmem:$0x1D580] =	vst v63  }
0x9d: {  	_ =	swait.ge [sflag:s20], $0x3000  }
0x9e: {  	[sflag:s20] =	ssyncset.done $0x0  }
0x9f: {  	[sflag:s20] =	ssyncadd.s32 $0xFFFFD000  }
0xa0: {  	[spmem:s2] =	stream.indirect.scatter.add.f32 [tilespmem:s17], [sflag:$0x4], $0x80, s22, s16, $0xb8;
	[tilespmem:$0x1D580] =	vst v63  }
0xa1: {  	_ =	swait.ge [sflag:s31], $0x3000  }
0xa2: {  	s7 =	sld [smem:$0x7F2]  }
0xa3: {  	[sflag:s31] =	ssyncset.done $0x0  }
0xa4: {  	s8 =	sld [smem:$0x7F3];
	[sflag:s31] =	ssyncadd.s32 $0xFFFFD000  }
0xa5: {  	[tilespmem:s13], [sflag:$0x9] =	stream.linear.gather [hbm4b:s7+s3], $0x60, $0x38;
	[tilespmem:$0x1D580] =	vst v63  }
0xa6: {  	_ = 	snop  }
0xa7: {  	[tilespmem:s14], [sflag:$0x9] =	stream.linear.gather [hbm4b:s8+s3], $0x60, $0x38;
	[tilespmem:$0x1D580] =	vst v63  }
0xa8: {  	_ =	swait.ge [sflag:s18], $0x60  }
0xa9: {  	[sflag:s18] =	ssyncset.done $0x0  }
0xaa: {  	[sflag:s18] =	ssyncadd.s32 $0xFFFFFFA0  }
0xab: {  	_ =	swait.ge [sflag:s18], $0x60  }
0xac: {  	[sflag:s18] =	ssyncset.done $0x0  }
0xad: {  	[sflag:s18] =	ssyncadd.s32 $0xFFFFFFA0  }
0xae: {  	[tilespmem:s24], [sflag:$0x3] =	stream.indirect.gather [hbm4b:s4+s16], $0x80, s11, s16, $0xb8;
	[tilespmem:$0x1D580] =	vst v63  }
0xaf: {  	_ =	swait.ge [sflag:s25], $0x3000  }
0xb0: {  	[sflag:s25] =	ssyncset.done $0x0  }
0xb1: {  	[sflag:s25] =	ssyncadd.s32 $0xFFFFD000  }
0xb2: {  	[spmem:s2] =	stream.indirect.scatter.add.f32 [tilespmem:s19], [sflag:$0x5], $0x80, s10, s16, $0xb8;
	[tilespmem:$0x1D580] =	vst v63  }
0xb3: {  	_ =	swait.ge [sflag:s26], $0x3000  }
0xb4: {  	s9 =	rddreg [dreg:$0x18];
	[sflag:s26] =	ssyncset.done $0x0  }
0xb5: {  	s0 =	rddreg [dreg:$0x17];
	[sflag:s26] =	ssyncadd.s32 $0xFFFFD000;
	s1 =	sadd.s32 $0x0, s9  }
0xb6: {  	[tilespmem:s21], [sflag:$0xA] =	stream.linear.gather [hbm4b:s1+s3], $0x60, $0x38;
	[tilespmem:$0x1D580] =	vst v63  }
0xb7: {  	s8 =	sadd.s32 $0x0, s0  }
0xb8: {  	[tilespmem:s22], [sflag:$0xA] =	stream.linear.gather [hbm4b:s8+s3], $0x60, $0x38;
	[tilespmem:$0x1D580] =	vst v63  }
0xb9: {  	_ =	swait.ge [sflag:s23], $0x60  }
0xba: {  	[sflag:s23] =	ssyncset.done $0x0  }
0xbb: {  	[sflag:s23] =	ssyncadd.s32 $0xFFFFFFA0  }
0xbc: {  	_ =	swait.ge [sflag:s23], $0x60  }
0xbd: {  	[sflag:s23] =	ssyncset.done $0x0  }
0xbe: {  	[sflag:s23] =	ssyncadd.s32 $0xFFFFFFA0  }
0xbf: {  	[tilespmem:s17], [sflag:$0x1] =	stream.indirect.gather [hbm4b:s4+s16], $0x80, s13, s16, $0xb8;
	[tilespmem:$0x1D580] =	vst v63  }
0xc0: {  	_ =	swait.ge [sflag:s29], $0x3000  }
0xc1: {  	[sflag:s29] =	ssyncset.done $0x0  }
0xc2: {  	[sflag:s29] =	ssyncadd.s32 $0xFFFFD000  }
0xc3: {  	[spmem:s2] =	stream.indirect.scatter.add.f32 [tilespmem:s24], [sflag:$0x6], $0x80, s12, s16, $0xb8;
	[tilespmem:$0x1D580] =	vst v63  }
0xc4: {  	_ =	swait.ge [sflag:s30], $0x3000  }
0xc5: {  	s9 =	rddreg [dreg:$0x16];
	[sflag:s30] =	ssyncset.done $0x0  }
0xc6: {  	s0 =	rddreg [dreg:$0x15];
	[sflag:s30] =	ssyncadd.s32 $0xFFFFD000;
	s1 =	sadd.s32 $0x0, s9  }
0xc7: {  	[tilespmem:s3], [sflag:$0x7] =	stream.linear.gather [hbm4b:s1+s3], $0x60, $0x38;
	[tilespmem:$0x1D580] =	vst v63  }
0xc8: {  	s8 =	sadd.s32 $0x0, s0  }
0xc9: {  	[tilespmem:s10], [sflag:$0x7] =	stream.linear.gather [hbm4b:s8+s3], $0x60, $0x38;
	[tilespmem:$0x1D580] =	vst v63  }
0xca: {  	_ =	swait.ge [sflag:s28], $0x60  }
0xcb: {  	[sflag:s28] =	ssyncset.done $0x0  }
0xcc: {  	[sflag:s28] =	ssyncadd.s32 $0xFFFFFFA0  }
0xcd: {  	_ =	swait.ge [sflag:s28], $0x60  }
0xce: {  	[sflag:s28] =	ssyncset.done $0x0  }
0xcf: {  	[sflag:s28] =	ssyncadd.s32 $0xFFFFFFA0  }
0xd0: {  	[tilespmem:s19], [sflag:$0x2] =	stream.indirect.gather [hbm4b:s4+s16], $0x80, s21, s16, $0xb8;
	[tilespmem:$0x1D580] =	vst v63  }
0xd1: {  	_ =	swait.ge [sflag:s20], $0x3000  }
0xd2: {  	[sflag:s20] =	ssyncset.done $0x0  }
0xd3: {  	[sflag:s20] =	ssyncadd.s32 $0xFFFFD000  }
0xd4: {  	[spmem:s2] =	stream.indirect.scatter.add.f32 [tilespmem:s17], [sflag:$0x4], $0x80, s14, s16, $0xb8;
	[tilespmem:$0x1D580] =	vst v63  }
0xd5: {  	_ =	swait.ge [sflag:s31], $0x3000  }
0xd6: {  	s9 =	rddreg [dreg:$0x14];
	[sflag:s31] =	ssyncset.done $0x0  }
0xd7: {  	s0 =	rddreg [dreg:$0x13];
	[sflag:s31] =	ssyncadd.s32 $0xFFFFD000;
	s1 =	sadd.s32 $0x0, s9  }
0xd8: {  	[tilespmem:s11], [sflag:$0x8] =	stream.linear.gather [hbm4b:s1+s3], $0x60, $0x38;
	[tilespmem:$0x1D580] =	vst v63  }
0xd9: {  	s8 =	sadd.s32 $0x0, s0  }
0xda: {  	[tilespmem:s12], [sflag:$0x8] =	stream.linear.gather [hbm4b:s8+s3], $0x60, $0x38;
	[tilespmem:$0x1D580] =	vst v63  }
0xdb: {  	_ =	swait.ge [sflag:s15], $0x60  }
0xdc: {  	[sflag:s15] =	ssyncset.done $0x0  }
0xdd: {  	[sflag:s15] =	ssyncadd.s32 $0xFFFFFFA0  }
0xde: {  	_ =	swait.ge [sflag:s15], $0x60  }
0xdf: {  	[sflag:s15] =	ssyncset.done $0x0  }
0xe0: {  	[sflag:s15] =	ssyncadd.s32 $0xFFFFFFA0  }
0xe1: {  	[tilespmem:s24], [sflag:$0x3] =	stream.indirect.gather [hbm4b:s4+s16], $0x80, s3, s16, $0xb8;
	[tilespmem:$0x1D580] =	vst v63  }
0xe2: {  	_ =	swait.ge [sflag:s25], $0x3000  }
0xe3: {  	[sflag:s25] =	ssyncset.done $0x0  }
0xe4: {  	[sflag:s25] =	ssyncadd.s32 $0xFFFFD000  }
0xe5: {  	[spmem:s2] =	stream.indirect.scatter.add.f32 [tilespmem:s19], [sflag:$0x5], $0x80, s22, s16, $0xb8;
	[tilespmem:$0x1D580] =	vst v63  }
0xe6: {  	_ =	swait.ge [sflag:s26], $0x3000  }
0xe7: {  	s9 =	rddreg [dreg:$0x12];
	[sflag:s26] =	ssyncset.done $0x0  }
0xe8: {  	s0 =	rddreg [dreg:$0x11];
	[sflag:s26] =	ssyncadd.s32 $0xFFFFD000;
	s1 =	sadd.s32 $0x0, s9  }
0xe9: {  	[tilespmem:s13], [sflag:$0x9] =	stream.linear.gather [hbm4b:s1+s3], $0x60, $0x38;
	[tilespmem:$0x1D580] =	vst v63  }
0xea: {  	s8 =	sadd.s32 $0x0, s0  }
0xeb: {  	[tilespmem:s14], [sflag:$0x9] =	stream.linear.gather [hbm4b:s8+s3], $0x60, $0x38;
	[tilespmem:$0x1D580] =	vst v63  }
0xec: {  	_ =	swait.ge [sflag:s18], $0x60  }
0xed: {  	[sflag:s18] =	ssyncset.done $0x0  }
0xee: {  	[sflag:s18] =	ssyncadd.s32 $0xFFFFFFA0  }
0xef: {  	_ =	swait.ge [sflag:s18], $0x60  }
0xf0: {  	[sflag:s18] =	ssyncset.done $0x0  }
0xf1: {  	[sflag:s18] =	ssyncadd.s32 $0xFFFFFFA0  }
0xf2: {  	[tilespmem:s17], [sflag:$0x1] =	stream.indirect.gather [hbm4b:s4+s16], $0x80, s11, s16, $0xb8;
	[tilespmem:$0x1D580] =	vst v63  }
0xf3: {  	_ =	swait.ge [sflag:s29], $0x3000  }
0xf4: {  	[sflag:s29] =	ssyncset.done $0x0  }
0xf5: {  	[sflag:s29] =	ssyncadd.s32 $0xFFFFD000  }
0xf6: {  	[spmem:s2] =	stream.indirect.scatter.add.f32 [tilespmem:s24], [sflag:$0x6], $0x80, s10, s16, $0xb8;
	[tilespmem:$0x1D580] =	vst v63  }
0xf7: {  	_ =	swait.ge [sflag:s30], $0x3000  }
0xf8: {  	s9 =	rddreg [dreg:$0x10];
	[sflag:s30] =	ssyncset.done $0x0  }
0xf9: {  	s0 =	rddreg [dreg:$0xf];
	[sflag:s30] =	ssyncadd.s32 $0xFFFFD000;
	s1 =	sadd.s32 $0x0, s9  }
0xfa: {  	[tilespmem:s21], [sflag:$0xA] =	stream.linear.gather [hbm4b:s1+s3], $0x60, $0x38;
	[tilespmem:$0x1D580] =	vst v63  }
0xfb: {  	s7 =	sadd.s32 $0x0, s0  }
0xfc: {  	[tilespmem:s22], [sflag:$0xA] =	stream.linear.gather [hbm4b:s7+s3], $0x60, $0x38;
	[tilespmem:$0x1D580] =	vst v63  }
0xfd: {  	_ =	swait.ge [sflag:s23], $0x60  }
0xfe: {  	[sflag:s23] =	ssyncset.done $0x0  }
0xff: {  	[sflag:s23] =	ssyncadd.s32 $0xFFFFFFA0  }
0x100: {  	_ =	swait.ge [sflag:s23], $0x60  }
0x101: {  	[sflag:s23] =	ssyncset.done $0x0  }
0x102: {  	[sflag:s23] =	ssyncadd.s32 $0xFFFFFFA0  }
0x103: {  	[tilespmem:s19], [sflag:$0x2] =	stream.indirect.gather [hbm4b:s4+s16], $0x80, s13, s16, $0xb8;
	[tilespmem:$0x1D580] =	vst v63  }
0x104: {  	_ =	swait.ge [sflag:s20], $0x3000  }
0x105: {  	[sflag:s20] =	ssyncset.done $0x0  }
0x106: {  	[sflag:s20] =	ssyncadd.s32 $0xFFFFD000  }
0x107: {  	[spmem:s2] =	stream.indirect.scatter.add.f32 [tilespmem:s17], [sflag:$0x4], $0x80, s12, s16, $0xb8;
	[tilespmem:$0x1D580] =	vst v63  }
0x108: {  	_ =	swait.ge [sflag:s31], $0x3000  }
0x109: {  	s0 =	sld [smem:$0x7FC];
	_ =	sdelay $0x2  }
0x10a: {  	[sflag:s31] =	ssyncset.done $0x0;
	s8 =	sshrl.u32 s0, $0x3  }
0x10b: {  	[sflag:s31] =	ssyncadd.s32 $0xFFFFD000;
	s9 =	sadd.s32 s5, s8  }
0x10c: {  	[tilespmem:s3], [sflag:$0x7] =	stream.linear.gather [hbm4b:s9+s3], $0x60, $0x38;
	[tilespmem:$0x1D580] =	vst v63  }
0x10d: {  	s1 =	sadd.s32 s6, s8  }
0x10e: {  	[tilespmem:s10], [sflag:$0x7] =	stream.linear.gather [hbm4b:s1+s3], $0x60, $0x38;
	[tilespmem:$0x1D580] =	vst v63  }
0x10f: {  	_ =	swait.ge [sflag:s28], $0x60  }
0x110: {  	[sflag:s28] =	ssyncset.done $0x0  }
0x111: {  	[sflag:s28] =	ssyncadd.s32 $0xFFFFFFA0  }
0x112: {  	_ =	swait.ge [sflag:s28], $0x60  }
0x113: {  	[sflag:s28] =	ssyncset.done $0x0  }
0x114: {  	[sflag:s28] =	ssyncadd.s32 $0xFFFFFFA0  }
0x115: {  	[tilespmem:s24], [sflag:$0x3] =	stream.indirect.gather [hbm4b:s4+s16], $0x80, s21, s16, $0xb8;
	[tilespmem:$0x1D580] =	vst v63  }
0x116: {  	_ =	swait.ge [sflag:s25], $0x3000  }
0x117: {  	[sflag:s25] =	ssyncset.done $0x0  }
0x118: {  	[sflag:s25] =	ssyncadd.s32 $0xFFFFD000  }
0x119: {  	[spmem:s2] =	stream.indirect.scatter.add.f32 [tilespmem:s19], [sflag:$0x5], $0x80, s14, s16, $0xb8;
	[tilespmem:$0x1D580] =	vst v63  }
0x11a: {  	_ =	swait.ge [sflag:s26], $0x3000  }
0x11b: {  	s7 =	rddreg [dreg:$0xe];
	[sflag:s26] =	ssyncset.done $0x0  }
0x11c: {  	s8 =	rddreg [dreg:$0xd];
	[sflag:s26] =	ssyncadd.s32 $0xFFFFD000;
	s1 =	sadd.s32 $0x0, s7  }
0x11d: {  	[tilespmem:s11], [sflag:$0x8] =	stream.linear.gather [hbm4b:s1+s3], $0x60, $0x38;
	[tilespmem:$0x1D580] =	vst v63  }
0x11e: {  	s9 =	sadd.s32 $0x0, s8  }
0x11f: {  	[tilespmem:s12], [sflag:$0x8] =	stream.linear.gather [hbm4b:s9+s3], $0x60, $0x38;
	[tilespmem:$0x1D580] =	vst v63  }
0x120: {  	_ =	swait.ge [sflag:s15], $0x60  }
0x121: {  	[sflag:s15] =	ssyncset.done $0x0  }
0x122: {  	[sflag:s15] =	ssyncadd.s32 $0xFFFFFFA0  }
0x123: {  	_ =	swait.ge [sflag:s15], $0x60  }
0x124: {  	[sflag:s15] =	ssyncset.done $0x0  }
0x125: {  	[sflag:s15] =	ssyncadd.s32 $0xFFFFFFA0  }
0x126: {  	[tilespmem:s17], [sflag:$0x1] =	stream.indirect.gather [hbm4b:s4+s16], $0x80, s3, s16, $0xb8;
	[tilespmem:$0x1D580] =	vst v63  }
0x127: {  	_ =	swait.ge [sflag:s29], $0x3000  }
0x128: {  	[sflag:s29] =	ssyncset.done $0x0  }
0x129: {  	[sflag:s29] =	ssyncadd.s32 $0xFFFFD000  }
0x12a: {  	[spmem:s2] =	stream.indirect.scatter.add.f32 [tilespmem:s24], [sflag:$0x6], $0x80, s22, s16, $0xb8;
	[tilespmem:$0x1D580] =	vst v63  }
0x12b: {  	_ =	swait.ge [sflag:s30], $0x3000  }
0x12c: {  	s7 =	rddreg [dreg:$0xc];
	[sflag:s30] =	ssyncset.done $0x0  }
0x12d: {  	s8 =	rddreg [dreg:$0xb];
	[sflag:s30] =	ssyncadd.s32 $0xFFFFD000;
	s1 =	sadd.s32 $0x0, s7  }
0x12e: {  	[tilespmem:s13], [sflag:$0x9] =	stream.linear.gather [hbm4b:s1+s3], $0x60, $0x38;
	[tilespmem:$0x1D580] =	vst v63  }
0x12f: {  	s9 =	sadd.s32 $0x0, s8  }
0x130: {  	[tilespmem:s14], [sflag:$0x9] =	stream.linear.gather [hbm4b:s9+s3], $0x60, $0x38;
	[tilespmem:$0x1D580] =	vst v63  }
0x131: {  	_ =	swait.ge [sflag:s18], $0x60  }
0x132: {  	[sflag:s18] =	ssyncset.done $0x0  }
0x133: {  	[sflag:s18] =	ssyncadd.s32 $0xFFFFFFA0  }
0x134: {  	_ =	swait.ge [sflag:s18], $0x60  }
0x135: {  	[sflag:s18] =	ssyncset.done $0x0  }
0x136: {  	[sflag:s18] =	ssyncadd.s32 $0xFFFFFFA0  }
0x137: {  	[tilespmem:s19], [sflag:$0x2] =	stream.indirect.gather [hbm4b:s4+s16], $0x80, s11, s16, $0xb8;
	[tilespmem:$0x1D580] =	vst v63  }
0x138: {  	_ =	swait.ge [sflag:s20], $0x3000  }
0x139: {  	[sflag:s20] =	ssyncset.done $0x0  }
0x13a: {  	[sflag:s20] =	ssyncadd.s32 $0xFFFFD000  }
0x13b: {  	[spmem:s2] =	stream.indirect.scatter.add.f32 [tilespmem:s17], [sflag:$0x4], $0x80, s10, s16, $0xb8;
	[tilespmem:$0x1D580] =	vst v63  }
0x13c: {  	_ =	swait.ge [sflag:s31], $0x3000  }
0x13d: {  	s7 =	rddreg [dreg:$0xa];
	[sflag:s31] =	ssyncset.done $0x0  }
0x13e: {  	s8 =	rddreg [dreg:$0x9];
	[sflag:s31] =	ssyncadd.s32 $0xFFFFD000;
	s1 =	sadd.s32 $0x0, s7  }
0x13f: {  	[tilespmem:s21], [sflag:$0xA] =	stream.linear.gather [hbm4b:s1+s3], $0x60, $0x38;
	[tilespmem:$0x1D580] =	vst v63  }
0x140: {  	s9 =	sadd.s32 $0x0, s8  }
0x141: {  	[tilespmem:s22], [sflag:$0xA] =	stream.linear.gather [hbm4b:s9+s3], $0x60, $0x38;
	[tilespmem:$0x1D580] =	vst v63  }
0x142: {  	_ =	swait.ge [sflag:s23], $0x60  }
0x143: {  	[sflag:s23] =	ssyncset.done $0x0  }
0x144: {  	[sflag:s23] =	ssyncadd.s32 $0xFFFFFFA0  }
0x145: {  	_ =	swait.ge [sflag:s23], $0x60  }
0x146: {  	[sflag:s23] =	ssyncset.done $0x0  }
0x147: {  	[sflag:s23] =	ssyncadd.s32 $0xFFFFFFA0  }
0x148: {  	[tilespmem:s24], [sflag:$0x3] =	stream.indirect.gather [hbm4b:s4+s16], $0x80, s13, s16, $0xb8;
	[tilespmem:$0x1D580] =	vst v63  }
0x149: {  	_ =	swait.ge [sflag:s25], $0x3000  }
0x14a: {  	[sflag:s25] =	ssyncset.done $0x0  }
0x14b: {  	[sflag:s25] =	ssyncadd.s32 $0xFFFFD000  }
0x14c: {  	[spmem:s2] =	stream.indirect.scatter.add.f32 [tilespmem:s19], [sflag:$0x5], $0x80, s12, s16, $0xb8;
	[tilespmem:$0x1D580] =	vst v63  }
0x14d: {  	_ =	swait.ge [sflag:s26], $0x3000  }
0x14e: {  	s7 =	rddreg [dreg:$0x8];
	[sflag:s26] =	ssyncset.done $0x0  }
0x14f: {  	s8 =	rddreg [dreg:$0x7];
	[sflag:s26] =	ssyncadd.s32 $0xFFFFD000;
	s1 =	sadd.s32 $0x0, s7  }
0x150: {  	[tilespmem:s3], [sflag:$0x7] =	stream.linear.gather [hbm4b:s1+s3], $0x60, $0x38;
	[tilespmem:$0x1D580] =	vst v63  }
0x151: {  	s9 =	sadd.s32 $0x0, s8  }
0x152: {  	[tilespmem:s10], [sflag:$0x7] =	stream.linear.gather [hbm4b:s9+s3], $0x60, $0x38;
	[tilespmem:$0x1D580] =	vst v63  }
0x153: {  	_ =	swait.ge [sflag:s28], $0x60  }
0x154: {  	[sflag:s28] =	ssyncset.done $0x0  }
0x155: {  	[sflag:s28] =	ssyncadd.s32 $0xFFFFFFA0  }
0x156: {  	_ =	swait.ge [sflag:s28], $0x60  }
0x157: {  	[sflag:s28] =	ssyncset.done $0x0  }
0x158: {  	[sflag:s28] =	ssyncadd.s32 $0xFFFFFFA0  }
0x159: {  	[tilespmem:s17], [sflag:$0x1] =	stream.indirect.gather [hbm4b:s4+s16], $0x80, s21, s16, $0xb8;
	[tilespmem:$0x1D580] =	vst v63  }
0x15a: {  	_ =	swait.ge [sflag:s29], $0x3000  }
0x15b: {  	[sflag:s29] =	ssyncset.done $0x0  }
0x15c: {  	[sflag:s29] =	ssyncadd.s32 $0xFFFFD000  }
0x15d: {  	[spmem:s2] =	stream.indirect.scatter.add.f32 [tilespmem:s24], [sflag:$0x6], $0x80, s14, s16, $0xb8;
	[tilespmem:$0x1D580] =	vst v63  }
0x15e: {  	_ =	swait.ge [sflag:s30], $0x3000  }
0x15f: {  	s7 =	rddreg [dreg:$0x6];
	[sflag:s30] =	ssyncset.done $0x0  }
0x160: {  	s8 =	rddreg [dreg:$0x5];
	[sflag:s30] =	ssyncadd.s32 $0xFFFFD000;
	s1 =	sadd.s32 $0x0, s7  }
0x161: {  	[tilespmem:s11], [sflag:$0x8] =	stream.linear.gather [hbm4b:s1+s3], $0x60, $0x38;
	[tilespmem:$0x1D580] =	vst v63  }
0x162: {  	s9 =	sadd.s32 $0x0, s8  }
0x163: {  	[tilespmem:s12], [sflag:$0x8] =	stream.linear.gather [hbm4b:s9+s3], $0x60, $0x38;
	[tilespmem:$0x1D580] =	vst v63  }
0x164: {  	_ =	swait.ge [sflag:s15], $0x60  }
0x165: {  	[sflag:s15] =	ssyncset.done $0x0  }
0x166: {  	[sflag:s15] =	ssyncadd.s32 $0xFFFFFFA0  }
0x167: {  	_ =	swait.ge [sflag:s15], $0x60  }
0x168: {  	[sflag:s15] =	ssyncset.done $0x0  }
0x169: {  	[sflag:s15] =	ssyncadd.s32 $0xFFFFFFA0  }
0x16a: {  	[tilespmem:s19], [sflag:$0x2] =	stream.indirect.gather [hbm4b:s4+s16], $0x80, s3, s16, $0xb8;
	[tilespmem:$0x1D580] =	vst v63  }
0x16b: {  	_ =	swait.ge [sflag:s20], $0x3000  }
0x16c: {  	[sflag:s20] =	ssyncset.done $0x0  }
0x16d: {  	[sflag:s20] =	ssyncadd.s32 $0xFFFFD000  }
0x16e: {  	[spmem:s2] =	stream.indirect.scatter.add.f32 [tilespmem:s17], [sflag:$0x4], $0x80, s22, s16, $0xb8;
	[tilespmem:$0x1D580] =	vst v63  }
0x16f: {  	_ =	swait.ge [sflag:s31], $0x3000  }
0x170: {  	s7 =	rddreg [dreg:$0x4];
	[sflag:s31] =	ssyncset.done $0x0  }
0x171: {  	s8 =	rddreg [dreg:$0x3];
	[sflag:s31] =	ssyncadd.s32 $0xFFFFD000;
	s1 =	sadd.s32 $0x0, s7  }
0x172: {  	[tilespmem:s13], [sflag:$0x9] =	stream.linear.gather [hbm4b:s1+s3], $0x60, $0x38;
	[tilespmem:$0x1D580] =	vst v63  }
0x173: {  	s9 =	sadd.s32 $0x0, s8  }
0x174: {  	[tilespmem:s14], [sflag:$0x9] =	stream.linear.gather [hbm4b:s9+s3], $0x60, $0x38;
	[tilespmem:$0x1D580] =	vst v63  }
0x175: {  	_ =	swait.ge [sflag:s18], $0x60  }
0x176: {  	[sflag:s18] =	ssyncset.done $0x0  }
0x177: {  	[sflag:s18] =	ssyncadd.s32 $0xFFFFFFA0  }
0x178: {  	_ =	swait.ge [sflag:s18], $0x60  }
0x179: {  	[sflag:s18] =	ssyncset.done $0x0  }
0x17a: {  	s7 =	simm.s32 $0x90;
	s1 =	sadd.s32 $0x480, s0;
	[sflag:s18] =	ssyncadd.s32 $0xFFFFFFA0  }
.LBB2_2:
0x17b: {  	[tilespmem:s24], [sflag:$0x3] =	stream.indirect.gather [hbm4b:s4+s16], $0x80, s11, s16, $0xb8;
	[tilespmem:$0x1D580] =	vst v63  }
0x17c: {  	_ =	swait.ge [sflag:s25], $0x3000  }
0x17d: {  	[sflag:s25] =	ssyncset.done $0x0  }
0x17e: {  	[sflag:s25] =	ssyncadd.s32 $0xFFFFD000  }
0x17f: {  	[spmem:s2] =	stream.indirect.scatter.add.f32 [tilespmem:s19], [sflag:$0x5], $0x80, s10, s16, $0xb8;
	[tilespmem:$0x1D580] =	vst v63  }
0x180: {  	_ =	swait.ge [sflag:s26], $0x3000  }
0x181: {  	s9 =	smov.u32 s7;
	s0 =	rddreg [dreg:$0x18];
	[sflag:s26] =	ssyncset.done $0x0  }
0x182: {  	s8 =	rddreg [dreg:$0x17];
	[sflag:s26] =	ssyncadd.s32 $0xFFFFD000;
	s0 =	sadd.s32 s9, s0  }
0x183: {  	[tilespmem:s21], [sflag:$0xA] =	stream.linear.gather [hbm4b:s0+s3], $0x60, $0x38;
	[tilespmem:$0x1D580] =	vst v63  }
0x184: {  	s8 =	sadd.s32 s9, s8  }
0x185: {  	[tilespmem:s22], [sflag:$0xA] =	stream.linear.gather [hbm4b:s8+s3], $0x60, $0x38;
	[tilespmem:$0x1D580] =	vst v63  }
0x186: {  	_ =	swait.ge [sflag:s23], $0x60  }
0x187: {  	[sflag:s23] =	ssyncset.done $0x0  }
0x188: {  	[sflag:s23] =	ssyncadd.s32 $0xFFFFFFA0  }
0x189: {  	_ =	swait.ge [sflag:s23], $0x60  }
0x18a: {  	[sflag:s23] =	ssyncset.done $0x0  }
0x18b: {  	[sflag:s23] =	ssyncadd.s32 $0xFFFFFFA0  }
0x18c: {  	[tilespmem:s17], [sflag:$0x1] =	stream.indirect.gather [hbm4b:s4+s16], $0x80, s13, s16, $0xb8;
	[tilespmem:$0x1D580] =	vst v63  }
0x18d: {  	_ =	swait.ge [sflag:s29], $0x3000  }
0x18e: {  	[sflag:s29] =	ssyncset.done $0x0  }
0x18f: {  	[sflag:s29] =	ssyncadd.s32 $0xFFFFD000  }
0x190: {  	[spmem:s2] =	stream.indirect.scatter.add.f32 [tilespmem:s24], [sflag:$0x6], $0x80, s12, s16, $0xb8;
	[tilespmem:$0x1D580] =	vst v63  }
0x191: {  	_ =	swait.ge [sflag:s30], $0x3000  }
0x192: {  	s0 =	rddreg [dreg:$0x16];
	[sflag:s30] =	ssyncset.done $0x0  }
0x193: {  	s8 =	rddreg [dreg:$0x15];
	[sflag:s30] =	ssyncadd.s32 $0xFFFFD000;
	s0 =	sadd.s32 s9, s0  }
0x194: {  	[tilespmem:s3], [sflag:$0x7] =	stream.linear.gather [hbm4b:s0+s3], $0x60, $0x38;
	[tilespmem:$0x1D580] =	vst v63  }
0x195: {  	s8 =	sadd.s32 s9, s8  }
0x196: {  	[tilespmem:s10], [sflag:$0x7] =	stream.linear.gather [hbm4b:s8+s3], $0x60, $0x38;
	[tilespmem:$0x1D580] =	vst v63  }
0x197: {  	_ =	swait.ge [sflag:s28], $0x60  }
0x198: {  	[sflag:s28] =	ssyncset.done $0x0  }
0x199: {  	[sflag:s28] =	ssyncadd.s32 $0xFFFFFFA0  }
0x19a: {  	_ =	swait.ge [sflag:s28], $0x60  }
0x19b: {  	[sflag:s28] =	ssyncset.done $0x0  }
0x19c: {  	[sflag:s28] =	ssyncadd.s32 $0xFFFFFFA0  }
0x19d: {  	[tilespmem:s19], [sflag:$0x2] =	stream.indirect.gather [hbm4b:s4+s16], $0x80, s21, s16, $0xb8;
	[tilespmem:$0x1D580] =	vst v63  }
0x19e: {  	_ =	swait.ge [sflag:s20], $0x3000  }
0x19f: {  	[sflag:s20] =	ssyncset.done $0x0  }
0x1a0: {  	[sflag:s20] =	ssyncadd.s32 $0xFFFFD000  }
0x1a1: {  	[spmem:s2] =	stream.indirect.scatter.add.f32 [tilespmem:s17], [sflag:$0x4], $0x80, s14, s16, $0xb8;
	[tilespmem:$0x1D580] =	vst v63  }
0x1a2: {  	_ =	swait.ge [sflag:s31], $0x3000  }
0x1a3: {  	s0 =	rddreg [dreg:$0x14];
	[sflag:s31] =	ssyncset.done $0x0  }
0x1a4: {  	s8 =	rddreg [dreg:$0x13];
	[sflag:s31] =	ssyncadd.s32 $0xFFFFD000;
	s0 =	sadd.s32 s9, s0  }
0x1a5: {  	[tilespmem:s11], [sflag:$0x8] =	stream.linear.gather [hbm4b:s0+s3], $0x60, $0x38;
	[tilespmem:$0x1D580] =	vst v63  }
0x1a6: {  	s8 =	sadd.s32 s9, s8  }
0x1a7: {  	[tilespmem:s12], [sflag:$0x8] =	stream.linear.gather [hbm4b:s8+s3], $0x60, $0x38;
	[tilespmem:$0x1D580] =	vst v63  }
0x1a8: {  	_ =	swait.ge [sflag:s15], $0x60  }
0x1a9: {  	[sflag:s15] =	ssyncset.done $0x0  }
0x1aa: {  	[sflag:s15] =	ssyncadd.s32 $0xFFFFFFA0  }
0x1ab: {  	_ =	swait.ge [sflag:s15], $0x60  }
0x1ac: {  	[sflag:s15] =	ssyncset.done $0x0  }
0x1ad: {  	[sflag:s15] =	ssyncadd.s32 $0xFFFFFFA0  }
0x1ae: {  	[tilespmem:s24], [sflag:$0x3] =	stream.indirect.gather [hbm4b:s4+s16], $0x80, s3, s16, $0xb8;
	[tilespmem:$0x1D580] =	vst v63  }
0x1af: {  	_ =	swait.ge [sflag:s25], $0x3000  }
0x1b0: {  	[sflag:s25] =	ssyncset.done $0x0  }
0x1b1: {  	[sflag:s25] =	ssyncadd.s32 $0xFFFFD000  }
0x1b2: {  	[spmem:s2] =	stream.indirect.scatter.add.f32 [tilespmem:s19], [sflag:$0x5], $0x80, s22, s16, $0xb8;
	[tilespmem:$0x1D580] =	vst v63  }
0x1b3: {  	_ =	swait.ge [sflag:s26], $0x3000  }
0x1b4: {  	s0 =	rddreg [dreg:$0x12];
	[sflag:s26] =	ssyncset.done $0x0  }
0x1b5: {  	s8 =	rddreg [dreg:$0x11];
	[sflag:s26] =	ssyncadd.s32 $0xFFFFD000;
	s0 =	sadd.s32 s9, s0  }
0x1b6: {  	[tilespmem:s13], [sflag:$0x9] =	stream.linear.gather [hbm4b:s0+s3], $0x60, $0x38;
	[tilespmem:$0x1D580] =	vst v63  }
0x1b7: {  	s8 =	sadd.s32 s9, s8  }
0x1b8: {  	[tilespmem:s14], [sflag:$0x9] =	stream.linear.gather [hbm4b:s8+s3], $0x60, $0x38;
	[tilespmem:$0x1D580] =	vst v63  }
0x1b9: {  	_ =	swait.ge [sflag:s18], $0x60  }
0x1ba: {  	[sflag:s18] =	ssyncset.done $0x0  }
0x1bb: {  	[sflag:s18] =	ssyncadd.s32 $0xFFFFFFA0  }
0x1bc: {  	_ =	swait.ge [sflag:s18], $0x60  }
0x1bd: {  	[sflag:s18] =	ssyncset.done $0x0  }
0x1be: {  	[sflag:s18] =	ssyncadd.s32 $0xFFFFFFA0  }
0x1bf: {  	[tilespmem:s17], [sflag:$0x1] =	stream.indirect.gather [hbm4b:s4+s16], $0x80, s11, s16, $0xb8;
	[tilespmem:$0x1D580] =	vst v63  }
0x1c0: {  	_ =	swait.ge [sflag:s29], $0x3000  }
0x1c1: {  	[sflag:s29] =	ssyncset.done $0x0  }
0x1c2: {  	[sflag:s29] =	ssyncadd.s32 $0xFFFFD000  }
0x1c3: {  	[spmem:s2] =	stream.indirect.scatter.add.f32 [tilespmem:s24], [sflag:$0x6], $0x80, s10, s16, $0xb8;
	[tilespmem:$0x1D580] =	vst v63  }
0x1c4: {  	_ =	swait.ge [sflag:s30], $0x3000  }
0x1c5: {  	s0 =	rddreg [dreg:$0x10];
	[sflag:s30] =	ssyncset.done $0x0  }
0x1c6: {  	s8 =	rddreg [dreg:$0xf];
	[sflag:s30] =	ssyncadd.s32 $0xFFFFD000;
	s0 =	sadd.s32 s9, s0  }
0x1c7: {  	[tilespmem:s21], [sflag:$0xA] =	stream.linear.gather [hbm4b:s0+s3], $0x60, $0x38;
	[tilespmem:$0x1D580] =	vst v63  }
0x1c8: {  	s8 =	sadd.s32 s9, s8  }
0x1c9: {  	[tilespmem:s22], [sflag:$0xA] =	stream.linear.gather [hbm4b:s8+s3], $0x60, $0x38;
	[tilespmem:$0x1D580] =	vst v63  }
0x1ca: {  	_ =	swait.ge [sflag:s23], $0x60  }
0x1cb: {  	[sflag:s23] =	ssyncset.done $0x0  }
0x1cc: {  	[sflag:s23] =	ssyncadd.s32 $0xFFFFFFA0  }
0x1cd: {  	_ =	swait.ge [sflag:s23], $0x60  }
0x1ce: {  	[sflag:s23] =	ssyncset.done $0x0  }
0x1cf: {  	[sflag:s23] =	ssyncadd.s32 $0xFFFFFFA0  }
0x1d0: {  	[tilespmem:s19], [sflag:$0x2] =	stream.indirect.gather [hbm4b:s4+s16], $0x80, s13, s16, $0xb8;
	[tilespmem:$0x1D580] =	vst v63  }
0x1d1: {  	_ =	swait.ge [sflag:s20], $0x3000  }
0x1d2: {  	[sflag:s20] =	ssyncset.done $0x0  }
0x1d3: {  	[sflag:s20] =	ssyncadd.s32 $0xFFFFD000  }
0x1d4: {  	[spmem:s2] =	stream.indirect.scatter.add.f32 [tilespmem:s17], [sflag:$0x4], $0x80, s12, s16, $0xb8;
	[tilespmem:$0x1D580] =	vst v63  }
0x1d5: {  	_ =	swait.ge [sflag:s31], $0x3000  }
0x1d6: {  	s0 =	sshrl.u32 s1, $0x3;
	[sflag:s31] =	ssyncset.done $0x0  }
0x1d7: {  	s8 =	sadd.s32 s5, s0;
	[sflag:s31] =	ssyncadd.s32 $0xFFFFD000  }
0x1d8: {  	[tilespmem:s3], [sflag:$0x7] =	stream.linear.gather [hbm4b:s8+s3], $0x60, $0x38;
	[tilespmem:$0x1D580] =	vst v63  }
0x1d9: {  	s0 =	sadd.s32 s6, s0  }
0x1da: {  	[tilespmem:s10], [sflag:$0x7] =	stream.linear.gather [hbm4b:s0+s3], $0x60, $0x38;
	[tilespmem:$0x1D580] =	vst v63  }
0x1db: {  	_ =	swait.ge [sflag:s28], $0x60  }
0x1dc: {  	[sflag:s28] =	ssyncset.done $0x0  }
0x1dd: {  	[sflag:s28] =	ssyncadd.s32 $0xFFFFFFA0  }
0x1de: {  	_ =	swait.ge [sflag:s28], $0x60  }
0x1df: {  	[sflag:s28] =	ssyncset.done $0x0  }
0x1e0: {  	[sflag:s28] =	ssyncadd.s32 $0xFFFFFFA0  }
0x1e1: {  	[tilespmem:s24], [sflag:$0x3] =	stream.indirect.gather [hbm4b:s4+s16], $0x80, s21, s16, $0xb8;
	[tilespmem:$0x1D580] =	vst v63  }
0x1e2: {  	_ =	swait.ge [sflag:s25], $0x3000  }
0x1e3: {  	[sflag:s25] =	ssyncset.done $0x0  }
0x1e4: {  	[sflag:s25] =	ssyncadd.s32 $0xFFFFD000  }
0x1e5: {  	[spmem:s2] =	stream.indirect.scatter.add.f32 [tilespmem:s19], [sflag:$0x5], $0x80, s14, s16, $0xb8;
	[tilespmem:$0x1D580] =	vst v63  }
0x1e6: {  	_ =	swait.ge [sflag:s26], $0x3000  }
0x1e7: {  	s0 =	rddreg [dreg:$0xe];
	[sflag:s26] =	ssyncset.done $0x0  }
0x1e8: {  	s8 =	rddreg [dreg:$0xd];
	[sflag:s26] =	ssyncadd.s32 $0xFFFFD000;
	s0 =	sadd.s32 s9, s0  }
0x1e9: {  	[tilespmem:s11], [sflag:$0x8] =	stream.linear.gather [hbm4b:s0+s3], $0x60, $0x38;
	[tilespmem:$0x1D580] =	vst v63  }
0x1ea: {  	s8 =	sadd.s32 s9, s8  }
0x1eb: {  	[tilespmem:s12], [sflag:$0x8] =	stream.linear.gather [hbm4b:s8+s3], $0x60, $0x38;
	[tilespmem:$0x1D580] =	vst v63  }
0x1ec: {  	_ =	swait.ge [sflag:s15], $0x60  }
0x1ed: {  	[sflag:s15] =	ssyncset.done $0x0  }
0x1ee: {  	[sflag:s15] =	ssyncadd.s32 $0xFFFFFFA0  }
0x1ef: {  	_ =	swait.ge [sflag:s15], $0x60  }
0x1f0: {  	[sflag:s15] =	ssyncset.done $0x0  }
0x1f1: {  	[sflag:s15] =	ssyncadd.s32 $0xFFFFFFA0  }
0x1f2: {  	[tilespmem:s17], [sflag:$0x1] =	stream.indirect.gather [hbm4b:s4+s16], $0x80, s3, s16, $0xb8;
	[tilespmem:$0x1D580] =	vst v63  }
0x1f3: {  	_ =	swait.ge [sflag:s29], $0x3000  }
0x1f4: {  	[sflag:s29] =	ssyncset.done $0x0  }
0x1f5: {  	[sflag:s29] =	ssyncadd.s32 $0xFFFFD000  }
0x1f6: {  	[spmem:s2] =	stream.indirect.scatter.add.f32 [tilespmem:s24], [sflag:$0x6], $0x80, s22, s16, $0xb8;
	[tilespmem:$0x1D580] =	vst v63  }
0x1f7: {  	_ =	swait.ge [sflag:s30], $0x3000  }
0x1f8: {  	s0 =	rddreg [dreg:$0xc];
	[sflag:s30] =	ssyncset.done $0x0  }
0x1f9: {  	s8 =	rddreg [dreg:$0xb];
	[sflag:s30] =	ssyncadd.s32 $0xFFFFD000;
	s0 =	sadd.s32 s9, s0  }
0x1fa: {  	[tilespmem:s13], [sflag:$0x9] =	stream.linear.gather [hbm4b:s0+s3], $0x60, $0x38;
	[tilespmem:$0x1D580] =	vst v63  }
0x1fb: {  	s8 =	sadd.s32 s9, s8  }
0x1fc: {  	[tilespmem:s14], [sflag:$0x9] =	stream.linear.gather [hbm4b:s8+s3], $0x60, $0x38;
	[tilespmem:$0x1D580] =	vst v63  }
0x1fd: {  	_ =	swait.ge [sflag:s18], $0x60  }
0x1fe: {  	[sflag:s18] =	ssyncset.done $0x0  }
0x1ff: {  	[sflag:s18] =	ssyncadd.s32 $0xFFFFFFA0  }
0x200: {  	_ =	swait.ge [sflag:s18], $0x60  }
0x201: {  	[sflag:s18] =	ssyncset.done $0x0  }
0x202: {  	[sflag:s18] =	ssyncadd.s32 $0xFFFFFFA0  }
0x203: {  	[tilespmem:s19], [sflag:$0x2] =	stream.indirect.gather [hbm4b:s4+s16], $0x80, s11, s16, $0xb8;
	[tilespmem:$0x1D580] =	vst v63  }
0x204: {  	_ =	swait.ge [sflag:s20], $0x3000  }
0x205: {  	[sflag:s20] =	ssyncset.done $0x0  }
0x206: {  	[sflag:s20] =	ssyncadd.s32 $0xFFFFD000  }
0x207: {  	[spmem:s2] =	stream.indirect.scatter.add.f32 [tilespmem:s17], [sflag:$0x4], $0x80, s10, s16, $0xb8;
	[tilespmem:$0x1D580] =	vst v63  }
0x208: {  	_ =	swait.ge [sflag:s31], $0x3000  }
0x209: {  	s0 =	rddreg [dreg:$0xa];
	[sflag:s31] =	ssyncset.done $0x0  }
0x20a: {  	s8 =	rddreg [dreg:$0x9];
	[sflag:s31] =	ssyncadd.s32 $0xFFFFD000;
	s0 =	sadd.s32 s9, s0  }
0x20b: {  	[tilespmem:s21], [sflag:$0xA] =	stream.linear.gather [hbm4b:s0+s3], $0x60, $0x38;
	[tilespmem:$0x1D580] =	vst v63  }
0x20c: {  	s8 =	sadd.s32 s9, s8  }
0x20d: {  	[tilespmem:s22], [sflag:$0xA] =	stream.linear.gather [hbm4b:s8+s3], $0x60, $0x38;
	[tilespmem:$0x1D580] =	vst v63  }
0x20e: {  	_ =	swait.ge [sflag:s23], $0x60  }
0x20f: {  	[sflag:s23] =	ssyncset.done $0x0  }
0x210: {  	[sflag:s23] =	ssyncadd.s32 $0xFFFFFFA0  }
0x211: {  	_ =	swait.ge [sflag:s23], $0x60  }
0x212: {  	[sflag:s23] =	ssyncset.done $0x0  }
0x213: {  	[sflag:s23] =	ssyncadd.s32 $0xFFFFFFA0  }
0x214: {  	[tilespmem:s24], [sflag:$0x3] =	stream.indirect.gather [hbm4b:s4+s16], $0x80, s13, s16, $0xb8;
	[tilespmem:$0x1D580] =	vst v63  }
0x215: {  	_ =	swait.ge [sflag:s25], $0x3000  }
0x216: {  	[sflag:s25] =	ssyncset.done $0x0  }
0x217: {  	[sflag:s25] =	ssyncadd.s32 $0xFFFFD000  }
0x218: {  	[spmem:s2] =	stream.indirect.scatter.add.f32 [tilespmem:s19], [sflag:$0x5], $0x80, s12, s16, $0xb8;
	[tilespmem:$0x1D580] =	vst v63  }
0x219: {  	_ =	swait.ge [sflag:s26], $0x3000  }
0x21a: {  	s0 =	rddreg [dreg:$0x8];
	[sflag:s26] =	ssyncset.done $0x0  }
0x21b: {  	s8 =	rddreg [dreg:$0x7];
	[sflag:s26] =	ssyncadd.s32 $0xFFFFD000;
	s0 =	sadd.s32 s9, s0  }
0x21c: {  	[tilespmem:s3], [sflag:$0x7] =	stream.linear.gather [hbm4b:s0+s3], $0x60, $0x38;
	[tilespmem:$0x1D580] =	vst v63  }
0x21d: {  	s8 =	sadd.s32 s9, s8  }
0x21e: {  	[tilespmem:s10], [sflag:$0x7] =	stream.linear.gather [hbm4b:s8+s3], $0x60, $0x38;
	[tilespmem:$0x1D580] =	vst v63  }
0x21f: {  	_ =	swait.ge [sflag:s28], $0x60  }
0x220: {  	[sflag:s28] =	ssyncset.done $0x0  }
0x221: {  	[sflag:s28] =	ssyncadd.s32 $0xFFFFFFA0  }
0x222: {  	_ =	swait.ge [sflag:s28], $0x60  }
0x223: {  	[sflag:s28] =	ssyncset.done $0x0  }
0x224: {  	[sflag:s28] =	ssyncadd.s32 $0xFFFFFFA0  }
0x225: {  	[tilespmem:s17], [sflag:$0x1] =	stream.indirect.gather [hbm4b:s4+s16], $0x80, s21, s16, $0xb8;
	[tilespmem:$0x1D580] =	vst v63  }
0x226: {  	_ =	swait.ge [sflag:s29], $0x3000  }
0x227: {  	[sflag:s29] =	ssyncset.done $0x0  }
0x228: {  	[sflag:s29] =	ssyncadd.s32 $0xFFFFD000  }
0x229: {  	[spmem:s2] =	stream.indirect.scatter.add.f32 [tilespmem:s24], [sflag:$0x6], $0x80, s14, s16, $0xb8;
	[tilespmem:$0x1D580] =	vst v63  }
0x22a: {  	_ =	swait.ge [sflag:s30], $0x3000  }
0x22b: {  	s0 =	rddreg [dreg:$0x6];
	[sflag:s30] =	ssyncset.done $0x0  }
0x22c: {  	s8 =	rddreg [dreg:$0x5];
	[sflag:s30] =	ssyncadd.s32 $0xFFFFD000;
	s0 =	sadd.s32 s9, s0  }
0x22d: {  	[tilespmem:s11], [sflag:$0x8] =	stream.linear.gather [hbm4b:s0+s3], $0x60, $0x38;
	[tilespmem:$0x1D580] =	vst v63  }
0x22e: {  	s8 =	sadd.s32 s9, s8  }
0x22f: {  	[tilespmem:s12], [sflag:$0x8] =	stream.linear.gather [hbm4b:s8+s3], $0x60, $0x38;
	[tilespmem:$0x1D580] =	vst v63  }
0x230: {  	_ =	swait.ge [sflag:s15], $0x60  }
0x231: {  	[sflag:s15] =	ssyncset.done $0x0  }
0x232: {  	[sflag:s15] =	ssyncadd.s32 $0xFFFFFFA0  }
0x233: {  	_ =	swait.ge [sflag:s15], $0x60  }
0x234: {  	[sflag:s15] =	ssyncset.done $0x0  }
0x235: {  	[sflag:s15] =	ssyncadd.s32 $0xFFFFFFA0  }
0x236: {  	[tilespmem:s19], [sflag:$0x2] =	stream.indirect.gather [hbm4b:s4+s16], $0x80, s3, s16, $0xb8;
	[tilespmem:$0x1D580] =	vst v63  }
0x237: {  	_ =	swait.ge [sflag:s20], $0x3000  }
0x238: {  	[sflag:s20] =	ssyncset.done $0x0  }
0x239: {  	[sflag:s20] =	ssyncadd.s32 $0xFFFFD000  }
0x23a: {  	[spmem:s2] =	stream.indirect.scatter.add.f32 [tilespmem:s17], [sflag:$0x4], $0x80, s22, s16, $0xb8;
	[tilespmem:$0x1D580] =	vst v63  }
0x23b: {  	_ =	swait.ge [sflag:s31], $0x3000  }
0x23c: {  	s0 =	rddreg [dreg:$0x4];
	[sflag:s31] =	ssyncset.done $0x0  }
0x23d: {  	s8 =	rddreg [dreg:$0x3];
	[sflag:s31] =	ssyncadd.s32 $0xFFFFD000;
	s0 =	sadd.s32 s9, s0  }
0x23e: {  	[tilespmem:s13], [sflag:$0x9] =	stream.linear.gather [hbm4b:s0+s3], $0x60, $0x38;
	[tilespmem:$0x1D580] =	vst v63  }
0x23f: {  	s9 =	sadd.s32 s9, s8  }
0x240: {  	[tilespmem:s14], [sflag:$0x9] =	stream.linear.gather [hbm4b:s9+s3], $0x60, $0x38;
	[tilespmem:$0x1D580] =	vst v63  }
0x241: {  	p1 =	sne.s32 s7, $0x3F0;
	_ =	swait.ge [sflag:s18], $0x60  }
.Ltmp0:
0x242: {  	[sflag:s18] =	ssyncset.done $0x0;
	(pc) =	sbr.rel @p1 .LBB2_2-.Ltmp0, $4  }
0x243: {  	[sflag:s18] =	ssyncadd.s32 $0xFFFFFFA0  }
0x244: {  	_ =	swait.ge [sflag:s18], $0x60  }
0x245: {  	[sflag:s18] =	ssyncset.done $0x0  }
0x246: {  	s7 =	sadd.s32 $0x90, s7;
	s1 =	sadd.s32 $0x480, s1;
	[sflag:s18] =	ssyncadd.s32 $0xFFFFFFA0  }
0x247: {  	[tilespmem:s24], [sflag:$0x3] =	stream.indirect.gather [hbm4b:s4+s16], $0x80, s11, s16, $0xb8;
	[tilespmem:$0x1D580] =	vst v63  }
0x248: {  	_ =	swait.ge [sflag:s25], $0x3000  }
0x249: {  	[sflag:s25] =	ssyncset.done $0x0  }
0x24a: {  	[sflag:s25] =	ssyncadd.s32 $0xFFFFD000  }
0x24b: {  	[spmem:s2] =	stream.indirect.scatter.add.f32 [tilespmem:s19], [sflag:$0x5], $0x80, s10, s16, $0xb8;
	[tilespmem:$0x1D580] =	vst v63  }
0x24c: {  	_ =	swait.ge [sflag:s26], $0x3000  }
0x24d: {  	s0 =	sld [smem:$0x7F6]  }
0x24e: {  	[sflag:s26] =	ssyncset.done $0x0  }
0x24f: {  	s7 =	sld [smem:$0x7F7];
	[sflag:s26] =	ssyncadd.s32 $0xFFFFD000  }
0x250: {  	[tilespmem:s21], [sflag:$0xA] =	stream.linear.gather [hbm4b:s0+s3], $0x60, $0x38;
	[tilespmem:$0x1D580] =	vst v63  }
0x251: {  	_ = 	snop  }
0x252: {  	[tilespmem:s22], [sflag:$0xA] =	stream.linear.gather [hbm4b:s7+s3], $0x60, $0x38;
	[tilespmem:$0x1D580] =	vst v63  }
0x253: {  	_ =	swait.ge [sflag:s23], $0x60  }
0x254: {  	[sflag:s23] =	ssyncset.done $0x0  }
0x255: {  	[sflag:s23] =	ssyncadd.s32 $0xFFFFFFA0  }
0x256: {  	_ =	swait.ge [sflag:s23], $0x60  }
0x257: {  	[sflag:s23] =	ssyncset.done $0x0  }
0x258: {  	[sflag:s23] =	ssyncadd.s32 $0xFFFFFFA0  }
0x259: {  	[tilespmem:s17], [sflag:$0x1] =	stream.indirect.gather [hbm4b:s4+s16], $0x80, s13, s16, $0xb8;
	[tilespmem:$0x1D580] =	vst v63  }
0x25a: {  	_ =	swait.ge [sflag:s29], $0x3000  }
0x25b: {  	[sflag:s29] =	ssyncset.done $0x0  }
0x25c: {  	[sflag:s29] =	ssyncadd.s32 $0xFFFFD000  }
0x25d: {  	[spmem:s2] =	stream.indirect.scatter.add.f32 [tilespmem:s24], [sflag:$0x6], $0x80, s12, s16, $0xb8;
	[tilespmem:$0x1D580] =	vst v63  }
0x25e: {  	_ =	swait.ge [sflag:s30], $0x3000  }
0x25f: {  	[sflag:s30] =	ssyncset.done $0x0  }
0x260: {  	[sflag:s30] =	ssyncadd.s32 $0xFFFFD000  }
0x261: {  	_ =	swait.ge [sflag:s28], $0x60  }
0x262: {  	[sflag:s28] =	ssyncset.done $0x0  }
0x263: {  	[sflag:s28] =	ssyncadd.s32 $0xFFFFFFA0  }
0x264: {  	_ =	swait.ge [sflag:s28], $0x60  }
0x265: {  	[sflag:s28] =	ssyncset.done $0x0  }
0x266: {  	[sflag:s28] =	ssyncadd.s32 $0xFFFFFFA0  }
0x267: {  	[tilespmem:s19], [sflag:$0x2] =	stream.indirect.gather [hbm4b:s4+s16], $0x80, s21, s16, $0xb8;
	[tilespmem:$0x1D580] =	vst v63  }
0x268: {  	_ =	swait.ge [sflag:s20], $0x3000  }
0x269: {  	[sflag:s20] =	ssyncset.done $0x0  }
0x26a: {  	[sflag:s20] =	ssyncadd.s32 $0xFFFFD000  }
0x26b: {  	[spmem:s2] =	stream.indirect.scatter.add.f32 [tilespmem:s17], [sflag:$0x4], $0x80, s14, s16, $0xb8;
	[tilespmem:$0x1D580] =	vst v63  }
0x26c: {  	_ =	swait.ge [sflag:s31], $0x3000  }
0x26d: {  	[sflag:s31] =	ssyncset.done $0x0  }
0x26e: {  	[sflag:s31] =	ssyncadd.s32 $0xFFFFD000  }
0x26f: {  	_ =	swait.ge [sflag:s25], $0x3000  }
0x270: {  	[sflag:s25] =	ssyncset.done $0x0  }
0x271: {  	[sflag:s25] =	ssyncadd.s32 $0xFFFFD000  }
0x272: {  	[spmem:s2] =	stream.indirect.scatter.add.f32 [tilespmem:s19], [sflag:$0x5], $0x80, s22, s16, $0xb8;
	[tilespmem:$0x1D580] =	vst v63  }
0x273: {  	_ =	swait.ge [sflag:s26], $0x3000  }
0x274: {  	[sflag:s26] =	ssyncset.done $0x0  }
0x275: {  	[sflag:s26] =	ssyncadd.s32 $0xFFFFD000  }
0x276: {  	_ =	swait.ge [sflag:s30], $0x3000  }
0x277: {  	s8 =	sld [smem:$0x7F8]  }
0x278: {  	[sflag:s30] =	ssyncset.done $0x0  }
0x279: {  	s1 =	simm.s32 $0x9400;
	[sflag:s30] =	ssyncadd.s32 $0xFFFFD000  }
0x27a: {  	[tilespmem:s1], [sflag:$0xB] =	stream.linear.gather [hbm4b:s8+s3], $0x10, $0x38;
	[tilespmem:$0x1D580] =	vst v63  }
0x27b: {  	s8 =	simm.s32 $0xB  }
0x27c: {  	_ =	swait.ge [sflag:s8], $0x10  }
0x27d: {  	s9 =	sld [smem:$0x7F9]  }
0x27e: {  	[sflag:s8] =	ssyncset.done $0x0  }
0x27f: {  	s7 =	simm.s32 $0x9480;
	[sflag:s8] =	ssyncadd.s32 $0xFFFFFFF0  }
0x280: {  	[tilespmem:s7], [sflag:$0xB] =	stream.linear.gather [hbm4b:s9+s3], $0x10, $0x38;
	[tilespmem:$0x1D580] =	vst v63  }
0x281: {  	_ =	swait.ge [sflag:s8], $0x10  }
0x282: {  	[sflag:s8] =	ssyncset.done $0x0  }
0x283: {  	s0 =	simm.s32 $0x10;
	s9 =	simm.s32 $0x9500;
	[sflag:s8] =	ssyncadd.s32 $0xFFFFFFF0  }
0x284: {  	[tilespmem:s9], [sflag:$0x1] =	stream.indirect.gather [hbm4b:s4+s0], $0x80, s1, s0, $0xb8;
	[tilespmem:$0x1D580] =	vst v63  }
0x285: {  	_ =	swait.ge [sflag:s20], $0x800  }
0x286: {  	[sflag:s20] =	ssyncset.done $0x0  }
0x287: {  	[sflag:s20] =	ssyncadd.s32 $0xFFFFF800  }
0x288: {  	[spmem:s2] =	stream.indirect.scatter.add.f32 [tilespmem:s9], [sflag:$0xB], $0x80, s7, s0, $0xb8;
	[tilespmem:$0x1D580] =	vst v63  }
0x289: {  	_ =	swait.ge [sflag:s8], $0x800  }
0x28a: {  	[sflag:s8] =	ssyncset.done $0x0  }
0x28b: {  	[sflag:s8] =	ssyncadd.s32 $0xFFFFF800  }
0x28c: {  	[bflag:$0x0] =	sbarrier.arrive $0xFFFF  }
0x28d: {  	s7 =	sld [smem:$0x7EF]  }
0x28e: {  	s9 =	sld [smem:$0x7E8];
	_ =	sdelay $0x1  }
0x28f: {  	s1 =	rddreg [dreg:$0x1b]  }
0x290: {  	[hbm:s7], [sflag:s1] =	dma.local [spmem:s9], $0x2700  }
0x291: {  	_ =	swait.ge [sflag:s8], $0x2700  }
0x292: {  	s0 =	sld [smem:$0x7FA]  }
0x293: {  	s7 =	sld [smem:$0x7E9]  }
0x294: {  	[sflag:s8] =	ssyncset.done $0x0  }
0x295: {  	[sflag:s8] =	ssyncadd.s32 $0xFFFFD900  }
0x296: {  	[hbm:s0], [sflag:s1] =	dma.local @!p0 [spmem:s7], $0x100  }
0x297: {  	s0 =	simm.s32 @!p0 $0xB  }
0x298: {  	_ =	swait.ge @!p0 [sflag:s0], $0x100  }
0x299: {  	s7 =	sld [smem:$0x7E7];
	_ =	sdelay $0x2  }
0x29a: {  	s9 =	sadd.s32 $0x1, s7;
	s7 =	sld [smem:$0x7FB];
	_ =	sdelay $0x2  }
0x29b: {  	p1 =	sne.s32 s9, s7  }
.Ltmp1:
0x29c: {  	_ = 	snop;
	(pc) =	sbr.rel @p1 .LBB2_1-.Ltmp1, $3  }
0x29d: {  	_ =	sdelay $0x1  }
0x29e: {  	[sflag:s0] =	ssyncset.done @!p0 $0x0  }
0x29f: {  	[sflag:s0] =	ssyncadd.s32 @!p0 $0xFFFFFF00  }
0x2a0: {  	_ =	sfence.sel $0x180000  }
0x2a1: {  	[bflag:$0x0] =	sbarrier.arrive $0xFFFF  }
0x2a2: {  	_ =	strace $0x9000004A  }
0x2a3: {  	s0 =	stileid.u32;
	[bflag:$0x2] =	sbarrier.arrive $0xFFFF  }
0x2a4: {  	p0 =	sne.s32 s0, $0x0;
	s0 =	rddreg [dreg:$0x2]  }
0x2a5: {  	s0 =	sadd.s32 @!p0 $0x100000, s0  }
0x2a6: {  	[sflag:s0] =	ssyncadd.tile.s32 @!p0 $0x1;
	_ =	shalt  }
.Lfunc_end2:
_tile_overlayer_lowered:
.L_overlay_start_2:
0x2a7: {  	(tag) =	ssettag $0x2  }
0x2a8: {  	s0 =	rddreg [dreg:$0x0];
	s2 =	stileid.u32  }
0x2a9: {  	s1 =	rddreg [dreg:$0x1];
	p0 =	sne.s32 s2, $0x0  }
0x2aa: {  	s3 =	rddreg [dreg:$0x2];
	[bflag:$0x3] =	sbarrier.arrive $0xFFFF;
	s2 =	simm.s32 @!p0 $0x1C0B  }
0x2ab: {  	[timem:s3], [sflag:s2] =	dma.local @!p0 [hbm:s0], s1  }
0x2ac: {  	s0 =	simm.s32 @!p0 $0xB  }
0x2ad: {  	_ =	swait.ge @!p0 [sflag:s0], s1  }
0x2ae: {  	s1 =	ssub.s32 @!p0 $0x0, s1;
	[sflag:s0] =	ssyncset.done @!p0 $0x0  }
0x2af: {  	[sflag:s0] =	ssyncadd.s32 @!p0 s1  }
0x2b0: {  	[bflag:$0x3] =	sbarrier.arrive $0xFFFF  }
0x2b1: {  	_ =	shalt  }

// kernel: kernel.16.cloned.1.call-start
scs
__scs_entry_jumppad:
0x0: {  	(pc) =	sbr.rel $0x88, $3  }
0x1: {  	(tag) =	ssettag $0x0;
	lr =	simm.s32 $0x1  }
0x2: {  	[smem:$0x3F92] =	sst lr;
	_ =	strace $0xD0000000  }
0x3: {  	_ = 	snop  }
0x4: {  	_ = 	snop  }
0x5: {  	_ = 	snop  }
0x6: {  	_ = 	snop  }
0x7: {  	_ = 	snop  }
__scs_overlays_trampoline_lowered:
0x8: {  	[smem:$0x3FA1] =	sst s0  }
0x9: {  	[smem:$0x3FA2] =	sst s1  }
0xa: {  	[smem:$0x3FA3] =	sst s2  }
0xb: {  	[smem:$0x3FA4] =	sst s3  }
0xc: {  	[smem:$0x3FA5] =	sst s4  }
0xd: {  	[smem:$0x3FA6] =	sst s5  }
0xe: {  	[smem:$0x3FA7] =	sst s6  }
0xf: {  	[smem:$0x3FA8] =	sst s7  }
0x10: {  	[smem:$0x3FA9] =	sst s8  }
0x11: {  	[smem:$0x3FAA] =	sst s9;
	s0 =	simm.s32 @!p0 $0x0  }
0x12: {  	s1 =	sld [smem:$0x3F90];
	s0 =	simm.s32 @p0 $0x1  }
0x13: {  	[smem:$0x3FAB] =	sst s0;
	s0 =	simm.s32 @!p1 $0x0  }
0x14: {  	s2 =	sld [smem:$0x3F8F];
	s0 =	simm.s32 @p1 $0x1  }
0x15: {  	[smem:$0x3FAC] =	sst s0;
	s0 =	simm.s32 @!p2 $0x0  }
0x16: {  	s3 =	sld [smem:$0x3FDB];
	s0 =	simm.s32 @p2 $0x1  }
0x17: {  	s4 =	simm.s32 $0x1BF5;
	[smem:$0x3FAE] =	sst s0  }
0x18: {  	s0 =	sld [smem:$0x3F91];
	_ =	swait.ge [sflag:s4], $0x0  }
0x19: {  	s7 =	sld [smem:$0x3F92]  }
0x1a: {  	s8 =	sadd.s32 $0xFFFFE003, lr  }
0x1b: {  	s9 =	sadd.s32 $0xFFFFFEF7, lr;
	s5 =	simm.s32 $0xFFFFFFFF;
	p2 =	slt.u32 s8, $0xFFFFF086  }
0x1c: {  	p1 =	slt.u32 s9, $0xF7A;
	s5 =	simm.s32 @!p2 $0x0  }
0x1d: {  	s5 =	simm.s32 @p1 $0x1;
	p0 =	seq.s32 s7, s2  }
0x1e: {  	s7 =	smul.u32 @!p0 $0xF7A, s2;
	p2 =	seq.s32 @!p0 s5, $0x0  }
0x1f: {  	s9 =	smul.u32 $0xF7A, s1;
	s8 =	simm.s32 @!p0 $0x1BF5;
	p2 =	por !p2, p0  }
0x20: {  	[sflag:s8] =	ssyncset.s32 @!p0 $0xFFFFF086;
	s6 =	sadd.s32 @!p0 s3, s7;
	s7 =	simm.s32 @!p0 $0x108  }
0x21: {  	s3 =	sadd.s32 s3, s9;
	s6 =	sadd.s32 @!p0 $0x88, s6;
	s7 =	simm.s32 @p2 $0x1082  }
0x22: {  	[simem:s7], [sflag:s8] =	dma.local @!p0 [hbm:s6], $0xF7A  }
0x23: {  	s9 =	sor.u32 $0xD0000000, s2;
	s6 =	simm.s32 $0x108;
	_ =	swait.ge @!p0 [sflag:s8], $0x0  }
0x24: {  	s3 =	sadd.s32 $0x88, s3;
	s6 =	simm.s32 @!p1 $0x1082;
	[sflag:s4] =	ssyncset.s32 $0xFFFFF086  }
0x25: {  	[simem:s6], [sflag:s4] =	dma.local [hbm:s3], $0xF7A  }
0x26: {  	[smem:$0x3F92] =	sst s1;
	(tag) =	ssettag s2;
	_ =	strace s9  }
0x27: {  	s1 =	sld [smem:$0x3FA2]  }
0x28: {  	s2 =	sld [smem:$0x3FA3]  }
0x29: {  	s4 =	sld [smem:$0x3FA5]  }
0x2a: {  	p0 =	seq.s32 s5, $0x0;
	s5 =	sld [smem:$0x3FA6]  }
0x2b: {  	s6 =	sld [smem:$0x3FA7]  }
0x2c: {  	s7 =	sld [smem:$0x3FA8]  }
0x2d: {  	s3 =	simm.s32 $0x108;
	s8 =	sld [smem:$0x3FA9]  }
0x2e: {  	s3 =	simm.s32 @!p0 $0x1082;
	s9 =	sld [smem:$0x3FAA]  }
0x2f: {  	lr =	sadd.s32 s0, s3;
	s0 =	sld [smem:$0x3FA1]  }
0x30: {  	s3 =	sld [smem:$0x3FA4]  }
0x31: {  	[smem:$0x3FAD] =	sst s10  }
0x32: {  	s10 =	sld [smem:$0x3FAB];
	_ =	sdelay $0x3  }
0x33: {  	p0 =	seq.s32 s10, $0x1;
	s10 =	sld [smem:$0x3FAD];
	_ =	sdelay $0x3  }
0x34: {  	[smem:$0x3FAD] =	sst s10  }
0x35: {  	s10 =	sld [smem:$0x3FAC];
	_ =	sdelay $0x3  }
0x36: {  	p1 =	seq.s32 s10, $0x1;
	s10 =	sld [smem:$0x3FAD];
	_ =	sdelay $0x3  }
0x37: {  	[smem:$0x3FAD] =	sst s10  }
0x38: {  	s10 =	sld [smem:$0x3FAE]  }
0x39: {  	_ = 	snop;
	(pc) =	sbr.ind lr, $3  }
0x3a: {  	_ = 	snop  }
0x3b: {  	_ = 	snop  }
0x3c: {  	p2 =	seq.s32 s10, $0x1;
	s10 =	sld [smem:$0x3FAD]  }
0x3d: {  	_ =	shalt  }
0x3e: {  	_ =	shalt  }
0x3f: {  	_ =	shalt  }
0x40: {  	_ =	shalt  }
0x41: {  	_ =	shalt  }
0x42: {  	_ =	shalt  }
0x43: {  	_ =	shalt  }
0x44: {  	_ =	shalt  }
0x45: {  	_ =	shalt  }
0x46: {  	_ =	shalt  }
0x47: {  	_ =	shalt  }
0x48: {  	_ =	shalt  }
0x49: {  	_ =	shalt  }
0x4a: {  	_ =	shalt  }
0x4b: {  	_ =	shalt  }
0x4c: {  	_ =	shalt  }
0x4d: {  	_ =	shalt  }
0x4e: {  	_ =	shalt  }
0x4f: {  	_ =	shalt  }
0x50: {  	_ =	shalt  }
0x51: {  	_ =	shalt  }
0x52: {  	_ =	shalt  }
0x53: {  	_ =	shalt  }
0x54: {  	_ =	shalt  }
0x55: {  	_ =	shalt  }
0x56: {  	_ =	shalt  }
0x57: {  	_ =	shalt  }
0x58: {  	_ =	shalt  }
0x59: {  	_ =	shalt  }
0x5a: {  	_ =	shalt  }
0x5b: {  	_ =	shalt  }
0x5c: {  	_ =	shalt  }
0x5d: {  	_ =	shalt  }
0x5e: {  	_ =	shalt  }
0x5f: {  	_ =	shalt  }
0x60: {  	_ =	shalt  }
0x61: {  	_ =	shalt  }
0x62: {  	_ =	shalt  }
0x63: {  	_ =	shalt  }
0x64: {  	_ =	shalt  }
0x65: {  	_ =	shalt  }
0x66: {  	_ =	shalt  }
0x67: {  	_ =	shalt  }
0x68: {  	_ =	shalt  }
0x69: {  	_ =	shalt  }
0x6a: {  	_ =	shalt  }
0x6b: {  	_ =	shalt  }
0x6c: {  	_ =	shalt  }
0x6d: {  	_ =	shalt  }
0x6e: {  	_ =	shalt  }
0x6f: {  	_ =	shalt  }
0x70: {  	_ =	shalt  }
0x71: {  	_ =	shalt  }
0x72: {  	_ =	shalt  }
0x73: {  	_ =	shalt  }
0x74: {  	_ =	shalt  }
0x75: {  	_ =	shalt  }
0x76: {  	_ =	shalt  }
0x77: {  	_ =	shalt  }
0x78: {  	_ =	shalt  }
0x79: {  	_ =	shalt  }
0x7a: {  	_ =	shalt  }
0x7b: {  	_ =	shalt  }
0x7c: {  	_ =	shalt  }
0x7d: {  	_ =	shalt  }
0x7e: {  	_ =	shalt  }
0x7f: {  	_ =	shalt  }
0x80: {  	_ =	shalt  }
0x81: {  	_ =	shalt  }
0x82: {  	_ =	shalt  }
0x83: {  	_ =	shalt  }
0x84: {  	_ =	shalt  }
0x85: {  	_ =	shalt  }
0x86: {  	_ =	shalt  }
0x87: {  	_ =	shalt  }
.Lfunc_end0:
.L_simem_size_0:
called_computation.2_lowered:
.L_overlay_start_0:
0x88: {  	s2 =	sld [smem:$0x3FD9]  }
0x89: {  	s3 =	sld [smem:$0x3FFE];
	_ =	sdelay $0x1  }
0x8a: {  	s1 =	srdreg.scid  }
0x8b: {  	s0 =	sand.u32 $0x1, s1  }
0x8c: {  	s17 =	sshll.u32 s0, $0xA;
	s2 =	sadd.s32 s3, s2  }
0x8d: {  	s2 =	sadd.s32 s2, s17  }
0x8e: {  	[smem:$0x3FB9] =	sst s2  }
0x8f: {  	_ = 	snop  }
0x90: {  	s2 =	sld [smem:$0x3FBB];
	(tm) =	ssettm $0x1  }
0x91: {  	s18 =	sld [smem:$0x3FFB];
	_ =	sdelay $0x3  }
0x92: {  	_ =	strace s18  }
0x93: {  	s3 =	sld [smem:$0x3FFC];
	_ =	sdelay $0x3  }
0x94: {  	_ =	strace s3  }
0x95: {  	s3 =	sld [smem:$0x3FFD];
	_ =	sdelay $0x3  }
0x96: {  	_ =	strace s3  }
0x97: {  	_ =	strace $0x8FFFFFFF  }
0x98: {  	s19 =	sld [smem:$0x3FDB];
	_ =	sdelay $0x1  }
0x99: {  	s4 =	simm.s32 $_scs_section_size  }
0x9a: {  	s5 =	simm.s32 $_size__tile_overlayer_lowered;
	s6 =	simm.s32 $_tile_overlayer_lowered  }
0x9b: {  	s22 =	simm.s32 $0x1BFF;
	s21 =	sshll.u32 s6, $0x1;
	s3 =	sadd.s32 s4, s19  }
0x9c: {  	s7 =	simm.s32 $0x0;
	s20 =	sshll.u32 s5, $0x1;
	s5 =	sadd.s32 s21, s3  }
0x9d: {  	[timem:s7], [sflag:s22] =	dma.local [hbm:s5], s20  }
0x9e: {  	_ =	swait.ge [sflag:s22], s20  }
0x9f: {  	s4 =	ssub.s32 $0x0, s20;
	[sflag:s22] =	ssyncset.done $0x0  }
0xa0: {  	[sflag:s22] =	ssyncadd.s32 s4;
	_ =	sdelay $0x1  }
0xa1: {  	s23 =	simm.s32 $0x1B8B  }
0xa2: {  	_ =	swait.ge [sflag:s23], $0x1  }
0xa3: {  	[sflag:s23] =	ssyncset.done $0x0  }
0xa4: {  	s25 =	simm.s32 $0x1B8E;
	s24 =	sld [smem:$0x3FFE];
	[sflag:s23] =	ssyncadd.s32 $0xFFFFFFFF  }
0xa5: {  	s26 =	simm.s32 $execute0_lowered;
	[smem:$0x3FD2] =	sst s25  }
0xa6: {  	s5 =	sshll.u32 s26, $0x1;
	_ =	strace $0x8000004C;
	[dreg:$0x1] =	wrdreg $0xFFFFFFFF  }
0xa7: {  	s28 =	simm.s32 $_size_execute0_lowered;
	s3 =	sadd.s32 s3, s5;
	[dreg:$0x0] =	wrdreg $0x0  }
0xa8: {  	s5 =	sshll.u32 s28, $0x1;
	[dreg:$0x2] =	wrdreg s3  }
0xa9: {  	[dreg:$0x3] =	wrdreg s5  }
0xaa: {  	[dreg:$0x4] =	wrdreg $0xC0  }
0xab: {  	_ =	task [dreg:s7], $0x5FFFF  }
0xac: {  	[dreg:$0x1] =	wrdreg $0xFFFFFFFF  }
0xad: {  	[dreg:$0x0] =	wrdreg $0x60  }
0xae: {  	[dreg:$0x2] =	wrdreg s24  }
0xaf: {  	[dreg:$0x3] =	wrdreg s2  }
0xb0: {  	[dreg:$0x4] =	wrdreg $0x9  }
0xb1: {  	_ =	task.clear_ibuf [dreg:s7], $0x5FFFF;
	_ =	strace $0x9000004C  }
0xb2: {  	s29 =	simm.s32 $0x9;
	_ =	strace $0x8000004E  }
0xb3: {  	_ =	swait.ge [sflag:s29], $0x1  }
0xb4: {  	[sflag:s29] =	ssyncadd.s32 $0xFFFFFFFF  }
0xb5: {  	_ =	strace $0x9000004E  }
0xb6: {  	_ =	sfence  }
0xb7: {  	s30 =	sld [smem:$0x0];
	_ =	sdelay $0x2  }
0xb8: {  	s31 =	sshll.u32 s1, $0xD;
	s1 =	sshrl.u32 s1, $0x2  }
0xb9: {  	s3 =	sand.u32 $0x4000, s31;
	s1 =	sadd.s32 s1, s30  }
0xba: {  	s0 =	sor.u32 s3, s0;
	s1 =	sshll.u32 s1, $0x11  }
0xbb: {  	s0 =	sor.u32 s1, s0  }
0xbc: {  	s0 =	sadd.s32 $0x8F2B, s0  }
0xbd: {  	[sflag:s0] =	ssyncadd.remote.s32 $0x1  }
0xbe: {  	_ =	sfence.sel $0xFFFF  }
0xbf: {  	[dreg:$0x0] =	wrdreg $0xFFFFFFFF;
	(pc) =	sbr.abs _section_cstart, $3  }
0xc0: {  	[dreg:$0x1] =	wrdreg $0xFFFFFFFF  }
0xc1: {  	_ =	task.clear_ibuf [dreg:s7], $0x2FFFF;
	_ =	strace $0x9FFFFFFF  }
0xc2: {  	(tm) =	ssettm $0x7FFFFFFF  }
0xc3: {  	_ =	shalt  }
tec
execute0_lowered:
.L_overlay_start_1:
0x0: {  	(tag) =	ssettag $0x1  }
0x1: {  	s5 =	rddreg [dreg:$0x0]  }
0x2: {  	s1 =	rddreg [dreg:$0x1]  }
0x3: {  	s0 =	rddreg [dreg:$0x2];
	s3 =	simm.s32 $0x0;
	s4 =	srdreg.scid  }
0x4: {  	s2 =	stileid.u32;
	s11 =	simm.s32 $0x80;
	s12 =	simm.s32 $0x1  }
0x5: {  	s13 =	simm.s32 $0x6800;
	s14 =	simm.s32 $0x0;
	[smem:$0x7FF] =	sst s3  }
0x6: {  	s6 =	sand.u32 $0x1, s4;
	s7 =	sshll.u32 s2, $0xB;
	s4 =	sadd.s32 $0x3600, s5  }
0x7: {  	s9 =	sshll.u32 s2, $0xF;
	_ =	strace $0x8000004D;
	s8 =	sshll.u32 s6, $0xA  }
0x8: {  	s30 =	ssub.s32 $0x2, s6;
	s9 =	sadd.s32 s9, s5;
	s6 =	sshll.u32 s6, $0xE  }
0x9: {  	s7 =	sor.u32 s8, s7;
	s10 =	sshrl.u32 s30, $0x1;
	s6 =	sadd.s32 s6, s9  }
0xa: {  	s9 =	simm.s32 $0x4080;
	s7 =	sshrl.u32 s7, $0x3;
	s8 =	ssub.s32 s30, s10  }
0xb: {  	s6 =	sadd.s32 $0x2B800, s6;
	s10 =	simm.s32 $0x2;
	s31 =	sadd.s32 s7, s5  }
0xc: {  	s5 =	smax.u32 s8, $0x1;
	s7 =	sadd.s32 $0x2A800, s31;
	s8 =	sadd.s32 $0xB3800, s31  }
.LBB2_1:
0xd: {  	[tilespmem:s9], [sflag:$0x2] =	stream.linear.gather [hbm4b:s1+s3], $0x2780, $0x38;
	[tilespmem:$0x6880] =	vst v63  }
0xe: {  	_ =	swait.ge [sflag:s10], $0x2780  }
0xf: {  	[sflag:s10] =	ssyncset.done $0x0  }
0x10: {  	s15 =	sadd.s32 $0x0, s8;
	[sflag:s10] =	ssyncadd.s32 $0xFFFFD880  }
0x11: {  	[tilespmem:s3], [sflag:$0x2] =	stream.linear.gather [hbm4b:s15+s3], $0x80, $0x38;
	[tilespmem:$0x6880] =	vst v63  }
0x12: {  	_ =	swait.ge [sflag:s10], $0x80  }
0x13: {  	[sflag:s10] =	ssyncset.done $0x0  }
0x14: {  	[sflag:s10] =	ssyncadd.s32 $0xFFFFFF80  }
0x15: {  	[tilespmem:s11], [sflag:$0x1] =	stream.indirect.gather [hbm4b:s4+s11], $0x80, s3, s11, $0xb8;
	[tilespmem:$0x6880] =	vst v63  }
0x16: {  	_ =	swait.ge [sflag:s12], $0x4000  }
0x17: {  	[sflag:s12] =	ssyncset.done $0x0  }
0x18: {  	[sflag:s12] =	ssyncadd.s32 $0xFFFFC000  }
0x19: {  	[hbm4b:s6+s3] =	stream.linear.scatter [tilespmem:s11], [sflag:$0x2], $0x4000, $0x38;
	[tilespmem:$0x6880] =	vst v63  }
0x1a: {  	_ =	swait.ge [sflag:s10], $0x4000  }
0x1b: {  	[sflag:s10] =	ssyncset.done $0x0  }
0x1c: {  	[sflag:s10] =	ssyncadd.s32 $0xFFFFC000  }
0x1d: {  	v0 =	vld [tilespmem:$0x0];
	_ =	sdelay $0x5  }
0x1e: {  	v1 =	vld [tilespmem:$0x10];
	_ =	sdelay $0x1  }
0x1f: {  	v0 =	vld.idx.msk [tilespmem:v0+s9+$0x0], $0xffff;
	_ =	sdelay $0x3  }
0x20: {  	v2 =	vld [tilespmem:$0x20]  }
0x21: {  	[tilespmem:$0x6800] =	vst v0  }
0x22: {  	v0 =	vld.idx.msk [tilespmem:v1+s9+$0x0], $0xffff;
	_ =	sdelay $0x3  }
0x23: {  	v59 =	vld [tilespmem:$0x30]  }
0x24: {  	[tilespmem:$0x6810] =	vst v0  }
0x25: {  	v0 =	vld.idx.msk [tilespmem:v2+s9+$0x0], $0xffff;
	_ =	sdelay $0x3  }
0x26: {  	v60 =	vld [tilespmem:$0x40]  }
0x27: {  	[tilespmem:$0x6820] =	vst v0  }
0x28: {  	v0 =	vld.idx.msk [tilespmem:v59+s9+$0x0], $0xffff;
	_ =	sdelay $0x3  }
0x29: {  	v61 =	vld [tilespmem:$0x50]  }
0x2a: {  	[tilespmem:$0x6830] =	vst v0  }
0x2b: {  	v0 =	vld.idx.msk [tilespmem:v60+s9+$0x0], $0xffff;
	_ =	sdelay $0x3  }
0x2c: {  	v62 =	vld [tilespmem:$0x60]  }
0x2d: {  	[tilespmem:$0x6840] =	vst v0  }
0x2e: {  	v0 =	vld.idx.msk [tilespmem:v61+s9+$0x0], $0xffff;
	_ =	sdelay $0x3  }
0x2f: {  	v63 =	vld [tilespmem:$0x70]  }
0x30: {  	[tilespmem:$0x6850] =	vst v0  }
0x31: {  	v0 =	vld.idx.msk [tilespmem:v62+s9+$0x0], $0xffff;
	_ =	sdelay $0x4  }
0x32: {  	[tilespmem:$0x6860] =	vst v0  }
0x33: {  	v0 =	vld.idx.msk [tilespmem:v63+s9+$0x0], $0xffff;
	_ =	sdelay $0x4  }
0x34: {  	s31 =	sadd.s32 $0x0, s7;
	[tilespmem:$0x6870] =	vst v0  }
0x35: {  	[hbm4b:s31+s3] =	stream.linear.scatter [tilespmem:s13], [sflag:$0x2], $0x80, $0x38;
	[tilespmem:$0x6880] =	vst v63  }
0x36: {  	s19 =	simm.s32 $0x20;
	_ =	swait.ge [sflag:s10], $0x80  }
0x37: {  	s16 =	sadd.s32 $0x800, s6;
	s15 =	simm.s32 $0x10;
	[sflag:s10] =	ssyncset.done $0x0  }
.LBB2_2:
0x38: {  	s20 =	sadd.s32 s15, s8  }
0x39: {  	[sflag:s10] =	ssyncadd.s32 $0xFFFFFF80;
	s18 =	smov.u32 s19;
	s17 =	sadd.s32 $0x10, s19  }
0x3a: {  	[tilespmem:s3], [sflag:$0x2] =	stream.linear.gather [hbm4b:s20+s3], $0x80, $0x38;
	[tilespmem:$0x6880] =	vst v63  }
0x3b: {  	p0 =	sne.s32 s19, $0x70;
	_ =	swait.ge [sflag:s10], $0x80  }
0x3c: {  	[sflag:s10] =	ssyncset.done $0x0  }
0x3d: {  	[sflag:s10] =	ssyncadd.s32 $0xFFFFFF80  }
0x3e: {  	[tilespmem:s11], [sflag:$0x1] =	stream.indirect.gather [hbm4b:s4+s11], $0x80, s3, s11, $0xb8;
	[tilespmem:$0x6880] =	vst v63  }
0x3f: {  	_ =	swait.ge [sflag:s12], $0x4000  }
0x40: {  	[sflag:s12] =	ssyncset.done $0x0  }
0x41: {  	[sflag:s12] =	ssyncadd.s32 $0xFFFFC000  }
0x42: {  	[hbm4b:s16+s3] =	stream.linear.scatter [tilespmem:s11], [sflag:$0x2], $0x4000, $0x38;
	[tilespmem:$0x6880] =	vst v63  }
0x43: {  	_ =	swait.ge [sflag:s10], $0x4000  }
0x44: {  	[sflag:s10] =	ssyncset.done $0x0  }
0x45: {  	[sflag:s10] =	ssyncadd.s32 $0xFFFFC000  }
0x46: {  	v0 =	vld [tilespmem:$0x0];
	_ =	sdelay $0x6  }
0x47: {  	v1 =	vld [tilespmem:$0x10]  }
0x48: {  	v0 =	vld.idx.msk [tilespmem:v0+s9+$0x0], $0xffff;
	_ =	sdelay $0x5  }
0x49: {  	[tilespmem:$0x6800] =	vst v0;
	v0 =	vld [tilespmem:$0x20]  }
0x4a: {  	v1 =	vld.idx.msk [tilespmem:v1+s9+$0x0], $0xffff;
	_ =	sdelay $0x5  }
0x4b: {  	[tilespmem:$0x6810] =	vst v1;
	v1 =	vld [tilespmem:$0x30]  }
0x4c: {  	v0 =	vld.idx.msk [tilespmem:v0+s9+$0x0], $0xffff;
	_ =	sdelay $0x5  }
0x4d: {  	[tilespmem:$0x6820] =	vst v0;
	v0 =	vld [tilespmem:$0x40]  }
0x4e: {  	v1 =	vld.idx.msk [tilespmem:v1+s9+$0x0], $0xffff;
	_ =	sdelay $0x5  }
0x4f: {  	[tilespmem:$0x6830] =	vst v1;
	v1 =	vld [tilespmem:$0x50]  }
0x50: {  	v0 =	vld.idx.msk [tilespmem:v0+s9+$0x0], $0xffff;
	_ =	sdelay $0x5  }
0x51: {  	[tilespmem:$0x6840] =	vst v0;
	v0 =	vld [tilespmem:$0x60]  }
0x52: {  	v1 =	vld.idx.msk [tilespmem:v1+s9+$0x0], $0xffff;
	_ =	sdelay $0x5  }
0x53: {  	[tilespmem:$0x6850] =	vst v1;
	v1 =	vld [tilespmem:$0x70]  }
0x54: {  	v0 =	vld.idx.msk [tilespmem:v0+s9+$0x0], $0xffff;
	_ =	sdelay $0x5  }
0x55: {  	[tilespmem:$0x6860] =	vst v0  }
0x56: {  	v0 =	vld.idx.msk [tilespmem:v1+s9+$0x0], $0xffff;
	_ =	sdelay $0x4  }
.Ltmp0:
0x57: {  	(pc) =	sbr.rel @p0 .LBB2_2-.Ltmp0, $4  }
0x58: {  	s19 =	sadd.s32 s15, s7;
	s15 =	smov.u32 s18;
	[tilespmem:$0x6870] =	vst v0  }
0x59: {  	[hbm4b:s19+s3] =	stream.linear.scatter [tilespmem:s13], [sflag:$0x2], $0x80, $0x38;
	[tilespmem:$0x6880] =	vst v63  }
0x5a: {  	_ =	swait.ge [sflag:s10], $0x80  }
0x5b: {  	s16 =	sadd.s32 $0x800, s16;
	s19 =	smov.u32 s17;
	[sflag:s10] =	ssyncset.done $0x0  }
0x5c: {  	s17 =	sadd.s32 s15, s8;
	[sflag:s10] =	ssyncadd.s32 $0xFFFFFF80  }
0x5d: {  	[tilespmem:s3], [sflag:$0x2] =	stream.linear.gather [hbm4b:s17+s3], $0x80, $0x38;
	[tilespmem:$0x6880] =	vst v63  }
0x5e: {  	_ =	swait.ge [sflag:s10], $0x80  }
0x5f: {  	[sflag:s10] =	ssyncset.done $0x0  }
0x60: {  	[sflag:s10] =	ssyncadd.s32 $0xFFFFFF80  }
0x61: {  	[tilespmem:s11], [sflag:$0x1] =	stream.indirect.gather [hbm4b:s4+s11], $0x80, s3, s11, $0xb8;
	[tilespmem:$0x6880] =	vst v63  }
0x62: {  	_ =	swait.ge [sflag:s12], $0x4000  }
0x63: {  	[sflag:s12] =	ssyncset.done $0x0  }
0x64: {  	[sflag:s12] =	ssyncadd.s32 $0xFFFFC000  }
0x65: {  	[hbm4b:s16+s3] =	stream.linear.scatter [tilespmem:s11], [sflag:$0x2], $0x4000, $0x38;
	[tilespmem:$0x6880] =	vst v63  }
0x66: {  	_ =	swait.ge [sflag:s10], $0x4000  }
0x67: {  	[sflag:s10] =	ssyncset.done $0x0  }
0x68: {  	[sflag:s10] =	ssyncadd.s32 $0xFFFFC000  }
0x69: {  	v0 =	vld [tilespmem:$0x0];
	_ =	sdelay $0x5  }
0x6a: {  	v1 =	vld [tilespmem:$0x10];
	_ =	sdelay $0x1  }
0x6b: {  	v0 =	vld.idx.msk [tilespmem:v0+s9+$0x0], $0xffff;
	_ =	sdelay $0x3  }
0x6c: {  	v2 =	vld [tilespmem:$0x20]  }
0x6d: {  	[tilespmem:$0x6800] =	vst v0  }
0x6e: {  	v0 =	vld.idx.msk [tilespmem:v1+s9+$0x0], $0xffff;
	_ =	sdelay $0x3  }
0x6f: {  	v59 =	vld [tilespmem:$0x30]  }
0x70: {  	[tilespmem:$0x6810] =	vst v0  }
0x71: {  	v0 =	vld.idx.msk [tilespmem:v2+s9+$0x0], $0xffff;
	_ =	sdelay $0x3  }
0x72: {  	v60 =	vld [tilespmem:$0x40]  }
0x73: {  	[tilespmem:$0x6820] =	vst v0  }
0x74: {  	v0 =	vld.idx.msk [tilespmem:v59+s9+$0x0], $0xffff;
	_ =	sdelay $0x3  }
0x75: {  	v61 =	vld [tilespmem:$0x50]  }
0x76: {  	[tilespmem:$0x6830] =	vst v0  }
0x77: {  	v0 =	vld.idx.msk [tilespmem:v60+s9+$0x0], $0xffff;
	_ =	sdelay $0x3  }
0x78: {  	v62 =	vld [tilespmem:$0x60]  }
0x79: {  	[tilespmem:$0x6840] =	vst v0  }
0x7a: {  	v0 =	vld.idx.msk [tilespmem:v61+s9+$0x0], $0xffff;
	_ =	sdelay $0x3  }
0x7b: {  	v63 =	vld [tilespmem:$0x70]  }
0x7c: {  	[tilespmem:$0x6850] =	vst v0  }
0x7d: {  	v0 =	vld.idx.msk [tilespmem:v62+s9+$0x0], $0xffff;
	_ =	sdelay $0x4  }
0x7e: {  	[tilespmem:$0x6860] =	vst v0  }
0x7f: {  	v0 =	vld.idx.msk [tilespmem:v63+s9+$0x0], $0xffff;
	_ =	sdelay $0x2  }
0x80: {  	s14 =	sadd.s32 $0x1, s14  }
0x81: {  	p0 =	sne.s32 s14, s5  }
.Ltmp1:
0x82: {  	s31 =	sadd.s32 s15, s7;
	[tilespmem:$0x6870] =	vst v0;
	(pc) =	sbr.rel @p0 .LBB2_1-.Ltmp1, $4  }
0x83: {  	[hbm4b:s31+s3] =	stream.linear.scatter [tilespmem:s13], [sflag:$0x2], $0x80, $0x38;
	[tilespmem:$0x6880] =	vst v63  }
0x84: {  	_ =	swait.ge [sflag:s10], $0x80  }
0x85: {  	[sflag:s10] =	ssyncset.done $0x0  }
0x86: {  	[sflag:s10] =	ssyncadd.s32 $0xFFFFFF80  }
0x87: {  	_ =	sfence.sel $0x180000  }
0x88: {  	[bflag:$0x0] =	sbarrier.arrive $0xFFFF  }
0x89: {  	p0 =	sne.s32 s2, $0x0;
	_ =	strace $0x9000004D  }
0x8a: {  	s0 =	sadd.s32 @!p0 $0x100000, s0;
	[bflag:$0x2] =	sbarrier.arrive $0xFFFF  }
0x8b: {  	[sflag:s0] =	ssyncadd.tile.s32 @!p0 $0x1;
	_ =	shalt  }
.Lfunc_end2:
_tile_overlayer_lowered:
.L_overlay_start_2:
0x8c: {  	(tag) =	ssettag $0x2  }
0x8d: {  	s0 =	rddreg [dreg:$0x0];
	s2 =	stileid.u32  }
0x8e: {  	s1 =	rddreg [dreg:$0x1];
	p0 =	sne.s32 s2, $0x0  }
0x8f: {  	s3 =	rddreg [dreg:$0x2];
	[bflag:$0x3] =	sbarrier.arrive $0xFFFF;
	s2 =	simm.s32 @!p0 $0x1C02  }
0x90: {  	[timem:s3], [sflag:s2] =	dma.local @!p0 [hbm:s0], s1  }
0x91: {  	s0 =	simm.s32 @!p0 $0x2  }
0x92: {  	_ =	swait.ge @!p0 [sflag:s0], s1  }
0x93: {  	s1 =	ssub.s32 @!p0 $0x0, s1;
	[sflag:s0] =	ssyncset.done @!p0 $0x0  }
0x94: {  	[sflag:s0] =	ssyncadd.s32 @!p0 s1  }
0x95: {  	[bflag:$0x3] =	sbarrier.arrive $0xFFFF  }
0x96: {  	_ =	shalt  }

</sc_bundles>
